<compile_context>
chip_gen: v7x
topology: tpu7x:2x2x1
jax: 0.10.2.dev20260603
libtpu: 0.0.44.dev20260713+nightly
codegen_flags: <defaults>
</compile_context>

<pallas_src>
import functools

import jax
import jax.numpy as jnp
from jax import lax
from jax.experimental import pallas as pl
from jax.experimental.pallas import tpu as pltpu
from jax.experimental.pallas import tpu_sc as plsc

B = 16384
L = 50
D = 64
LANES = 16
SENTINEL = -1


def _sc_body(ncores, chunk, half, idxT1, len1, idxT2, len2, emb, out1, out2,
             idxT_v, len_v, accA, accB, semA, semB):
    ngroups = chunk // LANES
    wid = lax.axis_index("s") * ncores + lax.axis_index("c")
    base = wid * chunk

    def _idx(j):
        return plsc.Indices(idxT_v.at[j], ignored_value=SENTINEL)

    def do_side(idxT_hbm, len_hbm, out):
        pltpu.sync_copy(idxT_hbm.at[:, pl.ds(base, chunk)], idxT_v)
        pltpu.sync_copy(len_hbm.at[pl.ds(base, chunk)], len_v)

        def mask_body(j, c):
            for g in range(ngroups):
                sl = pl.ds(g * LANES, LANES)
                lenv = len_v[sl]
                cj = idxT_v[j, sl]
                adj = jnp.where(cj < half, cj * 2, cj * 2 - (2 * half - 1))
                idxT_v[j, sl] = jnp.where(j < lenv, adj, SENTINEL)
            return c
        lax.fori_loop(0, L, mask_body, 0)

        def zero_body(e, c):
            for k in range(D // LANES):
                accB[e, pl.ds(k * LANES, LANES)] = jnp.zeros((LANES,),
                                                             jnp.float32)
            return c
        lax.fori_loop(0, chunk, zero_body, 0)

        pltpu.async_copy(emb.at[idxT_v.at[0]], accA, semA)
        pltpu.async_copy(emb.at[_idx(1)], accB, semB, add=True)

        def pair_body(p, c):
            j0 = 2 * p
            pltpu.make_async_copy(emb.at[_idx(j0)], accA, semA).wait()
            pltpu.async_copy(emb.at[_idx(j0)], accA, semA, add=True)
            pltpu.make_async_copy(emb.at[_idx(j0 + 1)], accB, semB).wait()
            pltpu.async_copy(emb.at[_idx(j0 + 1)], accB, semB, add=True)
            return c
        lax.fori_loop(1, L // 2, pair_body, 0)

        pltpu.make_async_copy(emb.at[_idx(0)], accA, semA).wait()
        pltpu.make_async_copy(emb.at[_idx(1)], accB, semB).wait()

        def sum_body(e, c):
            for k in range(D // LANES):
                sl = pl.ds(k * LANES, LANES)
                accA[e, sl] = accA[e, sl] + accB[e, sl]
            return c
        lax.fori_loop(0, chunk, sum_body, 0)

        pltpu.sync_copy(accA, out.at[pl.ds(base, chunk), :])

    do_side(idxT1, len1, out1)
    do_side(idxT2, len2, out2)


def _tr_body(a_ref, b_ref, o_ref):
    o_ref[:, 0:D] = a_ref[...].T
    o_ref[:, D:2 * D] = b_ref[...].T


def _cos_body(s1_ref, s2_ref, l1_ref, l2_ref, o_ref):
    a = s1_ref[...]
    b = s2_ref[...]
    d1 = jnp.maximum(l1_ref[...].astype(jnp.float32), 1.0)
    d2 = jnp.maximum(l2_ref[...].astype(jnp.float32), 1.0)
    dot = jnp.sum(a * b, axis=1, keepdims=True)
    n1 = jnp.sum(a * a, axis=1, keepdims=True)
    n2 = jnp.sum(b * b, axis=1, keepdims=True)
    g = dot / (d1 * d2)
    an = jnp.sqrt(n1) / d1
    bn = jnp.sqrt(n2) / d2
    o_ref[...] = g / jnp.maximum(an * bn, 1e-8)


def kernel(g_idxs1, g_lengths1, g_idxs2, g_lengths2, emb):
    info = plsc.get_sparse_core_info()
    nw = info.num_cores * info.num_subcores
    chunk = B // nw

    idxT1 = g_idxs1.T.astype(jnp.int32)
    idxT2 = g_idxs2.T.astype(jnp.int32)
    len1 = g_lengths1.astype(jnp.int32)
    len2 = g_lengths2.astype(jnp.int32)

    mesh = plsc.VectorSubcoreMesh(core_axis_name="c", subcore_axis_name="s")
    f32 = jnp.float32
    vocab = emb.shape[0]
    tblk = 4096
    half = ((vocab // 2 + tblk - 1) // tblk) * tblk

    sc_fn = pl.kernel(
        functools.partial(_sc_body, info.num_cores, chunk, half),
        compiler_params=pltpu.CompilerParams(use_tc_tiling_on_sc=False),
        out_type=(
            jax.ShapeDtypeStruct((B, D), f32),
            jax.ShapeDtypeStruct((B, D), f32),
        ),
        mesh=mesh,
        scratch_types=[
            pltpu.VMEM((L, chunk), jnp.int32),
            pltpu.VMEM((chunk,), jnp.int32),
            pltpu.VMEM((chunk, D), f32),
            pltpu.VMEM((chunk, D), f32),
            pltpu.SemaphoreType.DMA,
            pltpu.SemaphoreType.DMA,
        ],
    )
    nb = half // tblk
    nb_in = pl.cdiv(vocab, tblk) - 1
    emb128 = pl.pallas_call(
        _tr_body,
        grid=(nb,),
        in_specs=[
            pl.BlockSpec((D, tblk), lambda i: (0, i)),
            pl.BlockSpec((D, tblk), lambda i: (0, jnp.minimum(i + nb,
                                                              nb_in))),
        ],
        out_specs=pl.BlockSpec((tblk, 2 * D), lambda i: (i, 0)),
        out_shape=jax.ShapeDtypeStruct((half, 2 * D), f32),
    )(emb.T, emb.T)
    emb2 = emb128.reshape(2 * half, D)

    s1, s2 = sc_fn(idxT1, len1, idxT2, len2, emb2)

    blk = 2048
    cos = pl.pallas_call(
        _cos_body,
        grid=(B // blk,),
        in_specs=[
            pl.BlockSpec((blk, D), lambda i: (i, 0)),
            pl.BlockSpec((blk, D), lambda i: (i, 0)),
            pl.BlockSpec((blk, 1), lambda i: (i, 0)),
            pl.BlockSpec((blk, 1), lambda i: (i, 0)),
        ],
        out_specs=pl.BlockSpec((blk, 1), lambda i: (i, 0)),
        out_shape=jax.ShapeDtypeStruct((B, 1), f32),
    )(s1, s2, len1.reshape(B, 1), len2.reshape(B, 1))
    return cos.reshape(B)

# --- scband reference (transcript-rebuilt; emitter-appended) ---
"""Pipeline reference for scband-para-model-59820304498748 (READ-ONLY COPY).

The authoritative reference and input builder live on the scoring server;
editing this copy changes nothing except your own understanding.
"""

import jax, jax.numpy as jnp
import numpy as np

VOCAB = 1000000
DIM = 64
B = 16384
L = 50


def _encode(idxs, lengths, emb):
    # embedding lookup: [B, L] -> [B, L, D]
    e = jnp.take(emb, idxs, axis=0)
    # mask out padded positions, mean-pool over valid tokens
    mask = (jnp.arange(L)[None, :] < lengths[:, None]).astype(emb.dtype)
    s = jnp.sum(e * mask[:, :, None], axis=1)
    denom = jnp.maximum(lengths, 1).astype(emb.dtype)[:, None]
    return s / denom


def _cosine(a, b, eps=1e-8):
    an = jnp.linalg.norm(a, axis=1)
    bn = jnp.linalg.norm(b, axis=1)
    denom = jnp.maximum(an * bn, eps)
    return jnp.sum(a * b, axis=1) / denom


def setup_inputs(seed: int = 0) -> dict:
    key = jax.random.key(seed)
    k1, k2, k3, k4, k5 = jax.random.split(key, 5)
    g_idxs1 = jax.random.randint(k1, (B, L), 0, VOCAB)
    g_lengths1 = jax.random.randint(k2, (B,), 1, L)
    g_idxs2 = jax.random.randint(k3, (B, L), 0, VOCAB)
    g_lengths2 = jax.random.randint(k4, (B,), 1, L)
    emb = jax.random.normal(k5, (VOCAB, DIM), dtype=jnp.float32) * 0.1
    return {
        "g_idxs1": g_idxs1,
        "g_lengths1": g_lengths1,
        "g_idxs2": g_idxs2,
        "g_lengths2": g_lengths2,
        "emb": emb,
    }


def reference(g_idxs1, g_lengths1, g_idxs2, g_lengths2, emb):
    # ParaModel.scoring_function: encode both sides (embedding lookup + mean pool)
    # then cosine similarity per pair.
    g1 = _encode(g_idxs1, g_lengths1, emb)
    g2 = _encode(g_idxs2, g_lengths2, emb)
    return _cosine(g1, g2)

if __name__ == "__main__":
    import jax
    _d = setup_inputs()
    print(jax.jit(kernel)(*tuple(_d.values())))

</pallas_src>

<mosaic_0001>
#map = affine_map<(d0, d1) -> (0, 0)>
#map1 = affine_map<(d0, d1) -> (0)>
module attributes {stable_mosaic.version = 14 : i64} {
  func.func @_sc_body(%arg0: i32, %arg1: i32, %arg2: memref<50x16384xi32, #tpu.memory_space<hbm>>, %arg3: memref<16384xi32, #tpu.memory_space<hbm>>, %arg4: memref<50x16384xi32, #tpu.memory_space<hbm>>, %arg5: memref<16384xi32, #tpu.memory_space<hbm>>, %arg6: memref<1007616x64xf32, #tpu.memory_space<hbm>>, %arg7: memref<16384x64xf32, #tpu.memory_space<hbm>>, %arg8: memref<16384x64xf32, #tpu.memory_space<hbm>>, %arg9: memref<50x512xi32, #tpu.memory_space<vmem>>, %arg10: memref<512xi32, #tpu.memory_space<vmem>>, %arg11: memref<512x64xf32, #tpu.memory_space<vmem>>, %arg12: memref<512x64xf32, #tpu.memory_space<vmem>>, %arg13: memref<!tpu.dma_semaphore, #tpu.memory_space<semaphore_mem>>, %arg14: memref<!tpu.dma_semaphore, #tpu.memory_space<semaphore_mem>>) attributes {dimension_semantics = [#tpu.dimension_semantics<core_parallel>, #tpu.dimension_semantics<subcore_parallel>], iteration_bounds = array<i64: 2, 16>, scalar_prefetch = 0 : i64, scratch_operands = 6 : i64, tpu.core_type = #tpu.core_type<sc_vector_subcore>, window_params = [{transform_indices = #map}, {transform_indices = #map1}, {transform_indices = #map}, {transform_indices = #map1}, {transform_indices = #map}, {transform_indices = #map}, {transform_indices = #map}]} {
    %mul3A = arith.constant 2 : i32
    %mul3A_0 = arith.muli %arg1, %mul3A : i32
    %add3A = arith.addi %mul3A_0, %arg0 : i32
    %mul3A_1 = arith.constant 512 : i32
    %mul3A_2 = arith.muli %add3A, %mul3A_1 : i32
    "tpu.region"() ({
      %run_scoped3A = tpu.sem_alloc : memref<!tpu.dma_semaphore, #tpu.memory_space<semaphore_mem>>
      %dma_start3A_106 = arith.constant 0 : i32
      %dma_start3A_107 = tpu.memref_slice %arg2[%dma_start3A_106, %mul3A_2] : memref<50x16384xi32, #tpu.memory_space<hbm>> -> memref<50x512xi32, #tpu.memory_space<hbm>>
      %dma_start3A_108 = arith.constant 0 : i32
      %dma_start3A_109 = tpu.memref_slice %arg2[%dma_start3A_108, %mul3A_2] : memref<50x16384xi32, #tpu.memory_space<hbm>> -> memref<50x512xi32, #tpu.memory_space<hbm>>
      tpu.enqueue_dma source(%dma_start3A_109 : memref<50x512xi32, #tpu.memory_space<hbm>>) target(%arg9 : memref<50x512xi32, #tpu.memory_space<vmem>>) target_semaphore(%run_scoped3A : memref<!tpu.dma_semaphore, #tpu.memory_space<semaphore_mem>>)
      %dma_wait3A_110 = arith.constant 0 : i32
      %dma_wait3A_111 = tpu.memref_slice %arg2[%dma_wait3A_110, %mul3A_2] : memref<50x16384xi32, #tpu.memory_space<hbm>> -> memref<50x512xi32, #tpu.memory_space<hbm>>
      %dma_wait3A_112 = arith.constant 0 : i32
      %dma_wait3A_113 = tpu.memref_slice %arg2[%dma_wait3A_112, %mul3A_2] : memref<50x16384xi32, #tpu.memory_space<hbm>> -> memref<50x512xi32, #tpu.memory_space<hbm>>
      tpu.wait_dma2 semaphore(%run_scoped3A : memref<!tpu.dma_semaphore, #tpu.memory_space<semaphore_mem>>) src(%dma_wait3A_113 : memref<50x512xi32, #tpu.memory_space<hbm>>) dst(%arg9 : memref<50x512xi32, #tpu.memory_space<vmem>>)
      tpu.yield
    }) : () -> ()
    "tpu.region"() ({
      %run_scoped3A = tpu.sem_alloc : memref<!tpu.dma_semaphore, #tpu.memory_space<semaphore_mem>>
      %dma_start3A_106 = tpu.memref_slice %arg3[%mul3A_2] : memref<16384xi32, #tpu.memory_space<hbm>> -> memref<512xi32, #tpu.memory_space<hbm>>
      %dma_start3A_107 = tpu.memref_slice %arg3[%mul3A_2] : memref<16384xi32, #tpu.memory_space<hbm>> -> memref<512xi32, #tpu.memory_space<hbm>>
      tpu.enqueue_dma source(%dma_start3A_107 : memref<512xi32, #tpu.memory_space<hbm>>) target(%arg10 : memref<512xi32, #tpu.memory_space<vmem>>) target_semaphore(%run_scoped3A : memref<!tpu.dma_semaphore, #tpu.memory_space<semaphore_mem>>)
      %dma_wait3A_108 = tpu.memref_slice %arg3[%mul3A_2] : memref<16384xi32, #tpu.memory_space<hbm>> -> memref<512xi32, #tpu.memory_space<hbm>>
      %dma_wait3A_109 = tpu.memref_slice %arg3[%mul3A_2] : memref<16384xi32, #tpu.memory_space<hbm>> -> memref<512xi32, #tpu.memory_space<hbm>>
      tpu.wait_dma2 semaphore(%run_scoped3A : memref<!tpu.dma_semaphore, #tpu.memory_space<semaphore_mem>>) src(%dma_wait3A_109 : memref<512xi32, #tpu.memory_space<hbm>>) dst(%arg10 : memref<512xi32, #tpu.memory_space<vmem>>)
      tpu.yield
    }) : () -> ()
    %scan3A = arith.constant 0 : i32
    %scan3A_3 = arith.constant 0 : i32
    %scan3A_4 = arith.constant 50 : i32
    %scan3A_5 = arith.addi %scan3A_3, %scan3A_4 : i32
    %scan3A_6 = arith.constant 1 : i32
    scf.for %scan3A_106 = %scan3A_3 to %scan3A_5 step %scan3A_6  : i32 {
      %get3A = arith.constant 0 : index
      %get3A_107 = tpu.vector_load %arg10[%get3A] {strides = array<i32>} : memref<512xi32, #tpu.memory_space<vmem>>, vector<16xi32>,
      %get3A_108 = vector.shape_cast %get3A_107 : vector<16xi32> to vector<16xi32>
      %get3A_109 = arith.index_cast %scan3A_106 : i32 to index
      %get3A_110 = arith.constant 0 : index
      %get3A_111 = tpu.vector_load %arg9[%get3A_109, %get3A_110] {strides = array<i32>} : memref<50x512xi32, #tpu.memory_space<vmem>>, vector<1x16xi32>,
      %get3A_112 = vector.shape_cast %get3A_111 : vector<1x16xi32> to vector<16xi32>
      %lt3A = arith.constant 503808 : i32
      %lt3A_113 = vector.broadcast %lt3A : i32 to vector<16xi32>
      %lt3A_114 = arith.cmpi slt, %get3A_112, %lt3A_113 : vector<16xi32>
      %mul3A_115 = arith.constant 2 : i32
      %mul3A_116 = vector.broadcast %mul3A_115 : i32 to vector<16xi32>
      %mul3A_117 = arith.muli %get3A_112, %mul3A_116 : vector<16xi32>
      %mul3A_118 = arith.constant 2 : i32
      %mul3A_119 = vector.broadcast %mul3A_118 : i32 to vector<16xi32>
      %mul3A_120 = arith.muli %get3A_112, %mul3A_119 : vector<16xi32>
      %sub3A = arith.constant 1007615 : i32
      %sub3A_121 = vector.broadcast %sub3A : i32 to vector<16xi32>
      %sub3A_122 = arith.subi %mul3A_120, %sub3A_121 : vector<16xi32>
      %select_n3A = arith.select %lt3A_114, %mul3A_117, %sub3A_122 : vector<16xi1>, vector<16xi32>
      %lt3A_123 = vector.broadcast %scan3A_106 : i32 to vector<16xi32>
      %lt3A_124 = arith.cmpi slt, %lt3A_123, %get3A_108 : vector<16xi32>
      %jit3A = arith.constant -1 : i32
      %broadcast_in_dim3A = vector.broadcast %jit3A : i32 to vector<16xi32>
      %select_n3A_125 = arith.select %lt3A_124, %select_n3A, %broadcast_in_dim3A : vector<16xi1>, vector<16xi32>
      %swap3A = arith.index_cast %scan3A_106 : i32 to index
      %swap3A_126 = arith.constant 0 : index
      %swap3A_127 = tpu.vector_load %arg9[%swap3A, %swap3A_126] {strides = array<i32>} : memref<50x512xi32, #tpu.memory_space<vmem>>, vector<1x16xi32>,
      %swap3A_128 = vector.shape_cast %swap3A_127 : vector<1x16xi32> to vector<16xi32>
      %swap3A_129 = vector.shape_cast %select_n3A_125 : vector<16xi32> to vector<1x16xi32>
      tpu.vector_store %arg9[%swap3A, %swap3A_126], %swap3A_129 {strides = array<i32>} : memref<50x512xi32, #tpu.memory_space<vmem>>, vector<1x16xi32>,
      %get3A_130 = arith.constant 16 : index
      %get3A_131 = tpu.vector_load %arg10[%get3A_130] {strides = array<i32>} : memref<512xi32, #tpu.memory_space<vmem>>, vector<16xi32>,
      %get3A_132 = vector.shape_cast %get3A_131 : vector<16xi32> to vector<16xi32>
      %get3A_133 = arith.index_cast %scan3A_106 : i32 to index
      %get3A_134 = arith.constant 16 : index
      %get3A_135 = tpu.vector_load %arg9[%get3A_133, %get3A_134] {strides = array<i32>} : memref<50x512xi32, #tpu.memory_space<vmem>>, vector<1x16xi32>,
      %get3A_136 = vector.shape_cast %get3A_135 : vector<1x16xi32> to vector<16xi32>
      %lt3A_137 = arith.constant 503808 : i32
      %lt3A_138 = vector.broadcast %lt3A_137 : i32 to vector<16xi32>
      %lt3A_139 = arith.cmpi slt, %get3A_136, %lt3A_138 : vector<16xi32>
      %mul3A_140 = arith.constant 2 : i32
      %mul3A_141 = vector.broadcast %mul3A_140 : i32 to vector<16xi32>
      %mul3A_142 = arith.muli %get3A_136, %mul3A_141 : vector<16xi32>
      %mul3A_143 = arith.constant 2 : i32
      %mul3A_144 = vector.broadcast %mul3A_143 : i32 to vector<16xi32>
      %mul3A_145 = arith.muli %get3A_136, %mul3A_144 : vector<16xi32>
      %sub3A_146 = arith.constant 1007615 : i32
      %sub3A_147 = vector.broadcast %sub3A_146 : i32 to vector<16xi32>
      %sub3A_148 = arith.subi %mul3A_145, %sub3A_147 : vector<16xi32>
      %select_n3A_149 = arith.select %lt3A_139, %mul3A_142, %sub3A_148 : vector<16xi1>, vector<16xi32>
      %lt3A_150 = vector.broadcast %scan3A_106 : i32 to vector<16xi32>
      %lt3A_151 = arith.cmpi slt, %lt3A_150, %get3A_132 : vector<16xi32>
      %jit3A_152 = arith.constant -1 : i32
      %broadcast_in_dim3A_153 = vector.broadcast %jit3A_152 : i32 to vector<16xi32>
      %select_n3A_154 = arith.select %lt3A_151, %select_n3A_149, %broadcast_in_dim3A_153 : vector<16xi1>, vector<16xi32>
      %swap3A_155 = arith.index_cast %scan3A_106 : i32 to index
      %swap3A_156 = arith.constant 16 : index
      %swap3A_157 = tpu.vector_load %arg9[%swap3A_155, %swap3A_156] {strides = array<i32>} : memref<50x512xi32, #tpu.memory_space<vmem>>, vector<1x16xi32>,
      %swap3A_158 = vector.shape_cast %swap3A_157 : vector<1x16xi32> to vector<16xi32>
      %swap3A_159 = vector.shape_cast %select_n3A_154 : vector<16xi32> to vector<1x16xi32>
      tpu.vector_store %arg9[%swap3A_155, %swap3A_156], %swap3A_159 {strides = array<i32>} : memref<50x512xi32, #tpu.memory_space<vmem>>, vector<1x16xi32>,
      %get3A_160 = arith.constant 32 : index
      %get3A_161 = tpu.vector_load %arg10[%get3A_160] {strides = array<i32>} : memref<512xi32, #tpu.memory_space<vmem>>, vector<16xi32>,
      %get3A_162 = vector.shape_cast %get3A_161 : vector<16xi32> to vector<16xi32>
      %get3A_163 = arith.index_cast %scan3A_106 : i32 to index
      %get3A_164 = arith.constant 32 : index
      %get3A_165 = tpu.vector_load %arg9[%get3A_163, %get3A_164] {strides = array<i32>} : memref<50x512xi32, #tpu.memory_space<vmem>>, vector<1x16xi32>,
      %get3A_166 = vector.shape_cast %get3A_165 : vector<1x16xi32> to vector<16xi32>
      %lt3A_167 = arith.constant 503808 : i32
      %lt3A_168 = vector.broadcast %lt3A_167 : i32 to vector<16xi32>
      %lt3A_169 = arith.cmpi slt, %get3A_166, %lt3A_168 : vector<16xi32>
      %mul3A_170 = arith.constant 2 : i32
      %mul3A_171 = vector.broadcast %mul3A_170 : i32 to vector<16xi32>
      %mul3A_172 = arith.muli %get3A_166, %mul3A_171 : vector<16xi32>
      %mul3A_173 = arith.constant 2 : i32
      %mul3A_174 = vector.broadcast %mul3A_173 : i32 to vector<16xi32>
      %mul3A_175 = arith.muli %get3A_166, %mul3A_174 : vector<16xi32>
      %sub3A_176 = arith.constant 1007615 : i32
      %sub3A_177 = vector.broadcast %sub3A_176 : i32 to vector<16xi32>
      %sub3A_178 = arith.subi %mul3A_175, %sub3A_177 : vector<16xi32>
      %select_n3A_179 = arith.select %lt3A_169, %mul3A_172, %sub3A_178 : vector<16xi1>, vector<16xi32>
      %lt3A_180 = vector.broadcast %scan3A_106 : i32 to vector<16xi32>
      %lt3A_181 = arith.cmpi slt, %lt3A_180, %get3A_162 : vector<16xi32>
      %jit3A_182 = arith.constant -1 : i32
      %broadcast_in_dim3A_183 = vector.broadcast %jit3A_182 : i32 to vector<16xi32>
      %select_n3A_184 = arith.select %lt3A_181, %select_n3A_179, %broadcast_in_dim3A_183 : vector<16xi1>, vector<16xi32>
      %swap3A_185 = arith.index_cast %scan3A_106 : i32 to index
      %swap3A_186 = arith.constant 32 : index
      %swap3A_187 = tpu.vector_load %arg9[%swap3A_185, %swap3A_186] {strides = array<i32>} : memref<50x512xi32, #tpu.memory_space<vmem>>, vector<1x16xi32>,
      %swap3A_188 = vector.shape_cast %swap3A_187 : vector<1x16xi32> to vector<16xi32>
      %swap3A_189 = vector.shape_cast %select_n3A_184 : vector<16xi32> to vector<1x16xi32>
      tpu.vector_store %arg9[%swap3A_185, %swap3A_186], %swap3A_189 {strides = array<i32>} : memref<50x512xi32, #tpu.memory_space<vmem>>, vector<1x16xi32>,
      %get3A_190 = arith.constant 48 : index
      %get3A_191 = tpu.vector_load %arg10[%get3A_190] {strides = array<i32>} : memref<512xi32, #tpu.memory_space<vmem>>, vector<16xi32>,
      %get3A_192 = vector.shape_cast %get3A_191 : vector<16xi32> to vector<16xi32>
      %get3A_193 = arith.index_cast %scan3A_106 : i32 to index
      %get3A_194 = arith.constant 48 : index
      %get3A_195 = tpu.vector_load %arg9[%get3A_193, %get3A_194] {strides = array<i32>} : memref<50x512xi32, #tpu.memory_space<vmem>>, vector<1x16xi32>,
      %get3A_196 = vector.shape_cast %get3A_195 : vector<1x16xi32> to vector<16xi32>
      %lt3A_197 = arith.constant 503808 : i32
      %lt3A_198 = vector.broadcast %lt3A_197 : i32 to vector<16xi32>
      %lt3A_199 = arith.cmpi slt, %get3A_196, %lt3A_198 : vector<16xi32>
      %mul3A_200 = arith.constant 2 : i32
      %mul3A_201 = vector.broadcast %mul3A_200 : i32 to vector<16xi32>
      %mul3A_202 = arith.muli %get3A_196, %mul3A_201 : vector<16xi32>
      %mul3A_203 = arith.constant 2 : i32
      %mul3A_204 = vector.broadcast %mul3A_203 : i32 to vector<16xi32>
      %mul3A_205 = arith.muli %get3A_196, %mul3A_204 : vector<16xi32>
      %sub3A_206 = arith.constant 1007615 : i32
      %sub3A_207 = vector.broadcast %sub3A_206 : i32 to vector<16xi32>
      %sub3A_208 = arith.subi %mul3A_205, %sub3A_207 : vector<16xi32>
      %select_n3A_209 = arith.select %lt3A_199, %mul3A_202, %sub3A_208 : vector<16xi1>, vector<16xi32>
      %lt3A_210 = vector.broadcast %scan3A_106 : i32 to vector<16xi32>
      %lt3A_211 = arith.cmpi slt, %lt3A_210, %get3A_192 : vector<16xi32>
      %jit3A_212 = arith.constant -1 : i32
      %broadcast_in_dim3A_213 = vector.broadcast %jit3A_212 : i32 to vector<16xi32>
      %select_n3A_214 = arith.select %lt3A_211, %select_n3A_209, %broadcast_in_dim3A_213 : vector<16xi1>, vector<16xi32>
      %swap3A_215 = arith.index_cast %scan3A_106 : i32 to index
      %swap3A_216 = arith.constant 48 : index
      %swap3A_217 = tpu.vector_load %arg9[%swap3A_215, %swap3A_216] {strides = array<i32>} : memref<50x512xi32, #tpu.memory_space<vmem>>, vector<1x16xi32>,
      %swap3A_218 = vector.shape_cast %swap3A_217 : vector<1x16xi32> to vector<16xi32>
      %swap3A_219 = vector.shape_cast %select_n3A_214 : vector<16xi32> to vector<1x16xi32>
      tpu.vector_store %arg9[%swap3A_215, %swap3A_216], %swap3A_219 {strides = array<i32>} : memref<50x512xi32, #tpu.memory_space<vmem>>, vector<1x16xi32>,
      %get3A_220 = arith.constant 64 : index
      %get3A_221 = tpu.vector_load %arg10[%get3A_220] {strides = array<i32>} : memref<512xi32, #tpu.memory_space<vmem>>, vector<16xi32>,
      %get3A_222 = vector.shape_cast %get3A_221 : vector<16xi32> to vector<16xi32>
      %get3A_223 = arith.index_cast %scan3A_106 : i32 to index
      %get3A_224 = arith.constant 64 : index
      %get3A_225 = tpu.vector_load %arg9[%get3A_223, %get3A_224] {strides = array<i32>} : memref<50x512xi32, #tpu.memory_space<vmem>>, vector<1x16xi32>,
      %get3A_226 = vector.shape_cast %get3A_225 : vector<1x16xi32> to vector<16xi32>
      %lt3A_227 = arith.constant 503808 : i32
      %lt3A_228 = vector.broadcast %lt3A_227 : i32 to vector<16xi32>
      %lt3A_229 = arith.cmpi slt, %get3A_226, %lt3A_228 : vector<16xi32>
      %mul3A_230 = arith.constant 2 : i32
      %mul3A_231 = vector.broadcast %mul3A_230 : i32 to vector<16xi32>
      %mul3A_232 = arith.muli %get3A_226, %mul3A_231 : vector<16xi32>
      %mul3A_233 = arith.constant 2 : i32
      %mul3A_234 = vector.broadcast %mul3A_233 : i32 to vector<16xi32>
      %mul3A_235 = arith.muli %get3A_226, %mul3A_234 : vector<16xi32>
      %sub3A_236 = arith.constant 1007615 : i32
      %sub3A_237 = vector.broadcast %sub3A_236 : i32 to vector<16xi32>
      %sub3A_238 = arith.subi %mul3A_235, %sub3A_237 : vector<16xi32>
      %select_n3A_239 = arith.select %lt3A_229, %mul3A_232, %sub3A_238 : vector<16xi1>, vector<16xi32>
      %lt3A_240 = vector.broadcast %scan3A_106 : i32 to vector<16xi32>
      %lt3A_241 = arith.cmpi slt, %lt3A_240, %get3A_222 : vector<16xi32>
      %jit3A_242 = arith.constant -1 : i32
      %broadcast_in_dim3A_243 = vector.broadcast %jit3A_242 : i32 to vector<16xi32>
      %select_n3A_244 = arith.select %lt3A_241, %select_n3A_239, %broadcast_in_dim3A_243 : vector<16xi1>, vector<16xi32>
      %swap3A_245 = arith.index_cast %scan3A_106 : i32 to index
      %swap3A_246 = arith.constant 64 : index
      %swap3A_247 = tpu.vector_load %arg9[%swap3A_245, %swap3A_246] {strides = array<i32>} : memref<50x512xi32, #tpu.memory_space<vmem>>, vector<1x16xi32>,
      %swap3A_248 = vector.shape_cast %swap3A_247 : vector<1x16xi32> to vector<16xi32>
      %swap3A_249 = vector.shape_cast %select_n3A_244 : vector<16xi32> to vector<1x16xi32>
      tpu.vector_store %arg9[%swap3A_245, %swap3A_246], %swap3A_249 {strides = array<i32>} : memref<50x512xi32, #tpu.memory_space<vmem>>, vector<1x16xi32>,
      %get3A_250 = arith.constant 80 : index
      %get3A_251 = tpu.vector_load %arg10[%get3A_250] {strides = array<i32>} : memref<512xi32, #tpu.memory_space<vmem>>, vector<16xi32>,
      %get3A_252 = vector.shape_cast %get3A_251 : vector<16xi32> to vector<16xi32>
      %get3A_253 = arith.index_cast %scan3A_106 : i32 to index
      %get3A_254 = arith.constant 80 : index
      %get3A_255 = tpu.vector_load %arg9[%get3A_253, %get3A_254] {strides = array<i32>} : memref<50x512xi32, #tpu.memory_space<vmem>>, vector<1x16xi32>,
      %get3A_256 = vector.shape_cast %get3A_255 : vector<1x16xi32> to vector<16xi32>
      %lt3A_257 = arith.constant 503808 : i32
      %lt3A_258 = vector.broadcast %lt3A_257 : i32 to vector<16xi32>
      %lt3A_259 = arith.cmpi slt, %get3A_256, %lt3A_258 : vector<16xi32>
      %mul3A_260 = arith.constant 2 : i32
      %mul3A_261 = vector.broadcast %mul3A_260 : i32 to vector<16xi32>
      %mul3A_262 = arith.muli %get3A_256, %mul3A_261 : vector<16xi32>
      %mul3A_263 = arith.constant 2 : i32
      %mul3A_264 = vector.broadcast %mul3A_263 : i32 to vector<16xi32>
      %mul3A_265 = arith.muli %get3A_256, %mul3A_264 : vector<16xi32>
      %sub3A_266 = arith.constant 1007615 : i32
      %sub3A_267 = vector.broadcast %sub3A_266 : i32 to vector<16xi32>
      %sub3A_268 = arith.subi %mul3A_265, %sub3A_267 : vector<16xi32>
      %select_n3A_269 = arith.select %lt3A_259, %mul3A_262, %sub3A_268 : vector<16xi1>, vector<16xi32>
      %lt3A_270 = vector.broadcast %scan3A_106 : i32 to vector<16xi32>
      %lt3A_271 = arith.cmpi slt, %lt3A_270, %get3A_252 : vector<16xi32>
      %jit3A_272 = arith.constant -1 : i32
      %broadcast_in_dim3A_273 = vector.broadcast %jit3A_272 : i32 to vector<16xi32>
      %select_n3A_274 = arith.select %lt3A_271, %select_n3A_269, %broadcast_in_dim3A_273 : vector<16xi1>, vector<16xi32>
      %swap3A_275 = arith.index_cast %scan3A_106 : i32 to index
      %swap3A_276 = arith.constant 80 : index
      %swap3A_277 = tpu.vector_load %arg9[%swap3A_275, %swap3A_276] {strides = array<i32>} : memref<50x512xi32, #tpu.memory_space<vmem>>, vector<1x16xi32>,
      %swap3A_278 = vector.shape_cast %swap3A_277 : vector<1x16xi32> to vector<16xi32>
      %swap3A_279 = vector.shape_cast %select_n3A_274 : vector<16xi32> to vector<1x16xi32>
      tpu.vector_store %arg9[%swap3A_275, %swap3A_276], %swap3A_279 {strides = array<i32>} : memref<50x512xi32, #tpu.memory_space<vmem>>, vector<1x16xi32>,
      %get3A_280 = arith.constant 96 : index
      %get3A_281 = tpu.vector_load %arg10[%get3A_280] {strides = array<i32>} : memref<512xi32, #tpu.memory_space<vmem>>, vector<16xi32>,
      %get3A_282 = vector.shape_cast %get3A_281 : vector<16xi32> to vector<16xi32>
      %get3A_283 = arith.index_cast %scan3A_106 : i32 to index
      %get3A_284 = arith.constant 96 : index
      %get3A_285 = tpu.vector_load %arg9[%get3A_283, %get3A_284] {strides = array<i32>} : memref<50x512xi32, #tpu.memory_space<vmem>>, vector<1x16xi32>,
      %get3A_286 = vector.shape_cast %get3A_285 : vector<1x16xi32> to vector<16xi32>
      %lt3A_287 = arith.constant 503808 : i32
      %lt3A_288 = vector.broadcast %lt3A_287 : i32 to vector<16xi32>
      %lt3A_289 = arith.cmpi slt, %get3A_286, %lt3A_288 : vector<16xi32>
      %mul3A_290 = arith.constant 2 : i32
      %mul3A_291 = vector.broadcast %mul3A_290 : i32 to vector<16xi32>
      %mul3A_292 = arith.muli %get3A_286, %mul3A_291 : vector<16xi32>
      %mul3A_293 = arith.constant 2 : i32
      %mul3A_294 = vector.broadcast %mul3A_293 : i32 to vector<16xi32>
      %mul3A_295 = arith.muli %get3A_286, %mul3A_294 : vector<16xi32>
      %sub3A_296 = arith.constant 1007615 : i32
      %sub3A_297 = vector.broadcast %sub3A_296 : i32 to vector<16xi32>
      %sub3A_298 = arith.subi %mul3A_295, %sub3A_297 : vector<16xi32>
      %select_n3A_299 = arith.select %lt3A_289, %mul3A_292, %sub3A_298 : vector<16xi1>, vector<16xi32>
      %lt3A_300 = vector.broadcast %scan3A_106 : i32 to vector<16xi32>
      %lt3A_301 = arith.cmpi slt, %lt3A_300, %get3A_282 : vector<16xi32>
      %jit3A_302 = arith.constant -1 : i32
      %broadcast_in_dim3A_303 = vector.broadcast %jit3A_302 : i32 to vector<16xi32>
      %select_n3A_304 = arith.select %lt3A_301, %select_n3A_299, %broadcast_in_dim3A_303 : vector<16xi1>, vector<16xi32>
      %swap3A_305 = arith.index_cast %scan3A_106 : i32 to index
      %swap3A_306 = arith.constant 96 : index
      %swap3A_307 = tpu.vector_load %arg9[%swap3A_305, %swap3A_306] {strides = array<i32>} : memref<50x512xi32, #tpu.memory_space<vmem>>, vector<1x16xi32>,
      %swap3A_308 = vector.shape_cast %swap3A_307 : vector<1x16xi32> to vector<16xi32>
      %swap3A_309 = vector.shape_cast %select_n3A_304 : vector<16xi32> to vector<1x16xi32>
      tpu.vector_store %arg9[%swap3A_305, %swap3A_306], %swap3A_309 {strides = array<i32>} : memref<50x512xi32, #tpu.memory_space<vmem>>, vector<1x16xi32>,
      %get3A_310 = arith.constant 112 : index
      %get3A_311 = tpu.vector_load %arg10[%get3A_310] {strides = array<i32>} : memref<512xi32, #tpu.memory_space<vmem>>, vector<16xi32>,
      %get3A_312 = vector.shape_cast %get3A_311 : vector<16xi32> to vector<16xi32>
      %get3A_313 = arith.index_cast %scan3A_106 : i32 to index
      %get3A_314 = arith.constant 112 : index
      %get3A_315 = tpu.vector_load %arg9[%get3A_313, %get3A_314] {strides = array<i32>} : memref<50x512xi32, #tpu.memory_space<vmem>>, vector<1x16xi32>,
      %get3A_316 = vector.shape_cast %get3A_315 : vector<1x16xi32> to vector<16xi32>
      %lt3A_317 = arith.constant 503808 : i32
      %lt3A_318 = vector.broadcast %lt3A_317 : i32 to vector<16xi32>
      %lt3A_319 = arith.cmpi slt, %get3A_316, %lt3A_318 : vector<16xi32>
      %mul3A_320 = arith.constant 2 : i32
      %mul3A_321 = vector.broadcast %mul3A_320 : i32 to vector<16xi32>
      %mul3A_322 = arith.muli %get3A_316, %mul3A_321 : vector<16xi32>
      %mul3A_323 = arith.constant 2 : i32
      %mul3A_324 = vector.broadcast %mul3A_323 : i32 to vector<16xi32>
      %mul3A_325 = arith.muli %get3A_316, %mul3A_324 : vector<16xi32>
      %sub3A_326 = arith.constant 1007615 : i32
      %sub3A_327 = vector.broadcast %sub3A_326 : i32 to vector<16xi32>
      %sub3A_328 = arith.subi %mul3A_325, %sub3A_327 : vector<16xi32>
      %select_n3A_329 = arith.select %lt3A_319, %mul3A_322, %sub3A_328 : vector<16xi1>, vector<16xi32>
      %lt3A_330 = vector.broadcast %scan3A_106 : i32 to vector<16xi32>
      %lt3A_331 = arith.cmpi slt, %lt3A_330, %get3A_312 : vector<16xi32>
      %jit3A_332 = arith.constant -1 : i32
      %broadcast_in_dim3A_333 = vector.broadcast %jit3A_332 : i32 to vector<16xi32>
      %select_n3A_334 = arith.select %lt3A_331, %select_n3A_329, %broadcast_in_dim3A_333 : vector<16xi1>, vector<16xi32>
      %swap3A_335 = arith.index_cast %scan3A_106 : i32 to index
      %swap3A_336 = arith.constant 112 : index
      %swap3A_337 = tpu.vector_load %arg9[%swap3A_335, %swap3A_336] {strides = array<i32>} : memref<50x512xi32, #tpu.memory_space<vmem>>, vector<1x16xi32>,
      %swap3A_338 = vector.shape_cast %swap3A_337 : vector<1x16xi32> to vector<16xi32>
      %swap3A_339 = vector.shape_cast %select_n3A_334 : vector<16xi32> to vector<1x16xi32>
      tpu.vector_store %arg9[%swap3A_335, %swap3A_336], %swap3A_339 {strides = array<i32>} : memref<50x512xi32, #tpu.memory_space<vmem>>, vector<1x16xi32>,
      %get3A_340 = arith.constant 128 : index
      %get3A_341 = tpu.vector_load %arg10[%get3A_340] {strides = array<i32>} : memref<512xi32, #tpu.memory_space<vmem>>, vector<16xi32>,
      %get3A_342 = vector.shape_cast %get3A_341 : vector<16xi32> to vector<16xi32>
      %get3A_343 = arith.index_cast %scan3A_106 : i32 to index
      %get3A_344 = arith.constant 128 : index
      %get3A_345 = tpu.vector_load %arg9[%get3A_343, %get3A_344] {strides = array<i32>} : memref<50x512xi32, #tpu.memory_space<vmem>>, vector<1x16xi32>,
      %get3A_346 = vector.shape_cast %get3A_345 : vector<1x16xi32> to vector<16xi32>
      %lt3A_347 = arith.constant 503808 : i32
      %lt3A_348 = vector.broadcast %lt3A_347 : i32 to vector<16xi32>
      %lt3A_349 = arith.cmpi slt, %get3A_346, %lt3A_348 : vector<16xi32>
      %mul3A_350 = arith.constant 2 : i32
      %mul3A_351 = vector.broadcast %mul3A_350 : i32 to vector<16xi32>
      %mul3A_352 = arith.muli %get3A_346, %mul3A_351 : vector<16xi32>
      %mul3A_353 = arith.constant 2 : i32
      %mul3A_354 = vector.broadcast %mul3A_353 : i32 to vector<16xi32>
      %mul3A_355 = arith.muli %get3A_346, %mul3A_354 : vector<16xi32>
      %sub3A_356 = arith.constant 1007615 : i32
      %sub3A_357 = vector.broadcast %sub3A_356 : i32 to vector<16xi32>
      %sub3A_358 = arith.subi %mul3A_355, %sub3A_357 : vector<16xi32>
      %select_n3A_359 = arith.select %lt3A_349, %mul3A_352, %sub3A_358 : vector<16xi1>, vector<16xi32>
      %lt3A_360 = vector.broadcast %scan3A_106 : i32 to vector<16xi32>
      %lt3A_361 = arith.cmpi slt, %lt3A_360, %get3A_342 : vector<16xi32>
      %jit3A_362 = arith.constant -1 : i32
      %broadcast_in_dim3A_363 = vector.broadcast %jit3A_362 : i32 to vector<16xi32>
      %select_n3A_364 = arith.select %lt3A_361, %select_n3A_359, %broadcast_in_dim3A_363 : vector<16xi1>, vector<16xi32>
      %swap3A_365 = arith.index_cast %scan3A_106 : i32 to index
      %swap3A_366 = arith.constant 128 : index
      %swap3A_367 = tpu.vector_load %arg9[%swap3A_365, %swap3A_366] {strides = array<i32>} : memref<50x512xi32, #tpu.memory_space<vmem>>, vector<1x16xi32>,
      %swap3A_368 = vector.shape_cast %swap3A_367 : vector<1x16xi32> to vector<16xi32>
      %swap3A_369 = vector.shape_cast %select_n3A_364 : vector<16xi32> to vector<1x16xi32>
      tpu.vector_store %arg9[%swap3A_365, %swap3A_366], %swap3A_369 {strides = array<i32>} : memref<50x512xi32, #tpu.memory_space<vmem>>, vector<1x16xi32>,
      %get3A_370 = arith.constant 144 : index
      %get3A_371 = tpu.vector_load %arg10[%get3A_370] {strides = array<i32>} : memref<512xi32, #tpu.memory_space<vmem>>, vector<16xi32>,
      %get3A_372 = vector.shape_cast %get3A_371 : vector<16xi32> to vector<16xi32>
      %get3A_373 = arith.index_cast %scan3A_106 : i32 to index
      %get3A_374 = arith.constant 144 : index
      %get3A_375 = tpu.vector_load %arg9[%get3A_373, %get3A_374] {strides = array<i32>} : memref<50x512xi32, #tpu.memory_space<vmem>>, vector<1x16xi32>,
      %get3A_376 = vector.shape_cast %get3A_375 : vector<1x16xi32> to vector<16xi32>
      %lt3A_377 = arith.constant 503808 : i32
      %lt3A_378 = vector.broadcast %lt3A_377 : i32 to vector<16xi32>
      %lt3A_379 = arith.cmpi slt, %get3A_376, %lt3A_378 : vector<16xi32>
      %mul3A_380 = arith.constant 2 : i32
      %mul3A_381 = vector.broadcast %mul3A_380 : i32 to vector<16xi32>
      %mul3A_382 = arith.muli %get3A_376, %mul3A_381 : vector<16xi32>
      %mul3A_383 = arith.constant 2 : i32
      %mul3A_384 = vector.broadcast %mul3A_383 : i32 to vector<16xi32>
      %mul3A_385 = arith.muli %get3A_376, %mul3A_384 : vector<16xi32>
      %sub3A_386 = arith.constant 1007615 : i32
      %sub3A_387 = vector.broadcast %sub3A_386 : i32 to vector<16xi32>
      %sub3A_388 = arith.subi %mul3A_385, %sub3A_387 : vector<16xi32>
      %select_n3A_389 = arith.select %lt3A_379, %mul3A_382, %sub3A_388 : vector<16xi1>, vector<16xi32>
      %lt3A_390 = vector.broadcast %scan3A_106 : i32 to vector<16xi32>
      %lt3A_391 = arith.cmpi slt, %lt3A_390, %get3A_372 : vector<16xi32>
      %jit3A_392 = arith.constant -1 : i32
      %broadcast_in_dim3A_393 = vector.broadcast %jit3A_392 : i32 to vector<16xi32>
      %select_n3A_394 = arith.select %lt3A_391, %select_n3A_389, %broadcast_in_dim3A_393 : vector<16xi1>, vector<16xi32>
      %swap3A_395 = arith.index_cast %scan3A_106 : i32 to index
      %swap3A_396 = arith.constant 144 : index
      %swap3A_397 = tpu.vector_load %arg9[%swap3A_395, %swap3A_396] {strides = array<i32>} : memref<50x512xi32, #tpu.memory_space<vmem>>, vector<1x16xi32>,
      %swap3A_398 = vector.shape_cast %swap3A_397 : vector<1x16xi32> to vector<16xi32>
      %swap3A_399 = vector.shape_cast %select_n3A_394 : vector<16xi32> to vector<1x16xi32>
      tpu.vector_store %arg9[%swap3A_395, %swap3A_396], %swap3A_399 {strides = array<i32>} : memref<50x512xi32, #tpu.memory_space<vmem>>, vector<1x16xi32>,
      %get3A_400 = arith.constant 160 : index
      %get3A_401 = tpu.vector_load %arg10[%get3A_400] {strides = array<i32>} : memref<512xi32, #tpu.memory_space<vmem>>, vector<16xi32>,
      %get3A_402 = vector.shape_cast %get3A_401 : vector<16xi32> to vector<16xi32>
      %get3A_403 = arith.index_cast %scan3A_106 : i32 to index
      %get3A_404 = arith.constant 160 : index
      %get3A_405 = tpu.vector_load %arg9[%get3A_403, %get3A_404] {strides = array<i32>} : memref<50x512xi32, #tpu.memory_space<vmem>>, vector<1x16xi32>,
      %get3A_406 = vector.shape_cast %get3A_405 : vector<1x16xi32> to vector<16xi32>
      %lt3A_407 = arith.constant 503808 : i32
      %lt3A_408 = vector.broadcast %lt3A_407 : i32 to vector<16xi32>
      %lt3A_409 = arith.cmpi slt, %get3A_406, %lt3A_408 : vector<16xi32>
      %mul3A_410 = arith.constant 2 : i32
      %mul3A_411 = vector.broadcast %mul3A_410 : i32 to vector<16xi32>
      %mul3A_412 = arith.muli %get3A_406, %mul3A_411 : vector<16xi32>
      %mul3A_413 = arith.constant 2 : i32
      %mul3A_414 = vector.broadcast %mul3A_413 : i32 to vector<16xi32>
      %mul3A_415 = arith.muli %get3A_406, %mul3A_414 : vector<16xi32>
      %sub3A_416 = arith.constant 1007615 : i32
      %sub3A_417 = vector.broadcast %sub3A_416 : i32 to vector<16xi32>
      %sub3A_418 = arith.subi %mul3A_415, %sub3A_417 : vector<16xi32>
      %select_n3A_419 = arith.select %lt3A_409, %mul3A_412, %sub3A_418 : vector<16xi1>, vector<16xi32>
      %lt3A_420 = vector.broadcast %scan3A_106 : i32 to vector<16xi32>
      %lt3A_421 = arith.cmpi slt, %lt3A_420, %get3A_402 : vector<16xi32>
      %jit3A_422 = arith.constant -1 : i32
      %broadcast_in_dim3A_423 = vector.broadcast %jit3A_422 : i32 to vector<16xi32>
      %select_n3A_424 = arith.select %lt3A_421, %select_n3A_419, %broadcast_in_dim3A_423 : vector<16xi1>, vector<16xi32>
      %swap3A_425 = arith.index_cast %scan3A_106 : i32 to index
      %swap3A_426 = arith.constant 160 : index
      %swap3A_427 = tpu.vector_load %arg9[%swap3A_425, %swap3A_426] {strides = array<i32>} : memref<50x512xi32, #tpu.memory_space<vmem>>, vector<1x16xi32>,
      %swap3A_428 = vector.shape_cast %swap3A_427 : vector<1x16xi32> to vector<16xi32>
      %swap3A_429 = vector.shape_cast %select_n3A_424 : vector<16xi32> to vector<1x16xi32>
      tpu.vector_store %arg9[%swap3A_425, %swap3A_426], %swap3A_429 {strides = array<i32>} : memref<50x512xi32, #tpu.memory_space<vmem>>, vector<1x16xi32>,
      %get3A_430 = arith.constant 176 : index
      %get3A_431 = tpu.vector_load %arg10[%get3A_430] {strides = array<i32>} : memref<512xi32, #tpu.memory_space<vmem>>, vector<16xi32>,
      %get3A_432 = vector.shape_cast %get3A_431 : vector<16xi32> to vector<16xi32>
      %get3A_433 = arith.index_cast %scan3A_106 : i32 to index
      %get3A_434 = arith.constant 176 : index
      %get3A_435 = tpu.vector_load %arg9[%get3A_433, %get3A_434] {strides = array<i32>} : memref<50x512xi32, #tpu.memory_space<vmem>>, vector<1x16xi32>,
      %get3A_436 = vector.shape_cast %get3A_435 : vector<1x16xi32> to vector<16xi32>
      %lt3A_437 = arith.constant 503808 : i32
      %lt3A_438 = vector.broadcast %lt3A_437 : i32 to vector<16xi32>
      %lt3A_439 = arith.cmpi slt, %get3A_436, %lt3A_438 : vector<16xi32>
      %mul3A_440 = arith.constant 2 : i32
      %mul3A_441 = vector.broadcast %mul3A_440 : i32 to vector<16xi32>
      %mul3A_442 = arith.muli %get3A_436, %mul3A_441 : vector<16xi32>
      %mul3A_443 = arith.constant 2 : i32
      %mul3A_444 = vector.broadcast %mul3A_443 : i32 to vector<16xi32>
      %mul3A_445 = arith.muli %get3A_436, %mul3A_444 : vector<16xi32>
      %sub3A_446 = arith.constant 1007615 : i32
      %sub3A_447 = vector.broadcast %sub3A_446 : i32 to vector<16xi32>
      %sub3A_448 = arith.subi %mul3A_445, %sub3A_447 : vector<16xi32>
      %select_n3A_449 = arith.select %lt3A_439, %mul3A_442, %sub3A_448 : vector<16xi1>, vector<16xi32>
      %lt3A_450 = vector.broadcast %scan3A_106 : i32 to vector<16xi32>
      %lt3A_451 = arith.cmpi slt, %lt3A_450, %get3A_432 : vector<16xi32>
      %jit3A_452 = arith.constant -1 : i32
      %broadcast_in_dim3A_453 = vector.broadcast %jit3A_452 : i32 to vector<16xi32>
      %select_n3A_454 = arith.select %lt3A_451, %select_n3A_449, %broadcast_in_dim3A_453 : vector<16xi1>, vector<16xi32>
      %swap3A_455 = arith.index_cast %scan3A_106 : i32 to index
      %swap3A_456 = arith.constant 176 : index
      %swap3A_457 = tpu.vector_load %arg9[%swap3A_455, %swap3A_456] {strides = array<i32>} : memref<50x512xi32, #tpu.memory_space<vmem>>, vector<1x16xi32>,
      %swap3A_458 = vector.shape_cast %swap3A_457 : vector<1x16xi32> to vector<16xi32>
      %swap3A_459 = vector.shape_cast %select_n3A_454 : vector<16xi32> to vector<1x16xi32>
      tpu.vector_store %arg9[%swap3A_455, %swap3A_456], %swap3A_459 {strides = array<i32>} : memref<50x512xi32, #tpu.memory_space<vmem>>, vector<1x16xi32>,
      %get3A_460 = arith.constant 192 : index
      %get3A_461 = tpu.vector_load %arg10[%get3A_460] {strides = array<i32>} : memref<512xi32, #tpu.memory_space<vmem>>, vector<16xi32>,
      %get3A_462 = vector.shape_cast %get3A_461 : vector<16xi32> to vector<16xi32>
      %get3A_463 = arith.index_cast %scan3A_106 : i32 to index
      %get3A_464 = arith.constant 192 : index
      %get3A_465 = tpu.vector_load %arg9[%get3A_463, %get3A_464] {strides = array<i32>} : memref<50x512xi32, #tpu.memory_space<vmem>>, vector<1x16xi32>,
      %get3A_466 = vector.shape_cast %get3A_465 : vector<1x16xi32> to vector<16xi32>
      %lt3A_467 = arith.constant 503808 : i32
      %lt3A_468 = vector.broadcast %lt3A_467 : i32 to vector<16xi32>
      %lt3A_469 = arith.cmpi slt, %get3A_466, %lt3A_468 : vector<16xi32>
      %mul3A_470 = arith.constant 2 : i32
      %mul3A_471 = vector.broadcast %mul3A_470 : i32 to vector<16xi32>
      %mul3A_472 = arith.muli %get3A_466, %mul3A_471 : vector<16xi32>
      %mul3A_473 = arith.constant 2 : i32
      %mul3A_474 = vector.broadcast %mul3A_473 : i32 to vector<16xi32>
      %mul3A_475 = arith.muli %get3A_466, %mul3A_474 : vector<16xi32>
      %sub3A_476 = arith.constant 1007615 : i32
      %sub3A_477 = vector.broadcast %sub3A_476 : i32 to vector<16xi32>
      %sub3A_478 = arith.subi %mul3A_475, %sub3A_477 : vector<16xi32>
      %select_n3A_479 = arith.select %lt3A_469, %mul3A_472, %sub3A_478 : vector<16xi1>, vector<16xi32>
      %lt3A_480 = vector.broadcast %scan3A_106 : i32 to vector<16xi32>
      %lt3A_481 = arith.cmpi slt, %lt3A_480, %get3A_462 : vector<16xi32>
      %jit3A_482 = arith.constant -1 : i32
      %broadcast_in_dim3A_483 = vector.broadcast %jit3A_482 : i32 to vector<16xi32>
      %select_n3A_484 = arith.select %lt3A_481, %select_n3A_479, %broadcast_in_dim3A_483 : vector<16xi1>, vector<16xi32>
      %swap3A_485 = arith.index_cast %scan3A_106 : i32 to index
      %swap3A_486 = arith.constant 192 : index
      %swap3A_487 = tpu.vector_load %arg9[%swap3A_485, %swap3A_486] {strides = array<i32>} : memref<50x512xi32, #tpu.memory_space<vmem>>, vector<1x16xi32>,
      %swap3A_488 = vector.shape_cast %swap3A_487 : vector<1x16xi32> to vector<16xi32>
      %swap3A_489 = vector.shape_cast %select_n3A_484 : vector<16xi32> to vector<1x16xi32>
      tpu.vector_store %arg9[%swap3A_485, %swap3A_486], %swap3A_489 {strides = array<i32>} : memref<50x512xi32, #tpu.memory_space<vmem>>, vector<1x16xi32>,
      %get3A_490 = arith.constant 208 : index
      %get3A_491 = tpu.vector_load %arg10[%get3A_490] {strides = array<i32>} : memref<512xi32, #tpu.memory_space<vmem>>, vector<16xi32>,
      %get3A_492 = vector.shape_cast %get3A_491 : vector<16xi32> to vector<16xi32>
      %get3A_493 = arith.index_cast %scan3A_106 : i32 to index
      %get3A_494 = arith.constant 208 : index
      %get3A_495 = tpu.vector_load %arg9[%get3A_493, %get3A_494] {strides = array<i32>} : memref<50x512xi32, #tpu.memory_space<vmem>>, vector<1x16xi32>,
      %get3A_496 = vector.shape_cast %get3A_495 : vector<1x16xi32> to vector<16xi32>
      %lt3A_497 = arith.constant 503808 : i32
      %lt3A_498 = vector.broadcast %lt3A_497 : i32 to vector<16xi32>
      %lt3A_499 = arith.cmpi slt, %get3A_496, %lt3A_498 : vector<16xi32>
      %mul3A_500 = arith.constant 2 : i32
      %mul3A_501 = vector.broadcast %mul3A_500 : i32 to vector<16xi32>
      %mul3A_502 = arith.muli %get3A_496, %mul3A_501 : vector<16xi32>
      %mul3A_503 = arith.constant 2 : i32
      %mul3A_504 = vector.broadcast %mul3A_503 : i32 to vector<16xi32>
      %mul3A_505 = arith.muli %get3A_496, %mul3A_504 : vector<16xi32>
      %sub3A_506 = arith.constant 1007615 : i32
      %sub3A_507 = vector.broadcast %sub3A_506 : i32 to vector<16xi32>
      %sub3A_508 = arith.subi %mul3A_505, %sub3A_507 : vector<16xi32>
      %select_n3A_509 = arith.select %lt3A_499, %mul3A_502, %sub3A_508 : vector<16xi1>, vector<16xi32>
      %lt3A_510 = vector.broadcast %scan3A_106 : i32 to vector<16xi32>
      %lt3A_511 = arith.cmpi slt, %lt3A_510, %get3A_492 : vector<16xi32>
      %jit3A_512 = arith.constant -1 : i32
      %broadcast_in_dim3A_513 = vector.broadcast %jit3A_512 : i32 to vector<16xi32>
      %select_n3A_514 = arith.select %lt3A_511, %select_n3A_509, %broadcast_in_dim3A_513 : vector<16xi1>, vector<16xi32>
      %swap3A_515 = arith.index_cast %scan3A_106 : i32 to index
      %swap3A_516 = arith.constant 208 : index
      %swap3A_517 = tpu.vector_load %arg9[%swap3A_515, %swap3A_516] {strides = array<i32>} : memref<50x512xi32, #tpu.memory_space<vmem>>, vector<1x16xi32>,
      %swap3A_518 = vector.shape_cast %swap3A_517 : vector<1x16xi32> to vector<16xi32>
      %swap3A_519 = vector.shape_cast %select_n3A_514 : vector<16xi32> to vector<1x16xi32>
      tpu.vector_store %arg9[%swap3A_515, %swap3A_516], %swap3A_519 {strides = array<i32>} : memref<50x512xi32, #tpu.memory_space<vmem>>, vector<1x16xi32>,
      %get3A_520 = arith.constant 224 : index
      %get3A_521 = tpu.vector_load %arg10[%get3A_520] {strides = array<i32>} : memref<512xi32, #tpu.memory_space<vmem>>, vector<16xi32>,
      %get3A_522 = vector.shape_cast %get3A_521 : vector<16xi32> to vector<16xi32>
      %get3A_523 = arith.index_cast %scan3A_106 : i32 to index
      %get3A_524 = arith.constant 224 : index
      %get3A_525 = tpu.vector_load %arg9[%get3A_523, %get3A_524] {strides = array<i32>} : memref<50x512xi32, #tpu.memory_space<vmem>>, vector<1x16xi32>,
      %get3A_526 = vector.shape_cast %get3A_525 : vector<1x16xi32> to vector<16xi32>
      %lt3A_527 = arith.constant 503808 : i32
      %lt3A_528 = vector.broadcast %lt3A_527 : i32 to vector<16xi32>
      %lt3A_529 = arith.cmpi slt, %get3A_526, %lt3A_528 : vector<16xi32>
      %mul3A_530 = arith.constant 2 : i32
      %mul3A_531 = vector.broadcast %mul3A_530 : i32 to vector<16xi32>
      %mul3A_532 = arith.muli %get3A_526, %mul3A_531 : vector<16xi32>
      %mul3A_533 = arith.constant 2 : i32
      %mul3A_534 = vector.broadcast %mul3A_533 : i32 to vector<16xi32>
      %mul3A_535 = arith.muli %get3A_526, %mul3A_534 : vector<16xi32>
      %sub3A_536 = arith.constant 1007615 : i32
      %sub3A_537 = vector.broadcast %sub3A_536 : i32 to vector<16xi32>
      %sub3A_538 = arith.subi %mul3A_535, %sub3A_537 : vector<16xi32>
      %select_n3A_539 = arith.select %lt3A_529, %mul3A_532, %sub3A_538 : vector<16xi1>, vector<16xi32>
      %lt3A_540 = vector.broadcast %scan3A_106 : i32 to vector<16xi32>
      %lt3A_541 = arith.cmpi slt, %lt3A_540, %get3A_522 : vector<16xi32>
      %jit3A_542 = arith.constant -1 : i32
      %broadcast_in_dim3A_543 = vector.broadcast %jit3A_542 : i32 to vector<16xi32>
      %select_n3A_544 = arith.select %lt3A_541, %select_n3A_539, %broadcast_in_dim3A_543 : vector<16xi1>, vector<16xi32>
      %swap3A_545 = arith.index_cast %scan3A_106 : i32 to index
      %swap3A_546 = arith.constant 224 : index
      %swap3A_547 = tpu.vector_load %arg9[%swap3A_545, %swap3A_546] {strides = array<i32>} : memref<50x512xi32, #tpu.memory_space<vmem>>, vector<1x16xi32>,
      %swap3A_548 = vector.shape_cast %swap3A_547 : vector<1x16xi32> to vector<16xi32>
      %swap3A_549 = vector.shape_cast %select_n3A_544 : vector<16xi32> to vector<1x16xi32>
      tpu.vector_store %arg9[%swap3A_545, %swap3A_546], %swap3A_549 {strides = array<i32>} : memref<50x512xi32, #tpu.memory_space<vmem>>, vector<1x16xi32>,
      %get3A_550 = arith.constant 240 : index
      %get3A_551 = tpu.vector_load %arg10[%get3A_550] {strides = array<i32>} : memref<512xi32, #tpu.memory_space<vmem>>, vector<16xi32>,
      %get3A_552 = vector.shape_cast %get3A_551 : vector<16xi32> to vector<16xi32>
      %get3A_553 = arith.index_cast %scan3A_106 : i32 to index
      %get3A_554 = arith.constant 240 : index
      %get3A_555 = tpu.vector_load %arg9[%get3A_553, %get3A_554] {strides = array<i32>} : memref<50x512xi32, #tpu.memory_space<vmem>>, vector<1x16xi32>,
      %get3A_556 = vector.shape_cast %get3A_555 : vector<1x16xi32> to vector<16xi32>
      %lt3A_557 = arith.constant 503808 : i32
      %lt3A_558 = vector.broadcast %lt3A_557 : i32 to vector<16xi32>
      %lt3A_559 = arith.cmpi slt, %get3A_556, %lt3A_558 : vector<16xi32>
      %mul3A_560 = arith.constant 2 : i32
      %mul3A_561 = vector.broadcast %mul3A_560 : i32 to vector<16xi32>
      %mul3A_562 = arith.muli %get3A_556, %mul3A_561 : vector<16xi32>
      %mul3A_563 = arith.constant 2 : i32
      %mul3A_564 = vector.broadcast %mul3A_563 : i32 to vector<16xi32>
      %mul3A_565 = arith.muli %get3A_556, %mul3A_564 : vector<16xi32>
      %sub3A_566 = arith.constant 1007615 : i32
      %sub3A_567 = vector.broadcast %sub3A_566 : i32 to vector<16xi32>
      %sub3A_568 = arith.subi %mul3A_565, %sub3A_567 : vector<16xi32>
      %select_n3A_569 = arith.select %lt3A_559, %mul3A_562, %sub3A_568 : vector<16xi1>, vector<16xi32>
      %lt3A_570 = vector.broadcast %scan3A_106 : i32 to vector<16xi32>
      %lt3A_571 = arith.cmpi slt, %lt3A_570, %get3A_552 : vector<16xi32>
      %jit3A_572 = arith.constant -1 : i32
      %broadcast_in_dim3A_573 = vector.broadcast %jit3A_572 : i32 to vector<16xi32>
      %select_n3A_574 = arith.select %lt3A_571, %select_n3A_569, %broadcast_in_dim3A_573 : vector<16xi1>, vector<16xi32>
      %swap3A_575 = arith.index_cast %scan3A_106 : i32 to index
      %swap3A_576 = arith.constant 240 : index
      %swap3A_577 = tpu.vector_load %arg9[%swap3A_575, %swap3A_576] {strides = array<i32>} : memref<50x512xi32, #tpu.memory_space<vmem>>, vector<1x16xi32>,
      %swap3A_578 = vector.shape_cast %swap3A_577 : vector<1x16xi32> to vector<16xi32>
      %swap3A_579 = vector.shape_cast %select_n3A_574 : vector<16xi32> to vector<1x16xi32>
      tpu.vector_store %arg9[%swap3A_575, %swap3A_576], %swap3A_579 {strides = array<i32>} : memref<50x512xi32, #tpu.memory_space<vmem>>, vector<1x16xi32>,
      %get3A_580 = arith.constant 256 : index
      %get3A_581 = tpu.vector_load %arg10[%get3A_580] {strides = array<i32>} : memref<512xi32, #tpu.memory_space<vmem>>, vector<16xi32>,
      %get3A_582 = vector.shape_cast %get3A_581 : vector<16xi32> to vector<16xi32>
      %get3A_583 = arith.index_cast %scan3A_106 : i32 to index
      %get3A_584 = arith.constant 256 : index
      %get3A_585 = tpu.vector_load %arg9[%get3A_583, %get3A_584] {strides = array<i32>} : memref<50x512xi32, #tpu.memory_space<vmem>>, vector<1x16xi32>,
      %get3A_586 = vector.shape_cast %get3A_585 : vector<1x16xi32> to vector<16xi32>
      %lt3A_587 = arith.constant 503808 : i32
      %lt3A_588 = vector.broadcast %lt3A_587 : i32 to vector<16xi32>
      %lt3A_589 = arith.cmpi slt, %get3A_586, %lt3A_588 : vector<16xi32>
      %mul3A_590 = arith.constant 2 : i32
      %mul3A_591 = vector.broadcast %mul3A_590 : i32 to vector<16xi32>
      %mul3A_592 = arith.muli %get3A_586, %mul3A_591 : vector<16xi32>
      %mul3A_593 = arith.constant 2 : i32
      %mul3A_594 = vector.broadcast %mul3A_593 : i32 to vector<16xi32>
      %mul3A_595 = arith.muli %get3A_586, %mul3A_594 : vector<16xi32>
      %sub3A_596 = arith.constant 1007615 : i32
      %sub3A_597 = vector.broadcast %sub3A_596 : i32 to vector<16xi32>
      %sub3A_598 = arith.subi %mul3A_595, %sub3A_597 : vector<16xi32>
      %select_n3A_599 = arith.select %lt3A_589, %mul3A_592, %sub3A_598 : vector<16xi1>, vector<16xi32>
      %lt3A_600 = vector.broadcast %scan3A_106 : i32 to vector<16xi32>
      %lt3A_601 = arith.cmpi slt, %lt3A_600, %get3A_582 : vector<16xi32>
      %jit3A_602 = arith.constant -1 : i32
      %broadcast_in_dim3A_603 = vector.broadcast %jit3A_602 : i32 to vector<16xi32>
      %select_n3A_604 = arith.select %lt3A_601, %select_n3A_599, %broadcast_in_dim3A_603 : vector<16xi1>, vector<16xi32>
      %swap3A_605 = arith.index_cast %scan3A_106 : i32 to index
      %swap3A_606 = arith.constant 256 : index
      %swap3A_607 = tpu.vector_load %arg9[%swap3A_605, %swap3A_606] {strides = array<i32>} : memref<50x512xi32, #tpu.memory_space<vmem>>, vector<1x16xi32>,
      %swap3A_608 = vector.shape_cast %swap3A_607 : vector<1x16xi32> to vector<16xi32>
      %swap3A_609 = vector.shape_cast %select_n3A_604 : vector<16xi32> to vector<1x16xi32>
      tpu.vector_store %arg9[%swap3A_605, %swap3A_606], %swap3A_609 {strides = array<i32>} : memref<50x512xi32, #tpu.memory_space<vmem>>, vector<1x16xi32>,
      %get3A_610 = arith.constant 272 : index
      %get3A_611 = tpu.vector_load %arg10[%get3A_610] {strides = array<i32>} : memref<512xi32, #tpu.memory_space<vmem>>, vector<16xi32>,
      %get3A_612 = vector.shape_cast %get3A_611 : vector<16xi32> to vector<16xi32>
      %get3A_613 = arith.index_cast %scan3A_106 : i32 to index
      %get3A_614 = arith.constant 272 : index
      %get3A_615 = tpu.vector_load %arg9[%get3A_613, %get3A_614] {strides = array<i32>} : memref<50x512xi32, #tpu.memory_space<vmem>>, vector<1x16xi32>,
      %get3A_616 = vector.shape_cast %get3A_615 : vector<1x16xi32> to vector<16xi32>
      %lt3A_617 = arith.constant 503808 : i32
      %lt3A_618 = vector.broadcast %lt3A_617 : i32 to vector<16xi32>
      %lt3A_619 = arith.cmpi slt, %get3A_616, %lt3A_618 : vector<16xi32>
      %mul3A_620 = arith.constant 2 : i32
      %mul3A_621 = vector.broadcast %mul3A_620 : i32 to vector<16xi32>
      %mul3A_622 = arith.muli %get3A_616, %mul3A_621 : vector<16xi32>
      %mul3A_623 = arith.constant 2 : i32
      %mul3A_624 = vector.broadcast %mul3A_623 : i32 to vector<16xi32>
      %mul3A_625 = arith.muli %get3A_616, %mul3A_624 : vector<16xi32>
      %sub3A_626 = arith.constant 1007615 : i32
      %sub3A_627 = vector.broadcast %sub3A_626 : i32 to vector<16xi32>
      %sub3A_628 = arith.subi %mul3A_625, %sub3A_627 : vector<16xi32>
      %select_n3A_629 = arith.select %lt3A_619, %mul3A_622, %sub3A_628 : vector<16xi1>, vector<16xi32>
      %lt3A_630 = vector.broadcast %scan3A_106 : i32 to vector<16xi32>
      %lt3A_631 = arith.cmpi slt, %lt3A_630, %get3A_612 : vector<16xi32>
      %jit3A_632 = arith.constant -1 : i32
      %broadcast_in_dim3A_633 = vector.broadcast %jit3A_632 : i32 to vector<16xi32>
      %select_n3A_634 = arith.select %lt3A_631, %select_n3A_629, %broadcast_in_dim3A_633 : vector<16xi1>, vector<16xi32>
      %swap3A_635 = arith.index_cast %scan3A_106 : i32 to index
      %swap3A_636 = arith.constant 272 : index
      %swap3A_637 = tpu.vector_load %arg9[%swap3A_635, %swap3A_636] {strides = array<i32>} : memref<50x512xi32, #tpu.memory_space<vmem>>, vector<1x16xi32>,
      %swap3A_638 = vector.shape_cast %swap3A_637 : vector<1x16xi32> to vector<16xi32>
      %swap3A_639 = vector.shape_cast %select_n3A_634 : vector<16xi32> to vector<1x16xi32>
      tpu.vector_store %arg9[%swap3A_635, %swap3A_636], %swap3A_639 {strides = array<i32>} : memref<50x512xi32, #tpu.memory_space<vmem>>, vector<1x16xi32>,
      %get3A_640 = arith.constant 288 : index
      %get3A_641 = tpu.vector_load %arg10[%get3A_640] {strides = array<i32>} : memref<512xi32, #tpu.memory_space<vmem>>, vector<16xi32>,
      %get3A_642 = vector.shape_cast %get3A_641 : vector<16xi32> to vector<16xi32>
      %get3A_643 = arith.index_cast %scan3A_106 : i32 to index
      %get3A_644 = arith.constant 288 : index
      %get3A_645 = tpu.vector_load %arg9[%get3A_643, %get3A_644] {strides = array<i32>} : memref<50x512xi32, #tpu.memory_space<vmem>>, vector<1x16xi32>,
      %get3A_646 = vector.shape_cast %get3A_645 : vector<1x16xi32> to vector<16xi32>
      %lt3A_647 = arith.constant 503808 : i32
      %lt3A_648 = vector.broadcast %lt3A_647 : i32 to vector<16xi32>
      %lt3A_649 = arith.cmpi slt, %get3A_646, %lt3A_648 : vector<16xi32>
      %mul3A_650 = arith.constant 2 : i32
      %mul3A_651 = vector.broadcast %mul3A_650 : i32 to vector<16xi32>
      %mul3A_652 = arith.muli %get3A_646, %mul3A_651 : vector<16xi32>
      %mul3A_653 = arith.constant 2 : i32
      %mul3A_654 = vector.broadcast %mul3A_653 : i32 to vector<16xi32>
      %mul3A_655 = arith.muli %get3A_646, %mul3A_654 : vector<16xi32>
      %sub3A_656 = arith.constant 1007615 : i32
      %sub3A_657 = vector.broadcast %sub3A_656 : i32 to vector<16xi32>
      %sub3A_658 = arith.subi %mul3A_655, %sub3A_657 : vector<16xi32>
      %select_n3A_659 = arith.select %lt3A_649, %mul3A_652, %sub3A_658 : vector<16xi1>, vector<16xi32>
      %lt3A_660 = vector.broadcast %scan3A_106 : i32 to vector<16xi32>
      %lt3A_661 = arith.cmpi slt, %lt3A_660, %get3A_642 : vector<16xi32>
      %jit3A_662 = arith.constant -1 : i32
      %broadcast_in_dim3A_663 = vector.broadcast %jit3A_662 : i32 to vector<16xi32>
      %select_n3A_664 = arith.select %lt3A_661, %select_n3A_659, %broadcast_in_dim3A_663 : vector<16xi1>, vector<16xi32>
      %swap3A_665 = arith.index_cast %scan3A_106 : i32 to index
      %swap3A_666 = arith.constant 288 : index
      %swap3A_667 = tpu.vector_load %arg9[%swap3A_665, %swap3A_666] {strides = array<i32>} : memref<50x512xi32, #tpu.memory_space<vmem>>, vector<1x16xi32>,
      %swap3A_668 = vector.shape_cast %swap3A_667 : vector<1x16xi32> to vector<16xi32>
      %swap3A_669 = vector.shape_cast %select_n3A_664 : vector<16xi32> to vector<1x16xi32>
      tpu.vector_store %arg9[%swap3A_665, %swap3A_666], %swap3A_669 {strides = array<i32>} : memref<50x512xi32, #tpu.memory_space<vmem>>, vector<1x16xi32>,
      %get3A_670 = arith.constant 304 : index
      %get3A_671 = tpu.vector_load %arg10[%get3A_670] {strides = array<i32>} : memref<512xi32, #tpu.memory_space<vmem>>, vector<16xi32>,
      %get3A_672 = vector.shape_cast %get3A_671 : vector<16xi32> to vector<16xi32>
      %get3A_673 = arith.index_cast %scan3A_106 : i32 to index
      %get3A_674 = arith.constant 304 : index
      %get3A_675 = tpu.vector_load %arg9[%get3A_673, %get3A_674] {strides = array<i32>} : memref<50x512xi32, #tpu.memory_space<vmem>>, vector<1x16xi32>,
      %get3A_676 = vector.shape_cast %get3A_675 : vector<1x16xi32> to vector<16xi32>
      %lt3A_677 = arith.constant 503808 : i32
      %lt3A_678 = vector.broadcast %lt3A_677 : i32 to vector<16xi32>
      %lt3A_679 = arith.cmpi slt, %get3A_676, %lt3A_678 : vector<16xi32>
      %mul3A_680 = arith.constant 2 : i32
      %mul3A_681 = vector.broadcast %mul3A_680 : i32 to vector<16xi32>
      %mul3A_682 = arith.muli %get3A_676, %mul3A_681 : vector<16xi32>
      %mul3A_683 = arith.constant 2 : i32
      %mul3A_684 = vector.broadcast %mul3A_683 : i32 to vector<16xi32>
      %mul3A_685 = arith.muli %get3A_676, %mul3A_684 : vector<16xi32>
      %sub3A_686 = arith.constant 1007615 : i32
      %sub3A_687 = vector.broadcast %sub3A_686 : i32 to vector<16xi32>
      %sub3A_688 = arith.subi %mul3A_685, %sub3A_687 : vector<16xi32>
      %select_n3A_689 = arith.select %lt3A_679, %mul3A_682, %sub3A_688 : vector<16xi1>, vector<16xi32>
      %lt3A_690 = vector.broadcast %scan3A_106 : i32 to vector<16xi32>
      %lt3A_691 = arith.cmpi slt, %lt3A_690, %get3A_672 : vector<16xi32>
      %jit3A_692 = arith.constant -1 : i32
      %broadcast_in_dim3A_693 = vector.broadcast %jit3A_692 : i32 to vector<16xi32>
      %select_n3A_694 = arith.select %lt3A_691, %select_n3A_689, %broadcast_in_dim3A_693 : vector<16xi1>, vector<16xi32>
      %swap3A_695 = arith.index_cast %scan3A_106 : i32 to index
      %swap3A_696 = arith.constant 304 : index
      %swap3A_697 = tpu.vector_load %arg9[%swap3A_695, %swap3A_696] {strides = array<i32>} : memref<50x512xi32, #tpu.memory_space<vmem>>, vector<1x16xi32>,
      %swap3A_698 = vector.shape_cast %swap3A_697 : vector<1x16xi32> to vector<16xi32>
      %swap3A_699 = vector.shape_cast %select_n3A_694 : vector<16xi32> to vector<1x16xi32>
      tpu.vector_store %arg9[%swap3A_695, %swap3A_696], %swap3A_699 {strides = array<i32>} : memref<50x512xi32, #tpu.memory_space<vmem>>, vector<1x16xi32>,
      %get3A_700 = arith.constant 320 : index
      %get3A_701 = tpu.vector_load %arg10[%get3A_700] {strides = array<i32>} : memref<512xi32, #tpu.memory_space<vmem>>, vector<16xi32>,
      %get3A_702 = vector.shape_cast %get3A_701 : vector<16xi32> to vector<16xi32>
      %get3A_703 = arith.index_cast %scan3A_106 : i32 to index
      %get3A_704 = arith.constant 320 : index
      %get3A_705 = tpu.vector_load %arg9[%get3A_703, %get3A_704] {strides = array<i32>} : memref<50x512xi32, #tpu.memory_space<vmem>>, vector<1x16xi32>,
      %get3A_706 = vector.shape_cast %get3A_705 : vector<1x16xi32> to vector<16xi32>
      %lt3A_707 = arith.constant 503808 : i32
      %lt3A_708 = vector.broadcast %lt3A_707 : i32 to vector<16xi32>
      %lt3A_709 = arith.cmpi slt, %get3A_706, %lt3A_708 : vector<16xi32>
      %mul3A_710 = arith.constant 2 : i32
      %mul3A_711 = vector.broadcast %mul3A_710 : i32 to vector<16xi32>
      %mul3A_712 = arith.muli %get3A_706, %mul3A_711 : vector<16xi32>
      %mul3A_713 = arith.constant 2 : i32
      %mul3A_714 = vector.broadcast %mul3A_713 : i32 to vector<16xi32>
      %mul3A_715 = arith.muli %get3A_706, %mul3A_714 : vector<16xi32>
      %sub3A_716 = arith.constant 1007615 : i32
      %sub3A_717 = vector.broadcast %sub3A_716 : i32 to vector<16xi32>
      %sub3A_718 = arith.subi %mul3A_715, %sub3A_717 : vector<16xi32>
      %select_n3A_719 = arith.select %lt3A_709, %mul3A_712, %sub3A_718 : vector<16xi1>, vector<16xi32>
      %lt3A_720 = vector.broadcast %scan3A_106 : i32 to vector<16xi32>
      %lt3A_721 = arith.cmpi slt, %lt3A_720, %get3A_702 : vector<16xi32>
      %jit3A_722 = arith.constant -1 : i32
      %broadcast_in_dim3A_723 = vector.broadcast %jit3A_722 : i32 to vector<16xi32>
      %select_n3A_724 = arith.select %lt3A_721, %select_n3A_719, %broadcast_in_dim3A_723 : vector<16xi1>, vector<16xi32>
      %swap3A_725 = arith.index_cast %scan3A_106 : i32 to index
      %swap3A_726 = arith.constant 320 : index
      %swap3A_727 = tpu.vector_load %arg9[%swap3A_725, %swap3A_726] {strides = array<i32>} : memref<50x512xi32, #tpu.memory_space<vmem>>, vector<1x16xi32>,
      %swap3A_728 = vector.shape_cast %swap3A_727 : vector<1x16xi32> to vector<16xi32>
      %swap3A_729 = vector.shape_cast %select_n3A_724 : vector<16xi32> to vector<1x16xi32>
      tpu.vector_store %arg9[%swap3A_725, %swap3A_726], %swap3A_729 {strides = array<i32>} : memref<50x512xi32, #tpu.memory_space<vmem>>, vector<1x16xi32>,
      %get3A_730 = arith.constant 336 : index
      %get3A_731 = tpu.vector_load %arg10[%get3A_730] {strides = array<i32>} : memref<512xi32, #tpu.memory_space<vmem>>, vector<16xi32>,
      %get3A_732 = vector.shape_cast %get3A_731 : vector<16xi32> to vector<16xi32>
      %get3A_733 = arith.index_cast %scan3A_106 : i32 to index
      %get3A_734 = arith.constant 336 : index
      %get3A_735 = tpu.vector_load %arg9[%get3A_733, %get3A_734] {strides = array<i32>} : memref<50x512xi32, #tpu.memory_space<vmem>>, vector<1x16xi32>,
      %get3A_736 = vector.shape_cast %get3A_735 : vector<1x16xi32> to vector<16xi32>
      %lt3A_737 = arith.constant 503808 : i32
      %lt3A_738 = vector.broadcast %lt3A_737 : i32 to vector<16xi32>
      %lt3A_739 = arith.cmpi slt, %get3A_736, %lt3A_738 : vector<16xi32>
      %mul3A_740 = arith.constant 2 : i32
      %mul3A_741 = vector.broadcast %mul3A_740 : i32 to vector<16xi32>
      %mul3A_742 = arith.muli %get3A_736, %mul3A_741 : vector<16xi32>
      %mul3A_743 = arith.constant 2 : i32
      %mul3A_744 = vector.broadcast %mul3A_743 : i32 to vector<16xi32>
      %mul3A_745 = arith.muli %get3A_736, %mul3A_744 : vector<16xi32>
      %sub3A_746 = arith.constant 1007615 : i32
      %sub3A_747 = vector.broadcast %sub3A_746 : i32 to vector<16xi32>
      %sub3A_748 = arith.subi %mul3A_745, %sub3A_747 : vector<16xi32>
      %select_n3A_749 = arith.select %lt3A_739, %mul3A_742, %sub3A_748 : vector<16xi1>, vector<16xi32>
      %lt3A_750 = vector.broadcast %scan3A_106 : i32 to vector<16xi32>
      %lt3A_751 = arith.cmpi slt, %lt3A_750, %get3A_732 : vector<16xi32>
      %jit3A_752 = arith.constant -1 : i32
      %broadcast_in_dim3A_753 = vector.broadcast %jit3A_752 : i32 to vector<16xi32>
      %select_n3A_754 = arith.select %lt3A_751, %select_n3A_749, %broadcast_in_dim3A_753 : vector<16xi1>, vector<16xi32>
      %swap3A_755 = arith.index_cast %scan3A_106 : i32 to index
      %swap3A_756 = arith.constant 336 : index
      %swap3A_757 = tpu.vector_load %arg9[%swap3A_755, %swap3A_756] {strides = array<i32>} : memref<50x512xi32, #tpu.memory_space<vmem>>, vector<1x16xi32>,
      %swap3A_758 = vector.shape_cast %swap3A_757 : vector<1x16xi32> to vector<16xi32>
      %swap3A_759 = vector.shape_cast %select_n3A_754 : vector<16xi32> to vector<1x16xi32>
      tpu.vector_store %arg9[%swap3A_755, %swap3A_756], %swap3A_759 {strides = array<i32>} : memref<50x512xi32, #tpu.memory_space<vmem>>, vector<1x16xi32>,
      %get3A_760 = arith.constant 352 : index
      %get3A_761 = tpu.vector_load %arg10[%get3A_760] {strides = array<i32>} : memref<512xi32, #tpu.memory_space<vmem>>, vector<16xi32>,
      %get3A_762 = vector.shape_cast %get3A_761 : vector<16xi32> to vector<16xi32>
      %get3A_763 = arith.index_cast %scan3A_106 : i32 to index
      %get3A_764 = arith.constant 352 : index
      %get3A_765 = tpu.vector_load %arg9[%get3A_763, %get3A_764] {strides = array<i32>} : memref<50x512xi32, #tpu.memory_space<vmem>>, vector<1x16xi32>,
      %get3A_766 = vector.shape_cast %get3A_765 : vector<1x16xi32> to vector<16xi32>
      %lt3A_767 = arith.constant 503808 : i32
      %lt3A_768 = vector.broadcast %lt3A_767 : i32 to vector<16xi32>
      %lt3A_769 = arith.cmpi slt, %get3A_766, %lt3A_768 : vector<16xi32>
      %mul3A_770 = arith.constant 2 : i32
      %mul3A_771 = vector.broadcast %mul3A_770 : i32 to vector<16xi32>
      %mul3A_772 = arith.muli %get3A_766, %mul3A_771 : vector<16xi32>
      %mul3A_773 = arith.constant 2 : i32
      %mul3A_774 = vector.broadcast %mul3A_773 : i32 to vector<16xi32>
      %mul3A_775 = arith.muli %get3A_766, %mul3A_774 : vector<16xi32>
      %sub3A_776 = arith.constant 1007615 : i32
      %sub3A_777 = vector.broadcast %sub3A_776 : i32 to vector<16xi32>
      %sub3A_778 = arith.subi %mul3A_775, %sub3A_777 : vector<16xi32>
      %select_n3A_779 = arith.select %lt3A_769, %mul3A_772, %sub3A_778 : vector<16xi1>, vector<16xi32>
      %lt3A_780 = vector.broadcast %scan3A_106 : i32 to vector<16xi32>
      %lt3A_781 = arith.cmpi slt, %lt3A_780, %get3A_762 : vector<16xi32>
      %jit3A_782 = arith.constant -1 : i32
      %broadcast_in_dim3A_783 = vector.broadcast %jit3A_782 : i32 to vector<16xi32>
      %select_n3A_784 = arith.select %lt3A_781, %select_n3A_779, %broadcast_in_dim3A_783 : vector<16xi1>, vector<16xi32>
      %swap3A_785 = arith.index_cast %scan3A_106 : i32 to index
      %swap3A_786 = arith.constant 352 : index
      %swap3A_787 = tpu.vector_load %arg9[%swap3A_785, %swap3A_786] {strides = array<i32>} : memref<50x512xi32, #tpu.memory_space<vmem>>, vector<1x16xi32>,
      %swap3A_788 = vector.shape_cast %swap3A_787 : vector<1x16xi32> to vector<16xi32>
      %swap3A_789 = vector.shape_cast %select_n3A_784 : vector<16xi32> to vector<1x16xi32>
      tpu.vector_store %arg9[%swap3A_785, %swap3A_786], %swap3A_789 {strides = array<i32>} : memref<50x512xi32, #tpu.memory_space<vmem>>, vector<1x16xi32>,
      %get3A_790 = arith.constant 368 : index
      %get3A_791 = tpu.vector_load %arg10[%get3A_790] {strides = array<i32>} : memref<512xi32, #tpu.memory_space<vmem>>, vector<16xi32>,
      %get3A_792 = vector.shape_cast %get3A_791 : vector<16xi32> to vector<16xi32>
      %get3A_793 = arith.index_cast %scan3A_106 : i32 to index
      %get3A_794 = arith.constant 368 : index
      %get3A_795 = tpu.vector_load %arg9[%get3A_793, %get3A_794] {strides = array<i32>} : memref<50x512xi32, #tpu.memory_space<vmem>>, vector<1x16xi32>,
      %get3A_796 = vector.shape_cast %get3A_795 : vector<1x16xi32> to vector<16xi32>
      %lt3A_797 = arith.constant 503808 : i32
      %lt3A_798 = vector.broadcast %lt3A_797 : i32 to vector<16xi32>
      %lt3A_799 = arith.cmpi slt, %get3A_796, %lt3A_798 : vector<16xi32>
      %mul3A_800 = arith.constant 2 : i32
      %mul3A_801 = vector.broadcast %mul3A_800 : i32 to vector<16xi32>
      %mul3A_802 = arith.muli %get3A_796, %mul3A_801 : vector<16xi32>
      %mul3A_803 = arith.constant 2 : i32
      %mul3A_804 = vector.broadcast %mul3A_803 : i32 to vector<16xi32>
      %mul3A_805 = arith.muli %get3A_796, %mul3A_804 : vector<16xi32>
      %sub3A_806 = arith.constant 1007615 : i32
      %sub3A_807 = vector.broadcast %sub3A_806 : i32 to vector<16xi32>
      %sub3A_808 = arith.subi %mul3A_805, %sub3A_807 : vector<16xi32>
      %select_n3A_809 = arith.select %lt3A_799, %mul3A_802, %sub3A_808 : vector<16xi1>, vector<16xi32>
      %lt3A_810 = vector.broadcast %scan3A_106 : i32 to vector<16xi32>
      %lt3A_811 = arith.cmpi slt, %lt3A_810, %get3A_792 : vector<16xi32>
      %jit3A_812 = arith.constant -1 : i32
      %broadcast_in_dim3A_813 = vector.broadcast %jit3A_812 : i32 to vector<16xi32>
      %select_n3A_814 = arith.select %lt3A_811, %select_n3A_809, %broadcast_in_dim3A_813 : vector<16xi1>, vector<16xi32>
      %swap3A_815 = arith.index_cast %scan3A_106 : i32 to index
      %swap3A_816 = arith.constant 368 : index
      %swap3A_817 = tpu.vector_load %arg9[%swap3A_815, %swap3A_816] {strides = array<i32>} : memref<50x512xi32, #tpu.memory_space<vmem>>, vector<1x16xi32>,
      %swap3A_818 = vector.shape_cast %swap3A_817 : vector<1x16xi32> to vector<16xi32>
      %swap3A_819 = vector.shape_cast %select_n3A_814 : vector<16xi32> to vector<1x16xi32>
      tpu.vector_store %arg9[%swap3A_815, %swap3A_816], %swap3A_819 {strides = array<i32>} : memref<50x512xi32, #tpu.memory_space<vmem>>, vector<1x16xi32>,
      %get3A_820 = arith.constant 384 : index
      %get3A_821 = tpu.vector_load %arg10[%get3A_820] {strides = array<i32>} : memref<512xi32, #tpu.memory_space<vmem>>, vector<16xi32>,
      %get3A_822 = vector.shape_cast %get3A_821 : vector<16xi32> to vector<16xi32>
      %get3A_823 = arith.index_cast %scan3A_106 : i32 to index
      %get3A_824 = arith.constant 384 : index
      %get3A_825 = tpu.vector_load %arg9[%get3A_823, %get3A_824] {strides = array<i32>} : memref<50x512xi32, #tpu.memory_space<vmem>>, vector<1x16xi32>,
      %get3A_826 = vector.shape_cast %get3A_825 : vector<1x16xi32> to vector<16xi32>
      %lt3A_827 = arith.constant 503808 : i32
      %lt3A_828 = vector.broadcast %lt3A_827 : i32 to vector<16xi32>
      %lt3A_829 = arith.cmpi slt, %get3A_826, %lt3A_828 : vector<16xi32>
      %mul3A_830 = arith.constant 2 : i32
      %mul3A_831 = vector.broadcast %mul3A_830 : i32 to vector<16xi32>
      %mul3A_832 = arith.muli %get3A_826, %mul3A_831 : vector<16xi32>
      %mul3A_833 = arith.constant 2 : i32
      %mul3A_834 = vector.broadcast %mul3A_833 : i32 to vector<16xi32>
      %mul3A_835 = arith.muli %get3A_826, %mul3A_834 : vector<16xi32>
      %sub3A_836 = arith.constant 1007615 : i32
      %sub3A_837 = vector.broadcast %sub3A_836 : i32 to vector<16xi32>
      %sub3A_838 = arith.subi %mul3A_835, %sub3A_837 : vector<16xi32>
      %select_n3A_839 = arith.select %lt3A_829, %mul3A_832, %sub3A_838 : vector<16xi1>, vector<16xi32>
      %lt3A_840 = vector.broadcast %scan3A_106 : i32 to vector<16xi32>
      %lt3A_841 = arith.cmpi slt, %lt3A_840, %get3A_822 : vector<16xi32>
      %jit3A_842 = arith.constant -1 : i32
      %broadcast_in_dim3A_843 = vector.broadcast %jit3A_842 : i32 to vector<16xi32>
      %select_n3A_844 = arith.select %lt3A_841, %select_n3A_839, %broadcast_in_dim3A_843 : vector<16xi1>, vector<16xi32>
      %swap3A_845 = arith.index_cast %scan3A_106 : i32 to index
      %swap3A_846 = arith.constant 384 : index
      %swap3A_847 = tpu.vector_load %arg9[%swap3A_845, %swap3A_846] {strides = array<i32>} : memref<50x512xi32, #tpu.memory_space<vmem>>, vector<1x16xi32>,
      %swap3A_848 = vector.shape_cast %swap3A_847 : vector<1x16xi32> to vector<16xi32>
      %swap3A_849 = vector.shape_cast %select_n3A_844 : vector<16xi32> to vector<1x16xi32>
      tpu.vector_store %arg9[%swap3A_845, %swap3A_846], %swap3A_849 {strides = array<i32>} : memref<50x512xi32, #tpu.memory_space<vmem>>, vector<1x16xi32>,
      %get3A_850 = arith.constant 400 : index
      %get3A_851 = tpu.vector_load %arg10[%get3A_850] {strides = array<i32>} : memref<512xi32, #tpu.memory_space<vmem>>, vector<16xi32>,
      %get3A_852 = vector.shape_cast %get3A_851 : vector<16xi32> to vector<16xi32>
      %get3A_853 = arith.index_cast %scan3A_106 : i32 to index
      %get3A_854 = arith.constant 400 : index
      %get3A_855 = tpu.vector_load %arg9[%get3A_853, %get3A_854] {strides = array<i32>} : memref<50x512xi32, #tpu.memory_space<vmem>>, vector<1x16xi32>,
      %get3A_856 = vector.shape_cast %get3A_855 : vector<1x16xi32> to vector<16xi32>
      %lt3A_857 = arith.constant 503808 : i32
      %lt3A_858 = vector.broadcast %lt3A_857 : i32 to vector<16xi32>
      %lt3A_859 = arith.cmpi slt, %get3A_856, %lt3A_858 : vector<16xi32>
      %mul3A_860 = arith.constant 2 : i32
      %mul3A_861 = vector.broadcast %mul3A_860 : i32 to vector<16xi32>
      %mul3A_862 = arith.muli %get3A_856, %mul3A_861 : vector<16xi32>
      %mul3A_863 = arith.constant 2 : i32
      %mul3A_864 = vector.broadcast %mul3A_863 : i32 to vector<16xi32>
      %mul3A_865 = arith.muli %get3A_856, %mul3A_864 : vector<16xi32>
      %sub3A_866 = arith.constant 1007615 : i32
      %sub3A_867 = vector.broadcast %sub3A_866 : i32 to vector<16xi32>
      %sub3A_868 = arith.subi %mul3A_865, %sub3A_867 : vector<16xi32>
      %select_n3A_869 = arith.select %lt3A_859, %mul3A_862, %sub3A_868 : vector<16xi1>, vector<16xi32>
      %lt3A_870 = vector.broadcast %scan3A_106 : i32 to vector<16xi32>
      %lt3A_871 = arith.cmpi slt, %lt3A_870, %get3A_852 : vector<16xi32>
      %jit3A_872 = arith.constant -1 : i32
      %broadcast_in_dim3A_873 = vector.broadcast %jit3A_872 : i32 to vector<16xi32>
      %select_n3A_874 = arith.select %lt3A_871, %select_n3A_869, %broadcast_in_dim3A_873 : vector<16xi1>, vector<16xi32>
      %swap3A_875 = arith.index_cast %scan3A_106 : i32 to index
      %swap3A_876 = arith.constant 400 : index
      %swap3A_877 = tpu.vector_load %arg9[%swap3A_875, %swap3A_876] {strides = array<i32>} : memref<50x512xi32, #tpu.memory_space<vmem>>, vector<1x16xi32>,
      %swap3A_878 = vector.shape_cast %swap3A_877 : vector<1x16xi32> to vector<16xi32>
      %swap3A_879 = vector.shape_cast %select_n3A_874 : vector<16xi32> to vector<1x16xi32>
      tpu.vector_store %arg9[%swap3A_875, %swap3A_876], %swap3A_879 {strides = array<i32>} : memref<50x512xi32, #tpu.memory_space<vmem>>, vector<1x16xi32>,
      %get3A_880 = arith.constant 416 : index
      %get3A_881 = tpu.vector_load %arg10[%get3A_880] {strides = array<i32>} : memref<512xi32, #tpu.memory_space<vmem>>, vector<16xi32>,
      %get3A_882 = vector.shape_cast %get3A_881 : vector<16xi32> to vector<16xi32>
      %get3A_883 = arith.index_cast %scan3A_106 : i32 to index
      %get3A_884 = arith.constant 416 : index
      %get3A_885 = tpu.vector_load %arg9[%get3A_883, %get3A_884] {strides = array<i32>} : memref<50x512xi32, #tpu.memory_space<vmem>>, vector<1x16xi32>,
      %get3A_886 = vector.shape_cast %get3A_885 : vector<1x16xi32> to vector<16xi32>
      %lt3A_887 = arith.constant 503808 : i32
      %lt3A_888 = vector.broadcast %lt3A_887 : i32 to vector<16xi32>
      %lt3A_889 = arith.cmpi slt, %get3A_886, %lt3A_888 : vector<16xi32>
      %mul3A_890 = arith.constant 2 : i32
      %mul3A_891 = vector.broadcast %mul3A_890 : i32 to vector<16xi32>
      %mul3A_892 = arith.muli %get3A_886, %mul3A_891 : vector<16xi32>
      %mul3A_893 = arith.constant 2 : i32
      %mul3A_894 = vector.broadcast %mul3A_893 : i32 to vector<16xi32>
      %mul3A_895 = arith.muli %get3A_886, %mul3A_894 : vector<16xi32>
      %sub3A_896 = arith.constant 1007615 : i32
      %sub3A_897 = vector.broadcast %sub3A_896 : i32 to vector<16xi32>
      %sub3A_898 = arith.subi %mul3A_895, %sub3A_897 : vector<16xi32>
      %select_n3A_899 = arith.select %lt3A_889, %mul3A_892, %sub3A_898 : vector<16xi1>, vector<16xi32>
      %lt3A_900 = vector.broadcast %scan3A_106 : i32 to vector<16xi32>
      %lt3A_901 = arith.cmpi slt, %lt3A_900, %get3A_882 : vector<16xi32>
      %jit3A_902 = arith.constant -1 : i32
      %broadcast_in_dim3A_903 = vector.broadcast %jit3A_902 : i32 to vector<16xi32>
      %select_n3A_904 = arith.select %lt3A_901, %select_n3A_899, %broadcast_in_dim3A_903 : vector<16xi1>, vector<16xi32>
      %swap3A_905 = arith.index_cast %scan3A_106 : i32 to index
      %swap3A_906 = arith.constant 416 : index
      %swap3A_907 = tpu.vector_load %arg9[%swap3A_905, %swap3A_906] {strides = array<i32>} : memref<50x512xi32, #tpu.memory_space<vmem>>, vector<1x16xi32>,
      %swap3A_908 = vector.shape_cast %swap3A_907 : vector<1x16xi32> to vector<16xi32>
      %swap3A_909 = vector.shape_cast %select_n3A_904 : vector<16xi32> to vector<1x16xi32>
      tpu.vector_store %arg9[%swap3A_905, %swap3A_906], %swap3A_909 {strides = array<i32>} : memref<50x512xi32, #tpu.memory_space<vmem>>, vector<1x16xi32>,
      %get3A_910 = arith.constant 432 : index
      %get3A_911 = tpu.vector_load %arg10[%get3A_910] {strides = array<i32>} : memref<512xi32, #tpu.memory_space<vmem>>, vector<16xi32>,
      %get3A_912 = vector.shape_cast %get3A_911 : vector<16xi32> to vector<16xi32>
      %get3A_913 = arith.index_cast %scan3A_106 : i32 to index
      %get3A_914 = arith.constant 432 : index
      %get3A_915 = tpu.vector_load %arg9[%get3A_913, %get3A_914] {strides = array<i32>} : memref<50x512xi32, #tpu.memory_space<vmem>>, vector<1x16xi32>,
      %get3A_916 = vector.shape_cast %get3A_915 : vector<1x16xi32> to vector<16xi32>
      %lt3A_917 = arith.constant 503808 : i32
      %lt3A_918 = vector.broadcast %lt3A_917 : i32 to vector<16xi32>
      %lt3A_919 = arith.cmpi slt, %get3A_916, %lt3A_918 : vector<16xi32>
      %mul3A_920 = arith.constant 2 : i32
      %mul3A_921 = vector.broadcast %mul3A_920 : i32 to vector<16xi32>
      %mul3A_922 = arith.muli %get3A_916, %mul3A_921 : vector<16xi32>
      %mul3A_923 = arith.constant 2 : i32
      %mul3A_924 = vector.broadcast %mul3A_923 : i32 to vector<16xi32>
      %mul3A_925 = arith.muli %get3A_916, %mul3A_924 : vector<16xi32>
      %sub3A_926 = arith.constant 1007615 : i32
      %sub3A_927 = vector.broadcast %sub3A_926 : i32 to vector<16xi32>
      %sub3A_928 = arith.subi %mul3A_925, %sub3A_927 : vector<16xi32>
      %select_n3A_929 = arith.select %lt3A_919, %mul3A_922, %sub3A_928 : vector<16xi1>, vector<16xi32>
      %lt3A_930 = vector.broadcast %scan3A_106 : i32 to vector<16xi32>
      %lt3A_931 = arith.cmpi slt, %lt3A_930, %get3A_912 : vector<16xi32>
      %jit3A_932 = arith.constant -1 : i32
      %broadcast_in_dim3A_933 = vector.broadcast %jit3A_932 : i32 to vector<16xi32>
      %select_n3A_934 = arith.select %lt3A_931, %select_n3A_929, %broadcast_in_dim3A_933 : vector<16xi1>, vector<16xi32>
      %swap3A_935 = arith.index_cast %scan3A_106 : i32 to index
      %swap3A_936 = arith.constant 432 : index
      %swap3A_937 = tpu.vector_load %arg9[%swap3A_935, %swap3A_936] {strides = array<i32>} : memref<50x512xi32, #tpu.memory_space<vmem>>, vector<1x16xi32>,
      %swap3A_938 = vector.shape_cast %swap3A_937 : vector<1x16xi32> to vector<16xi32>
      %swap3A_939 = vector.shape_cast %select_n3A_934 : vector<16xi32> to vector<1x16xi32>
      tpu.vector_store %arg9[%swap3A_935, %swap3A_936], %swap3A_939 {strides = array<i32>} : memref<50x512xi32, #tpu.memory_space<vmem>>, vector<1x16xi32>,
      %get3A_940 = arith.constant 448 : index
      %get3A_941 = tpu.vector_load %arg10[%get3A_940] {strides = array<i32>} : memref<512xi32, #tpu.memory_space<vmem>>, vector<16xi32>,
      %get3A_942 = vector.shape_cast %get3A_941 : vector<16xi32> to vector<16xi32>
      %get3A_943 = arith.index_cast %scan3A_106 : i32 to index
      %get3A_944 = arith.constant 448 : index
      %get3A_945 = tpu.vector_load %arg9[%get3A_943, %get3A_944] {strides = array<i32>} : memref<50x512xi32, #tpu.memory_space<vmem>>, vector<1x16xi32>,
      %get3A_946 = vector.shape_cast %get3A_945 : vector<1x16xi32> to vector<16xi32>
      %lt3A_947 = arith.constant 503808 : i32
      %lt3A_948 = vector.broadcast %lt3A_947 : i32 to vector<16xi32>
      %lt3A_949 = arith.cmpi slt, %get3A_946, %lt3A_948 : vector<16xi32>
      %mul3A_950 = arith.constant 2 : i32
      %mul3A_951 = vector.broadcast %mul3A_950 : i32 to vector<16xi32>
      %mul3A_952 = arith.muli %get3A_946, %mul3A_951 : vector<16xi32>
      %mul3A_953 = arith.constant 2 : i32
      %mul3A_954 = vector.broadcast %mul3A_953 : i32 to vector<16xi32>
      %mul3A_955 = arith.muli %get3A_946, %mul3A_954 : vector<16xi32>
      %sub3A_956 = arith.constant 1007615 : i32
      %sub3A_957 = vector.broadcast %sub3A_956 : i32 to vector<16xi32>
      %sub3A_958 = arith.subi %mul3A_955, %sub3A_957 : vector<16xi32>
      %select_n3A_959 = arith.select %lt3A_949, %mul3A_952, %sub3A_958 : vector<16xi1>, vector<16xi32>
      %lt3A_960 = vector.broadcast %scan3A_106 : i32 to vector<16xi32>
      %lt3A_961 = arith.cmpi slt, %lt3A_960, %get3A_942 : vector<16xi32>
      %jit3A_962 = arith.constant -1 : i32
      %broadcast_in_dim3A_963 = vector.broadcast %jit3A_962 : i32 to vector<16xi32>
      %select_n3A_964 = arith.select %lt3A_961, %select_n3A_959, %broadcast_in_dim3A_963 : vector<16xi1>, vector<16xi32>
      %swap3A_965 = arith.index_cast %scan3A_106 : i32 to index
      %swap3A_966 = arith.constant 448 : index
      %swap3A_967 = tpu.vector_load %arg9[%swap3A_965, %swap3A_966] {strides = array<i32>} : memref<50x512xi32, #tpu.memory_space<vmem>>, vector<1x16xi32>,
      %swap3A_968 = vector.shape_cast %swap3A_967 : vector<1x16xi32> to vector<16xi32>
      %swap3A_969 = vector.shape_cast %select_n3A_964 : vector<16xi32> to vector<1x16xi32>
      tpu.vector_store %arg9[%swap3A_965, %swap3A_966], %swap3A_969 {strides = array<i32>} : memref<50x512xi32, #tpu.memory_space<vmem>>, vector<1x16xi32>,
      %get3A_970 = arith.constant 464 : index
      %get3A_971 = tpu.vector_load %arg10[%get3A_970] {strides = array<i32>} : memref<512xi32, #tpu.memory_space<vmem>>, vector<16xi32>,
      %get3A_972 = vector.shape_cast %get3A_971 : vector<16xi32> to vector<16xi32>
      %get3A_973 = arith.index_cast %scan3A_106 : i32 to index
      %get3A_974 = arith.constant 464 : index
      %get3A_975 = tpu.vector_load %arg9[%get3A_973, %get3A_974] {strides = array<i32>} : memref<50x512xi32, #tpu.memory_space<vmem>>, vector<1x16xi32>,
      %get3A_976 = vector.shape_cast %get3A_975 : vector<1x16xi32> to vector<16xi32>
      %lt3A_977 = arith.constant 503808 : i32
      %lt3A_978 = vector.broadcast %lt3A_977 : i32 to vector<16xi32>
      %lt3A_979 = arith.cmpi slt, %get3A_976, %lt3A_978 : vector<16xi32>
      %mul3A_980 = arith.constant 2 : i32
      %mul3A_981 = vector.broadcast %mul3A_980 : i32 to vector<16xi32>
      %mul3A_982 = arith.muli %get3A_976, %mul3A_981 : vector<16xi32>
      %mul3A_983 = arith.constant 2 : i32
      %mul3A_984 = vector.broadcast %mul3A_983 : i32 to vector<16xi32>
      %mul3A_985 = arith.muli %get3A_976, %mul3A_984 : vector<16xi32>
      %sub3A_986 = arith.constant 1007615 : i32
      %sub3A_987 = vector.broadcast %sub3A_986 : i32 to vector<16xi32>
      %sub3A_988 = arith.subi %mul3A_985, %sub3A_987 : vector<16xi32>
      %select_n3A_989 = arith.select %lt3A_979, %mul3A_982, %sub3A_988 : vector<16xi1>, vector<16xi32>
      %lt3A_990 = vector.broadcast %scan3A_106 : i32 to vector<16xi32>
      %lt3A_991 = arith.cmpi slt, %lt3A_990, %get3A_972 : vector<16xi32>
      %jit3A_992 = arith.constant -1 : i32
      %broadcast_in_dim3A_993 = vector.broadcast %jit3A_992 : i32 to vector<16xi32>
      %select_n3A_994 = arith.select %lt3A_991, %select_n3A_989, %broadcast_in_dim3A_993 : vector<16xi1>, vector<16xi32>
      %swap3A_995 = arith.index_cast %scan3A_106 : i32 to index
      %swap3A_996 = arith.constant 464 : index
      %swap3A_997 = tpu.vector_load %arg9[%swap3A_995, %swap3A_996] {strides = array<i32>} : memref<50x512xi32, #tpu.memory_space<vmem>>, vector<1x16xi32>,
      %swap3A_998 = vector.shape_cast %swap3A_997 : vector<1x16xi32> to vector<16xi32>
      %swap3A_999 = vector.shape_cast %select_n3A_994 : vector<16xi32> to vector<1x16xi32>
      tpu.vector_store %arg9[%swap3A_995, %swap3A_996], %swap3A_999 {strides = array<i32>} : memref<50x512xi32, #tpu.memory_space<vmem>>, vector<1x16xi32>,
      %get3A_1000 = arith.constant 480 : index
      %get3A_1001 = tpu.vector_load %arg10[%get3A_1000] {strides = array<i32>} : memref<512xi32, #tpu.memory_space<vmem>>, vector<16xi32>,
      %get3A_1002 = vector.shape_cast %get3A_1001 : vector<16xi32> to vector<16xi32>
      %get3A_1003 = arith.index_cast %scan3A_106 : i32 to index
      %get3A_1004 = arith.constant 480 : index
      %get3A_1005 = tpu.vector_load %arg9[%get3A_1003, %get3A_1004] {strides = array<i32>} : memref<50x512xi32, #tpu.memory_space<vmem>>, vector<1x16xi32>,
      %get3A_1006 = vector.shape_cast %get3A_1005 : vector<1x16xi32> to vector<16xi32>
      %lt3A_1007 = arith.constant 503808 : i32
      %lt3A_1008 = vector.broadcast %lt3A_1007 : i32 to vector<16xi32>
      %lt3A_1009 = arith.cmpi slt, %get3A_1006, %lt3A_1008 : vector<16xi32>
      %mul3A_1010 = arith.constant 2 : i32
      %mul3A_1011 = vector.broadcast %mul3A_1010 : i32 to vector<16xi32>
      %mul3A_1012 = arith.muli %get3A_1006, %mul3A_1011 : vector<16xi32>
      %mul3A_1013 = arith.constant 2 : i32
      %mul3A_1014 = vector.broadcast %mul3A_1013 : i32 to vector<16xi32>
      %mul3A_1015 = arith.muli %get3A_1006, %mul3A_1014 : vector<16xi32>
      %sub3A_1016 = arith.constant 1007615 : i32
      %sub3A_1017 = vector.broadcast %sub3A_1016 : i32 to vector<16xi32>
      %sub3A_1018 = arith.subi %mul3A_1015, %sub3A_1017 : vector<16xi32>
      %select_n3A_1019 = arith.select %lt3A_1009, %mul3A_1012, %sub3A_1018 : vector<16xi1>, vector<16xi32>
      %lt3A_1020 = vector.broadcast %scan3A_106 : i32 to vector<16xi32>
      %lt3A_1021 = arith.cmpi slt, %lt3A_1020, %get3A_1002 : vector<16xi32>
      %jit3A_1022 = arith.constant -1 : i32
      %broadcast_in_dim3A_1023 = vector.broadcast %jit3A_1022 : i32 to vector<16xi32>
      %select_n3A_1024 = arith.select %lt3A_1021, %select_n3A_1019, %broadcast_in_dim3A_1023 : vector<16xi1>, vector<16xi32>
      %swap3A_1025 = arith.index_cast %scan3A_106 : i32 to index
      %swap3A_1026 = arith.constant 480 : index
      %swap3A_1027 = tpu.vector_load %arg9[%swap3A_1025, %swap3A_1026] {strides = array<i32>} : memref<50x512xi32, #tpu.memory_space<vmem>>, vector<1x16xi32>,
      %swap3A_1028 = vector.shape_cast %swap3A_1027 : vector<1x16xi32> to vector<16xi32>
      %swap3A_1029 = vector.shape_cast %select_n3A_1024 : vector<16xi32> to vector<1x16xi32>
      tpu.vector_store %arg9[%swap3A_1025, %swap3A_1026], %swap3A_1029 {strides = array<i32>} : memref<50x512xi32, #tpu.memory_space<vmem>>, vector<1x16xi32>,
      %get3A_1030 = arith.constant 496 : index
      %get3A_1031 = tpu.vector_load %arg10[%get3A_1030] {strides = array<i32>} : memref<512xi32, #tpu.memory_space<vmem>>, vector<16xi32>,
      %get3A_1032 = vector.shape_cast %get3A_1031 : vector<16xi32> to vector<16xi32>
      %get3A_1033 = arith.index_cast %scan3A_106 : i32 to index
      %get3A_1034 = arith.constant 496 : index
      %get3A_1035 = tpu.vector_load %arg9[%get3A_1033, %get3A_1034] {strides = array<i32>} : memref<50x512xi32, #tpu.memory_space<vmem>>, vector<1x16xi32>,
      %get3A_1036 = vector.shape_cast %get3A_1035 : vector<1x16xi32> to vector<16xi32>
      %lt3A_1037 = arith.constant 503808 : i32
      %lt3A_1038 = vector.broadcast %lt3A_1037 : i32 to vector<16xi32>
      %lt3A_1039 = arith.cmpi slt, %get3A_1036, %lt3A_1038 : vector<16xi32>
      %mul3A_1040 = arith.constant 2 : i32
      %mul3A_1041 = vector.broadcast %mul3A_1040 : i32 to vector<16xi32>
      %mul3A_1042 = arith.muli %get3A_1036, %mul3A_1041 : vector<16xi32>
      %mul3A_1043 = arith.constant 2 : i32
      %mul3A_1044 = vector.broadcast %mul3A_1043 : i32 to vector<16xi32>
      %mul3A_1045 = arith.muli %get3A_1036, %mul3A_1044 : vector<16xi32>
      %sub3A_1046 = arith.constant 1007615 : i32
      %sub3A_1047 = vector.broadcast %sub3A_1046 : i32 to vector<16xi32>
      %sub3A_1048 = arith.subi %mul3A_1045, %sub3A_1047 : vector<16xi32>
      %select_n3A_1049 = arith.select %lt3A_1039, %mul3A_1042, %sub3A_1048 : vector<16xi1>, vector<16xi32>
      %lt3A_1050 = vector.broadcast %scan3A_106 : i32 to vector<16xi32>
      %lt3A_1051 = arith.cmpi slt, %lt3A_1050, %get3A_1032 : vector<16xi32>
      %jit3A_1052 = arith.constant -1 : i32
      %broadcast_in_dim3A_1053 = vector.broadcast %jit3A_1052 : i32 to vector<16xi32>
      %select_n3A_1054 = arith.select %lt3A_1051, %select_n3A_1049, %broadcast_in_dim3A_1053 : vector<16xi1>, vector<16xi32>
      %swap3A_1055 = arith.index_cast %scan3A_106 : i32 to index
      %swap3A_1056 = arith.constant 496 : index
      %swap3A_1057 = tpu.vector_load %arg9[%swap3A_1055, %swap3A_1056] {strides = array<i32>} : memref<50x512xi32, #tpu.memory_space<vmem>>, vector<1x16xi32>,
      %swap3A_1058 = vector.shape_cast %swap3A_1057 : vector<1x16xi32> to vector<16xi32>
      %swap3A_1059 = vector.shape_cast %select_n3A_1054 : vector<16xi32> to vector<1x16xi32>
      tpu.vector_store %arg9[%swap3A_1055, %swap3A_1056], %swap3A_1059 {strides = array<i32>} : memref<50x512xi32, #tpu.memory_space<vmem>>, vector<1x16xi32>,
    }
    %scan3A_7 = arith.constant 50 : i32
    %scan3A_8 = arith.constant 0 : i32
    %scan3A_9 = arith.constant 0 : i32
    %scan3A_10 = arith.constant 512 : i32
    %scan3A_11 = arith.addi %scan3A_9, %scan3A_10 : i32
    %scan3A_12 = arith.constant 1 : i32
    scf.for %scan3A_106 = %scan3A_9 to %scan3A_11 step %scan3A_12  : i32 {
      %broadcast_in_dim3A = arith.constant 0.000000e+00 : f32
      %broadcast_in_dim3A_107 = vector.broadcast %broadcast_in_dim3A : f32 to vector<16xf32>
      %swap3A = arith.index_cast %scan3A_106 : i32 to index
      %swap3A_108 = arith.constant 0 : index
      %swap3A_109 = tpu.vector_load %arg12[%swap3A, %swap3A_108] {strides = array<i32>} : memref<512x64xf32, #tpu.memory_space<vmem>>, vector<1x16xf32>,
      %swap3A_110 = vector.shape_cast %swap3A_109 : vector<1x16xf32> to vector<16xf32>
      %swap3A_111 = vector.shape_cast %broadcast_in_dim3A_107 : vector<16xf32> to vector<1x16xf32>
      tpu.vector_store %arg12[%swap3A, %swap3A_108], %swap3A_111 {strides = array<i32>} : memref<512x64xf32, #tpu.memory_space<vmem>>, vector<1x16xf32>,
      %broadcast_in_dim3A_112 = arith.constant 0.000000e+00 : f32
      %broadcast_in_dim3A_113 = vector.broadcast %broadcast_in_dim3A_112 : f32 to vector<16xf32>
      %swap3A_114 = arith.index_cast %scan3A_106 : i32 to index
      %swap3A_115 = arith.constant 16 : index
      %swap3A_116 = tpu.vector_load %arg12[%swap3A_114, %swap3A_115] {strides = array<i32>} : memref<512x64xf32, #tpu.memory_space<vmem>>, vector<1x16xf32>,
      %swap3A_117 = vector.shape_cast %swap3A_116 : vector<1x16xf32> to vector<16xf32>
      %swap3A_118 = vector.shape_cast %broadcast_in_dim3A_113 : vector<16xf32> to vector<1x16xf32>
      tpu.vector_store %arg12[%swap3A_114, %swap3A_115], %swap3A_118 {strides = array<i32>} : memref<512x64xf32, #tpu.memory_space<vmem>>, vector<1x16xf32>,
      %broadcast_in_dim3A_119 = arith.constant 0.000000e+00 : f32
      %broadcast_in_dim3A_120 = vector.broadcast %broadcast_in_dim3A_119 : f32 to vector<16xf32>
      %swap3A_121 = arith.index_cast %scan3A_106 : i32 to index
      %swap3A_122 = arith.constant 32 : index
      %swap3A_123 = tpu.vector_load %arg12[%swap3A_121, %swap3A_122] {strides = array<i32>} : memref<512x64xf32, #tpu.memory_space<vmem>>, vector<1x16xf32>,
      %swap3A_124 = vector.shape_cast %swap3A_123 : vector<1x16xf32> to vector<16xf32>
      %swap3A_125 = vector.shape_cast %broadcast_in_dim3A_120 : vector<16xf32> to vector<1x16xf32>
      tpu.vector_store %arg12[%swap3A_121, %swap3A_122], %swap3A_125 {strides = array<i32>} : memref<512x64xf32, #tpu.memory_space<vmem>>, vector<1x16xf32>,
      %broadcast_in_dim3A_126 = arith.constant 0.000000e+00 : f32
      %broadcast_in_dim3A_127 = vector.broadcast %broadcast_in_dim3A_126 : f32 to vector<16xf32>
      %swap3A_128 = arith.index_cast %scan3A_106 : i32 to index
      %swap3A_129 = arith.constant 48 : index
      %swap3A_130 = tpu.vector_load %arg12[%swap3A_128, %swap3A_129] {strides = array<i32>} : memref<512x64xf32, #tpu.memory_space<vmem>>, vector<1x16xf32>,
      %swap3A_131 = vector.shape_cast %swap3A_130 : vector<1x16xf32> to vector<16xf32>
      %swap3A_132 = vector.shape_cast %broadcast_in_dim3A_127 : vector<16xf32> to vector<1x16xf32>
      tpu.vector_store %arg12[%swap3A_128, %swap3A_129], %swap3A_132 {strides = array<i32>} : memref<512x64xf32, #tpu.memory_space<vmem>>, vector<1x16xf32>,
    }
    %scan3A_13 = arith.constant 512 : i32
    %dma_start3A = arith.constant 0 : i32
    %dma_start3A_14 = arith.constant 0 : i32
    %dma_start3A_15 = tpu.memref_slice %arg9[%dma_start3A, %dma_start3A_14] : memref<50x512xi32, #tpu.memory_space<vmem>> -> memref<1x512xi32, #tpu.memory_space<vmem>>
    %dma_start3A_16 = tpu.memref_squeeze %dma_start3A_15 : memref<1x512xi32, #tpu.memory_space<vmem>> -> memref<512xi32, #tpu.memory_space<vmem>>
    %dma_start3A_17 = arith.constant 0 : i32
    %dma_start3A_18 = arith.constant 0 : i32
    %dma_start3A_19 = tpu.memref_slice %arg6[%dma_start3A_17, %dma_start3A_18] : memref<1007616x64xf32, #tpu.memory_space<hbm>> -> memref<1007616x64xf32, #tpu.memory_space<hbm>>
    tpu.enqueue_indirect_dma source(%dma_start3A_19 : memref<1007616x64xf32, #tpu.memory_space<hbm>>) target(%arg11 : memref<512x64xf32, #tpu.memory_space<vmem>>) offsets(%dma_start3A_16 : memref<512xi32, #tpu.memory_space<vmem>>) semaphore(%arg13 : memref<!tpu.dma_semaphore, #tpu.memory_space<semaphore_mem>>)
    %dma_start3A_20 = arith.constant 1 : i32
    %dma_start3A_21 = arith.constant 0 : i32
    %dma_start3A_22 = tpu.memref_slice %arg9[%dma_start3A_20, %dma_start3A_21] : memref<50x512xi32, #tpu.memory_space<vmem>> -> memref<1x512xi32, #tpu.memory_space<vmem>>
    %dma_start3A_23 = tpu.memref_squeeze %dma_start3A_22 : memref<1x512xi32, #tpu.memory_space<vmem>> -> memref<512xi32, #tpu.memory_space<vmem>>
    %dma_start3A_24 = arith.constant 0 : i32
    %dma_start3A_25 = arith.constant 0 : i32
    %dma_start3A_26 = tpu.memref_slice %arg6[%dma_start3A_24, %dma_start3A_25] : memref<1007616x64xf32, #tpu.memory_space<hbm>> -> memref<1007616x64xf32, #tpu.memory_space<hbm>>
    %dma_start3A_27 = arith.constant -1 : i32
    tpu.enqueue_indirect_dma source(%dma_start3A_26 : memref<1007616x64xf32, #tpu.memory_space<hbm>>) target(%arg12 : memref<512x64xf32, #tpu.memory_space<vmem>>) offsets(%dma_start3A_23 : memref<512xi32, #tpu.memory_space<vmem>>) offset_filter(%dma_start3A_27) semaphore(%arg14 : memref<!tpu.dma_semaphore, #tpu.memory_space<semaphore_mem>>) {add = true}
    %scan3A_28 = arith.constant 0 : i32
    %scan3A_29 = arith.constant 1 : i32
    %scan3A_30 = arith.constant 24 : i32
    %scan3A_31 = arith.addi %scan3A_29, %scan3A_30 : i32
    %scan3A_32 = arith.constant 1 : i32
    scf.for %scan3A_106 = %scan3A_29 to %scan3A_31 step %scan3A_32  : i32 {
      %mul3A_107 = arith.constant 2 : i32
      %mul3A_108 = arith.muli %mul3A_107, %scan3A_106 : i32
      %dma_wait3A_109 = arith.constant 0 : i32
      %dma_wait3A_110 = tpu.memref_slice %arg9[%mul3A_108, %dma_wait3A_109] : memref<50x512xi32, #tpu.memory_space<vmem>> -> memref<1x512xi32, #tpu.memory_space<vmem>>
      %dma_wait3A_111 = tpu.memref_squeeze %dma_wait3A_110 : memref<1x512xi32, #tpu.memory_space<vmem>> -> memref<512xi32, #tpu.memory_space<vmem>>
      %dma_wait3A_112 = arith.constant 0 : i32
      %dma_wait3A_113 = arith.constant 0 : i32
      %dma_wait3A_114 = tpu.memref_slice %arg6[%dma_wait3A_112, %dma_wait3A_113] : memref<1007616x64xf32, #tpu.memory_space<hbm>> -> memref<1007616x64xf32, #tpu.memory_space<hbm>>
      tpu.wait_indirect_dma semaphore(%arg13 : memref<!tpu.dma_semaphore, #tpu.memory_space<semaphore_mem>>) src(%dma_wait3A_114 : memref<1007616x64xf32, #tpu.memory_space<hbm>>) dst(%arg11 : memref<512x64xf32, #tpu.memory_space<vmem>>)
      %dma_start3A_115 = arith.constant 0 : i32
      %dma_start3A_116 = tpu.memref_slice %arg9[%mul3A_108, %dma_start3A_115] : memref<50x512xi32, #tpu.memory_space<vmem>> -> memref<1x512xi32, #tpu.memory_space<vmem>>
      %dma_start3A_117 = tpu.memref_squeeze %dma_start3A_116 : memref<1x512xi32, #tpu.memory_space<vmem>> -> memref<512xi32, #tpu.memory_space<vmem>>
      %dma_start3A_118 = arith.constant 0 : i32
      %dma_start3A_119 = arith.constant 0 : i32
      %dma_start3A_120 = tpu.memref_slice %arg6[%dma_start3A_118, %dma_start3A_119] : memref<1007616x64xf32, #tpu.memory_space<hbm>> -> memref<1007616x64xf32, #tpu.memory_space<hbm>>
      %dma_start3A_121 = arith.constant -1 : i32
      tpu.enqueue_indirect_dma source(%dma_start3A_120 : memref<1007616x64xf32, #tpu.memory_space<hbm>>) target(%arg11 : memref<512x64xf32, #tpu.memory_space<vmem>>) offsets(%dma_start3A_117 : memref<512xi32, #tpu.memory_space<vmem>>) offset_filter(%dma_start3A_121) semaphore(%arg13 : memref<!tpu.dma_semaphore, #tpu.memory_space<semaphore_mem>>) {add = true}
      %add3A_122 = arith.constant 1 : i32
      %add3A_123 = arith.addi %mul3A_108, %add3A_122 : i32
      %dma_wait3A_124 = arith.constant 0 : i32
      %dma_wait3A_125 = tpu.memref_slice %arg9[%add3A_123, %dma_wait3A_124] : memref<50x512xi32, #tpu.memory_space<vmem>> -> memref<1x512xi32, #tpu.memory_space<vmem>>
      %dma_wait3A_126 = tpu.memref_squeeze %dma_wait3A_125 : memref<1x512xi32, #tpu.memory_space<vmem>> -> memref<512xi32, #tpu.memory_space<vmem>>
      %dma_wait3A_127 = arith.constant 0 : i32
      %dma_wait3A_128 = arith.constant 0 : i32
      %dma_wait3A_129 = tpu.memref_slice %arg6[%dma_wait3A_127, %dma_wait3A_128] : memref<1007616x64xf32, #tpu.memory_space<hbm>> -> memref<1007616x64xf32, #tpu.memory_space<hbm>>
      tpu.wait_indirect_dma semaphore(%arg14 : memref<!tpu.dma_semaphore, #tpu.memory_space<semaphore_mem>>) src(%dma_wait3A_129 : memref<1007616x64xf32, #tpu.memory_space<hbm>>) dst(%arg12 : memref<512x64xf32, #tpu.memory_space<vmem>>)
      %add3A_130 = arith.constant 1 : i32
      %add3A_131 = arith.addi %mul3A_108, %add3A_130 : i32
      %dma_start3A_132 = arith.constant 0 : i32
      %dma_start3A_133 = tpu.memref_slice %arg9[%add3A_131, %dma_start3A_132] : memref<50x512xi32, #tpu.memory_space<vmem>> -> memref<1x512xi32, #tpu.memory_space<vmem>>
      %dma_start3A_134 = tpu.memref_squeeze %dma_start3A_133 : memref<1x512xi32, #tpu.memory_space<vmem>> -> memref<512xi32, #tpu.memory_space<vmem>>
      %dma_start3A_135 = arith.constant 0 : i32
      %dma_start3A_136 = arith.constant 0 : i32
      %dma_start3A_137 = tpu.memref_slice %arg6[%dma_start3A_135, %dma_start3A_136] : memref<1007616x64xf32, #tpu.memory_space<hbm>> -> memref<1007616x64xf32, #tpu.memory_space<hbm>>
      %dma_start3A_138 = arith.constant -1 : i32
      tpu.enqueue_indirect_dma source(%dma_start3A_137 : memref<1007616x64xf32, #tpu.memory_space<hbm>>) target(%arg12 : memref<512x64xf32, #tpu.memory_space<vmem>>) offsets(%dma_start3A_134 : memref<512xi32, #tpu.memory_space<vmem>>) offset_filter(%dma_start3A_138) semaphore(%arg14 : memref<!tpu.dma_semaphore, #tpu.memory_space<semaphore_mem>>) {add = true}
    }
    %scan3A_33 = arith.constant 24 : i32
    %dma_wait3A = arith.constant 0 : i32
    %dma_wait3A_34 = arith.constant 0 : i32
    %dma_wait3A_35 = tpu.memref_slice %arg9[%dma_wait3A, %dma_wait3A_34] : memref<50x512xi32, #tpu.memory_space<vmem>> -> memref<1x512xi32, #tpu.memory_space<vmem>>
    %dma_wait3A_36 = tpu.memref_squeeze %dma_wait3A_35 : memref<1x512xi32, #tpu.memory_space<vmem>> -> memref<512xi32, #tpu.memory_space<vmem>>
    %dma_wait3A_37 = arith.constant 0 : i32
    %dma_wait3A_38 = arith.constant 0 : i32
    %dma_wait3A_39 = tpu.memref_slice %arg6[%dma_wait3A_37, %dma_wait3A_38] : memref<1007616x64xf32, #tpu.memory_space<hbm>> -> memref<1007616x64xf32, #tpu.memory_space<hbm>>
    tpu.wait_indirect_dma semaphore(%arg13 : memref<!tpu.dma_semaphore, #tpu.memory_space<semaphore_mem>>) src(%dma_wait3A_39 : memref<1007616x64xf32, #tpu.memory_space<hbm>>) dst(%arg11 : memref<512x64xf32, #tpu.memory_space<vmem>>)
    %dma_wait3A_40 = arith.constant 1 : i32
    %dma_wait3A_41 = arith.constant 0 : i32
    %dma_wait3A_42 = tpu.memref_slice %arg9[%dma_wait3A_40, %dma_wait3A_41] : memref<50x512xi32, #tpu.memory_space<vmem>> -> memref<1x512xi32, #tpu.memory_space<vmem>>
    %dma_wait3A_43 = tpu.memref_squeeze %dma_wait3A_42 : memref<1x512xi32, #tpu.memory_space<vmem>> -> memref<512xi32, #tpu.memory_space<vmem>>
    %dma_wait3A_44 = arith.constant 0 : i32
    %dma_wait3A_45 = arith.constant 0 : i32
    %dma_wait3A_46 = tpu.memref_slice %arg6[%dma_wait3A_44, %dma_wait3A_45] : memref<1007616x64xf32, #tpu.memory_space<hbm>> -> memref<1007616x64xf32, #tpu.memory_space<hbm>>
    tpu.wait_indirect_dma semaphore(%arg14 : memref<!tpu.dma_semaphore, #tpu.memory_space<semaphore_mem>>) src(%dma_wait3A_46 : memref<1007616x64xf32, #tpu.memory_space<hbm>>) dst(%arg12 : memref<512x64xf32, #tpu.memory_space<vmem>>)
    %scan3A_47 = arith.constant 0 : i32
    %scan3A_48 = arith.constant 0 : i32
    %scan3A_49 = arith.constant 512 : i32
    %scan3A_50 = arith.addi %scan3A_48, %scan3A_49 : i32
    %scan3A_51 = arith.constant 1 : i32
    scf.for %scan3A_106 = %scan3A_48 to %scan3A_50 step %scan3A_51  : i32 {
      %get3A = arith.index_cast %scan3A_106 : i32 to index
      %get3A_107 = arith.constant 0 : index
      %get3A_108 = tpu.vector_load %arg11[%get3A, %get3A_107] {strides = array<i32>} : memref<512x64xf32, #tpu.memory_space<vmem>>, vector<1x16xf32>,
      %get3A_109 = vector.shape_cast %get3A_108 : vector<1x16xf32> to vector<16xf32>
      %get3A_110 = arith.index_cast %scan3A_106 : i32 to index
      %get3A_111 = arith.constant 0 : index
      %get3A_112 = tpu.vector_load %arg12[%get3A_110, %get3A_111] {strides = array<i32>} : memref<512x64xf32, #tpu.memory_space<vmem>>, vector<1x16xf32>,
      %get3A_113 = vector.shape_cast %get3A_112 : vector<1x16xf32> to vector<16xf32>
      %add3A_114 = arith.addf %get3A_109, %get3A_113 : vector<16xf32>
      %swap3A = arith.index_cast %scan3A_106 : i32 to index
      %swap3A_115 = arith.constant 0 : index
      %swap3A_116 = tpu.vector_load %arg11[%swap3A, %swap3A_115] {strides = array<i32>} : memref<512x64xf32, #tpu.memory_space<vmem>>, vector<1x16xf32>,
      %swap3A_117 = vector.shape_cast %swap3A_116 : vector<1x16xf32> to vector<16xf32>
      %swap3A_118 = vector.shape_cast %add3A_114 : vector<16xf32> to vector<1x16xf32>
      tpu.vector_store %arg11[%swap3A, %swap3A_115], %swap3A_118 {strides = array<i32>} : memref<512x64xf32, #tpu.memory_space<vmem>>, vector<1x16xf32>,
      %get3A_119 = arith.index_cast %scan3A_106 : i32 to index
      %get3A_120 = arith.constant 16 : index
      %get3A_121 = tpu.vector_load %arg11[%get3A_119, %get3A_120] {strides = array<i32>} : memref<512x64xf32, #tpu.memory_space<vmem>>, vector<1x16xf32>,
      %get3A_122 = vector.shape_cast %get3A_121 : vector<1x16xf32> to vector<16xf32>
      %get3A_123 = arith.index_cast %scan3A_106 : i32 to index
      %get3A_124 = arith.constant 16 : index
      %get3A_125 = tpu.vector_load %arg12[%get3A_123, %get3A_124] {strides = array<i32>} : memref<512x64xf32, #tpu.memory_space<vmem>>, vector<1x16xf32>,
      %get3A_126 = vector.shape_cast %get3A_125 : vector<1x16xf32> to vector<16xf32>
      %add3A_127 = arith.addf %get3A_122, %get3A_126 : vector<16xf32>
      %swap3A_128 = arith.index_cast %scan3A_106 : i32 to index
      %swap3A_129 = arith.constant 16 : index
      %swap3A_130 = tpu.vector_load %arg11[%swap3A_128, %swap3A_129] {strides = array<i32>} : memref<512x64xf32, #tpu.memory_space<vmem>>, vector<1x16xf32>,
      %swap3A_131 = vector.shape_cast %swap3A_130 : vector<1x16xf32> to vector<16xf32>
      %swap3A_132 = vector.shape_cast %add3A_127 : vector<16xf32> to vector<1x16xf32>
      tpu.vector_store %arg11[%swap3A_128, %swap3A_129], %swap3A_132 {strides = array<i32>} : memref<512x64xf32, #tpu.memory_space<vmem>>, vector<1x16xf32>,
      %get3A_133 = arith.index_cast %scan3A_106 : i32 to index
      %get3A_134 = arith.constant 32 : index
      %get3A_135 = tpu.vector_load %arg11[%get3A_133, %get3A_134] {strides = array<i32>} : memref<512x64xf32, #tpu.memory_space<vmem>>, vector<1x16xf32>,
      %get3A_136 = vector.shape_cast %get3A_135 : vector<1x16xf32> to vector<16xf32>
      %get3A_137 = arith.index_cast %scan3A_106 : i32 to index
      %get3A_138 = arith.constant 32 : index
      %get3A_139 = tpu.vector_load %arg12[%get3A_137, %get3A_138] {strides = array<i32>} : memref<512x64xf32, #tpu.memory_space<vmem>>, vector<1x16xf32>,
      %get3A_140 = vector.shape_cast %get3A_139 : vector<1x16xf32> to vector<16xf32>
      %add3A_141 = arith.addf %get3A_136, %get3A_140 : vector<16xf32>
      %swap3A_142 = arith.index_cast %scan3A_106 : i32 to index
      %swap3A_143 = arith.constant 32 : index
      %swap3A_144 = tpu.vector_load %arg11[%swap3A_142, %swap3A_143] {strides = array<i32>} : memref<512x64xf32, #tpu.memory_space<vmem>>, vector<1x16xf32>,
      %swap3A_145 = vector.shape_cast %swap3A_144 : vector<1x16xf32> to vector<16xf32>
      %swap3A_146 = vector.shape_cast %add3A_141 : vector<16xf32> to vector<1x16xf32>
      tpu.vector_store %arg11[%swap3A_142, %swap3A_143], %swap3A_146 {strides = array<i32>} : memref<512x64xf32, #tpu.memory_space<vmem>>, vector<1x16xf32>,
      %get3A_147 = arith.index_cast %scan3A_106 : i32 to index
      %get3A_148 = arith.constant 48 : index
      %get3A_149 = tpu.vector_load %arg11[%get3A_147, %get3A_148] {strides = array<i32>} : memref<512x64xf32, #tpu.memory_space<vmem>>, vector<1x16xf32>,
      %get3A_150 = vector.shape_cast %get3A_149 : vector<1x16xf32> to vector<16xf32>
      %get3A_151 = arith.index_cast %scan3A_106 : i32 to index
      %get3A_152 = arith.constant 48 : index
      %get3A_153 = tpu.vector_load %arg12[%get3A_151, %get3A_152] {strides = array<i32>} : memref<512x64xf32, #tpu.memory_space<vmem>>, vector<1x16xf32>,
      %get3A_154 = vector.shape_cast %get3A_153 : vector<1x16xf32> to vector<16xf32>
      %add3A_155 = arith.addf %get3A_150, %get3A_154 : vector<16xf32>
      %swap3A_156 = arith.index_cast %scan3A_106 : i32 to index
      %swap3A_157 = arith.constant 48 : index
      %swap3A_158 = tpu.vector_load %arg11[%swap3A_156, %swap3A_157] {strides = array<i32>} : memref<512x64xf32, #tpu.memory_space<vmem>>, vector<1x16xf32>,
      %swap3A_159 = vector.shape_cast %swap3A_158 : vector<1x16xf32> to vector<16xf32>
      %swap3A_160 = vector.shape_cast %add3A_155 : vector<16xf32> to vector<1x16xf32>
      tpu.vector_store %arg11[%swap3A_156, %swap3A_157], %swap3A_160 {strides = array<i32>} : memref<512x64xf32, #tpu.memory_space<vmem>>, vector<1x16xf32>,
    }
    %scan3A_52 = arith.constant 512 : i32
    "tpu.region"() ({
      %run_scoped3A = tpu.sem_alloc : memref<!tpu.dma_semaphore, #tpu.memory_space<semaphore_mem>>
      %dma_start3A_106 = arith.constant 0 : i32
      %dma_start3A_107 = tpu.memref_slice %arg7[%mul3A_2, %dma_start3A_106] : memref<16384x64xf32, #tpu.memory_space<hbm>> -> memref<512x64xf32, #tpu.memory_space<hbm>>
      %dma_start3A_108 = arith.constant 0 : i32
      %dma_start3A_109 = tpu.memref_slice %arg7[%mul3A_2, %dma_start3A_108] : memref<16384x64xf32, #tpu.memory_space<hbm>> -> memref<512x64xf32, #tpu.memory_space<hbm>>
      tpu.enqueue_dma source(%arg11 : memref<512x64xf32, #tpu.memory_space<vmem>>) target(%dma_start3A_109 : memref<512x64xf32, #tpu.memory_space<hbm>>) target_semaphore(%run_scoped3A : memref<!tpu.dma_semaphore, #tpu.memory_space<semaphore_mem>>)
      %dma_wait3A_110 = arith.constant 0 : i32
      %dma_wait3A_111 = tpu.memref_slice %arg7[%mul3A_2, %dma_wait3A_110] : memref<16384x64xf32, #tpu.memory_space<hbm>> -> memref<512x64xf32, #tpu.memory_space<hbm>>
      %dma_wait3A_112 = arith.constant 0 : i32
      %dma_wait3A_113 = tpu.memref_slice %arg7[%mul3A_2, %dma_wait3A_112] : memref<16384x64xf32, #tpu.memory_space<hbm>> -> memref<512x64xf32, #tpu.memory_space<hbm>>
      tpu.wait_dma2 semaphore(%run_scoped3A : memref<!tpu.dma_semaphore, #tpu.memory_space<semaphore_mem>>) src(%arg11 : memref<512x64xf32, #tpu.memory_space<vmem>>) dst(%dma_wait3A_113 : memref<512x64xf32, #tpu.memory_space<hbm>>)
      tpu.yield
    }) : () -> ()
    "tpu.region"() ({
      %run_scoped3A = tpu.sem_alloc : memref<!tpu.dma_semaphore, #tpu.memory_space<semaphore_mem>>
      %dma_start3A_106 = arith.constant 0 : i32
      %dma_start3A_107 = tpu.memref_slice %arg4[%dma_start3A_106, %mul3A_2] : memref<50x16384xi32, #tpu.memory_space<hbm>> -> memref<50x512xi32, #tpu.memory_space<hbm>>
      %dma_start3A_108 = arith.constant 0 : i32
      %dma_start3A_109 = tpu.memref_slice %arg4[%dma_start3A_108, %mul3A_2] : memref<50x16384xi32, #tpu.memory_space<hbm>> -> memref<50x512xi32, #tpu.memory_space<hbm>>
      tpu.enqueue_dma source(%dma_start3A_109 : memref<50x512xi32, #tpu.memory_space<hbm>>) target(%arg9 : memref<50x512xi32, #tpu.memory_space<vmem>>) target_semaphore(%run_scoped3A : memref<!tpu.dma_semaphore, #tpu.memory_space<semaphore_mem>>)
      %dma_wait3A_110 = arith.constant 0 : i32
      %dma_wait3A_111 = tpu.memref_slice %arg4[%dma_wait3A_110, %mul3A_2] : memref<50x16384xi32, #tpu.memory_space<hbm>> -> memref<50x512xi32, #tpu.memory_space<hbm>>
      %dma_wait3A_112 = arith.constant 0 : i32
      %dma_wait3A_113 = tpu.memref_slice %arg4[%dma_wait3A_112, %mul3A_2] : memref<50x16384xi32, #tpu.memory_space<hbm>> -> memref<50x512xi32, #tpu.memory_space<hbm>>
      tpu.wait_dma2 semaphore(%run_scoped3A : memref<!tpu.dma_semaphore, #tpu.memory_space<semaphore_mem>>) src(%dma_wait3A_113 : memref<50x512xi32, #tpu.memory_space<hbm>>) dst(%arg9 : memref<50x512xi32, #tpu.memory_space<vmem>>)
      tpu.yield
    }) : () -> ()
    "tpu.region"() ({
      %run_scoped3A = tpu.sem_alloc : memref<!tpu.dma_semaphore, #tpu.memory_space<semaphore_mem>>
      %dma_start3A_106 = tpu.memref_slice %arg5[%mul3A_2] : memref<16384xi32, #tpu.memory_space<hbm>> -> memref<512xi32, #tpu.memory_space<hbm>>
      %dma_start3A_107 = tpu.memref_slice %arg5[%mul3A_2] : memref<16384xi32, #tpu.memory_space<hbm>> -> memref<512xi32, #tpu.memory_space<hbm>>
      tpu.enqueue_dma source(%dma_start3A_107 : memref<512xi32, #tpu.memory_space<hbm>>) target(%arg10 : memref<512xi32, #tpu.memory_space<vmem>>) target_semaphore(%run_scoped3A : memref<!tpu.dma_semaphore, #tpu.memory_space<semaphore_mem>>)
      %dma_wait3A_108 = tpu.memref_slice %arg5[%mul3A_2] : memref<16384xi32, #tpu.memory_space<hbm>> -> memref<512xi32, #tpu.memory_space<hbm>>
      %dma_wait3A_109 = tpu.memref_slice %arg5[%mul3A_2] : memref<16384xi32, #tpu.memory_space<hbm>> -> memref<512xi32, #tpu.memory_space<hbm>>
      tpu.wait_dma2 semaphore(%run_scoped3A : memref<!tpu.dma_semaphore, #tpu.memory_space<semaphore_mem>>) src(%dma_wait3A_109 : memref<512xi32, #tpu.memory_space<hbm>>) dst(%arg10 : memref<512xi32, #tpu.memory_space<vmem>>)
      tpu.yield
    }) : () -> ()
    %scan3A_53 = arith.constant 0 : i32
    %scan3A_54 = arith.constant 0 : i32
    %scan3A_55 = arith.constant 50 : i32
    %scan3A_56 = arith.addi %scan3A_54, %scan3A_55 : i32
    %scan3A_57 = arith.constant 1 : i32
    scf.for %scan3A_106 = %scan3A_54 to %scan3A_56 step %scan3A_57  : i32 {
      %get3A = arith.constant 0 : index
      %get3A_107 = tpu.vector_load %arg10[%get3A] {strides = array<i32>} : memref<512xi32, #tpu.memory_space<vmem>>, vector<16xi32>,
      %get3A_108 = vector.shape_cast %get3A_107 : vector<16xi32> to vector<16xi32>
      %get3A_109 = arith.index_cast %scan3A_106 : i32 to index
      %get3A_110 = arith.constant 0 : index
      %get3A_111 = tpu.vector_load %arg9[%get3A_109, %get3A_110] {strides = array<i32>} : memref<50x512xi32, #tpu.memory_space<vmem>>, vector<1x16xi32>,
      %get3A_112 = vector.shape_cast %get3A_111 : vector<1x16xi32> to vector<16xi32>
      %lt3A = arith.constant 503808 : i32
      %lt3A_113 = vector.broadcast %lt3A : i32 to vector<16xi32>
      %lt3A_114 = arith.cmpi slt, %get3A_112, %lt3A_113 : vector<16xi32>
      %mul3A_115 = arith.constant 2 : i32
      %mul3A_116 = vector.broadcast %mul3A_115 : i32 to vector<16xi32>
      %mul3A_117 = arith.muli %get3A_112, %mul3A_116 : vector<16xi32>
      %mul3A_118 = arith.constant 2 : i32
      %mul3A_119 = vector.broadcast %mul3A_118 : i32 to vector<16xi32>
      %mul3A_120 = arith.muli %get3A_112, %mul3A_119 : vector<16xi32>
      %sub3A = arith.constant 1007615 : i32
      %sub3A_121 = vector.broadcast %sub3A : i32 to vector<16xi32>
      %sub3A_122 = arith.subi %mul3A_120, %sub3A_121 : vector<16xi32>
      %select_n3A = arith.select %lt3A_114, %mul3A_117, %sub3A_122 : vector<16xi1>, vector<16xi32>
      %lt3A_123 = vector.broadcast %scan3A_106 : i32 to vector<16xi32>
      %lt3A_124 = arith.cmpi slt, %lt3A_123, %get3A_108 : vector<16xi32>
      %jit3A = arith.constant -1 : i32
      %broadcast_in_dim3A = vector.broadcast %jit3A : i32 to vector<16xi32>
      %select_n3A_125 = arith.select %lt3A_124, %select_n3A, %broadcast_in_dim3A : vector<16xi1>, vector<16xi32>
      %swap3A = arith.index_cast %scan3A_106 : i32 to index
      %swap3A_126 = arith.constant 0 : index
      %swap3A_127 = tpu.vector_load %arg9[%swap3A, %swap3A_126] {strides = array<i32>} : memref<50x512xi32, #tpu.memory_space<vmem>>, vector<1x16xi32>,
      %swap3A_128 = vector.shape_cast %swap3A_127 : vector<1x16xi32> to vector<16xi32>
      %swap3A_129 = vector.shape_cast %select_n3A_125 : vector<16xi32> to vector<1x16xi32>
      tpu.vector_store %arg9[%swap3A, %swap3A_126], %swap3A_129 {strides = array<i32>} : memref<50x512xi32, #tpu.memory_space<vmem>>, vector<1x16xi32>,
      %get3A_130 = arith.constant 16 : index
      %get3A_131 = tpu.vector_load %arg10[%get3A_130] {strides = array<i32>} : memref<512xi32, #tpu.memory_space<vmem>>, vector<16xi32>,
      %get3A_132 = vector.shape_cast %get3A_131 : vector<16xi32> to vector<16xi32>
      %get3A_133 = arith.index_cast %scan3A_106 : i32 to index
      %get3A_134 = arith.constant 16 : index
      %get3A_135 = tpu.vector_load %arg9[%get3A_133, %get3A_134] {strides = array<i32>} : memref<50x512xi32, #tpu.memory_space<vmem>>, vector<1x16xi32>,
      %get3A_136 = vector.shape_cast %get3A_135 : vector<1x16xi32> to vector<16xi32>
      %lt3A_137 = arith.constant 503808 : i32
      %lt3A_138 = vector.broadcast %lt3A_137 : i32 to vector<16xi32>
      %lt3A_139 = arith.cmpi slt, %get3A_136, %lt3A_138 : vector<16xi32>
      %mul3A_140 = arith.constant 2 : i32
      %mul3A_141 = vector.broadcast %mul3A_140 : i32 to vector<16xi32>
      %mul3A_142 = arith.muli %get3A_136, %mul3A_141 : vector<16xi32>
      %mul3A_143 = arith.constant 2 : i32
      %mul3A_144 = vector.broadcast %mul3A_143 : i32 to vector<16xi32>
      %mul3A_145 = arith.muli %get3A_136, %mul3A_144 : vector<16xi32>
      %sub3A_146 = arith.constant 1007615 : i32
      %sub3A_147 = vector.broadcast %sub3A_146 : i32 to vector<16xi32>
      %sub3A_148 = arith.subi %mul3A_145, %sub3A_147 : vector<16xi32>
      %select_n3A_149 = arith.select %lt3A_139, %mul3A_142, %sub3A_148 : vector<16xi1>, vector<16xi32>
      %lt3A_150 = vector.broadcast %scan3A_106 : i32 to vector<16xi32>
      %lt3A_151 = arith.cmpi slt, %lt3A_150, %get3A_132 : vector<16xi32>
      %jit3A_152 = arith.constant -1 : i32
      %broadcast_in_dim3A_153 = vector.broadcast %jit3A_152 : i32 to vector<16xi32>
      %select_n3A_154 = arith.select %lt3A_151, %select_n3A_149, %broadcast_in_dim3A_153 : vector<16xi1>, vector<16xi32>
      %swap3A_155 = arith.index_cast %scan3A_106 : i32 to index
      %swap3A_156 = arith.constant 16 : index
      %swap3A_157 = tpu.vector_load %arg9[%swap3A_155, %swap3A_156] {strides = array<i32>} : memref<50x512xi32, #tpu.memory_space<vmem>>, vector<1x16xi32>,
      %swap3A_158 = vector.shape_cast %swap3A_157 : vector<1x16xi32> to vector<16xi32>
      %swap3A_159 = vector.shape_cast %select_n3A_154 : vector<16xi32> to vector<1x16xi32>
      tpu.vector_store %arg9[%swap3A_155, %swap3A_156], %swap3A_159 {strides = array<i32>} : memref<50x512xi32, #tpu.memory_space<vmem>>, vector<1x16xi32>,
      %get3A_160 = arith.constant 32 : index
      %get3A_161 = tpu.vector_load %arg10[%get3A_160] {strides = array<i32>} : memref<512xi32, #tpu.memory_space<vmem>>, vector<16xi32>,
      %get3A_162 = vector.shape_cast %get3A_161 : vector<16xi32> to vector<16xi32>
      %get3A_163 = arith.index_cast %scan3A_106 : i32 to index
      %get3A_164 = arith.constant 32 : index
      %get3A_165 = tpu.vector_load %arg9[%get3A_163, %get3A_164] {strides = array<i32>} : memref<50x512xi32, #tpu.memory_space<vmem>>, vector<1x16xi32>,
      %get3A_166 = vector.shape_cast %get3A_165 : vector<1x16xi32> to vector<16xi32>
      %lt3A_167 = arith.constant 503808 : i32
      %lt3A_168 = vector.broadcast %lt3A_167 : i32 to vector<16xi32>
      %lt3A_169 = arith.cmpi slt, %get3A_166, %lt3A_168 : vector<16xi32>
      %mul3A_170 = arith.constant 2 : i32
      %mul3A_171 = vector.broadcast %mul3A_170 : i32 to vector<16xi32>
      %mul3A_172 = arith.muli %get3A_166, %mul3A_171 : vector<16xi32>
      %mul3A_173 = arith.constant 2 : i32
      %mul3A_174 = vector.broadcast %mul3A_173 : i32 to vector<16xi32>
      %mul3A_175 = arith.muli %get3A_166, %mul3A_174 : vector<16xi32>
      %sub3A_176 = arith.constant 1007615 : i32
      %sub3A_177 = vector.broadcast %sub3A_176 : i32 to vector<16xi32>
      %sub3A_178 = arith.subi %mul3A_175, %sub3A_177 : vector<16xi32>
      %select_n3A_179 = arith.select %lt3A_169, %mul3A_172, %sub3A_178 : vector<16xi1>, vector<16xi32>
      %lt3A_180 = vector.broadcast %scan3A_106 : i32 to vector<16xi32>
      %lt3A_181 = arith.cmpi slt, %lt3A_180, %get3A_162 : vector<16xi32>
      %jit3A_182 = arith.constant -1 : i32
      %broadcast_in_dim3A_183 = vector.broadcast %jit3A_182 : i32 to vector<16xi32>
      %select_n3A_184 = arith.select %lt3A_181, %select_n3A_179, %broadcast_in_dim3A_183 : vector<16xi1>, vector<16xi32>
      %swap3A_185 = arith.index_cast %scan3A_106 : i32 to index
      %swap3A_186 = arith.constant 32 : index
      %swap3A_187 = tpu.vector_load %arg9[%swap3A_185, %swap3A_186] {strides = array<i32>} : memref<50x512xi32, #tpu.memory_space<vmem>>, vector<1x16xi32>,
      %swap3A_188 = vector.shape_cast %swap3A_187 : vector<1x16xi32> to vector<16xi32>
      %swap3A_189 = vector.shape_cast %select_n3A_184 : vector<16xi32> to vector<1x16xi32>
      tpu.vector_store %arg9[%swap3A_185, %swap3A_186], %swap3A_189 {strides = array<i32>} : memref<50x512xi32, #tpu.memory_space<vmem>>, vector<1x16xi32>,
      %get3A_190 = arith.constant 48 : index
      %get3A_191 = tpu.vector_load %arg10[%get3A_190] {strides = array<i32>} : memref<512xi32, #tpu.memory_space<vmem>>, vector<16xi32>,
      %get3A_192 = vector.shape_cast %get3A_191 : vector<16xi32> to vector<16xi32>
      %get3A_193 = arith.index_cast %scan3A_106 : i32 to index
      %get3A_194 = arith.constant 48 : index
      %get3A_195 = tpu.vector_load %arg9[%get3A_193, %get3A_194] {strides = array<i32>} : memref<50x512xi32, #tpu.memory_space<vmem>>, vector<1x16xi32>,
      %get3A_196 = vector.shape_cast %get3A_195 : vector<1x16xi32> to vector<16xi32>
      %lt3A_197 = arith.constant 503808 : i32
      %lt3A_198 = vector.broadcast %lt3A_197 : i32 to vector<16xi32>
      %lt3A_199 = arith.cmpi slt, %get3A_196, %lt3A_198 : vector<16xi32>
      %mul3A_200 = arith.constant 2 : i32
      %mul3A_201 = vector.broadcast %mul3A_200 : i32 to vector<16xi32>
      %mul3A_202 = arith.muli %get3A_196, %mul3A_201 : vector<16xi32>
      %mul3A_203 = arith.constant 2 : i32
      %mul3A_204 = vector.broadcast %mul3A_203 : i32 to vector<16xi32>
      %mul3A_205 = arith.muli %get3A_196, %mul3A_204 : vector<16xi32>
      %sub3A_206 = arith.constant 1007615 : i32
      %sub3A_207 = vector.broadcast %sub3A_206 : i32 to vector<16xi32>
      %sub3A_208 = arith.subi %mul3A_205, %sub3A_207 : vector<16xi32>
      %select_n3A_209 = arith.select %lt3A_199, %mul3A_202, %sub3A_208 : vector<16xi1>, vector<16xi32>
      %lt3A_210 = vector.broadcast %scan3A_106 : i32 to vector<16xi32>
      %lt3A_211 = arith.cmpi slt, %lt3A_210, %get3A_192 : vector<16xi32>
      %jit3A_212 = arith.constant -1 : i32
      %broadcast_in_dim3A_213 = vector.broadcast %jit3A_212 : i32 to vector<16xi32>
      %select_n3A_214 = arith.select %lt3A_211, %select_n3A_209, %broadcast_in_dim3A_213 : vector<16xi1>, vector<16xi32>
      %swap3A_215 = arith.index_cast %scan3A_106 : i32 to index
      %swap3A_216 = arith.constant 48 : index
      %swap3A_217 = tpu.vector_load %arg9[%swap3A_215, %swap3A_216] {strides = array<i32>} : memref<50x512xi32, #tpu.memory_space<vmem>>, vector<1x16xi32>,
      %swap3A_218 = vector.shape_cast %swap3A_217 : vector<1x16xi32> to vector<16xi32>
      %swap3A_219 = vector.shape_cast %select_n3A_214 : vector<16xi32> to vector<1x16xi32>
      tpu.vector_store %arg9[%swap3A_215, %swap3A_216], %swap3A_219 {strides = array<i32>} : memref<50x512xi32, #tpu.memory_space<vmem>>, vector<1x16xi32>,
      %get3A_220 = arith.constant 64 : index
      %get3A_221 = tpu.vector_load %arg10[%get3A_220] {strides = array<i32>} : memref<512xi32, #tpu.memory_space<vmem>>, vector<16xi32>,
      %get3A_222 = vector.shape_cast %get3A_221 : vector<16xi32> to vector<16xi32>
      %get3A_223 = arith.index_cast %scan3A_106 : i32 to index
      %get3A_224 = arith.constant 64 : index
      %get3A_225 = tpu.vector_load %arg9[%get3A_223, %get3A_224] {strides = array<i32>} : memref<50x512xi32, #tpu.memory_space<vmem>>, vector<1x16xi32>,
      %get3A_226 = vector.shape_cast %get3A_225 : vector<1x16xi32> to vector<16xi32>
      %lt3A_227 = arith.constant 503808 : i32
      %lt3A_228 = vector.broadcast %lt3A_227 : i32 to vector<16xi32>
      %lt3A_229 = arith.cmpi slt, %get3A_226, %lt3A_228 : vector<16xi32>
      %mul3A_230 = arith.constant 2 : i32
      %mul3A_231 = vector.broadcast %mul3A_230 : i32 to vector<16xi32>
      %mul3A_232 = arith.muli %get3A_226, %mul3A_231 : vector<16xi32>
      %mul3A_233 = arith.constant 2 : i32
      %mul3A_234 = vector.broadcast %mul3A_233 : i32 to vector<16xi32>
      %mul3A_235 = arith.muli %get3A_226, %mul3A_234 : vector<16xi32>
      %sub3A_236 = arith.constant 1007615 : i32
      %sub3A_237 = vector.broadcast %sub3A_236 : i32 to vector<16xi32>
      %sub3A_238 = arith.subi %mul3A_235, %sub3A_237 : vector<16xi32>
      %select_n3A_239 = arith.select %lt3A_229, %mul3A_232, %sub3A_238 : vector<16xi1>, vector<16xi32>
      %lt3A_240 = vector.broadcast %scan3A_106 : i32 to vector<16xi32>
      %lt3A_241 = arith.cmpi slt, %lt3A_240, %get3A_222 : vector<16xi32>
      %jit3A_242 = arith.constant -1 : i32
      %broadcast_in_dim3A_243 = vector.broadcast %jit3A_242 : i32 to vector<16xi32>
      %select_n3A_244 = arith.select %lt3A_241, %select_n3A_239, %broadcast_in_dim3A_243 : vector<16xi1>, vector<16xi32>
      %swap3A_245 = arith.index_cast %scan3A_106 : i32 to index
      %swap3A_246 = arith.constant 64 : index
      %swap3A_247 = tpu.vector_load %arg9[%swap3A_245, %swap3A_246] {strides = array<i32>} : memref<50x512xi32, #tpu.memory_space<vmem>>, vector<1x16xi32>,
      %swap3A_248 = vector.shape_cast %swap3A_247 : vector<1x16xi32> to vector<16xi32>
      %swap3A_249 = vector.shape_cast %select_n3A_244 : vector<16xi32> to vector<1x16xi32>
      tpu.vector_store %arg9[%swap3A_245, %swap3A_246], %swap3A_249 {strides = array<i32>} : memref<50x512xi32, #tpu.memory_space<vmem>>, vector<1x16xi32>,
      %get3A_250 = arith.constant 80 : index
      %get3A_251 = tpu.vector_load %arg10[%get3A_250] {strides = array<i32>} : memref<512xi32, #tpu.memory_space<vmem>>, vector<16xi32>,
      %get3A_252 = vector.shape_cast %get3A_251 : vector<16xi32> to vector<16xi32>
      %get3A_253 = arith.index_cast %scan3A_106 : i32 to index
      %get3A_254 = arith.constant 80 : index
      %get3A_255 = tpu.vector_load %arg9[%get3A_253, %get3A_254] {strides = array<i32>} : memref<50x512xi32, #tpu.memory_space<vmem>>, vector<1x16xi32>,
      %get3A_256 = vector.shape_cast %get3A_255 : vector<1x16xi32> to vector<16xi32>
      %lt3A_257 = arith.constant 503808 : i32
      %lt3A_258 = vector.broadcast %lt3A_257 : i32 to vector<16xi32>
      %lt3A_259 = arith.cmpi slt, %get3A_256, %lt3A_258 : vector<16xi32>
      %mul3A_260 = arith.constant 2 : i32
      %mul3A_261 = vector.broadcast %mul3A_260 : i32 to vector<16xi32>
      %mul3A_262 = arith.muli %get3A_256, %mul3A_261 : vector<16xi32>
      %mul3A_263 = arith.constant 2 : i32
      %mul3A_264 = vector.broadcast %mul3A_263 : i32 to vector<16xi32>
      %mul3A_265 = arith.muli %get3A_256, %mul3A_264 : vector<16xi32>
      %sub3A_266 = arith.constant 1007615 : i32
      %sub3A_267 = vector.broadcast %sub3A_266 : i32 to vector<16xi32>
      %sub3A_268 = arith.subi %mul3A_265, %sub3A_267 : vector<16xi32>
      %select_n3A_269 = arith.select %lt3A_259, %mul3A_262, %sub3A_268 : vector<16xi1>, vector<16xi32>
      %lt3A_270 = vector.broadcast %scan3A_106 : i32 to vector<16xi32>
      %lt3A_271 = arith.cmpi slt, %lt3A_270, %get3A_252 : vector<16xi32>
      %jit3A_272 = arith.constant -1 : i32
      %broadcast_in_dim3A_273 = vector.broadcast %jit3A_272 : i32 to vector<16xi32>
      %select_n3A_274 = arith.select %lt3A_271, %select_n3A_269, %broadcast_in_dim3A_273 : vector<16xi1>, vector<16xi32>
      %swap3A_275 = arith.index_cast %scan3A_106 : i32 to index
      %swap3A_276 = arith.constant 80 : index
      %swap3A_277 = tpu.vector_load %arg9[%swap3A_275, %swap3A_276] {strides = array<i32>} : memref<50x512xi32, #tpu.memory_space<vmem>>, vector<1x16xi32>,
      %swap3A_278 = vector.shape_cast %swap3A_277 : vector<1x16xi32> to vector<16xi32>
      %swap3A_279 = vector.shape_cast %select_n3A_274 : vector<16xi32> to vector<1x16xi32>
      tpu.vector_store %arg9[%swap3A_275, %swap3A_276], %swap3A_279 {strides = array<i32>} : memref<50x512xi32, #tpu.memory_space<vmem>>, vector<1x16xi32>,
      %get3A_280 = arith.constant 96 : index
      %get3A_281 = tpu.vector_load %arg10[%get3A_280] {strides = array<i32>} : memref<512xi32, #tpu.memory_space<vmem>>, vector<16xi32>,
      %get3A_282 = vector.shape_cast %get3A_281 : vector<16xi32> to vector<16xi32>
      %get3A_283 = arith.index_cast %scan3A_106 : i32 to index
      %get3A_284 = arith.constant 96 : index
      %get3A_285 = tpu.vector_load %arg9[%get3A_283, %get3A_284] {strides = array<i32>} : memref<50x512xi32, #tpu.memory_space<vmem>>, vector<1x16xi32>,
      %get3A_286 = vector.shape_cast %get3A_285 : vector<1x16xi32> to vector<16xi32>
      %lt3A_287 = arith.constant 503808 : i32
      %lt3A_288 = vector.broadcast %lt3A_287 : i32 to vector<16xi32>
      %lt3A_289 = arith.cmpi slt, %get3A_286, %lt3A_288 : vector<16xi32>
      %mul3A_290 = arith.constant 2 : i32
      %mul3A_291 = vector.broadcast %mul3A_290 : i32 to vector<16xi32>
      %mul3A_292 = arith.muli %get3A_286, %mul3A_291 : vector<16xi32>
      %mul3A_293 = arith.constant 2 : i32
      %mul3A_294 = vector.broadcast %mul3A_293 : i32 to vector<16xi32>
      %mul3A_295 = arith.muli %get3A_286, %mul3A_294 : vector<16xi32>
      %sub3A_296 = arith.constant 1007615 : i32
      %sub3A_297 = vector.broadcast %sub3A_296 : i32 to vector<16xi32>
      %sub3A_298 = arith.subi %mul3A_295, %sub3A_297 : vector<16xi32>
      %select_n3A_299 = arith.select %lt3A_289, %mul3A_292, %sub3A_298 : vector<16xi1>, vector<16xi32>
      %lt3A_300 = vector.broadcast %scan3A_106 : i32 to vector<16xi32>
      %lt3A_301 = arith.cmpi slt, %lt3A_300, %get3A_282 : vector<16xi32>
      %jit3A_302 = arith.constant -1 : i32
      %broadcast_in_dim3A_303 = vector.broadcast %jit3A_302 : i32 to vector<16xi32>
      %select_n3A_304 = arith.select %lt3A_301, %select_n3A_299, %broadcast_in_dim3A_303 : vector<16xi1>, vector<16xi32>
      %swap3A_305 = arith.index_cast %scan3A_106 : i32 to index
      %swap3A_306 = arith.constant 96 : index
      %swap3A_307 = tpu.vector_load %arg9[%swap3A_305, %swap3A_306] {strides = array<i32>} : memref<50x512xi32, #tpu.memory_space<vmem>>, vector<1x16xi32>,
      %swap3A_308 = vector.shape_cast %swap3A_307 : vector<1x16xi32> to vector<16xi32>
      %swap3A_309 = vector.shape_cast %select_n3A_304 : vector<16xi32> to vector<1x16xi32>
      tpu.vector_store %arg9[%swap3A_305, %swap3A_306], %swap3A_309 {strides = array<i32>} : memref<50x512xi32, #tpu.memory_space<vmem>>, vector<1x16xi32>,
      %get3A_310 = arith.constant 112 : index
      %get3A_311 = tpu.vector_load %arg10[%get3A_310] {strides = array<i32>} : memref<512xi32, #tpu.memory_space<vmem>>, vector<16xi32>,
      %get3A_312 = vector.shape_cast %get3A_311 : vector<16xi32> to vector<16xi32>
      %get3A_313 = arith.index_cast %scan3A_106 : i32 to index
      %get3A_314 = arith.constant 112 : index
      %get3A_315 = tpu.vector_load %arg9[%get3A_313, %get3A_314] {strides = array<i32>} : memref<50x512xi32, #tpu.memory_space<vmem>>, vector<1x16xi32>,
      %get3A_316 = vector.shape_cast %get3A_315 : vector<1x16xi32> to vector<16xi32>
      %lt3A_317 = arith.constant 503808 : i32
      %lt3A_318 = vector.broadcast %lt3A_317 : i32 to vector<16xi32>
      %lt3A_319 = arith.cmpi slt, %get3A_316, %lt3A_318 : vector<16xi32>
      %mul3A_320 = arith.constant 2 : i32
      %mul3A_321 = vector.broadcast %mul3A_320 : i32 to vector<16xi32>
      %mul3A_322 = arith.muli %get3A_316, %mul3A_321 : vector<16xi32>
      %mul3A_323 = arith.constant 2 : i32
      %mul3A_324 = vector.broadcast %mul3A_323 : i32 to vector<16xi32>
      %mul3A_325 = arith.muli %get3A_316, %mul3A_324 : vector<16xi32>
      %sub3A_326 = arith.constant 1007615 : i32
      %sub3A_327 = vector.broadcast %sub3A_326 : i32 to vector<16xi32>
      %sub3A_328 = arith.subi %mul3A_325, %sub3A_327 : vector<16xi32>
      %select_n3A_329 = arith.select %lt3A_319, %mul3A_322, %sub3A_328 : vector<16xi1>, vector<16xi32>
      %lt3A_330 = vector.broadcast %scan3A_106 : i32 to vector<16xi32>
      %lt3A_331 = arith.cmpi slt, %lt3A_330, %get3A_312 : vector<16xi32>
      %jit3A_332 = arith.constant -1 : i32
      %broadcast_in_dim3A_333 = vector.broadcast %jit3A_332 : i32 to vector<16xi32>
      %select_n3A_334 = arith.select %lt3A_331, %select_n3A_329, %broadcast_in_dim3A_333 : vector<16xi1>, vector<16xi32>
      %swap3A_335 = arith.index_cast %scan3A_106 : i32 to index
      %swap3A_336 = arith.constant 112 : index
      %swap3A_337 = tpu.vector_load %arg9[%swap3A_335, %swap3A_336] {strides = array<i32>} : memref<50x512xi32, #tpu.memory_space<vmem>>, vector<1x16xi32>,
      %swap3A_338 = vector.shape_cast %swap3A_337 : vector<1x16xi32> to vector<16xi32>
      %swap3A_339 = vector.shape_cast %select_n3A_334 : vector<16xi32> to vector<1x16xi32>
      tpu.vector_store %arg9[%swap3A_335, %swap3A_336], %swap3A_339 {strides = array<i32>} : memref<50x512xi32, #tpu.memory_space<vmem>>, vector<1x16xi32>,
      %get3A_340 = arith.constant 128 : index
      %get3A_341 = tpu.vector_load %arg10[%get3A_340] {strides = array<i32>} : memref<512xi32, #tpu.memory_space<vmem>>, vector<16xi32>,
      %get3A_342 = vector.shape_cast %get3A_341 : vector<16xi32> to vector<16xi32>
      %get3A_343 = arith.index_cast %scan3A_106 : i32 to index
      %get3A_344 = arith.constant 128 : index
      %get3A_345 = tpu.vector_load %arg9[%get3A_343, %get3A_344] {strides = array<i32>} : memref<50x512xi32, #tpu.memory_space<vmem>>, vector<1x16xi32>,
      %get3A_346 = vector.shape_cast %get3A_345 : vector<1x16xi32> to vector<16xi32>
      %lt3A_347 = arith.constant 503808 : i32
      %lt3A_348 = vector.broadcast %lt3A_347 : i32 to vector<16xi32>
      %lt3A_349 = arith.cmpi slt, %get3A_346, %lt3A_348 : vector<16xi32>
      %mul3A_350 = arith.constant 2 : i32
      %mul3A_351 = vector.broadcast %mul3A_350 : i32 to vector<16xi32>
      %mul3A_352 = arith.muli %get3A_346, %mul3A_351 : vector<16xi32>
      %mul3A_353 = arith.constant 2 : i32
      %mul3A_354 = vector.broadcast %mul3A_353 : i32 to vector<16xi32>
      %mul3A_355 = arith.muli %get3A_346, %mul3A_354 : vector<16xi32>
      %sub3A_356 = arith.constant 1007615 : i32
      %sub3A_357 = vector.broadcast %sub3A_356 : i32 to vector<16xi32>
      %sub3A_358 = arith.subi %mul3A_355, %sub3A_357 : vector<16xi32>
      %select_n3A_359 = arith.select %lt3A_349, %mul3A_352, %sub3A_358 : vector<16xi1>, vector<16xi32>
      %lt3A_360 = vector.broadcast %scan3A_106 : i32 to vector<16xi32>
      %lt3A_361 = arith.cmpi slt, %lt3A_360, %get3A_342 : vector<16xi32>
      %jit3A_362 = arith.constant -1 : i32
      %broadcast_in_dim3A_363 = vector.broadcast %jit3A_362 : i32 to vector<16xi32>
      %select_n3A_364 = arith.select %lt3A_361, %select_n3A_359, %broadcast_in_dim3A_363 : vector<16xi1>, vector<16xi32>
      %swap3A_365 = arith.index_cast %scan3A_106 : i32 to index
      %swap3A_366 = arith.constant 128 : index
      %swap3A_367 = tpu.vector_load %arg9[%swap3A_365, %swap3A_366] {strides = array<i32>} : memref<50x512xi32, #tpu.memory_space<vmem>>, vector<1x16xi32>,
      %swap3A_368 = vector.shape_cast %swap3A_367 : vector<1x16xi32> to vector<16xi32>
      %swap3A_369 = vector.shape_cast %select_n3A_364 : vector<16xi32> to vector<1x16xi32>
      tpu.vector_store %arg9[%swap3A_365, %swap3A_366], %swap3A_369 {strides = array<i32>} : memref<50x512xi32, #tpu.memory_space<vmem>>, vector<1x16xi32>,
      %get3A_370 = arith.constant 144 : index
      %get3A_371 = tpu.vector_load %arg10[%get3A_370] {strides = array<i32>} : memref<512xi32, #tpu.memory_space<vmem>>, vector<16xi32>,
      %get3A_372 = vector.shape_cast %get3A_371 : vector<16xi32> to vector<16xi32>
      %get3A_373 = arith.index_cast %scan3A_106 : i32 to index
      %get3A_374 = arith.constant 144 : index
      %get3A_375 = tpu.vector_load %arg9[%get3A_373, %get3A_374] {strides = array<i32>} : memref<50x512xi32, #tpu.memory_space<vmem>>, vector<1x16xi32>,
      %get3A_376 = vector.shape_cast %get3A_375 : vector<1x16xi32> to vector<16xi32>
      %lt3A_377 = arith.constant 503808 : i32
      %lt3A_378 = vector.broadcast %lt3A_377 : i32 to vector<16xi32>
      %lt3A_379 = arith.cmpi slt, %get3A_376, %lt3A_378 : vector<16xi32>
      %mul3A_380 = arith.constant 2 : i32
      %mul3A_381 = vector.broadcast %mul3A_380 : i32 to vector<16xi32>
      %mul3A_382 = arith.muli %get3A_376, %mul3A_381 : vector<16xi32>
      %mul3A_383 = arith.constant 2 : i32
      %mul3A_384 = vector.broadcast %mul3A_383 : i32 to vector<16xi32>
      %mul3A_385 = arith.muli %get3A_376, %mul3A_384 : vector<16xi32>
      %sub3A_386 = arith.constant 1007615 : i32
      %sub3A_387 = vector.broadcast %sub3A_386 : i32 to vector<16xi32>
      %sub3A_388 = arith.subi %mul3A_385, %sub3A_387 : vector<16xi32>
      %select_n3A_389 = arith.select %lt3A_379, %mul3A_382, %sub3A_388 : vector<16xi1>, vector<16xi32>
      %lt3A_390 = vector.broadcast %scan3A_106 : i32 to vector<16xi32>
      %lt3A_391 = arith.cmpi slt, %lt3A_390, %get3A_372 : vector<16xi32>
      %jit3A_392 = arith.constant -1 : i32
      %broadcast_in_dim3A_393 = vector.broadcast %jit3A_392 : i32 to vector<16xi32>
      %select_n3A_394 = arith.select %lt3A_391, %select_n3A_389, %broadcast_in_dim3A_393 : vector<16xi1>, vector<16xi32>
      %swap3A_395 = arith.index_cast %scan3A_106 : i32 to index
      %swap3A_396 = arith.constant 144 : index
      %swap3A_397 = tpu.vector_load %arg9[%swap3A_395, %swap3A_396] {strides = array<i32>} : memref<50x512xi32, #tpu.memory_space<vmem>>, vector<1x16xi32>,
      %swap3A_398 = vector.shape_cast %swap3A_397 : vector<1x16xi32> to vector<16xi32>
      %swap3A_399 = vector.shape_cast %select_n3A_394 : vector<16xi32> to vector<1x16xi32>
      tpu.vector_store %arg9[%swap3A_395, %swap3A_396], %swap3A_399 {strides = array<i32>} : memref<50x512xi32, #tpu.memory_space<vmem>>, vector<1x16xi32>,
      %get3A_400 = arith.constant 160 : index
      %get3A_401 = tpu.vector_load %arg10[%get3A_400] {strides = array<i32>} : memref<512xi32, #tpu.memory_space<vmem>>, vector<16xi32>,
      %get3A_402 = vector.shape_cast %get3A_401 : vector<16xi32> to vector<16xi32>
      %get3A_403 = arith.index_cast %scan3A_106 : i32 to index
      %get3A_404 = arith.constant 160 : index
      %get3A_405 = tpu.vector_load %arg9[%get3A_403, %get3A_404] {strides = array<i32>} : memref<50x512xi32, #tpu.memory_space<vmem>>, vector<1x16xi32>,
      %get3A_406 = vector.shape_cast %get3A_405 : vector<1x16xi32> to vector<16xi32>
      %lt3A_407 = arith.constant 503808 : i32
      %lt3A_408 = vector.broadcast %lt3A_407 : i32 to vector<16xi32>
      %lt3A_409 = arith.cmpi slt, %get3A_406, %lt3A_408 : vector<16xi32>
      %mul3A_410 = arith.constant 2 : i32
      %mul3A_411 = vector.broadcast %mul3A_410 : i32 to vector<16xi32>
      %mul3A_412 = arith.muli %get3A_406, %mul3A_411 : vector<16xi32>
      %mul3A_413 = arith.constant 2 : i32
      %mul3A_414 = vector.broadcast %mul3A_413 : i32 to vector<16xi32>
      %mul3A_415 = arith.muli %get3A_406, %mul3A_414 : vector<16xi32>
      %sub3A_416 = arith.constant 1007615 : i32
      %sub3A_417 = vector.broadcast %sub3A_416 : i32 to vector<16xi32>
      %sub3A_418 = arith.subi %mul3A_415, %sub3A_417 : vector<16xi32>
      %select_n3A_419 = arith.select %lt3A_409, %mul3A_412, %sub3A_418 : vector<16xi1>, vector<16xi32>
      %lt3A_420 = vector.broadcast %scan3A_106 : i32 to vector<16xi32>
      %lt3A_421 = arith.cmpi slt, %lt3A_420, %get3A_402 : vector<16xi32>
      %jit3A_422 = arith.constant -1 : i32
      %broadcast_in_dim3A_423 = vector.broadcast %jit3A_422 : i32 to vector<16xi32>
      %select_n3A_424 = arith.select %lt3A_421, %select_n3A_419, %broadcast_in_dim3A_423 : vector<16xi1>, vector<16xi32>
      %swap3A_425 = arith.index_cast %scan3A_106 : i32 to index
      %swap3A_426 = arith.constant 160 : index
      %swap3A_427 = tpu.vector_load %arg9[%swap3A_425, %swap3A_426] {strides = array<i32>} : memref<50x512xi32, #tpu.memory_space<vmem>>, vector<1x16xi32>,
      %swap3A_428 = vector.shape_cast %swap3A_427 : vector<1x16xi32> to vector<16xi32>
      %swap3A_429 = vector.shape_cast %select_n3A_424 : vector<16xi32> to vector<1x16xi32>
      tpu.vector_store %arg9[%swap3A_425, %swap3A_426], %swap3A_429 {strides = array<i32>} : memref<50x512xi32, #tpu.memory_space<vmem>>, vector<1x16xi32>,
      %get3A_430 = arith.constant 176 : index
      %get3A_431 = tpu.vector_load %arg10[%get3A_430] {strides = array<i32>} : memref<512xi32, #tpu.memory_space<vmem>>, vector<16xi32>,
      %get3A_432 = vector.shape_cast %get3A_431 : vector<16xi32> to vector<16xi32>
      %get3A_433 = arith.index_cast %scan3A_106 : i32 to index
      %get3A_434 = arith.constant 176 : index
      %get3A_435 = tpu.vector_load %arg9[%get3A_433, %get3A_434] {strides = array<i32>} : memref<50x512xi32, #tpu.memory_space<vmem>>, vector<1x16xi32>,
      %get3A_436 = vector.shape_cast %get3A_435 : vector<1x16xi32> to vector<16xi32>
      %lt3A_437 = arith.constant 503808 : i32
      %lt3A_438 = vector.broadcast %lt3A_437 : i32 to vector<16xi32>
      %lt3A_439 = arith.cmpi slt, %get3A_436, %lt3A_438 : vector<16xi32>
      %mul3A_440 = arith.constant 2 : i32
      %mul3A_441 = vector.broadcast %mul3A_440 : i32 to vector<16xi32>
      %mul3A_442 = arith.muli %get3A_436, %mul3A_441 : vector<16xi32>
      %mul3A_443 = arith.constant 2 : i32
      %mul3A_444 = vector.broadcast %mul3A_443 : i32 to vector<16xi32>
      %mul3A_445 = arith.muli %get3A_436, %mul3A_444 : vector<16xi32>
      %sub3A_446 = arith.constant 1007615 : i32
      %sub3A_447 = vector.broadcast %sub3A_446 : i32 to vector<16xi32>
      %sub3A_448 = arith.subi %mul3A_445, %sub3A_447 : vector<16xi32>
      %select_n3A_449 = arith.select %lt3A_439, %mul3A_442, %sub3A_448 : vector<16xi1>, vector<16xi32>
      %lt3A_450 = vector.broadcast %scan3A_106 : i32 to vector<16xi32>
      %lt3A_451 = arith.cmpi slt, %lt3A_450, %get3A_432 : vector<16xi32>
      %jit3A_452 = arith.constant -1 : i32
      %broadcast_in_dim3A_453 = vector.broadcast %jit3A_452 : i32 to vector<16xi32>
      %select_n3A_454 = arith.select %lt3A_451, %select_n3A_449, %broadcast_in_dim3A_453 : vector<16xi1>, vector<16xi32>
      %swap3A_455 = arith.index_cast %scan3A_106 : i32 to index
      %swap3A_456 = arith.constant 176 : index
      %swap3A_457 = tpu.vector_load %arg9[%swap3A_455, %swap3A_456] {strides = array<i32>} : memref<50x512xi32, #tpu.memory_space<vmem>>, vector<1x16xi32>,
      %swap3A_458 = vector.shape_cast %swap3A_457 : vector<1x16xi32> to vector<16xi32>
      %swap3A_459 = vector.shape_cast %select_n3A_454 : vector<16xi32> to vector<1x16xi32>
      tpu.vector_store %arg9[%swap3A_455, %swap3A_456], %swap3A_459 {strides = array<i32>} : memref<50x512xi32, #tpu.memory_space<vmem>>, vector<1x16xi32>,
      %get3A_460 = arith.constant 192 : index
      %get3A_461 = tpu.vector_load %arg10[%get3A_460] {strides = array<i32>} : memref<512xi32, #tpu.memory_space<vmem>>, vector<16xi32>,
      %get3A_462 = vector.shape_cast %get3A_461 : vector<16xi32> to vector<16xi32>
      %get3A_463 = arith.index_cast %scan3A_106 : i32 to index
      %get3A_464 = arith.constant 192 : index
      %get3A_465 = tpu.vector_load %arg9[%get3A_463, %get3A_464] {strides = array<i32>} : memref<50x512xi32, #tpu.memory_space<vmem>>, vector<1x16xi32>,
      %get3A_466 = vector.shape_cast %get3A_465 : vector<1x16xi32> to vector<16xi32>
      %lt3A_467 = arith.constant 503808 : i32
      %lt3A_468 = vector.broadcast %lt3A_467 : i32 to vector<16xi32>
      %lt3A_469 = arith.cmpi slt, %get3A_466, %lt3A_468 : vector<16xi32>
      %mul3A_470 = arith.constant 2 : i32
      %mul3A_471 = vector.broadcast %mul3A_470 : i32 to vector<16xi32>
      %mul3A_472 = arith.muli %get3A_466, %mul3A_471 : vector<16xi32>
      %mul3A_473 = arith.constant 2 : i32
      %mul3A_474 = vector.broadcast %mul3A_473 : i32 to vector<16xi32>
      %mul3A_475 = arith.muli %get3A_466, %mul3A_474 : vector<16xi32>
      %sub3A_476 = arith.constant 1007615 : i32
      %sub3A_477 = vector.broadcast %sub3A_476 : i32 to vector<16xi32>
      %sub3A_478 = arith.subi %mul3A_475, %sub3A_477 : vector<16xi32>
      %select_n3A_479 = arith.select %lt3A_469, %mul3A_472, %sub3A_478 : vector<16xi1>, vector<16xi32>
      %lt3A_480 = vector.broadcast %scan3A_106 : i32 to vector<16xi32>
      %lt3A_481 = arith.cmpi slt, %lt3A_480, %get3A_462 : vector<16xi32>
      %jit3A_482 = arith.constant -1 : i32
      %broadcast_in_dim3A_483 = vector.broadcast %jit3A_482 : i32 to vector<16xi32>
      %select_n3A_484 = arith.select %lt3A_481, %select_n3A_479, %broadcast_in_dim3A_483 : vector<16xi1>, vector<16xi32>
      %swap3A_485 = arith.index_cast %scan3A_106 : i32 to index
      %swap3A_486 = arith.constant 192 : index
      %swap3A_487 = tpu.vector_load %arg9[%swap3A_485, %swap3A_486] {strides = array<i32>} : memref<50x512xi32, #tpu.memory_space<vmem>>, vector<1x16xi32>,
      %swap3A_488 = vector.shape_cast %swap3A_487 : vector<1x16xi32> to vector<16xi32>
      %swap3A_489 = vector.shape_cast %select_n3A_484 : vector<16xi32> to vector<1x16xi32>
      tpu.vector_store %arg9[%swap3A_485, %swap3A_486], %swap3A_489 {strides = array<i32>} : memref<50x512xi32, #tpu.memory_space<vmem>>, vector<1x16xi32>,
      %get3A_490 = arith.constant 208 : index
      %get3A_491 = tpu.vector_load %arg10[%get3A_490] {strides = array<i32>} : memref<512xi32, #tpu.memory_space<vmem>>, vector<16xi32>,
      %get3A_492 = vector.shape_cast %get3A_491 : vector<16xi32> to vector<16xi32>
      %get3A_493 = arith.index_cast %scan3A_106 : i32 to index
      %get3A_494 = arith.constant 208 : index
      %get3A_495 = tpu.vector_load %arg9[%get3A_493, %get3A_494] {strides = array<i32>} : memref<50x512xi32, #tpu.memory_space<vmem>>, vector<1x16xi32>,
      %get3A_496 = vector.shape_cast %get3A_495 : vector<1x16xi32> to vector<16xi32>
      %lt3A_497 = arith.constant 503808 : i32
      %lt3A_498 = vector.broadcast %lt3A_497 : i32 to vector<16xi32>
      %lt3A_499 = arith.cmpi slt, %get3A_496, %lt3A_498 : vector<16xi32>
      %mul3A_500 = arith.constant 2 : i32
      %mul3A_501 = vector.broadcast %mul3A_500 : i32 to vector<16xi32>
      %mul3A_502 = arith.muli %get3A_496, %mul3A_501 : vector<16xi32>
      %mul3A_503 = arith.constant 2 : i32
      %mul3A_504 = vector.broadcast %mul3A_503 : i32 to vector<16xi32>
      %mul3A_505 = arith.muli %get3A_496, %mul3A_504 : vector<16xi32>
      %sub3A_506 = arith.constant 1007615 : i32
      %sub3A_507 = vector.broadcast %sub3A_506 : i32 to vector<16xi32>
      %sub3A_508 = arith.subi %mul3A_505, %sub3A_507 : vector<16xi32>
      %select_n3A_509 = arith.select %lt3A_499, %mul3A_502, %sub3A_508 : vector<16xi1>, vector<16xi32>
      %lt3A_510 = vector.broadcast %scan3A_106 : i32 to vector<16xi32>
      %lt3A_511 = arith.cmpi slt, %lt3A_510, %get3A_492 : vector<16xi32>
      %jit3A_512 = arith.constant -1 : i32
      %broadcast_in_dim3A_513 = vector.broadcast %jit3A_512 : i32 to vector<16xi32>
      %select_n3A_514 = arith.select %lt3A_511, %select_n3A_509, %broadcast_in_dim3A_513 : vector<16xi1>, vector<16xi32>
      %swap3A_515 = arith.index_cast %scan3A_106 : i32 to index
      %swap3A_516 = arith.constant 208 : index
      %swap3A_517 = tpu.vector_load %arg9[%swap3A_515, %swap3A_516] {strides = array<i32>} : memref<50x512xi32, #tpu.memory_space<vmem>>, vector<1x16xi32>,
      %swap3A_518 = vector.shape_cast %swap3A_517 : vector<1x16xi32> to vector<16xi32>
      %swap3A_519 = vector.shape_cast %select_n3A_514 : vector<16xi32> to vector<1x16xi32>
      tpu.vector_store %arg9[%swap3A_515, %swap3A_516], %swap3A_519 {strides = array<i32>} : memref<50x512xi32, #tpu.memory_space<vmem>>, vector<1x16xi32>,
      %get3A_520 = arith.constant 224 : index
      %get3A_521 = tpu.vector_load %arg10[%get3A_520] {strides = array<i32>} : memref<512xi32, #tpu.memory_space<vmem>>, vector<16xi32>,
      %get3A_522 = vector.shape_cast %get3A_521 : vector<16xi32> to vector<16xi32>
      %get3A_523 = arith.index_cast %scan3A_106 : i32 to index
      %get3A_524 = arith.constant 224 : index
      %get3A_525 = tpu.vector_load %arg9[%get3A_523, %get3A_524] {strides = array<i32>} : memref<50x512xi32, #tpu.memory_space<vmem>>, vector<1x16xi32>,
      %get3A_526 = vector.shape_cast %get3A_525 : vector<1x16xi32> to vector<16xi32>
      %lt3A_527 = arith.constant 503808 : i32
      %lt3A_528 = vector.broadcast %lt3A_527 : i32 to vector<16xi32>
      %lt3A_529 = arith.cmpi slt, %get3A_526, %lt3A_528 : vector<16xi32>
      %mul3A_530 = arith.constant 2 : i32
      %mul3A_531 = vector.broadcast %mul3A_530 : i32 to vector<16xi32>
      %mul3A_532 = arith.muli %get3A_526, %mul3A_531 : vector<16xi32>
      %mul3A_533 = arith.constant 2 : i32
      %mul3A_534 = vector.broadcast %mul3A_533 : i32 to vector<16xi32>
      %mul3A_535 = arith.muli %get3A_526, %mul3A_534 : vector<16xi32>
      %sub3A_536 = arith.constant 1007615 : i32
      %sub3A_537 = vector.broadcast %sub3A_536 : i32 to vector<16xi32>
      %sub3A_538 = arith.subi %mul3A_535, %sub3A_537 : vector<16xi32>
      %select_n3A_539 = arith.select %lt3A_529, %mul3A_532, %sub3A_538 : vector<16xi1>, vector<16xi32>
      %lt3A_540 = vector.broadcast %scan3A_106 : i32 to vector<16xi32>
      %lt3A_541 = arith.cmpi slt, %lt3A_540, %get3A_522 : vector<16xi32>
      %jit3A_542 = arith.constant -1 : i32
      %broadcast_in_dim3A_543 = vector.broadcast %jit3A_542 : i32 to vector<16xi32>
      %select_n3A_544 = arith.select %lt3A_541, %select_n3A_539, %broadcast_in_dim3A_543 : vector<16xi1>, vector<16xi32>
      %swap3A_545 = arith.index_cast %scan3A_106 : i32 to index
      %swap3A_546 = arith.constant 224 : index
      %swap3A_547 = tpu.vector_load %arg9[%swap3A_545, %swap3A_546] {strides = array<i32>} : memref<50x512xi32, #tpu.memory_space<vmem>>, vector<1x16xi32>,
      %swap3A_548 = vector.shape_cast %swap3A_547 : vector<1x16xi32> to vector<16xi32>
      %swap3A_549 = vector.shape_cast %select_n3A_544 : vector<16xi32> to vector<1x16xi32>
      tpu.vector_store %arg9[%swap3A_545, %swap3A_546], %swap3A_549 {strides = array<i32>} : memref<50x512xi32, #tpu.memory_space<vmem>>, vector<1x16xi32>,
      %get3A_550 = arith.constant 240 : index
      %get3A_551 = tpu.vector_load %arg10[%get3A_550] {strides = array<i32>} : memref<512xi32, #tpu.memory_space<vmem>>, vector<16xi32>,
      %get3A_552 = vector.shape_cast %get3A_551 : vector<16xi32> to vector<16xi32>
      %get3A_553 = arith.index_cast %scan3A_106 : i32 to index
      %get3A_554 = arith.constant 240 : index
      %get3A_555 = tpu.vector_load %arg9[%get3A_553, %get3A_554] {strides = array<i32>} : memref<50x512xi32, #tpu.memory_space<vmem>>, vector<1x16xi32>,
      %get3A_556 = vector.shape_cast %get3A_555 : vector<1x16xi32> to vector<16xi32>
      %lt3A_557 = arith.constant 503808 : i32
      %lt3A_558 = vector.broadcast %lt3A_557 : i32 to vector<16xi32>
      %lt3A_559 = arith.cmpi slt, %get3A_556, %lt3A_558 : vector<16xi32>
      %mul3A_560 = arith.constant 2 : i32
      %mul3A_561 = vector.broadcast %mul3A_560 : i32 to vector<16xi32>
      %mul3A_562 = arith.muli %get3A_556, %mul3A_561 : vector<16xi32>
      %mul3A_563 = arith.constant 2 : i32
      %mul3A_564 = vector.broadcast %mul3A_563 : i32 to vector<16xi32>
      %mul3A_565 = arith.muli %get3A_556, %mul3A_564 : vector<16xi32>
      %sub3A_566 = arith.constant 1007615 : i32
      %sub3A_567 = vector.broadcast %sub3A_566 : i32 to vector<16xi32>
      %sub3A_568 = arith.subi %mul3A_565, %sub3A_567 : vector<16xi32>
      %select_n3A_569 = arith.select %lt3A_559, %mul3A_562, %sub3A_568 : vector<16xi1>, vector<16xi32>
      %lt3A_570 = vector.broadcast %scan3A_106 : i32 to vector<16xi32>
      %lt3A_571 = arith.cmpi slt, %lt3A_570, %get3A_552 : vector<16xi32>
      %jit3A_572 = arith.constant -1 : i32
      %broadcast_in_dim3A_573 = vector.broadcast %jit3A_572 : i32 to vector<16xi32>
      %select_n3A_574 = arith.select %lt3A_571, %select_n3A_569, %broadcast_in_dim3A_573 : vector<16xi1>, vector<16xi32>
      %swap3A_575 = arith.index_cast %scan3A_106 : i32 to index
      %swap3A_576 = arith.constant 240 : index
      %swap3A_577 = tpu.vector_load %arg9[%swap3A_575, %swap3A_576] {strides = array<i32>} : memref<50x512xi32, #tpu.memory_space<vmem>>, vector<1x16xi32>,
      %swap3A_578 = vector.shape_cast %swap3A_577 : vector<1x16xi32> to vector<16xi32>
      %swap3A_579 = vector.shape_cast %select_n3A_574 : vector<16xi32> to vector<1x16xi32>
      tpu.vector_store %arg9[%swap3A_575, %swap3A_576], %swap3A_579 {strides = array<i32>} : memref<50x512xi32, #tpu.memory_space<vmem>>, vector<1x16xi32>,
      %get3A_580 = arith.constant 256 : index
      %get3A_581 = tpu.vector_load %arg10[%get3A_580] {strides = array<i32>} : memref<512xi32, #tpu.memory_space<vmem>>, vector<16xi32>,
      %get3A_582 = vector.shape_cast %get3A_581 : vector<16xi32> to vector<16xi32>
      %get3A_583 = arith.index_cast %scan3A_106 : i32 to index
      %get3A_584 = arith.constant 256 : index
      %get3A_585 = tpu.vector_load %arg9[%get3A_583, %get3A_584] {strides = array<i32>} : memref<50x512xi32, #tpu.memory_space<vmem>>, vector<1x16xi32>,
      %get3A_586 = vector.shape_cast %get3A_585 : vector<1x16xi32> to vector<16xi32>
      %lt3A_587 = arith.constant 503808 : i32
      %lt3A_588 = vector.broadcast %lt3A_587 : i32 to vector<16xi32>
      %lt3A_589 = arith.cmpi slt, %get3A_586, %lt3A_588 : vector<16xi32>
      %mul3A_590 = arith.constant 2 : i32
      %mul3A_591 = vector.broadcast %mul3A_590 : i32 to vector<16xi32>
      %mul3A_592 = arith.muli %get3A_586, %mul3A_591 : vector<16xi32>
      %mul3A_593 = arith.constant 2 : i32
      %mul3A_594 = vector.broadcast %mul3A_593 : i32 to vector<16xi32>
      %mul3A_595 = arith.muli %get3A_586, %mul3A_594 : vector<16xi32>
      %sub3A_596 = arith.constant 1007615 : i32
      %sub3A_597 = vector.broadcast %sub3A_596 : i32 to vector<16xi32>
      %sub3A_598 = arith.subi %mul3A_595, %sub3A_597 : vector<16xi32>
      %select_n3A_599 = arith.select %lt3A_589, %mul3A_592, %sub3A_598 : vector<16xi1>, vector<16xi32>
      %lt3A_600 = vector.broadcast %scan3A_106 : i32 to vector<16xi32>
      %lt3A_601 = arith.cmpi slt, %lt3A_600, %get3A_582 : vector<16xi32>
      %jit3A_602 = arith.constant -1 : i32
      %broadcast_in_dim3A_603 = vector.broadcast %jit3A_602 : i32 to vector<16xi32>
      %select_n3A_604 = arith.select %lt3A_601, %select_n3A_599, %broadcast_in_dim3A_603 : vector<16xi1>, vector<16xi32>
      %swap3A_605 = arith.index_cast %scan3A_106 : i32 to index
      %swap3A_606 = arith.constant 256 : index
      %swap3A_607 = tpu.vector_load %arg9[%swap3A_605, %swap3A_606] {strides = array<i32>} : memref<50x512xi32, #tpu.memory_space<vmem>>, vector<1x16xi32>,
      %swap3A_608 = vector.shape_cast %swap3A_607 : vector<1x16xi32> to vector<16xi32>
      %swap3A_609 = vector.shape_cast %select_n3A_604 : vector<16xi32> to vector<1x16xi32>
      tpu.vector_store %arg9[%swap3A_605, %swap3A_606], %swap3A_609 {strides = array<i32>} : memref<50x512xi32, #tpu.memory_space<vmem>>, vector<1x16xi32>,
      %get3A_610 = arith.constant 272 : index
      %get3A_611 = tpu.vector_load %arg10[%get3A_610] {strides = array<i32>} : memref<512xi32, #tpu.memory_space<vmem>>, vector<16xi32>,
      %get3A_612 = vector.shape_cast %get3A_611 : vector<16xi32> to vector<16xi32>
      %get3A_613 = arith.index_cast %scan3A_106 : i32 to index
      %get3A_614 = arith.constant 272 : index
      %get3A_615 = tpu.vector_load %arg9[%get3A_613, %get3A_614] {strides = array<i32>} : memref<50x512xi32, #tpu.memory_space<vmem>>, vector<1x16xi32>,
      %get3A_616 = vector.shape_cast %get3A_615 : vector<1x16xi32> to vector<16xi32>
      %lt3A_617 = arith.constant 503808 : i32
      %lt3A_618 = vector.broadcast %lt3A_617 : i32 to vector<16xi32>
      %lt3A_619 = arith.cmpi slt, %get3A_616, %lt3A_618 : vector<16xi32>
      %mul3A_620 = arith.constant 2 : i32
      %mul3A_621 = vector.broadcast %mul3A_620 : i32 to vector<16xi32>
      %mul3A_622 = arith.muli %get3A_616, %mul3A_621 : vector<16xi32>
      %mul3A_623 = arith.constant 2 : i32
      %mul3A_624 = vector.broadcast %mul3A_623 : i32 to vector<16xi32>
      %mul3A_625 = arith.muli %get3A_616, %mul3A_624 : vector<16xi32>
      %sub3A_626 = arith.constant 1007615 : i32
      %sub3A_627 = vector.broadcast %sub3A_626 : i32 to vector<16xi32>
      %sub3A_628 = arith.subi %mul3A_625, %sub3A_627 : vector<16xi32>
      %select_n3A_629 = arith.select %lt3A_619, %mul3A_622, %sub3A_628 : vector<16xi1>, vector<16xi32>
      %lt3A_630 = vector.broadcast %scan3A_106 : i32 to vector<16xi32>
      %lt3A_631 = arith.cmpi slt, %lt3A_630, %get3A_612 : vector<16xi32>
      %jit3A_632 = arith.constant -1 : i32
      %broadcast_in_dim3A_633 = vector.broadcast %jit3A_632 : i32 to vector<16xi32>
      %select_n3A_634 = arith.select %lt3A_631, %select_n3A_629, %broadcast_in_dim3A_633 : vector<16xi1>, vector<16xi32>
      %swap3A_635 = arith.index_cast %scan3A_106 : i32 to index
      %swap3A_636 = arith.constant 272 : index
      %swap3A_637 = tpu.vector_load %arg9[%swap3A_635, %swap3A_636] {strides = array<i32>} : memref<50x512xi32, #tpu.memory_space<vmem>>, vector<1x16xi32>,
      %swap3A_638 = vector.shape_cast %swap3A_637 : vector<1x16xi32> to vector<16xi32>
      %swap3A_639 = vector.shape_cast %select_n3A_634 : vector<16xi32> to vector<1x16xi32>
      tpu.vector_store %arg9[%swap3A_635, %swap3A_636], %swap3A_639 {strides = array<i32>} : memref<50x512xi32, #tpu.memory_space<vmem>>, vector<1x16xi32>,
      %get3A_640 = arith.constant 288 : index
      %get3A_641 = tpu.vector_load %arg10[%get3A_640] {strides = array<i32>} : memref<512xi32, #tpu.memory_space<vmem>>, vector<16xi32>,
      %get3A_642 = vector.shape_cast %get3A_641 : vector<16xi32> to vector<16xi32>
      %get3A_643 = arith.index_cast %scan3A_106 : i32 to index
      %get3A_644 = arith.constant 288 : index
      %get3A_645 = tpu.vector_load %arg9[%get3A_643, %get3A_644] {strides = array<i32>} : memref<50x512xi32, #tpu.memory_space<vmem>>, vector<1x16xi32>,
      %get3A_646 = vector.shape_cast %get3A_645 : vector<1x16xi32> to vector<16xi32>
      %lt3A_647 = arith.constant 503808 : i32
      %lt3A_648 = vector.broadcast %lt3A_647 : i32 to vector<16xi32>
      %lt3A_649 = arith.cmpi slt, %get3A_646, %lt3A_648 : vector<16xi32>
      %mul3A_650 = arith.constant 2 : i32
      %mul3A_651 = vector.broadcast %mul3A_650 : i32 to vector<16xi32>
      %mul3A_652 = arith.muli %get3A_646, %mul3A_651 : vector<16xi32>
      %mul3A_653 = arith.constant 2 : i32
      %mul3A_654 = vector.broadcast %mul3A_653 : i32 to vector<16xi32>
      %mul3A_655 = arith.muli %get3A_646, %mul3A_654 : vector<16xi32>
      %sub3A_656 = arith.constant 1007615 : i32
      %sub3A_657 = vector.broadcast %sub3A_656 : i32 to vector<16xi32>
      %sub3A_658 = arith.subi %mul3A_655, %sub3A_657 : vector<16xi32>
      %select_n3A_659 = arith.select %lt3A_649, %mul3A_652, %sub3A_658 : vector<16xi1>, vector<16xi32>
      %lt3A_660 = vector.broadcast %scan3A_106 : i32 to vector<16xi32>
      %lt3A_661 = arith.cmpi slt, %lt3A_660, %get3A_642 : vector<16xi32>
      %jit3A_662 = arith.constant -1 : i32
      %broadcast_in_dim3A_663 = vector.broadcast %jit3A_662 : i32 to vector<16xi32>
      %select_n3A_664 = arith.select %lt3A_661, %select_n3A_659, %broadcast_in_dim3A_663 : vector<16xi1>, vector<16xi32>
      %swap3A_665 = arith.index_cast %scan3A_106 : i32 to index
      %swap3A_666 = arith.constant 288 : index
      %swap3A_667 = tpu.vector_load %arg9[%swap3A_665, %swap3A_666] {strides = array<i32>} : memref<50x512xi32, #tpu.memory_space<vmem>>, vector<1x16xi32>,
      %swap3A_668 = vector.shape_cast %swap3A_667 : vector<1x16xi32> to vector<16xi32>
      %swap3A_669 = vector.shape_cast %select_n3A_664 : vector<16xi32> to vector<1x16xi32>
      tpu.vector_store %arg9[%swap3A_665, %swap3A_666], %swap3A_669 {strides = array<i32>} : memref<50x512xi32, #tpu.memory_space<vmem>>, vector<1x16xi32>,
      %get3A_670 = arith.constant 304 : index
      %get3A_671 = tpu.vector_load %arg10[%get3A_670] {strides = array<i32>} : memref<512xi32, #tpu.memory_space<vmem>>, vector<16xi32>,
      %get3A_672 = vector.shape_cast %get3A_671 : vector<16xi32> to vector<16xi32>
      %get3A_673 = arith.index_cast %scan3A_106 : i32 to index
      %get3A_674 = arith.constant 304 : index
      %get3A_675 = tpu.vector_load %arg9[%get3A_673, %get3A_674] {strides = array<i32>} : memref<50x512xi32, #tpu.memory_space<vmem>>, vector<1x16xi32>,
      %get3A_676 = vector.shape_cast %get3A_675 : vector<1x16xi32> to vector<16xi32>
      %lt3A_677 = arith.constant 503808 : i32
      %lt3A_678 = vector.broadcast %lt3A_677 : i32 to vector<16xi32>
      %lt3A_679 = arith.cmpi slt, %get3A_676, %lt3A_678 : vector<16xi32>
      %mul3A_680 = arith.constant 2 : i32
      %mul3A_681 = vector.broadcast %mul3A_680 : i32 to vector<16xi32>
      %mul3A_682 = arith.muli %get3A_676, %mul3A_681 : vector<16xi32>
      %mul3A_683 = arith.constant 2 : i32
      %mul3A_684 = vector.broadcast %mul3A_683 : i32 to vector<16xi32>
      %mul3A_685 = arith.muli %get3A_676, %mul3A_684 : vector<16xi32>
      %sub3A_686 = arith.constant 1007615 : i32
      %sub3A_687 = vector.broadcast %sub3A_686 : i32 to vector<16xi32>
      %sub3A_688 = arith.subi %mul3A_685, %sub3A_687 : vector<16xi32>
      %select_n3A_689 = arith.select %lt3A_679, %mul3A_682, %sub3A_688 : vector<16xi1>, vector<16xi32>
      %lt3A_690 = vector.broadcast %scan3A_106 : i32 to vector<16xi32>
      %lt3A_691 = arith.cmpi slt, %lt3A_690, %get3A_672 : vector<16xi32>
      %jit3A_692 = arith.constant -1 : i32
      %broadcast_in_dim3A_693 = vector.broadcast %jit3A_692 : i32 to vector<16xi32>
      %select_n3A_694 = arith.select %lt3A_691, %select_n3A_689, %broadcast_in_dim3A_693 : vector<16xi1>, vector<16xi32>
      %swap3A_695 = arith.index_cast %scan3A_106 : i32 to index
      %swap3A_696 = arith.constant 304 : index
      %swap3A_697 = tpu.vector_load %arg9[%swap3A_695, %swap3A_696] {strides = array<i32>} : memref<50x512xi32, #tpu.memory_space<vmem>>, vector<1x16xi32>,
      %swap3A_698 = vector.shape_cast %swap3A_697 : vector<1x16xi32> to vector<16xi32>
      %swap3A_699 = vector.shape_cast %select_n3A_694 : vector<16xi32> to vector<1x16xi32>
      tpu.vector_store %arg9[%swap3A_695, %swap3A_696], %swap3A_699 {strides = array<i32>} : memref<50x512xi32, #tpu.memory_space<vmem>>, vector<1x16xi32>,
      %get3A_700 = arith.constant 320 : index
      %get3A_701 = tpu.vector_load %arg10[%get3A_700] {strides = array<i32>} : memref<512xi32, #tpu.memory_space<vmem>>, vector<16xi32>,
      %get3A_702 = vector.shape_cast %get3A_701 : vector<16xi32> to vector<16xi32>
      %get3A_703 = arith.index_cast %scan3A_106 : i32 to index
      %get3A_704 = arith.constant 320 : index
      %get3A_705 = tpu.vector_load %arg9[%get3A_703, %get3A_704] {strides = array<i32>} : memref<50x512xi32, #tpu.memory_space<vmem>>, vector<1x16xi32>,
      %get3A_706 = vector.shape_cast %get3A_705 : vector<1x16xi32> to vector<16xi32>
      %lt3A_707 = arith.constant 503808 : i32
      %lt3A_708 = vector.broadcast %lt3A_707 : i32 to vector<16xi32>
      %lt3A_709 = arith.cmpi slt, %get3A_706, %lt3A_708 : vector<16xi32>
      %mul3A_710 = arith.constant 2 : i32
      %mul3A_711 = vector.broadcast %mul3A_710 : i32 to vector<16xi32>
      %mul3A_712 = arith.muli %get3A_706, %mul3A_711 : vector<16xi32>
      %mul3A_713 = arith.constant 2 : i32
      %mul3A_714 = vector.broadcast %mul3A_713 : i32 to vector<16xi32>
      %mul3A_715 = arith.muli %get3A_706, %mul3A_714 : vector<16xi32>
      %sub3A_716 = arith.constant 1007615 : i32
      %sub3A_717 = vector.broadcast %sub3A_716 : i32 to vector<16xi32>
      %sub3A_718 = arith.subi %mul3A_715, %sub3A_717 : vector<16xi32>
      %select_n3A_719 = arith.select %lt3A_709, %mul3A_712, %sub3A_718 : vector<16xi1>, vector<16xi32>
      %lt3A_720 = vector.broadcast %scan3A_106 : i32 to vector<16xi32>
      %lt3A_721 = arith.cmpi slt, %lt3A_720, %get3A_702 : vector<16xi32>
      %jit3A_722 = arith.constant -1 : i32
      %broadcast_in_dim3A_723 = vector.broadcast %jit3A_722 : i32 to vector<16xi32>
      %select_n3A_724 = arith.select %lt3A_721, %select_n3A_719, %broadcast_in_dim3A_723 : vector<16xi1>, vector<16xi32>
      %swap3A_725 = arith.index_cast %scan3A_106 : i32 to index
      %swap3A_726 = arith.constant 320 : index
      %swap3A_727 = tpu.vector_load %arg9[%swap3A_725, %swap3A_726] {strides = array<i32>} : memref<50x512xi32, #tpu.memory_space<vmem>>, vector<1x16xi32>,
      %swap3A_728 = vector.shape_cast %swap3A_727 : vector<1x16xi32> to vector<16xi32>
      %swap3A_729 = vector.shape_cast %select_n3A_724 : vector<16xi32> to vector<1x16xi32>
      tpu.vector_store %arg9[%swap3A_725, %swap3A_726], %swap3A_729 {strides = array<i32>} : memref<50x512xi32, #tpu.memory_space<vmem>>, vector<1x16xi32>,
      %get3A_730 = arith.constant 336 : index
      %get3A_731 = tpu.vector_load %arg10[%get3A_730] {strides = array<i32>} : memref<512xi32, #tpu.memory_space<vmem>>, vector<16xi32>,
      %get3A_732 = vector.shape_cast %get3A_731 : vector<16xi32> to vector<16xi32>
      %get3A_733 = arith.index_cast %scan3A_106 : i32 to index
      %get3A_734 = arith.constant 336 : index
      %get3A_735 = tpu.vector_load %arg9[%get3A_733, %get3A_734] {strides = array<i32>} : memref<50x512xi32, #tpu.memory_space<vmem>>, vector<1x16xi32>,
      %get3A_736 = vector.shape_cast %get3A_735 : vector<1x16xi32> to vector<16xi32>
      %lt3A_737 = arith.constant 503808 : i32
      %lt3A_738 = vector.broadcast %lt3A_737 : i32 to vector<16xi32>
      %lt3A_739 = arith.cmpi slt, %get3A_736, %lt3A_738 : vector<16xi32>
      %mul3A_740 = arith.constant 2 : i32
      %mul3A_741 = vector.broadcast %mul3A_740 : i32 to vector<16xi32>
      %mul3A_742 = arith.muli %get3A_736, %mul3A_741 : vector<16xi32>
      %mul3A_743 = arith.constant 2 : i32
      %mul3A_744 = vector.broadcast %mul3A_743 : i32 to vector<16xi32>
      %mul3A_745 = arith.muli %get3A_736, %mul3A_744 : vector<16xi32>
      %sub3A_746 = arith.constant 1007615 : i32
      %sub3A_747 = vector.broadcast %sub3A_746 : i32 to vector<16xi32>
      %sub3A_748 = arith.subi %mul3A_745, %sub3A_747 : vector<16xi32>
      %select_n3A_749 = arith.select %lt3A_739, %mul3A_742, %sub3A_748 : vector<16xi1>, vector<16xi32>
      %lt3A_750 = vector.broadcast %scan3A_106 : i32 to vector<16xi32>
      %lt3A_751 = arith.cmpi slt, %lt3A_750, %get3A_732 : vector<16xi32>
      %jit3A_752 = arith.constant -1 : i32
      %broadcast_in_dim3A_753 = vector.broadcast %jit3A_752 : i32 to vector<16xi32>
      %select_n3A_754 = arith.select %lt3A_751, %select_n3A_749, %broadcast_in_dim3A_753 : vector<16xi1>, vector<16xi32>
      %swap3A_755 = arith.index_cast %scan3A_106 : i32 to index
      %swap3A_756 = arith.constant 336 : index
      %swap3A_757 = tpu.vector_load %arg9[%swap3A_755, %swap3A_756] {strides = array<i32>} : memref<50x512xi32, #tpu.memory_space<vmem>>, vector<1x16xi32>,
      %swap3A_758 = vector.shape_cast %swap3A_757 : vector<1x16xi32> to vector<16xi32>
      %swap3A_759 = vector.shape_cast %select_n3A_754 : vector<16xi32> to vector<1x16xi32>
      tpu.vector_store %arg9[%swap3A_755, %swap3A_756], %swap3A_759 {strides = array<i32>} : memref<50x512xi32, #tpu.memory_space<vmem>>, vector<1x16xi32>,
      %get3A_760 = arith.constant 352 : index
      %get3A_761 = tpu.vector_load %arg10[%get3A_760] {strides = array<i32>} : memref<512xi32, #tpu.memory_space<vmem>>, vector<16xi32>,
      %get3A_762 = vector.shape_cast %get3A_761 : vector<16xi32> to vector<16xi32>
      %get3A_763 = arith.index_cast %scan3A_106 : i32 to index
      %get3A_764 = arith.constant 352 : index
      %get3A_765 = tpu.vector_load %arg9[%get3A_763, %get3A_764] {strides = array<i32>} : memref<50x512xi32, #tpu.memory_space<vmem>>, vector<1x16xi32>,
      %get3A_766 = vector.shape_cast %get3A_765 : vector<1x16xi32> to vector<16xi32>
      %lt3A_767 = arith.constant 503808 : i32
      %lt3A_768 = vector.broadcast %lt3A_767 : i32 to vector<16xi32>
      %lt3A_769 = arith.cmpi slt, %get3A_766, %lt3A_768 : vector<16xi32>
      %mul3A_770 = arith.constant 2 : i32
      %mul3A_771 = vector.broadcast %mul3A_770 : i32 to vector<16xi32>
      %mul3A_772 = arith.muli %get3A_766, %mul3A_771 : vector<16xi32>
      %mul3A_773 = arith.constant 2 : i32
      %mul3A_774 = vector.broadcast %mul3A_773 : i32 to vector<16xi32>
      %mul3A_775 = arith.muli %get3A_766, %mul3A_774 : vector<16xi32>
      %sub3A_776 = arith.constant 1007615 : i32
      %sub3A_777 = vector.broadcast %sub3A_776 : i32 to vector<16xi32>
      %sub3A_778 = arith.subi %mul3A_775, %sub3A_777 : vector<16xi32>
      %select_n3A_779 = arith.select %lt3A_769, %mul3A_772, %sub3A_778 : vector<16xi1>, vector<16xi32>
      %lt3A_780 = vector.broadcast %scan3A_106 : i32 to vector<16xi32>
      %lt3A_781 = arith.cmpi slt, %lt3A_780, %get3A_762 : vector<16xi32>
      %jit3A_782 = arith.constant -1 : i32
      %broadcast_in_dim3A_783 = vector.broadcast %jit3A_782 : i32 to vector<16xi32>
      %select_n3A_784 = arith.select %lt3A_781, %select_n3A_779, %broadcast_in_dim3A_783 : vector<16xi1>, vector<16xi32>
      %swap3A_785 = arith.index_cast %scan3A_106 : i32 to index
      %swap3A_786 = arith.constant 352 : index
      %swap3A_787 = tpu.vector_load %arg9[%swap3A_785, %swap3A_786] {strides = array<i32>} : memref<50x512xi32, #tpu.memory_space<vmem>>, vector<1x16xi32>,
      %swap3A_788 = vector.shape_cast %swap3A_787 : vector<1x16xi32> to vector<16xi32>
      %swap3A_789 = vector.shape_cast %select_n3A_784 : vector<16xi32> to vector<1x16xi32>
      tpu.vector_store %arg9[%swap3A_785, %swap3A_786], %swap3A_789 {strides = array<i32>} : memref<50x512xi32, #tpu.memory_space<vmem>>, vector<1x16xi32>,
      %get3A_790 = arith.constant 368 : index
      %get3A_791 = tpu.vector_load %arg10[%get3A_790] {strides = array<i32>} : memref<512xi32, #tpu.memory_space<vmem>>, vector<16xi32>,
      %get3A_792 = vector.shape_cast %get3A_791 : vector<16xi32> to vector<16xi32>
      %get3A_793 = arith.index_cast %scan3A_106 : i32 to index
      %get3A_794 = arith.constant 368 : index
      %get3A_795 = tpu.vector_load %arg9[%get3A_793, %get3A_794] {strides = array<i32>} : memref<50x512xi32, #tpu.memory_space<vmem>>, vector<1x16xi32>,
      %get3A_796 = vector.shape_cast %get3A_795 : vector<1x16xi32> to vector<16xi32>
      %lt3A_797 = arith.constant 503808 : i32
      %lt3A_798 = vector.broadcast %lt3A_797 : i32 to vector<16xi32>
      %lt3A_799 = arith.cmpi slt, %get3A_796, %lt3A_798 : vector<16xi32>
      %mul3A_800 = arith.constant 2 : i32
      %mul3A_801 = vector.broadcast %mul3A_800 : i32 to vector<16xi32>
      %mul3A_802 = arith.muli %get3A_796, %mul3A_801 : vector<16xi32>
      %mul3A_803 = arith.constant 2 : i32
      %mul3A_804 = vector.broadcast %mul3A_803 : i32 to vector<16xi32>
      %mul3A_805 = arith.muli %get3A_796, %mul3A_804 : vector<16xi32>
      %sub3A_806 = arith.constant 1007615 : i32
      %sub3A_807 = vector.broadcast %sub3A_806 : i32 to vector<16xi32>
      %sub3A_808 = arith.subi %mul3A_805, %sub3A_807 : vector<16xi32>
      %select_n3A_809 = arith.select %lt3A_799, %mul3A_802, %sub3A_808 : vector<16xi1>, vector<16xi32>
      %lt3A_810 = vector.broadcast %scan3A_106 : i32 to vector<16xi32>
      %lt3A_811 = arith.cmpi slt, %lt3A_810, %get3A_792 : vector<16xi32>
      %jit3A_812 = arith.constant -1 : i32
      %broadcast_in_dim3A_813 = vector.broadcast %jit3A_812 : i32 to vector<16xi32>
      %select_n3A_814 = arith.select %lt3A_811, %select_n3A_809, %broadcast_in_dim3A_813 : vector<16xi1>, vector<16xi32>
      %swap3A_815 = arith.index_cast %scan3A_106 : i32 to index
      %swap3A_816 = arith.constant 368 : index
      %swap3A_817 = tpu.vector_load %arg9[%swap3A_815, %swap3A_816] {strides = array<i32>} : memref<50x512xi32, #tpu.memory_space<vmem>>, vector<1x16xi32>,
      %swap3A_818 = vector.shape_cast %swap3A_817 : vector<1x16xi32> to vector<16xi32>
      %swap3A_819 = vector.shape_cast %select_n3A_814 : vector<16xi32> to vector<1x16xi32>
      tpu.vector_store %arg9[%swap3A_815, %swap3A_816], %swap3A_819 {strides = array<i32>} : memref<50x512xi32, #tpu.memory_space<vmem>>, vector<1x16xi32>,
      %get3A_820 = arith.constant 384 : index
      %get3A_821 = tpu.vector_load %arg10[%get3A_820] {strides = array<i32>} : memref<512xi32, #tpu.memory_space<vmem>>, vector<16xi32>,
      %get3A_822 = vector.shape_cast %get3A_821 : vector<16xi32> to vector<16xi32>
      %get3A_823 = arith.index_cast %scan3A_106 : i32 to index
      %get3A_824 = arith.constant 384 : index
      %get3A_825 = tpu.vector_load %arg9[%get3A_823, %get3A_824] {strides = array<i32>} : memref<50x512xi32, #tpu.memory_space<vmem>>, vector<1x16xi32>,
      %get3A_826 = vector.shape_cast %get3A_825 : vector<1x16xi32> to vector<16xi32>
      %lt3A_827 = arith.constant 503808 : i32
      %lt3A_828 = vector.broadcast %lt3A_827 : i32 to vector<16xi32>
      %lt3A_829 = arith.cmpi slt, %get3A_826, %lt3A_828 : vector<16xi32>
      %mul3A_830 = arith.constant 2 : i32
      %mul3A_831 = vector.broadcast %mul3A_830 : i32 to vector<16xi32>
      %mul3A_832 = arith.muli %get3A_826, %mul3A_831 : vector<16xi32>
      %mul3A_833 = arith.constant 2 : i32
      %mul3A_834 = vector.broadcast %mul3A_833 : i32 to vector<16xi32>
      %mul3A_835 = arith.muli %get3A_826, %mul3A_834 : vector<16xi32>
      %sub3A_836 = arith.constant 1007615 : i32
      %sub3A_837 = vector.broadcast %sub3A_836 : i32 to vector<16xi32>
      %sub3A_838 = arith.subi %mul3A_835, %sub3A_837 : vector<16xi32>
      %select_n3A_839 = arith.select %lt3A_829, %mul3A_832, %sub3A_838 : vector<16xi1>, vector<16xi32>
      %lt3A_840 = vector.broadcast %scan3A_106 : i32 to vector<16xi32>
      %lt3A_841 = arith.cmpi slt, %lt3A_840, %get3A_822 : vector<16xi32>
      %jit3A_842 = arith.constant -1 : i32
      %broadcast_in_dim3A_843 = vector.broadcast %jit3A_842 : i32 to vector<16xi32>
      %select_n3A_844 = arith.select %lt3A_841, %select_n3A_839, %broadcast_in_dim3A_843 : vector<16xi1>, vector<16xi32>
      %swap3A_845 = arith.index_cast %scan3A_106 : i32 to index
      %swap3A_846 = arith.constant 384 : index
      %swap3A_847 = tpu.vector_load %arg9[%swap3A_845, %swap3A_846] {strides = array<i32>} : memref<50x512xi32, #tpu.memory_space<vmem>>, vector<1x16xi32>,
      %swap3A_848 = vector.shape_cast %swap3A_847 : vector<1x16xi32> to vector<16xi32>
      %swap3A_849 = vector.shape_cast %select_n3A_844 : vector<16xi32> to vector<1x16xi32>
      tpu.vector_store %arg9[%swap3A_845, %swap3A_846], %swap3A_849 {strides = array<i32>} : memref<50x512xi32, #tpu.memory_space<vmem>>, vector<1x16xi32>,
      %get3A_850 = arith.constant 400 : index
      %get3A_851 = tpu.vector_load %arg10[%get3A_850] {strides = array<i32>} : memref<512xi32, #tpu.memory_space<vmem>>, vector<16xi32>,
      %get3A_852 = vector.shape_cast %get3A_851 : vector<16xi32> to vector<16xi32>
      %get3A_853 = arith.index_cast %scan3A_106 : i32 to index
      %get3A_854 = arith.constant 400 : index
      %get3A_855 = tpu.vector_load %arg9[%get3A_853, %get3A_854] {strides = array<i32>} : memref<50x512xi32, #tpu.memory_space<vmem>>, vector<1x16xi32>,
      %get3A_856 = vector.shape_cast %get3A_855 : vector<1x16xi32> to vector<16xi32>
      %lt3A_857 = arith.constant 503808 : i32
      %lt3A_858 = vector.broadcast %lt3A_857 : i32 to vector<16xi32>
      %lt3A_859 = arith.cmpi slt, %get3A_856, %lt3A_858 : vector<16xi32>
      %mul3A_860 = arith.constant 2 : i32
      %mul3A_861 = vector.broadcast %mul3A_860 : i32 to vector<16xi32>
      %mul3A_862 = arith.muli %get3A_856, %mul3A_861 : vector<16xi32>
      %mul3A_863 = arith.constant 2 : i32
      %mul3A_864 = vector.broadcast %mul3A_863 : i32 to vector<16xi32>
      %mul3A_865 = arith.muli %get3A_856, %mul3A_864 : vector<16xi32>
      %sub3A_866 = arith.constant 1007615 : i32
      %sub3A_867 = vector.broadcast %sub3A_866 : i32 to vector<16xi32>
      %sub3A_868 = arith.subi %mul3A_865, %sub3A_867 : vector<16xi32>
      %select_n3A_869 = arith.select %lt3A_859, %mul3A_862, %sub3A_868 : vector<16xi1>, vector<16xi32>
      %lt3A_870 = vector.broadcast %scan3A_106 : i32 to vector<16xi32>
      %lt3A_871 = arith.cmpi slt, %lt3A_870, %get3A_852 : vector<16xi32>
      %jit3A_872 = arith.constant -1 : i32
      %broadcast_in_dim3A_873 = vector.broadcast %jit3A_872 : i32 to vector<16xi32>
      %select_n3A_874 = arith.select %lt3A_871, %select_n3A_869, %broadcast_in_dim3A_873 : vector<16xi1>, vector<16xi32>
      %swap3A_875 = arith.index_cast %scan3A_106 : i32 to index
      %swap3A_876 = arith.constant 400 : index
      %swap3A_877 = tpu.vector_load %arg9[%swap3A_875, %swap3A_876] {strides = array<i32>} : memref<50x512xi32, #tpu.memory_space<vmem>>, vector<1x16xi32>,
      %swap3A_878 = vector.shape_cast %swap3A_877 : vector<1x16xi32> to vector<16xi32>
      %swap3A_879 = vector.shape_cast %select_n3A_874 : vector<16xi32> to vector<1x16xi32>
      tpu.vector_store %arg9[%swap3A_875, %swap3A_876], %swap3A_879 {strides = array<i32>} : memref<50x512xi32, #tpu.memory_space<vmem>>, vector<1x16xi32>,
      %get3A_880 = arith.constant 416 : index
      %get3A_881 = tpu.vector_load %arg10[%get3A_880] {strides = array<i32>} : memref<512xi32, #tpu.memory_space<vmem>>, vector<16xi32>,
      %get3A_882 = vector.shape_cast %get3A_881 : vector<16xi32> to vector<16xi32>
      %get3A_883 = arith.index_cast %scan3A_106 : i32 to index
      %get3A_884 = arith.constant 416 : index
      %get3A_885 = tpu.vector_load %arg9[%get3A_883, %get3A_884] {strides = array<i32>} : memref<50x512xi32, #tpu.memory_space<vmem>>, vector<1x16xi32>,
      %get3A_886 = vector.shape_cast %get3A_885 : vector<1x16xi32> to vector<16xi32>
      %lt3A_887 = arith.constant 503808 : i32
      %lt3A_888 = vector.broadcast %lt3A_887 : i32 to vector<16xi32>
      %lt3A_889 = arith.cmpi slt, %get3A_886, %lt3A_888 : vector<16xi32>
      %mul3A_890 = arith.constant 2 : i32
      %mul3A_891 = vector.broadcast %mul3A_890 : i32 to vector<16xi32>
      %mul3A_892 = arith.muli %get3A_886, %mul3A_891 : vector<16xi32>
      %mul3A_893 = arith.constant 2 : i32
      %mul3A_894 = vector.broadcast %mul3A_893 : i32 to vector<16xi32>
      %mul3A_895 = arith.muli %get3A_886, %mul3A_894 : vector<16xi32>
      %sub3A_896 = arith.constant 1007615 : i32
      %sub3A_897 = vector.broadcast %sub3A_896 : i32 to vector<16xi32>
      %sub3A_898 = arith.subi %mul3A_895, %sub3A_897 : vector<16xi32>
      %select_n3A_899 = arith.select %lt3A_889, %mul3A_892, %sub3A_898 : vector<16xi1>, vector<16xi32>
      %lt3A_900 = vector.broadcast %scan3A_106 : i32 to vector<16xi32>
      %lt3A_901 = arith.cmpi slt, %lt3A_900, %get3A_882 : vector<16xi32>
      %jit3A_902 = arith.constant -1 : i32
      %broadcast_in_dim3A_903 = vector.broadcast %jit3A_902 : i32 to vector<16xi32>
      %select_n3A_904 = arith.select %lt3A_901, %select_n3A_899, %broadcast_in_dim3A_903 : vector<16xi1>, vector<16xi32>
      %swap3A_905 = arith.index_cast %scan3A_106 : i32 to index
      %swap3A_906 = arith.constant 416 : index
      %swap3A_907 = tpu.vector_load %arg9[%swap3A_905, %swap3A_906] {strides = array<i32>} : memref<50x512xi32, #tpu.memory_space<vmem>>, vector<1x16xi32>,
      %swap3A_908 = vector.shape_cast %swap3A_907 : vector<1x16xi32> to vector<16xi32>
      %swap3A_909 = vector.shape_cast %select_n3A_904 : vector<16xi32> to vector<1x16xi32>
      tpu.vector_store %arg9[%swap3A_905, %swap3A_906], %swap3A_909 {strides = array<i32>} : memref<50x512xi32, #tpu.memory_space<vmem>>, vector<1x16xi32>,
      %get3A_910 = arith.constant 432 : index
      %get3A_911 = tpu.vector_load %arg10[%get3A_910] {strides = array<i32>} : memref<512xi32, #tpu.memory_space<vmem>>, vector<16xi32>,
      %get3A_912 = vector.shape_cast %get3A_911 : vector<16xi32> to vector<16xi32>
      %get3A_913 = arith.index_cast %scan3A_106 : i32 to index
      %get3A_914 = arith.constant 432 : index
      %get3A_915 = tpu.vector_load %arg9[%get3A_913, %get3A_914] {strides = array<i32>} : memref<50x512xi32, #tpu.memory_space<vmem>>, vector<1x16xi32>,
      %get3A_916 = vector.shape_cast %get3A_915 : vector<1x16xi32> to vector<16xi32>
      %lt3A_917 = arith.constant 503808 : i32
      %lt3A_918 = vector.broadcast %lt3A_917 : i32 to vector<16xi32>
      %lt3A_919 = arith.cmpi slt, %get3A_916, %lt3A_918 : vector<16xi32>
      %mul3A_920 = arith.constant 2 : i32
      %mul3A_921 = vector.broadcast %mul3A_920 : i32 to vector<16xi32>
      %mul3A_922 = arith.muli %get3A_916, %mul3A_921 : vector<16xi32>
      %mul3A_923 = arith.constant 2 : i32
      %mul3A_924 = vector.broadcast %mul3A_923 : i32 to vector<16xi32>
      %mul3A_925 = arith.muli %get3A_916, %mul3A_924 : vector<16xi32>
      %sub3A_926 = arith.constant 1007615 : i32
      %sub3A_927 = vector.broadcast %sub3A_926 : i32 to vector<16xi32>
      %sub3A_928 = arith.subi %mul3A_925, %sub3A_927 : vector<16xi32>
      %select_n3A_929 = arith.select %lt3A_919, %mul3A_922, %sub3A_928 : vector<16xi1>, vector<16xi32>
      %lt3A_930 = vector.broadcast %scan3A_106 : i32 to vector<16xi32>
      %lt3A_931 = arith.cmpi slt, %lt3A_930, %get3A_912 : vector<16xi32>
      %jit3A_932 = arith.constant -1 : i32
      %broadcast_in_dim3A_933 = vector.broadcast %jit3A_932 : i32 to vector<16xi32>
      %select_n3A_934 = arith.select %lt3A_931, %select_n3A_929, %broadcast_in_dim3A_933 : vector<16xi1>, vector<16xi32>
      %swap3A_935 = arith.index_cast %scan3A_106 : i32 to index
      %swap3A_936 = arith.constant 432 : index
      %swap3A_937 = tpu.vector_load %arg9[%swap3A_935, %swap3A_936] {strides = array<i32>} : memref<50x512xi32, #tpu.memory_space<vmem>>, vector<1x16xi32>,
      %swap3A_938 = vector.shape_cast %swap3A_937 : vector<1x16xi32> to vector<16xi32>
      %swap3A_939 = vector.shape_cast %select_n3A_934 : vector<16xi32> to vector<1x16xi32>
      tpu.vector_store %arg9[%swap3A_935, %swap3A_936], %swap3A_939 {strides = array<i32>} : memref<50x512xi32, #tpu.memory_space<vmem>>, vector<1x16xi32>,
      %get3A_940 = arith.constant 448 : index
      %get3A_941 = tpu.vector_load %arg10[%get3A_940] {strides = array<i32>} : memref<512xi32, #tpu.memory_space<vmem>>, vector<16xi32>,
      %get3A_942 = vector.shape_cast %get3A_941 : vector<16xi32> to vector<16xi32>
      %get3A_943 = arith.index_cast %scan3A_106 : i32 to index
      %get3A_944 = arith.constant 448 : index
      %get3A_945 = tpu.vector_load %arg9[%get3A_943, %get3A_944] {strides = array<i32>} : memref<50x512xi32, #tpu.memory_space<vmem>>, vector<1x16xi32>,
      %get3A_946 = vector.shape_cast %get3A_945 : vector<1x16xi32> to vector<16xi32>
      %lt3A_947 = arith.constant 503808 : i32
      %lt3A_948 = vector.broadcast %lt3A_947 : i32 to vector<16xi32>
      %lt3A_949 = arith.cmpi slt, %get3A_946, %lt3A_948 : vector<16xi32>
      %mul3A_950 = arith.constant 2 : i32
      %mul3A_951 = vector.broadcast %mul3A_950 : i32 to vector<16xi32>
      %mul3A_952 = arith.muli %get3A_946, %mul3A_951 : vector<16xi32>
      %mul3A_953 = arith.constant 2 : i32
      %mul3A_954 = vector.broadcast %mul3A_953 : i32 to vector<16xi32>
      %mul3A_955 = arith.muli %get3A_946, %mul3A_954 : vector<16xi32>
      %sub3A_956 = arith.constant 1007615 : i32
      %sub3A_957 = vector.broadcast %sub3A_956 : i32 to vector<16xi32>
      %sub3A_958 = arith.subi %mul3A_955, %sub3A_957 : vector<16xi32>
      %select_n3A_959 = arith.select %lt3A_949, %mul3A_952, %sub3A_958 : vector<16xi1>, vector<16xi32>
      %lt3A_960 = vector.broadcast %scan3A_106 : i32 to vector<16xi32>
      %lt3A_961 = arith.cmpi slt, %lt3A_960, %get3A_942 : vector<16xi32>
      %jit3A_962 = arith.constant -1 : i32
      %broadcast_in_dim3A_963 = vector.broadcast %jit3A_962 : i32 to vector<16xi32>
      %select_n3A_964 = arith.select %lt3A_961, %select_n3A_959, %broadcast_in_dim3A_963 : vector<16xi1>, vector<16xi32>
      %swap3A_965 = arith.index_cast %scan3A_106 : i32 to index
      %swap3A_966 = arith.constant 448 : index
      %swap3A_967 = tpu.vector_load %arg9[%swap3A_965, %swap3A_966] {strides = array<i32>} : memref<50x512xi32, #tpu.memory_space<vmem>>, vector<1x16xi32>,
      %swap3A_968 = vector.shape_cast %swap3A_967 : vector<1x16xi32> to vector<16xi32>
      %swap3A_969 = vector.shape_cast %select_n3A_964 : vector<16xi32> to vector<1x16xi32>
      tpu.vector_store %arg9[%swap3A_965, %swap3A_966], %swap3A_969 {strides = array<i32>} : memref<50x512xi32, #tpu.memory_space<vmem>>, vector<1x16xi32>,
      %get3A_970 = arith.constant 464 : index
      %get3A_971 = tpu.vector_load %arg10[%get3A_970] {strides = array<i32>} : memref<512xi32, #tpu.memory_space<vmem>>, vector<16xi32>,
      %get3A_972 = vector.shape_cast %get3A_971 : vector<16xi32> to vector<16xi32>
      %get3A_973 = arith.index_cast %scan3A_106 : i32 to index
      %get3A_974 = arith.constant 464 : index
      %get3A_975 = tpu.vector_load %arg9[%get3A_973, %get3A_974] {strides = array<i32>} : memref<50x512xi32, #tpu.memory_space<vmem>>, vector<1x16xi32>,
      %get3A_976 = vector.shape_cast %get3A_975 : vector<1x16xi32> to vector<16xi32>
      %lt3A_977 = arith.constant 503808 : i32
      %lt3A_978 = vector.broadcast %lt3A_977 : i32 to vector<16xi32>
      %lt3A_979 = arith.cmpi slt, %get3A_976, %lt3A_978 : vector<16xi32>
      %mul3A_980 = arith.constant 2 : i32
      %mul3A_981 = vector.broadcast %mul3A_980 : i32 to vector<16xi32>
      %mul3A_982 = arith.muli %get3A_976, %mul3A_981 : vector<16xi32>
      %mul3A_983 = arith.constant 2 : i32
      %mul3A_984 = vector.broadcast %mul3A_983 : i32 to vector<16xi32>
      %mul3A_985 = arith.muli %get3A_976, %mul3A_984 : vector<16xi32>
      %sub3A_986 = arith.constant 1007615 : i32
      %sub3A_987 = vector.broadcast %sub3A_986 : i32 to vector<16xi32>
      %sub3A_988 = arith.subi %mul3A_985, %sub3A_987 : vector<16xi32>
      %select_n3A_989 = arith.select %lt3A_979, %mul3A_982, %sub3A_988 : vector<16xi1>, vector<16xi32>
      %lt3A_990 = vector.broadcast %scan3A_106 : i32 to vector<16xi32>
      %lt3A_991 = arith.cmpi slt, %lt3A_990, %get3A_972 : vector<16xi32>
      %jit3A_992 = arith.constant -1 : i32
      %broadcast_in_dim3A_993 = vector.broadcast %jit3A_992 : i32 to vector<16xi32>
      %select_n3A_994 = arith.select %lt3A_991, %select_n3A_989, %broadcast_in_dim3A_993 : vector<16xi1>, vector<16xi32>
      %swap3A_995 = arith.index_cast %scan3A_106 : i32 to index
      %swap3A_996 = arith.constant 464 : index
      %swap3A_997 = tpu.vector_load %arg9[%swap3A_995, %swap3A_996] {strides = array<i32>} : memref<50x512xi32, #tpu.memory_space<vmem>>, vector<1x16xi32>,
      %swap3A_998 = vector.shape_cast %swap3A_997 : vector<1x16xi32> to vector<16xi32>
      %swap3A_999 = vector.shape_cast %select_n3A_994 : vector<16xi32> to vector<1x16xi32>
      tpu.vector_store %arg9[%swap3A_995, %swap3A_996], %swap3A_999 {strides = array<i32>} : memref<50x512xi32, #tpu.memory_space<vmem>>, vector<1x16xi32>,
      %get3A_1000 = arith.constant 480 : index
      %get3A_1001 = tpu.vector_load %arg10[%get3A_1000] {strides = array<i32>} : memref<512xi32, #tpu.memory_space<vmem>>, vector<16xi32>,
      %get3A_1002 = vector.shape_cast %get3A_1001 : vector<16xi32> to vector<16xi32>
      %get3A_1003 = arith.index_cast %scan3A_106 : i32 to index
      %get3A_1004 = arith.constant 480 : index
      %get3A_1005 = tpu.vector_load %arg9[%get3A_1003, %get3A_1004] {strides = array<i32>} : memref<50x512xi32, #tpu.memory_space<vmem>>, vector<1x16xi32>,
      %get3A_1006 = vector.shape_cast %get3A_1005 : vector<1x16xi32> to vector<16xi32>
      %lt3A_1007 = arith.constant 503808 : i32
      %lt3A_1008 = vector.broadcast %lt3A_1007 : i32 to vector<16xi32>
      %lt3A_1009 = arith.cmpi slt, %get3A_1006, %lt3A_1008 : vector<16xi32>
      %mul3A_1010 = arith.constant 2 : i32
      %mul3A_1011 = vector.broadcast %mul3A_1010 : i32 to vector<16xi32>
      %mul3A_1012 = arith.muli %get3A_1006, %mul3A_1011 : vector<16xi32>
      %mul3A_1013 = arith.constant 2 : i32
      %mul3A_1014 = vector.broadcast %mul3A_1013 : i32 to vector<16xi32>
      %mul3A_1015 = arith.muli %get3A_1006, %mul3A_1014 : vector<16xi32>
      %sub3A_1016 = arith.constant 1007615 : i32
      %sub3A_1017 = vector.broadcast %sub3A_1016 : i32 to vector<16xi32>
      %sub3A_1018 = arith.subi %mul3A_1015, %sub3A_1017 : vector<16xi32>
      %select_n3A_1019 = arith.select %lt3A_1009, %mul3A_1012, %sub3A_1018 : vector<16xi1>, vector<16xi32>
      %lt3A_1020 = vector.broadcast %scan3A_106 : i32 to vector<16xi32>
      %lt3A_1021 = arith.cmpi slt, %lt3A_1020, %get3A_1002 : vector<16xi32>
      %jit3A_1022 = arith.constant -1 : i32
      %broadcast_in_dim3A_1023 = vector.broadcast %jit3A_1022 : i32 to vector<16xi32>
      %select_n3A_1024 = arith.select %lt3A_1021, %select_n3A_1019, %broadcast_in_dim3A_1023 : vector<16xi1>, vector<16xi32>
      %swap3A_1025 = arith.index_cast %scan3A_106 : i32 to index
      %swap3A_1026 = arith.constant 480 : index
      %swap3A_1027 = tpu.vector_load %arg9[%swap3A_1025, %swap3A_1026] {strides = array<i32>} : memref<50x512xi32, #tpu.memory_space<vmem>>, vector<1x16xi32>,
      %swap3A_1028 = vector.shape_cast %swap3A_1027 : vector<1x16xi32> to vector<16xi32>
      %swap3A_1029 = vector.shape_cast %select_n3A_1024 : vector<16xi32> to vector<1x16xi32>
      tpu.vector_store %arg9[%swap3A_1025, %swap3A_1026], %swap3A_1029 {strides = array<i32>} : memref<50x512xi32, #tpu.memory_space<vmem>>, vector<1x16xi32>,
      %get3A_1030 = arith.constant 496 : index
      %get3A_1031 = tpu.vector_load %arg10[%get3A_1030] {strides = array<i32>} : memref<512xi32, #tpu.memory_space<vmem>>, vector<16xi32>,
      %get3A_1032 = vector.shape_cast %get3A_1031 : vector<16xi32> to vector<16xi32>
      %get3A_1033 = arith.index_cast %scan3A_106 : i32 to index
      %get3A_1034 = arith.constant 496 : index
      %get3A_1035 = tpu.vector_load %arg9[%get3A_1033, %get3A_1034] {strides = array<i32>} : memref<50x512xi32, #tpu.memory_space<vmem>>, vector<1x16xi32>,
      %get3A_1036 = vector.shape_cast %get3A_1035 : vector<1x16xi32> to vector<16xi32>
      %lt3A_1037 = arith.constant 503808 : i32
      %lt3A_1038 = vector.broadcast %lt3A_1037 : i32 to vector<16xi32>
      %lt3A_1039 = arith.cmpi slt, %get3A_1036, %lt3A_1038 : vector<16xi32>
      %mul3A_1040 = arith.constant 2 : i32
      %mul3A_1041 = vector.broadcast %mul3A_1040 : i32 to vector<16xi32>
      %mul3A_1042 = arith.muli %get3A_1036, %mul3A_1041 : vector<16xi32>
      %mul3A_1043 = arith.constant 2 : i32
      %mul3A_1044 = vector.broadcast %mul3A_1043 : i32 to vector<16xi32>
      %mul3A_1045 = arith.muli %get3A_1036, %mul3A_1044 : vector<16xi32>
      %sub3A_1046 = arith.constant 1007615 : i32
      %sub3A_1047 = vector.broadcast %sub3A_1046 : i32 to vector<16xi32>
      %sub3A_1048 = arith.subi %mul3A_1045, %sub3A_1047 : vector<16xi32>
      %select_n3A_1049 = arith.select %lt3A_1039, %mul3A_1042, %sub3A_1048 : vector<16xi1>, vector<16xi32>
      %lt3A_1050 = vector.broadcast %scan3A_106 : i32 to vector<16xi32>
      %lt3A_1051 = arith.cmpi slt, %lt3A_1050, %get3A_1032 : vector<16xi32>
      %jit3A_1052 = arith.constant -1 : i32
      %broadcast_in_dim3A_1053 = vector.broadcast %jit3A_1052 : i32 to vector<16xi32>
      %select_n3A_1054 = arith.select %lt3A_1051, %select_n3A_1049, %broadcast_in_dim3A_1053 : vector<16xi1>, vector<16xi32>
      %swap3A_1055 = arith.index_cast %scan3A_106 : i32 to index
      %swap3A_1056 = arith.constant 496 : index
      %swap3A_1057 = tpu.vector_load %arg9[%swap3A_1055, %swap3A_1056] {strides = array<i32>} : memref<50x512xi32, #tpu.memory_space<vmem>>, vector<1x16xi32>,
      %swap3A_1058 = vector.shape_cast %swap3A_1057 : vector<1x16xi32> to vector<16xi32>
      %swap3A_1059 = vector.shape_cast %select_n3A_1054 : vector<16xi32> to vector<1x16xi32>
      tpu.vector_store %arg9[%swap3A_1055, %swap3A_1056], %swap3A_1059 {strides = array<i32>} : memref<50x512xi32, #tpu.memory_space<vmem>>, vector<1x16xi32>,
    }
    %scan3A_58 = arith.constant 50 : i32
    %scan3A_59 = arith.constant 0 : i32
    %scan3A_60 = arith.constant 0 : i32
    %scan3A_61 = arith.constant 512 : i32
    %scan3A_62 = arith.addi %scan3A_60, %scan3A_61 : i32
    %scan3A_63 = arith.constant 1 : i32
    scf.for %scan3A_106 = %scan3A_60 to %scan3A_62 step %scan3A_63  : i32 {
      %broadcast_in_dim3A = arith.constant 0.000000e+00 : f32
      %broadcast_in_dim3A_107 = vector.broadcast %broadcast_in_dim3A : f32 to vector<16xf32>
      %swap3A = arith.index_cast %scan3A_106 : i32 to index
      %swap3A_108 = arith.constant 0 : index
      %swap3A_109 = tpu.vector_load %arg12[%swap3A, %swap3A_108] {strides = array<i32>} : memref<512x64xf32, #tpu.memory_space<vmem>>, vector<1x16xf32>,
      %swap3A_110 = vector.shape_cast %swap3A_109 : vector<1x16xf32> to vector<16xf32>
      %swap3A_111 = vector.shape_cast %broadcast_in_dim3A_107 : vector<16xf32> to vector<1x16xf32>
      tpu.vector_store %arg12[%swap3A, %swap3A_108], %swap3A_111 {strides = array<i32>} : memref<512x64xf32, #tpu.memory_space<vmem>>, vector<1x16xf32>,
      %broadcast_in_dim3A_112 = arith.constant 0.000000e+00 : f32
      %broadcast_in_dim3A_113 = vector.broadcast %broadcast_in_dim3A_112 : f32 to vector<16xf32>
      %swap3A_114 = arith.index_cast %scan3A_106 : i32 to index
      %swap3A_115 = arith.constant 16 : index
      %swap3A_116 = tpu.vector_load %arg12[%swap3A_114, %swap3A_115] {strides = array<i32>} : memref<512x64xf32, #tpu.memory_space<vmem>>, vector<1x16xf32>,
      %swap3A_117 = vector.shape_cast %swap3A_116 : vector<1x16xf32> to vector<16xf32>
      %swap3A_118 = vector.shape_cast %broadcast_in_dim3A_113 : vector<16xf32> to vector<1x16xf32>
      tpu.vector_store %arg12[%swap3A_114, %swap3A_115], %swap3A_118 {strides = array<i32>} : memref<512x64xf32, #tpu.memory_space<vmem>>, vector<1x16xf32>,
      %broadcast_in_dim3A_119 = arith.constant 0.000000e+00 : f32
      %broadcast_in_dim3A_120 = vector.broadcast %broadcast_in_dim3A_119 : f32 to vector<16xf32>
      %swap3A_121 = arith.index_cast %scan3A_106 : i32 to index
      %swap3A_122 = arith.constant 32 : index
      %swap3A_123 = tpu.vector_load %arg12[%swap3A_121, %swap3A_122] {strides = array<i32>} : memref<512x64xf32, #tpu.memory_space<vmem>>, vector<1x16xf32>,
      %swap3A_124 = vector.shape_cast %swap3A_123 : vector<1x16xf32> to vector<16xf32>
      %swap3A_125 = vector.shape_cast %broadcast_in_dim3A_120 : vector<16xf32> to vector<1x16xf32>
      tpu.vector_store %arg12[%swap3A_121, %swap3A_122], %swap3A_125 {strides = array<i32>} : memref<512x64xf32, #tpu.memory_space<vmem>>, vector<1x16xf32>,
      %broadcast_in_dim3A_126 = arith.constant 0.000000e+00 : f32
      %broadcast_in_dim3A_127 = vector.broadcast %broadcast_in_dim3A_126 : f32 to vector<16xf32>
      %swap3A_128 = arith.index_cast %scan3A_106 : i32 to index
      %swap3A_129 = arith.constant 48 : index
      %swap3A_130 = tpu.vector_load %arg12[%swap3A_128, %swap3A_129] {strides = array<i32>} : memref<512x64xf32, #tpu.memory_space<vmem>>, vector<1x16xf32>,
      %swap3A_131 = vector.shape_cast %swap3A_130 : vector<1x16xf32> to vector<16xf32>
      %swap3A_132 = vector.shape_cast %broadcast_in_dim3A_127 : vector<16xf32> to vector<1x16xf32>
      tpu.vector_store %arg12[%swap3A_128, %swap3A_129], %swap3A_132 {strides = array<i32>} : memref<512x64xf32, #tpu.memory_space<vmem>>, vector<1x16xf32>,
    }
    %scan3A_64 = arith.constant 512 : i32
    %dma_start3A_65 = arith.constant 0 : i32
    %dma_start3A_66 = arith.constant 0 : i32
    %dma_start3A_67 = tpu.memref_slice %arg9[%dma_start3A_65, %dma_start3A_66] : memref<50x512xi32, #tpu.memory_space<vmem>> -> memref<1x512xi32, #tpu.memory_space<vmem>>
    %dma_start3A_68 = tpu.memref_squeeze %dma_start3A_67 : memref<1x512xi32, #tpu.memory_space<vmem>> -> memref<512xi32, #tpu.memory_space<vmem>>
    %dma_start3A_69 = arith.constant 0 : i32
    %dma_start3A_70 = arith.constant 0 : i32
    %dma_start3A_71 = tpu.memref_slice %arg6[%dma_start3A_69, %dma_start3A_70] : memref<1007616x64xf32, #tpu.memory_space<hbm>> -> memref<1007616x64xf32, #tpu.memory_space<hbm>>
    tpu.enqueue_indirect_dma source(%dma_start3A_71 : memref<1007616x64xf32, #tpu.memory_space<hbm>>) target(%arg11 : memref<512x64xf32, #tpu.memory_space<vmem>>) offsets(%dma_start3A_68 : memref<512xi32, #tpu.memory_space<vmem>>) semaphore(%arg13 : memref<!tpu.dma_semaphore, #tpu.memory_space<semaphore_mem>>)
    %dma_start3A_72 = arith.constant 1 : i32
    %dma_start3A_73 = arith.constant 0 : i32
    %dma_start3A_74 = tpu.memref_slice %arg9[%dma_start3A_72, %dma_start3A_73] : memref<50x512xi32, #tpu.memory_space<vmem>> -> memref<1x512xi32, #tpu.memory_space<vmem>>
    %dma_start3A_75 = tpu.memref_squeeze %dma_start3A_74 : memref<1x512xi32, #tpu.memory_space<vmem>> -> memref<512xi32, #tpu.memory_space<vmem>>
    %dma_start3A_76 = arith.constant 0 : i32
    %dma_start3A_77 = arith.constant 0 : i32
    %dma_start3A_78 = tpu.memref_slice %arg6[%dma_start3A_76, %dma_start3A_77] : memref<1007616x64xf32, #tpu.memory_space<hbm>> -> memref<1007616x64xf32, #tpu.memory_space<hbm>>
    %dma_start3A_79 = arith.constant -1 : i32
    tpu.enqueue_indirect_dma source(%dma_start3A_78 : memref<1007616x64xf32, #tpu.memory_space<hbm>>) target(%arg12 : memref<512x64xf32, #tpu.memory_space<vmem>>) offsets(%dma_start3A_75 : memref<512xi32, #tpu.memory_space<vmem>>) offset_filter(%dma_start3A_79) semaphore(%arg14 : memref<!tpu.dma_semaphore, #tpu.memory_space<semaphore_mem>>) {add = true}
    %scan3A_80 = arith.constant 0 : i32
    %scan3A_81 = arith.constant 1 : i32
    %scan3A_82 = arith.constant 24 : i32
    %scan3A_83 = arith.addi %scan3A_81, %scan3A_82 : i32
    %scan3A_84 = arith.constant 1 : i32
    scf.for %scan3A_106 = %scan3A_81 to %scan3A_83 step %scan3A_84  : i32 {
      %mul3A_107 = arith.constant 2 : i32
      %mul3A_108 = arith.muli %mul3A_107, %scan3A_106 : i32
      %dma_wait3A_109 = arith.constant 0 : i32
      %dma_wait3A_110 = tpu.memref_slice %arg9[%mul3A_108, %dma_wait3A_109] : memref<50x512xi32, #tpu.memory_space<vmem>> -> memref<1x512xi32, #tpu.memory_space<vmem>>
      %dma_wait3A_111 = tpu.memref_squeeze %dma_wait3A_110 : memref<1x512xi32, #tpu.memory_space<vmem>> -> memref<512xi32, #tpu.memory_space<vmem>>
      %dma_wait3A_112 = arith.constant 0 : i32
      %dma_wait3A_113 = arith.constant 0 : i32
      %dma_wait3A_114 = tpu.memref_slice %arg6[%dma_wait3A_112, %dma_wait3A_113] : memref<1007616x64xf32, #tpu.memory_space<hbm>> -> memref<1007616x64xf32, #tpu.memory_space<hbm>>
      tpu.wait_indirect_dma semaphore(%arg13 : memref<!tpu.dma_semaphore, #tpu.memory_space<semaphore_mem>>) src(%dma_wait3A_114 : memref<1007616x64xf32, #tpu.memory_space<hbm>>) dst(%arg11 : memref<512x64xf32, #tpu.memory_space<vmem>>)
      %dma_start3A_115 = arith.constant 0 : i32
      %dma_start3A_116 = tpu.memref_slice %arg9[%mul3A_108, %dma_start3A_115] : memref<50x512xi32, #tpu.memory_space<vmem>> -> memref<1x512xi32, #tpu.memory_space<vmem>>
      %dma_start3A_117 = tpu.memref_squeeze %dma_start3A_116 : memref<1x512xi32, #tpu.memory_space<vmem>> -> memref<512xi32, #tpu.memory_space<vmem>>
      %dma_start3A_118 = arith.constant 0 : i32
      %dma_start3A_119 = arith.constant 0 : i32
      %dma_start3A_120 = tpu.memref_slice %arg6[%dma_start3A_118, %dma_start3A_119] : memref<1007616x64xf32, #tpu.memory_space<hbm>> -> memref<1007616x64xf32, #tpu.memory_space<hbm>>
      %dma_start3A_121 = arith.constant -1 : i32
      tpu.enqueue_indirect_dma source(%dma_start3A_120 : memref<1007616x64xf32, #tpu.memory_space<hbm>>) target(%arg11 : memref<512x64xf32, #tpu.memory_space<vmem>>) offsets(%dma_start3A_117 : memref<512xi32, #tpu.memory_space<vmem>>) offset_filter(%dma_start3A_121) semaphore(%arg13 : memref<!tpu.dma_semaphore, #tpu.memory_space<semaphore_mem>>) {add = true}
      %add3A_122 = arith.constant 1 : i32
      %add3A_123 = arith.addi %mul3A_108, %add3A_122 : i32
      %dma_wait3A_124 = arith.constant 0 : i32
      %dma_wait3A_125 = tpu.memref_slice %arg9[%add3A_123, %dma_wait3A_124] : memref<50x512xi32, #tpu.memory_space<vmem>> -> memref<1x512xi32, #tpu.memory_space<vmem>>
      %dma_wait3A_126 = tpu.memref_squeeze %dma_wait3A_125 : memref<1x512xi32, #tpu.memory_space<vmem>> -> memref<512xi32, #tpu.memory_space<vmem>>
      %dma_wait3A_127 = arith.constant 0 : i32
      %dma_wait3A_128 = arith.constant 0 : i32
      %dma_wait3A_129 = tpu.memref_slice %arg6[%dma_wait3A_127, %dma_wait3A_128] : memref<1007616x64xf32, #tpu.memory_space<hbm>> -> memref<1007616x64xf32, #tpu.memory_space<hbm>>
      tpu.wait_indirect_dma semaphore(%arg14 : memref<!tpu.dma_semaphore, #tpu.memory_space<semaphore_mem>>) src(%dma_wait3A_129 : memref<1007616x64xf32, #tpu.memory_space<hbm>>) dst(%arg12 : memref<512x64xf32, #tpu.memory_space<vmem>>)
      %add3A_130 = arith.constant 1 : i32
      %add3A_131 = arith.addi %mul3A_108, %add3A_130 : i32
      %dma_start3A_132 = arith.constant 0 : i32
      %dma_start3A_133 = tpu.memref_slice %arg9[%add3A_131, %dma_start3A_132] : memref<50x512xi32, #tpu.memory_space<vmem>> -> memref<1x512xi32, #tpu.memory_space<vmem>>
      %dma_start3A_134 = tpu.memref_squeeze %dma_start3A_133 : memref<1x512xi32, #tpu.memory_space<vmem>> -> memref<512xi32, #tpu.memory_space<vmem>>
      %dma_start3A_135 = arith.constant 0 : i32
      %dma_start3A_136 = arith.constant 0 : i32
      %dma_start3A_137 = tpu.memref_slice %arg6[%dma_start3A_135, %dma_start3A_136] : memref<1007616x64xf32, #tpu.memory_space<hbm>> -> memref<1007616x64xf32, #tpu.memory_space<hbm>>
      %dma_start3A_138 = arith.constant -1 : i32
      tpu.enqueue_indirect_dma source(%dma_start3A_137 : memref<1007616x64xf32, #tpu.memory_space<hbm>>) target(%arg12 : memref<512x64xf32, #tpu.memory_space<vmem>>) offsets(%dma_start3A_134 : memref<512xi32, #tpu.memory_space<vmem>>) offset_filter(%dma_start3A_138) semaphore(%arg14 : memref<!tpu.dma_semaphore, #tpu.memory_space<semaphore_mem>>) {add = true}
    }
    %scan3A_85 = arith.constant 24 : i32
    %dma_wait3A_86 = arith.constant 0 : i32
    %dma_wait3A_87 = arith.constant 0 : i32
    %dma_wait3A_88 = tpu.memref_slice %arg9[%dma_wait3A_86, %dma_wait3A_87] : memref<50x512xi32, #tpu.memory_space<vmem>> -> memref<1x512xi32, #tpu.memory_space<vmem>>
    %dma_wait3A_89 = tpu.memref_squeeze %dma_wait3A_88 : memref<1x512xi32, #tpu.memory_space<vmem>> -> memref<512xi32, #tpu.memory_space<vmem>>
    %dma_wait3A_90 = arith.constant 0 : i32
    %dma_wait3A_91 = arith.constant 0 : i32
    %dma_wait3A_92 = tpu.memref_slice %arg6[%dma_wait3A_90, %dma_wait3A_91] : memref<1007616x64xf32, #tpu.memory_space<hbm>> -> memref<1007616x64xf32, #tpu.memory_space<hbm>>
    tpu.wait_indirect_dma semaphore(%arg13 : memref<!tpu.dma_semaphore, #tpu.memory_space<semaphore_mem>>) src(%dma_wait3A_92 : memref<1007616x64xf32, #tpu.memory_space<hbm>>) dst(%arg11 : memref<512x64xf32, #tpu.memory_space<vmem>>)
    %dma_wait3A_93 = arith.constant 1 : i32
    %dma_wait3A_94 = arith.constant 0 : i32
    %dma_wait3A_95 = tpu.memref_slice %arg9[%dma_wait3A_93, %dma_wait3A_94] : memref<50x512xi32, #tpu.memory_space<vmem>> -> memref<1x512xi32, #tpu.memory_space<vmem>>
    %dma_wait3A_96 = tpu.memref_squeeze %dma_wait3A_95 : memref<1x512xi32, #tpu.memory_space<vmem>> -> memref<512xi32, #tpu.memory_space<vmem>>
    %dma_wait3A_97 = arith.constant 0 : i32
    %dma_wait3A_98 = arith.constant 0 : i32
    %dma_wait3A_99 = tpu.memref_slice %arg6[%dma_wait3A_97, %dma_wait3A_98] : memref<1007616x64xf32, #tpu.memory_space<hbm>> -> memref<1007616x64xf32, #tpu.memory_space<hbm>>
    tpu.wait_indirect_dma semaphore(%arg14 : memref<!tpu.dma_semaphore, #tpu.memory_space<semaphore_mem>>) src(%dma_wait3A_99 : memref<1007616x64xf32, #tpu.memory_space<hbm>>) dst(%arg12 : memref<512x64xf32, #tpu.memory_space<vmem>>)
    %scan3A_100 = arith.constant 0 : i32
    %scan3A_101 = arith.constant 0 : i32
    %scan3A_102 = arith.constant 512 : i32
    %scan3A_103 = arith.addi %scan3A_101, %scan3A_102 : i32
    %scan3A_104 = arith.constant 1 : i32
    scf.for %scan3A_106 = %scan3A_101 to %scan3A_103 step %scan3A_104  : i32 {
      %get3A = arith.index_cast %scan3A_106 : i32 to index
      %get3A_107 = arith.constant 0 : index
      %get3A_108 = tpu.vector_load %arg11[%get3A, %get3A_107] {strides = array<i32>} : memref<512x64xf32, #tpu.memory_space<vmem>>, vector<1x16xf32>,
      %get3A_109 = vector.shape_cast %get3A_108 : vector<1x16xf32> to vector<16xf32>
      %get3A_110 = arith.index_cast %scan3A_106 : i32 to index
      %get3A_111 = arith.constant 0 : index
      %get3A_112 = tpu.vector_load %arg12[%get3A_110, %get3A_111] {strides = array<i32>} : memref<512x64xf32, #tpu.memory_space<vmem>>, vector<1x16xf32>,
      %get3A_113 = vector.shape_cast %get3A_112 : vector<1x16xf32> to vector<16xf32>
      %add3A_114 = arith.addf %get3A_109, %get3A_113 : vector<16xf32>
      %swap3A = arith.index_cast %scan3A_106 : i32 to index
      %swap3A_115 = arith.constant 0 : index
      %swap3A_116 = tpu.vector_load %arg11[%swap3A, %swap3A_115] {strides = array<i32>} : memref<512x64xf32, #tpu.memory_space<vmem>>, vector<1x16xf32>,
      %swap3A_117 = vector.shape_cast %swap3A_116 : vector<1x16xf32> to vector<16xf32>
      %swap3A_118 = vector.shape_cast %add3A_114 : vector<16xf32> to vector<1x16xf32>
      tpu.vector_store %arg11[%swap3A, %swap3A_115], %swap3A_118 {strides = array<i32>} : memref<512x64xf32, #tpu.memory_space<vmem>>, vector<1x16xf32>,
      %get3A_119 = arith.index_cast %scan3A_106 : i32 to index
      %get3A_120 = arith.constant 16 : index
      %get3A_121 = tpu.vector_load %arg11[%get3A_119, %get3A_120] {strides = array<i32>} : memref<512x64xf32, #tpu.memory_space<vmem>>, vector<1x16xf32>,
      %get3A_122 = vector.shape_cast %get3A_121 : vector<1x16xf32> to vector<16xf32>
      %get3A_123 = arith.index_cast %scan3A_106 : i32 to index
      %get3A_124 = arith.constant 16 : index
      %get3A_125 = tpu.vector_load %arg12[%get3A_123, %get3A_124] {strides = array<i32>} : memref<512x64xf32, #tpu.memory_space<vmem>>, vector<1x16xf32>,
      %get3A_126 = vector.shape_cast %get3A_125 : vector<1x16xf32> to vector<16xf32>
      %add3A_127 = arith.addf %get3A_122, %get3A_126 : vector<16xf32>
      %swap3A_128 = arith.index_cast %scan3A_106 : i32 to index
      %swap3A_129 = arith.constant 16 : index
      %swap3A_130 = tpu.vector_load %arg11[%swap3A_128, %swap3A_129] {strides = array<i32>} : memref<512x64xf32, #tpu.memory_space<vmem>>, vector<1x16xf32>,
      %swap3A_131 = vector.shape_cast %swap3A_130 : vector<1x16xf32> to vector<16xf32>
      %swap3A_132 = vector.shape_cast %add3A_127 : vector<16xf32> to vector<1x16xf32>
      tpu.vector_store %arg11[%swap3A_128, %swap3A_129], %swap3A_132 {strides = array<i32>} : memref<512x64xf32, #tpu.memory_space<vmem>>, vector<1x16xf32>,
      %get3A_133 = arith.index_cast %scan3A_106 : i32 to index
      %get3A_134 = arith.constant 32 : index
      %get3A_135 = tpu.vector_load %arg11[%get3A_133, %get3A_134] {strides = array<i32>} : memref<512x64xf32, #tpu.memory_space<vmem>>, vector<1x16xf32>,
      %get3A_136 = vector.shape_cast %get3A_135 : vector<1x16xf32> to vector<16xf32>
      %get3A_137 = arith.index_cast %scan3A_106 : i32 to index
      %get3A_138 = arith.constant 32 : index
      %get3A_139 = tpu.vector_load %arg12[%get3A_137, %get3A_138] {strides = array<i32>} : memref<512x64xf32, #tpu.memory_space<vmem>>, vector<1x16xf32>,
      %get3A_140 = vector.shape_cast %get3A_139 : vector<1x16xf32> to vector<16xf32>
      %add3A_141 = arith.addf %get3A_136, %get3A_140 : vector<16xf32>
      %swap3A_142 = arith.index_cast %scan3A_106 : i32 to index
      %swap3A_143 = arith.constant 32 : index
      %swap3A_144 = tpu.vector_load %arg11[%swap3A_142, %swap3A_143] {strides = array<i32>} : memref<512x64xf32, #tpu.memory_space<vmem>>, vector<1x16xf32>,
      %swap3A_145 = vector.shape_cast %swap3A_144 : vector<1x16xf32> to vector<16xf32>
      %swap3A_146 = vector.shape_cast %add3A_141 : vector<16xf32> to vector<1x16xf32>
      tpu.vector_store %arg11[%swap3A_142, %swap3A_143], %swap3A_146 {strides = array<i32>} : memref<512x64xf32, #tpu.memory_space<vmem>>, vector<1x16xf32>,
      %get3A_147 = arith.index_cast %scan3A_106 : i32 to index
      %get3A_148 = arith.constant 48 : index
      %get3A_149 = tpu.vector_load %arg11[%get3A_147, %get3A_148] {strides = array<i32>} : memref<512x64xf32, #tpu.memory_space<vmem>>, vector<1x16xf32>,
      %get3A_150 = vector.shape_cast %get3A_149 : vector<1x16xf32> to vector<16xf32>
      %get3A_151 = arith.index_cast %scan3A_106 : i32 to index
      %get3A_152 = arith.constant 48 : index
      %get3A_153 = tpu.vector_load %arg12[%get3A_151, %get3A_152] {strides = array<i32>} : memref<512x64xf32, #tpu.memory_space<vmem>>, vector<1x16xf32>,
      %get3A_154 = vector.shape_cast %get3A_153 : vector<1x16xf32> to vector<16xf32>
      %add3A_155 = arith.addf %get3A_150, %get3A_154 : vector<16xf32>
      %swap3A_156 = arith.index_cast %scan3A_106 : i32 to index
      %swap3A_157 = arith.constant 48 : index
      %swap3A_158 = tpu.vector_load %arg11[%swap3A_156, %swap3A_157] {strides = array<i32>} : memref<512x64xf32, #tpu.memory_space<vmem>>, vector<1x16xf32>,
      %swap3A_159 = vector.shape_cast %swap3A_158 : vector<1x16xf32> to vector<16xf32>
      %swap3A_160 = vector.shape_cast %add3A_155 : vector<16xf32> to vector<1x16xf32>
      tpu.vector_store %arg11[%swap3A_156, %swap3A_157], %swap3A_160 {strides = array<i32>} : memref<512x64xf32, #tpu.memory_space<vmem>>, vector<1x16xf32>,
    }
    %scan3A_105 = arith.constant 512 : i32
    "tpu.region"() ({
      %run_scoped3A = tpu.sem_alloc : memref<!tpu.dma_semaphore, #tpu.memory_space<semaphore_mem>>
      %dma_start3A_106 = arith.constant 0 : i32
      %dma_start3A_107 = tpu.memref_slice %arg8[%mul3A_2, %dma_start3A_106] : memref<16384x64xf32, #tpu.memory_space<hbm>> -> memref<512x64xf32, #tpu.memory_space<hbm>>
      %dma_start3A_108 = arith.constant 0 : i32
      %dma_start3A_109 = tpu.memref_slice %arg8[%mul3A_2, %dma_start3A_108] : memref<16384x64xf32, #tpu.memory_space<hbm>> -> memref<512x64xf32, #tpu.memory_space<hbm>>
      tpu.enqueue_dma source(%arg11 : memref<512x64xf32, #tpu.memory_space<vmem>>) target(%dma_start3A_109 : memref<512x64xf32, #tpu.memory_space<hbm>>) target_semaphore(%run_scoped3A : memref<!tpu.dma_semaphore, #tpu.memory_space<semaphore_mem>>)
      %dma_wait3A_110 = arith.constant 0 : i32
      %dma_wait3A_111 = tpu.memref_slice %arg8[%mul3A_2, %dma_wait3A_110] : memref<16384x64xf32, #tpu.memory_space<hbm>> -> memref<512x64xf32, #tpu.memory_space<hbm>>
      %dma_wait3A_112 = arith.constant 0 : i32
      %dma_wait3A_113 = tpu.memref_slice %arg8[%mul3A_2, %dma_wait3A_112] : memref<16384x64xf32, #tpu.memory_space<hbm>> -> memref<512x64xf32, #tpu.memory_space<hbm>>
      tpu.wait_dma2 semaphore(%run_scoped3A : memref<!tpu.dma_semaphore, #tpu.memory_space<semaphore_mem>>) src(%arg11 : memref<512x64xf32, #tpu.memory_space<vmem>>) dst(%dma_wait3A_113 : memref<512x64xf32, #tpu.memory_space<hbm>>)
      tpu.yield
    }) : () -> ()
    return
  }
}

module attributes {stable_mosaic.version = 14 : i64} {
  func.func @_tr_body(%arg0: i32, %arg1: memref<64x4096xf32, #tpu.memory_space<vmem>>, %arg2: memref<64x4096xf32, #tpu.memory_space<vmem>>, %arg3: memref<4096x128xf32, #tpu.memory_space<vmem>>) attributes {dimension_semantics = [#tpu.dimension_semantics<arbitrary>], iteration_bounds = array<i64: 123>, scalar_prefetch = 0 : i64, scratch_operands = 0 : i64, tpu.core_type = #tpu.core_type<tc>, window_params = [{transform_indices = @transform_0, window_bounds = array<i64: 64, 4096>}, {transform_indices = @transform_1, window_bounds = array<i64: 64, 4096>}, {transform_indices = @transform_2, window_bounds = array<i64: 4096, 128>}]} {
    %get3A = arith.constant 0 : index
    %get3A_0 = arith.constant 0 : index
    %get3A_1 = vector.load %arg1[%get3A, %get3A_0] : memref<64x4096xf32, #tpu.memory_space<vmem>>, vector<64x4096xf32>
    %transpose3A = tpu.transpose %get3A_1, [1, 0] : vector<64x4096xf32> -> vector<4096x64xf32>
    %swap3A = arith.constant 0 : index
    %swap3A_2 = arith.constant 0 : index
    %swap3A_3 = vector.load %arg3[%swap3A, %swap3A_2] : memref<4096x128xf32, #tpu.memory_space<vmem>>, vector<4096x64xf32>
    tpu.vector_store %arg3[%swap3A, %swap3A_2], %transpose3A {strides = array<i32>} : memref<4096x128xf32, #tpu.memory_space<vmem>>, vector<4096x64xf32>,
    %get3A_4 = arith.constant 0 : index
    %get3A_5 = arith.constant 0 : index
    %get3A_6 = vector.load %arg2[%get3A_4, %get3A_5] : memref<64x4096xf32, #tpu.memory_space<vmem>>, vector<64x4096xf32>
    %transpose3A_7 = tpu.transpose %get3A_6, [1, 0] : vector<64x4096xf32> -> vector<4096x64xf32>
    %swap3A_8 = arith.constant 0 : index
    %swap3A_9 = arith.constant 64 : index
    %swap3A_10 = vector.load %arg3[%swap3A_8, %swap3A_9] : memref<4096x128xf32, #tpu.memory_space<vmem>>, vector<4096x64xf32>
    tpu.vector_store %arg3[%swap3A_8, %swap3A_9], %transpose3A_7 {strides = array<i32>} : memref<4096x128xf32, #tpu.memory_space<vmem>>, vector<4096x64xf32>,
    return
  }
  func.func @transform_0(%arg0: i32) -> (i32, i32) {
    %c0_i32 = arith.constant 0 : i32
    %c0_i32_0 = arith.constant 0 : i32
    return %c0_i32, %arg0 : i32, i32
  }
  func.func @transform_1(%arg0: i32) -> (i32, i32) {
    %add3A = arith.constant 123 : i32
    %add3A_0 = arith.addi %arg0, %add3A : i32
    %min3A = arith.constant 244 : i32
    %min3A_1 = arith.minsi %add3A_0, %min3A : i32
    %c0_i32 = arith.constant 0 : i32
    %c0_i32_2 = arith.constant 0 : i32
    return %c0_i32, %min3A_1 : i32, i32
  }
  func.func @transform_2(%arg0: i32) -> (i32, i32) {
    %c0_i32 = arith.constant 0 : i32
    %c0_i32_0 = arith.constant 0 : i32
    return %arg0, %c0_i32 : i32, i32
  }
}

module attributes {stable_mosaic.version = 14 : i64} {
  func.func @_cos_body(%arg0: i32, %arg1: memref<2048x64xf32, #tpu.memory_space<vmem>>, %arg2: memref<2048x64xf32, #tpu.memory_space<vmem>>, %arg3: memref<2048x1xi32, #tpu.memory_space<vmem>>, %arg4: memref<2048x1xi32, #tpu.memory_space<vmem>>, %arg5: memref<2048x1xf32, #tpu.memory_space<vmem>>) attributes {dimension_semantics = [#tpu.dimension_semantics<arbitrary>], iteration_bounds = array<i64: 8>, scalar_prefetch = 0 : i64, scratch_operands = 0 : i64, tpu.core_type = #tpu.core_type<tc>, window_params = [{transform_indices = @transform_0, window_bounds = array<i64: 2048, 64>}, {transform_indices = @transform_1, window_bounds = array<i64: 2048, 64>}, {transform_indices = @transform_2, window_bounds = array<i64: 2048, 1>}, {transform_indices = @transform_3, window_bounds = array<i64: 2048, 1>}, {transform_indices = @transform_4, window_bounds = array<i64: 2048, 1>}]} {
    %get3A = arith.constant 0 : index
    %get3A_0 = arith.constant 0 : index
    %get3A_1 = vector.load %arg1[%get3A, %get3A_0] : memref<2048x64xf32, #tpu.memory_space<vmem>>, vector<2048x64xf32>
    %get3A_2 = arith.constant 0 : index
    %get3A_3 = arith.constant 0 : index
    %get3A_4 = vector.load %arg2[%get3A_2, %get3A_3] : memref<2048x64xf32, #tpu.memory_space<vmem>>, vector<2048x64xf32>
    %get3A_5 = arith.constant 0 : index
    %get3A_6 = arith.constant 0 : index
    %get3A_7 = vector.load %arg3[%get3A_5, %get3A_6] : memref<2048x1xi32, #tpu.memory_space<vmem>>, vector<2048x1xi32>
    %convert_element_type3A = arith.sitofp %get3A_7 : vector<2048x1xi32> to vector<2048x1xf32>
    %max3A = arith.constant 1.000000e+00 : f32
    %max3A_8 = vector.broadcast %max3A : f32 to vector<2048x1xf32>
    %max3A_9 = arith.maximumf %convert_element_type3A, %max3A_8 : vector<2048x1xf32>
    %get3A_10 = arith.constant 0 : index
    %get3A_11 = arith.constant 0 : index
    %get3A_12 = vector.load %arg4[%get3A_10, %get3A_11] : memref<2048x1xi32, #tpu.memory_space<vmem>>, vector<2048x1xi32>
    %convert_element_type3A_13 = arith.sitofp %get3A_12 : vector<2048x1xi32> to vector<2048x1xf32>
    %max3A_14 = arith.constant 1.000000e+00 : f32
    %max3A_15 = vector.broadcast %max3A_14 : f32 to vector<2048x1xf32>
    %max3A_16 = arith.maximumf %convert_element_type3A_13, %max3A_15 : vector<2048x1xf32>
    %mul3A = arith.mulf %get3A_1, %get3A_4 : vector<2048x64xf32>
    %reduce_sum3A = arith.constant dense<0.000000e+00> : vector<2048xf32>
    %reduce_sum3A_17 = vector.multi_reduction <add>, %mul3A, %reduce_sum3A [1] : vector<2048x64xf32> to vector<2048xf32>
    %broadcast_in_dim3A = vector.shape_cast %reduce_sum3A_17 : vector<2048xf32> to vector<2048x1xf32>
    %mul3A_18 = arith.mulf %get3A_1, %get3A_1 : vector<2048x64xf32>
    %reduce_sum3A_19 = arith.constant dense<0.000000e+00> : vector<2048xf32>
    %reduce_sum3A_20 = vector.multi_reduction <add>, %mul3A_18, %reduce_sum3A_19 [1] : vector<2048x64xf32> to vector<2048xf32>
    %broadcast_in_dim3A_21 = vector.shape_cast %reduce_sum3A_20 : vector<2048xf32> to vector<2048x1xf32>
    %mul3A_22 = arith.mulf %get3A_4, %get3A_4 : vector<2048x64xf32>
    %reduce_sum3A_23 = arith.constant dense<0.000000e+00> : vector<2048xf32>
    %reduce_sum3A_24 = vector.multi_reduction <add>, %mul3A_22, %reduce_sum3A_23 [1] : vector<2048x64xf32> to vector<2048xf32>
    %broadcast_in_dim3A_25 = vector.shape_cast %reduce_sum3A_24 : vector<2048xf32> to vector<2048x1xf32>
    %mul3A_26 = arith.mulf %max3A_9, %max3A_16 : vector<2048x1xf32>
    %div3A = arith.divf %broadcast_in_dim3A, %mul3A_26 : vector<2048x1xf32>
    %sqrt3A = math.sqrt %broadcast_in_dim3A_21 : vector<2048x1xf32>
    %div3A_27 = arith.divf %sqrt3A, %max3A_9 : vector<2048x1xf32>
    %sqrt3A_28 = math.sqrt %broadcast_in_dim3A_25 : vector<2048x1xf32>
    %div3A_29 = arith.divf %sqrt3A_28, %max3A_16 : vector<2048x1xf32>
    %mul3A_30 = arith.mulf %div3A_27, %div3A_29 : vector<2048x1xf32>
    %max3A_31 = arith.constant 9.99999993E-9 : f32
    %max3A_32 = vector.broadcast %max3A_31 : f32 to vector<2048x1xf32>
    %max3A_33 = arith.maximumf %mul3A_30, %max3A_32 : vector<2048x1xf32>
    %div3A_34 = arith.divf %div3A, %max3A_33 : vector<2048x1xf32>
    %swap3A = arith.constant 0 : index
    %swap3A_35 = arith.constant 0 : index
    %swap3A_36 = vector.load %arg5[%swap3A, %swap3A_35] : memref<2048x1xf32, #tpu.memory_space<vmem>>, vector<2048x1xf32>
    tpu.vector_store %arg5[%swap3A, %swap3A_35], %div3A_34 {strides = array<i32>} : memref<2048x1xf32, #tpu.memory_space<vmem>>, vector<2048x1xf32>,
    return
  }
  func.func @transform_0(%arg0: i32) -> (i32, i32) {
    %c0_i32 = arith.constant 0 : i32
    %c0_i32_0 = arith.constant 0 : i32
    return %arg0, %c0_i32 : i32, i32
  }
  func.func @transform_1(%arg0: i32) -> (i32, i32) {
    %c0_i32 = arith.constant 0 : i32
    %c0_i32_0 = arith.constant 0 : i32
    return %arg0, %c0_i32 : i32, i32
  }
  func.func @transform_2(%arg0: i32) -> (i32, i32) {
    %c0_i32 = arith.constant 0 : i32
    %c0_i32_0 = arith.constant 0 : i32
    return %arg0, %c0_i32 : i32, i32
  }
  func.func @transform_3(%arg0: i32) -> (i32, i32) {
    %c0_i32 = arith.constant 0 : i32
    %c0_i32_0 = arith.constant 0 : i32
    return %arg0, %c0_i32 : i32, i32
  }
  func.func @transform_4(%arg0: i32) -> (i32, i32) {
    %c0_i32 = arith.constant 0 : i32
    %c0_i32_0 = arith.constant 0 : i32
    return %arg0, %c0_i32 : i32, i32
  }
}

</mosaic_0001>

<sc_bundles>
// kernel: kernel.5.cloned.1.call-start
scs
__scs_entry_jumppad:
0x0: {  	(pc) =	sbr.rel $0x88, $3  }
0x1: {  	(tag) =	ssettag $0x0;
	lr =	simm.s32 $0x1  }
0x2: {  	[smem:$0x3F9C] =	sst lr;
	_ =	strace $0xD0000000  }
0x3: {  	_ = 	snop  }
0x4: {  	_ = 	snop  }
0x5: {  	_ = 	snop  }
0x6: {  	_ = 	snop  }
0x7: {  	_ = 	snop  }
__scs_overlays_trampoline_lowered:
0x8: {  	[smem:$0x3FAB] =	sst s0  }
0x9: {  	[smem:$0x3FAC] =	sst s1  }
0xa: {  	[smem:$0x3FAD] =	sst s2  }
0xb: {  	[smem:$0x3FAE] =	sst s3  }
0xc: {  	[smem:$0x3FAF] =	sst s4  }
0xd: {  	[smem:$0x3FB0] =	sst s5  }
0xe: {  	[smem:$0x3FB1] =	sst s6  }
0xf: {  	[smem:$0x3FB2] =	sst s7  }
0x10: {  	[smem:$0x3FB3] =	sst s8  }
0x11: {  	[smem:$0x3FB4] =	sst s9;
	s0 =	simm.s32 @!p0 $0x0  }
0x12: {  	s1 =	sld [smem:$0x3F9A];
	s0 =	simm.s32 @p0 $0x1  }
0x13: {  	[smem:$0x3FB5] =	sst s0;
	s0 =	simm.s32 @!p1 $0x0  }
0x14: {  	s2 =	sld [smem:$0x3F99];
	s0 =	simm.s32 @p1 $0x1  }
0x15: {  	[smem:$0x3FB6] =	sst s0;
	s0 =	simm.s32 @!p2 $0x0  }
0x16: {  	s3 =	sld [smem:$0x3FDB];
	s0 =	simm.s32 @p2 $0x1  }
0x17: {  	s4 =	simm.s32 $0x1BF5;
	[smem:$0x3FB8] =	sst s0  }
0x18: {  	s0 =	sld [smem:$0x3F9B];
	_ =	swait.ge [sflag:s4], $0x0  }
0x19: {  	s7 =	sld [smem:$0x3F9C]  }
0x1a: {  	s8 =	sadd.s32 $0xFFFFE003, lr  }
0x1b: {  	s9 =	sadd.s32 $0xFFFFFEF7, lr;
	s5 =	simm.s32 $0xFFFFFFFF;
	p2 =	slt.u32 s8, $0xFFFFF086  }
0x1c: {  	p1 =	slt.u32 s9, $0xF7A;
	s5 =	simm.s32 @!p2 $0x0  }
0x1d: {  	s5 =	simm.s32 @p1 $0x1;
	p0 =	seq.s32 s7, s2  }
0x1e: {  	s7 =	smul.u32 @!p0 $0xF7A, s2;
	p2 =	seq.s32 @!p0 s5, $0x0  }
0x1f: {  	s9 =	smul.u32 $0xF7A, s1;
	s8 =	simm.s32 @!p0 $0x1BF5;
	p2 =	por !p2, p0  }
0x20: {  	[sflag:s8] =	ssyncset.s32 @!p0 $0xFFFFF086;
	s6 =	sadd.s32 @!p0 s3, s7;
	s7 =	simm.s32 @!p0 $0x108  }
0x21: {  	s3 =	sadd.s32 s3, s9;
	s6 =	sadd.s32 @!p0 $0x88, s6;
	s7 =	simm.s32 @p2 $0x1082  }
0x22: {  	[simem:s7], [sflag:s8] =	dma.local @!p0 [hbm:s6], $0xF7A  }
0x23: {  	s9 =	sor.u32 $0xD0000000, s2;
	s6 =	simm.s32 $0x108;
	_ =	swait.ge @!p0 [sflag:s8], $0x0  }
0x24: {  	s3 =	sadd.s32 $0x88, s3;
	s6 =	simm.s32 @!p1 $0x1082;
	[sflag:s4] =	ssyncset.s32 $0xFFFFF086  }
0x25: {  	[simem:s6], [sflag:s4] =	dma.local [hbm:s3], $0xF7A  }
0x26: {  	[smem:$0x3F9C] =	sst s1;
	(tag) =	ssettag s2;
	_ =	strace s9  }
0x27: {  	s1 =	sld [smem:$0x3FAC]  }
0x28: {  	s2 =	sld [smem:$0x3FAD]  }
0x29: {  	s4 =	sld [smem:$0x3FAF]  }
0x2a: {  	p0 =	seq.s32 s5, $0x0;
	s5 =	sld [smem:$0x3FB0]  }
0x2b: {  	s6 =	sld [smem:$0x3FB1]  }
0x2c: {  	s7 =	sld [smem:$0x3FB2]  }
0x2d: {  	s3 =	simm.s32 $0x108;
	s8 =	sld [smem:$0x3FB3]  }
0x2e: {  	s3 =	simm.s32 @!p0 $0x1082;
	s9 =	sld [smem:$0x3FB4]  }
0x2f: {  	lr =	sadd.s32 s0, s3;
	s0 =	sld [smem:$0x3FAB]  }
0x30: {  	s3 =	sld [smem:$0x3FAE]  }
0x31: {  	[smem:$0x3FB7] =	sst s10  }
0x32: {  	s10 =	sld [smem:$0x3FB5];
	_ =	sdelay $0x3  }
0x33: {  	p0 =	seq.s32 s10, $0x1;
	s10 =	sld [smem:$0x3FB7];
	_ =	sdelay $0x3  }
0x34: {  	[smem:$0x3FB7] =	sst s10  }
0x35: {  	s10 =	sld [smem:$0x3FB6];
	_ =	sdelay $0x3  }
0x36: {  	p1 =	seq.s32 s10, $0x1;
	s10 =	sld [smem:$0x3FB7];
	_ =	sdelay $0x3  }
0x37: {  	[smem:$0x3FB7] =	sst s10  }
0x38: {  	s10 =	sld [smem:$0x3FB8]  }
0x39: {  	_ = 	snop;
	(pc) =	sbr.ind lr, $3  }
0x3a: {  	_ = 	snop  }
0x3b: {  	_ = 	snop  }
0x3c: {  	p2 =	seq.s32 s10, $0x1;
	s10 =	sld [smem:$0x3FB7]  }
0x3d: {  	_ =	shalt  }
0x3e: {  	_ =	shalt  }
0x3f: {  	_ =	shalt  }
0x40: {  	_ =	shalt  }
0x41: {  	_ =	shalt  }
0x42: {  	_ =	shalt  }
0x43: {  	_ =	shalt  }
0x44: {  	_ =	shalt  }
0x45: {  	_ =	shalt  }
0x46: {  	_ =	shalt  }
0x47: {  	_ =	shalt  }
0x48: {  	_ =	shalt  }
0x49: {  	_ =	shalt  }
0x4a: {  	_ =	shalt  }
0x4b: {  	_ =	shalt  }
0x4c: {  	_ =	shalt  }
0x4d: {  	_ =	shalt  }
0x4e: {  	_ =	shalt  }
0x4f: {  	_ =	shalt  }
0x50: {  	_ =	shalt  }
0x51: {  	_ =	shalt  }
0x52: {  	_ =	shalt  }
0x53: {  	_ =	shalt  }
0x54: {  	_ =	shalt  }
0x55: {  	_ =	shalt  }
0x56: {  	_ =	shalt  }
0x57: {  	_ =	shalt  }
0x58: {  	_ =	shalt  }
0x59: {  	_ =	shalt  }
0x5a: {  	_ =	shalt  }
0x5b: {  	_ =	shalt  }
0x5c: {  	_ =	shalt  }
0x5d: {  	_ =	shalt  }
0x5e: {  	_ =	shalt  }
0x5f: {  	_ =	shalt  }
0x60: {  	_ =	shalt  }
0x61: {  	_ =	shalt  }
0x62: {  	_ =	shalt  }
0x63: {  	_ =	shalt  }
0x64: {  	_ =	shalt  }
0x65: {  	_ =	shalt  }
0x66: {  	_ =	shalt  }
0x67: {  	_ =	shalt  }
0x68: {  	_ =	shalt  }
0x69: {  	_ =	shalt  }
0x6a: {  	_ =	shalt  }
0x6b: {  	_ =	shalt  }
0x6c: {  	_ =	shalt  }
0x6d: {  	_ =	shalt  }
0x6e: {  	_ =	shalt  }
0x6f: {  	_ =	shalt  }
0x70: {  	_ =	shalt  }
0x71: {  	_ =	shalt  }
0x72: {  	_ =	shalt  }
0x73: {  	_ =	shalt  }
0x74: {  	_ =	shalt  }
0x75: {  	_ =	shalt  }
0x76: {  	_ =	shalt  }
0x77: {  	_ =	shalt  }
0x78: {  	_ =	shalt  }
0x79: {  	_ =	shalt  }
0x7a: {  	_ =	shalt  }
0x7b: {  	_ =	shalt  }
0x7c: {  	_ =	shalt  }
0x7d: {  	_ =	shalt  }
0x7e: {  	_ =	shalt  }
0x7f: {  	_ =	shalt  }
0x80: {  	_ =	shalt  }
0x81: {  	_ =	shalt  }
0x82: {  	_ =	shalt  }
0x83: {  	_ =	shalt  }
0x84: {  	_ =	shalt  }
0x85: {  	_ =	shalt  }
0x86: {  	_ =	shalt  }
0x87: {  	_ =	shalt  }
.Lfunc_end0:
.L_simem_size_0:
called_computation_lowered:
.L_overlay_start_0:
0x88: {  	s2 =	sld [smem:$0x3FD9]  }
0x89: {  	s3 =	sld [smem:$0x3FFE];
	_ =	sdelay $0x1  }
0x8a: {  	s1 =	srdreg.scid  }
0x8b: {  	s0 =	sand.u32 $0x1, s1  }
0x8c: {  	s17 =	sshll.u32 s0, $0xA;
	s2 =	sadd.s32 s3, s2  }
0x8d: {  	s2 =	sadd.s32 s2, s17  }
0x8e: {  	[smem:$0x3FC3] =	sst s2  }
0x8f: {  	_ = 	snop  }
0x90: {  	s2 =	sld [smem:$0x3FC8]  }
0x91: {  	s18 =	sld [smem:$0x3FC6];
	(tm) =	ssettm $0x1  }
0x92: {  	s4 =	sld [smem:$0x3FFB];
	_ =	sdelay $0x3  }
0x93: {  	_ =	strace s4  }
0x94: {  	s4 =	sld [smem:$0x3FFC];
	_ =	sdelay $0x3  }
0x95: {  	_ =	strace s4  }
0x96: {  	s4 =	sld [smem:$0x3FFD];
	_ =	sdelay $0x3  }
0x97: {  	_ =	strace s4  }
0x98: {  	_ =	strace $0x8FFFFFFF  }
0x99: {  	s19 =	sld [smem:$0x3FDB];
	_ =	sdelay $0x1  }
0x9a: {  	s5 =	simm.s32 $_scs_section_size  }
0x9b: {  	s6 =	simm.s32 $_size__tile_overlayer_lowered;
	s7 =	simm.s32 $_tile_overlayer_lowered  }
0x9c: {  	s22 =	simm.s32 $0x1BFF;
	s21 =	sshll.u32 s7, $0x1;
	s4 =	sadd.s32 s5, s19  }
0x9d: {  	s8 =	simm.s32 $0x0;
	s20 =	sshll.u32 s6, $0x1;
	s6 =	sadd.s32 s21, s4  }
0x9e: {  	[timem:s8], [sflag:s22] =	dma.local [hbm:s6], s20  }
0x9f: {  	_ =	swait.ge [sflag:s22], s20  }
0xa0: {  	s5 =	ssub.s32 $0x0, s20;
	[sflag:s22] =	ssyncset.done $0x0  }
0xa1: {  	[sflag:s22] =	ssyncadd.s32 s5;
	_ =	sdelay $0x1  }
0xa2: {  	s23 =	simm.s32 $0x1B8B  }
0xa3: {  	_ =	swait.ge [sflag:s23], $0x1  }
0xa4: {  	[sflag:s23] =	ssyncset.done $0x0  }
0xa5: {  	s25 =	simm.s32 $0x1B8E;
	s24 =	sld [smem:$0x3FFE];
	[sflag:s23] =	ssyncadd.s32 $0xFFFFFFFF  }
0xa6: {  	s26 =	simm.s32 $execute0_lowered;
	[smem:$0x3FD2] =	sst s25  }
0xa7: {  	s6 =	sshll.u32 s26, $0x1;
	_ =	strace $0x80000046;
	[dreg:$0x1] =	wrdreg $0xFFFFFFFF  }
0xa8: {  	s28 =	simm.s32 $_size_execute0_lowered;
	s4 =	sadd.s32 s4, s6;
	[dreg:$0x0] =	wrdreg $0x0  }
0xa9: {  	s6 =	sshll.u32 s28, $0x1;
	[dreg:$0x2] =	wrdreg s4  }
0xaa: {  	[dreg:$0x3] =	wrdreg s6  }
0xab: {  	[dreg:$0x4] =	wrdreg $0xC0  }
0xac: {  	_ =	task [dreg:s8], $0x5FFFF  }
0xad: {  	[dreg:$0x1] =	wrdreg $0xFFFFFFFF  }
0xae: {  	[dreg:$0x0] =	wrdreg $0x60  }
0xaf: {  	[dreg:$0x2] =	wrdreg s24  }
0xb0: {  	[dreg:$0x3] =	wrdreg s2  }
0xb1: {  	[dreg:$0x4] =	wrdreg s18  }
0xb2: {  	[dreg:$0x5] =	wrdreg $0x9  }
0xb3: {  	_ =	task.clear_ibuf [dreg:s8], $0x6FFFF;
	_ =	strace $0x90000046  }
0xb4: {  	s29 =	simm.s32 $0x9;
	_ =	strace $0x80000048  }
0xb5: {  	_ =	swait.ge [sflag:s29], $0x1  }
0xb6: {  	[sflag:s29] =	ssyncadd.s32 $0xFFFFFFFF  }
0xb7: {  	_ =	strace $0x90000048  }
0xb8: {  	_ =	sfence  }
0xb9: {  	s30 =	sld [smem:$0x0];
	_ =	sdelay $0x2  }
0xba: {  	s31 =	sshll.u32 s1, $0xD;
	s1 =	sshrl.u32 s1, $0x2  }
0xbb: {  	s3 =	sand.u32 $0x4000, s31;
	s1 =	sadd.s32 s1, s30  }
0xbc: {  	s0 =	sor.u32 s3, s0;
	s1 =	sshll.u32 s1, $0x11  }
0xbd: {  	s0 =	sor.u32 s1, s0  }
0xbe: {  	s0 =	sadd.s32 $0x8F2B, s0  }
0xbf: {  	[sflag:s0] =	ssyncadd.remote.s32 $0x1  }
0xc0: {  	_ =	sfence.sel $0xFFFF  }
0xc1: {  	[dreg:$0x0] =	wrdreg $0xFFFFFFFF;
	(pc) =	sbr.abs _section_cstart, $3  }
0xc2: {  	[dreg:$0x1] =	wrdreg $0xFFFFFFFF  }
0xc3: {  	_ =	task.clear_ibuf [dreg:s8], $0x2FFFF;
	_ =	strace $0x9FFFFFFF  }
0xc4: {  	(tm) =	ssettm $0x7FFFFFFF  }
0xc5: {  	_ =	shalt  }
tec
execute0_lowered:
.L_overlay_start_1:
0x0: {  	(tag) =	ssettag $0x1  }
0x1: {  	s4 =	rddreg [dreg:$0x0];
	s1 =	srdreg.scid  }
0x2: {  	s5 =	rddreg [dreg:$0x1];
	s0 =	stileid.u32  }
0x3: {  	s8 =	rddreg [dreg:$0x2];
	s2 =	simm.s32 $0x0;
	s13 =	simm.s32 $0x3  }
0x4: {  	s14 =	simm.s32 $0x6400;
	s15 =	simm.s32 $0x6600;
	s16 =	simm.s32 $0xE600  }
0x5: {  	s17 =	simm.s32 $0x1;
	s18 =	simm.s32 $0x2;
	s19 =	simm.s32 $0x0  }
0x6: {  	s3 =	sand.u32 $0x1, s1;
	s6 =	sshll.u32 s0, $0xA;
	[smem:$0x7FF] =	sst s2  }
0x7: {  	s1 =	rddreg [dreg:$0x3];
	s7 =	sshll.u32 s3, $0x9;
	_ =	strace $0x80000047  }
0x8: {  	s10 =	ssub.s32 $0x2, s3;
	s3 =	sadd.s32 $0xE00, s4;
	s6 =	sor.u32 s7, s6  }
0x9: {  	s11 =	sshrl.u32 s10, $0x1;
	s9 =	sshrl.u32 s6, $0x3;
	s6 =	sshll.u32 s6, $0x3  }
0xa: {  	s10 =	ssub.s32 s10, s11;
	s11 =	simm.s32 $0x200;
	s31 =	sadd.s32 s9, s4  }
0xb: {  	s12 =	sadd.s32 s6, s4;
	s5 =	sadd.s32 s5, s9;
	s4 =	sadd.s32 $0x7C9E00, s31  }
0xc: {  	s8 =	sadd.s32 s8, s9;
	s6 =	sadd.s32 $0x802E00, s12;
	s7 =	sadd.s32 $0x7B0E00, s31  }
0xd: {  	v0 =	vimm.f32 $0.0e+00;
	s10 =	smax.u32 s10, $0x1;
	s9 =	sadd.s32 $0x7E2E00, s12;
	s12 =	simm.s32 $0x4000  }
.LBB2_1:
0xe: {  	[tilespmem:s2], [sflag:$0x3] =	stream.strided.gather [hbm4b:s4+s11], $0x6400, s12, s11, $0x38;
	[tilespmem:$0x16600] =	vst v63  }
0xf: {  	_ =	swait.ge [sflag:s13], $0x6400  }
0x10: {  	[sflag:s13] =	ssyncset.done $0x0  }
0x11: {  	[sflag:s13] =	ssyncadd.s32 $0xFFFF9C00  }
0x12: {  	[tilespmem:s14], [sflag:$0x3] =	stream.linear.gather [hbm4b:s5+s2], $0x200, $0x38;
	[tilespmem:$0x16600] =	vst v63  }
0x13: {  	_ =	swait.ge [sflag:s13], $0x200  }
0x14: {  	[sflag:s13] =	ssyncset.done $0x0  }
0x15: {  	s21 =	simm.s32 $0x100;
	[sflag:s13] =	ssyncadd.s32 $0xFFFFFE00  }
0x16: {  	v1 =	vld [tilespmem:s21+$0xFFFFFF00];
	_ =	sdelay $0x1  }
0x17: {  	v2 =	vld [tilespmem:$0x6400];
	_ =	sdelay $0x2  }
0x18: {  	v3 =	vshll.u32 v1, $0x1  }
0x19: {  	vm0 =	vlt.s32 v1, $0x7B000;
	v1 =	vmov s2;
	v4 =	vadd.s32 $0xFFF0A001, v3  }
0x1a: {  	vm13 =	vlt.s32 v1, v2;
	v3 =	vsel vm0, v3, v4  }
0x1b: {  	v2 =	vnsel vm13, $0xFFFFFFFF, v3;
	v3 =	vld [tilespmem:s21+$0xFFFFFF10]  }
0x1c: {  	[tilespmem:s21+$0xFFFFFF00] =	vst v2  }
0x1d: {  	v2 =	vld [tilespmem:$0x6410];
	_ =	sdelay $0x2  }
0x1e: {  	v33 =	vshll.u32 v3, $0x1  }
0x1f: {  	vm14 =	vlt.s32 v3, $0x7B000;
	v3 =	vadd.s32 $0xFFF0A001, v33  }
0x20: {  	v3 =	vsel vm14, v33, v3;
	vm15 =	vlt.s32 v1, v2  }
0x21: {  	v2 =	vnsel vm15, $0xFFFFFFFF, v3;
	v3 =	vld [tilespmem:s21+$0xFFFFFF20]  }
0x22: {  	[tilespmem:s21+$0xFFFFFF10] =	vst v2  }
0x23: {  	v2 =	vld [tilespmem:$0x6420];
	_ =	sdelay $0x2  }
0x24: {  	v34 =	vshll.u32 v3, $0x1  }
0x25: {  	vm4 =	vlt.s32 v3, $0x7B000;
	v3 =	vadd.s32 $0xFFF0A001, v34  }
0x26: {  	v3 =	vsel vm4, v34, v3;
	vm5 =	vlt.s32 v1, v2  }
0x27: {  	v2 =	vnsel vm5, $0xFFFFFFFF, v3;
	v3 =	vld [tilespmem:s21+$0xFFFFFF30]  }
0x28: {  	[tilespmem:s21+$0xFFFFFF20] =	vst v2  }
0x29: {  	v2 =	vld [tilespmem:$0x6430];
	_ =	sdelay $0x2  }
0x2a: {  	v35 =	vshll.u32 v3, $0x1  }
0x2b: {  	vm6 =	vlt.s32 v3, $0x7B000;
	v3 =	vadd.s32 $0xFFF0A001, v35  }
0x2c: {  	v3 =	vsel vm6, v35, v3;
	vm7 =	vlt.s32 v1, v2  }
0x2d: {  	v2 =	vnsel vm7, $0xFFFFFFFF, v3;
	v3 =	vld [tilespmem:s21+$0xFFFFFF40]  }
0x2e: {  	[tilespmem:s21+$0xFFFFFF30] =	vst v2  }
0x2f: {  	v2 =	vld [tilespmem:$0x6440];
	_ =	sdelay $0x2  }
0x30: {  	v36 =	vshll.u32 v3, $0x1  }
0x31: {  	vm8 =	vlt.s32 v3, $0x7B000;
	v3 =	vadd.s32 $0xFFF0A001, v36  }
0x32: {  	v3 =	vsel vm8, v36, v3;
	vm9 =	vlt.s32 v1, v2  }
0x33: {  	v2 =	vnsel vm9, $0xFFFFFFFF, v3;
	v3 =	vld [tilespmem:s21+$0xFFFFFF50]  }
0x34: {  	[tilespmem:s21+$0xFFFFFF40] =	vst v2  }
0x35: {  	v2 =	vld [tilespmem:$0x6450];
	_ =	sdelay $0x2  }
0x36: {  	v37 =	vshll.u32 v3, $0x1  }
0x37: {  	vm10 =	vlt.s32 v3, $0x7B000;
	v3 =	vadd.s32 $0xFFF0A001, v37  }
0x38: {  	v3 =	vsel vm10, v37, v3;
	vm11 =	vlt.s32 v1, v2  }
0x39: {  	v2 =	vnsel vm11, $0xFFFFFFFF, v3;
	v3 =	vld [tilespmem:s21+$0xFFFFFF60]  }
0x3a: {  	[tilespmem:s21+$0xFFFFFF50] =	vst v2  }
0x3b: {  	v2 =	vld [tilespmem:$0x6460];
	_ =	sdelay $0x2  }
0x3c: {  	v38 =	vshll.u32 v3, $0x1  }
0x3d: {  	vm12 =	vlt.s32 v3, $0x7B000;
	v3 =	vadd.s32 $0xFFF0A001, v38  }
0x3e: {  	v3 =	vsel vm12, v38, v3;
	vm13 =	vlt.s32 v1, v2  }
0x3f: {  	v2 =	vnsel vm13, $0xFFFFFFFF, v3;
	v3 =	vld [tilespmem:s21+$0xFFFFFF70]  }
0x40: {  	[tilespmem:s21+$0xFFFFFF60] =	vst v2  }
0x41: {  	v2 =	vld [tilespmem:$0x6470];
	_ =	sdelay $0x2  }
0x42: {  	v39 =	vshll.u32 v3, $0x1  }
0x43: {  	vm14 =	vlt.s32 v3, $0x7B000;
	v3 =	vadd.s32 $0xFFF0A001, v39  }
0x44: {  	v3 =	vsel vm14, v39, v3;
	vm15 =	vlt.s32 v1, v2  }
0x45: {  	v2 =	vnsel vm15, $0xFFFFFFFF, v3;
	v3 =	vld [tilespmem:s21+$0xFFFFFF80]  }
0x46: {  	[tilespmem:s21+$0xFFFFFF70] =	vst v2  }
0x47: {  	v2 =	vld [tilespmem:$0x6480];
	_ =	sdelay $0x2  }
0x48: {  	v40 =	vshll.u32 v3, $0x1  }
0x49: {  	vm4 =	vlt.s32 v3, $0x7B000;
	v3 =	vadd.s32 $0xFFF0A001, v40  }
0x4a: {  	v3 =	vsel vm4, v40, v3;
	vm5 =	vlt.s32 v1, v2  }
0x4b: {  	v2 =	vnsel vm5, $0xFFFFFFFF, v3;
	v3 =	vld [tilespmem:s21+$0xFFFFFF90]  }
0x4c: {  	[tilespmem:s21+$0xFFFFFF80] =	vst v2  }
0x4d: {  	v2 =	vld [tilespmem:$0x6490];
	_ =	sdelay $0x2  }
0x4e: {  	v41 =	vshll.u32 v3, $0x1  }
0x4f: {  	vm6 =	vlt.s32 v3, $0x7B000;
	v3 =	vadd.s32 $0xFFF0A001, v41  }
0x50: {  	v3 =	vsel vm6, v41, v3;
	vm7 =	vlt.s32 v1, v2  }
0x51: {  	v2 =	vnsel vm7, $0xFFFFFFFF, v3;
	v3 =	vld [tilespmem:s21+$0xFFFFFFA0]  }
0x52: {  	[tilespmem:s21+$0xFFFFFF90] =	vst v2  }
0x53: {  	v2 =	vld [tilespmem:$0x64A0];
	_ =	sdelay $0x2  }
0x54: {  	v42 =	vshll.u32 v3, $0x1  }
0x55: {  	vm8 =	vlt.s32 v3, $0x7B000;
	v3 =	vadd.s32 $0xFFF0A001, v42  }
0x56: {  	v3 =	vsel vm8, v42, v3;
	vm9 =	vlt.s32 v1, v2  }
0x57: {  	v2 =	vnsel vm9, $0xFFFFFFFF, v3;
	v3 =	vld [tilespmem:s21+$0xFFFFFFB0]  }
0x58: {  	[tilespmem:s21+$0xFFFFFFA0] =	vst v2  }
0x59: {  	v2 =	vld [tilespmem:$0x64B0];
	_ =	sdelay $0x2  }
0x5a: {  	v43 =	vshll.u32 v3, $0x1  }
0x5b: {  	vm10 =	vlt.s32 v3, $0x7B000;
	v3 =	vadd.s32 $0xFFF0A001, v43  }
0x5c: {  	v3 =	vsel vm10, v43, v3;
	vm11 =	vlt.s32 v1, v2  }
0x5d: {  	v2 =	vnsel vm11, $0xFFFFFFFF, v3;
	v3 =	vld [tilespmem:s21+$0xFFFFFFC0]  }
0x5e: {  	[tilespmem:s21+$0xFFFFFFB0] =	vst v2  }
0x5f: {  	v2 =	vld [tilespmem:$0x64C0];
	_ =	sdelay $0x2  }
0x60: {  	v44 =	vshll.u32 v3, $0x1  }
0x61: {  	vm12 =	vlt.s32 v3, $0x7B000;
	v3 =	vadd.s32 $0xFFF0A001, v44  }
0x62: {  	v3 =	vsel vm12, v44, v3;
	vm13 =	vlt.s32 v1, v2  }
0x63: {  	v2 =	vnsel vm13, $0xFFFFFFFF, v3;
	v3 =	vld [tilespmem:s21+$0xFFFFFFD0]  }
0x64: {  	[tilespmem:s21+$0xFFFFFFC0] =	vst v2  }
0x65: {  	v2 =	vld [tilespmem:$0x64D0];
	_ =	sdelay $0x2  }
0x66: {  	v45 =	vshll.u32 v3, $0x1  }
0x67: {  	vm14 =	vlt.s32 v3, $0x7B000;
	v3 =	vadd.s32 $0xFFF0A001, v45  }
0x68: {  	v3 =	vsel vm14, v45, v3;
	vm15 =	vlt.s32 v1, v2  }
0x69: {  	v2 =	vnsel vm15, $0xFFFFFFFF, v3;
	v3 =	vld [tilespmem:s21+$0xFFFFFFE0]  }
0x6a: {  	[tilespmem:s21+$0xFFFFFFD0] =	vst v2  }
0x6b: {  	v2 =	vld [tilespmem:$0x64E0];
	_ =	sdelay $0x2  }
0x6c: {  	v46 =	vshll.u32 v3, $0x1  }
0x6d: {  	vm4 =	vlt.s32 v3, $0x7B000;
	v3 =	vadd.s32 $0xFFF0A001, v46  }
0x6e: {  	v3 =	vsel vm4, v46, v3;
	vm5 =	vlt.s32 v1, v2  }
0x6f: {  	v2 =	vnsel vm5, $0xFFFFFFFF, v3;
	v3 =	vld [tilespmem:s21+$0xFFFFFFF0]  }
0x70: {  	[tilespmem:s21+$0xFFFFFFE0] =	vst v2  }
0x71: {  	v2 =	vld [tilespmem:$0x64F0];
	_ =	sdelay $0x2  }
0x72: {  	v47 =	vshll.u32 v3, $0x1  }
0x73: {  	vm6 =	vlt.s32 v3, $0x7B000;
	v3 =	vadd.s32 $0xFFF0A001, v47  }
0x74: {  	v3 =	vsel vm6, v47, v3;
	vm7 =	vlt.s32 v1, v2  }
0x75: {  	v2 =	vnsel vm7, $0xFFFFFFFF, v3;
	v3 =	vld [tilespmem:s21+$0x0]  }
0x76: {  	[tilespmem:s21+$0xFFFFFFF0] =	vst v2  }
0x77: {  	v2 =	vld [tilespmem:$0x6500];
	_ =	sdelay $0x2  }
0x78: {  	v48 =	vshll.u32 v3, $0x1  }
0x79: {  	vm8 =	vlt.s32 v3, $0x7B000;
	v3 =	vadd.s32 $0xFFF0A001, v48  }
0x7a: {  	v3 =	vsel vm8, v48, v3;
	vm9 =	vlt.s32 v1, v2  }
0x7b: {  	v2 =	vnsel vm9, $0xFFFFFFFF, v3;
	v3 =	vld [tilespmem:s21+$0x10]  }
0x7c: {  	[tilespmem:s21+$0x0] =	vst v2  }
0x7d: {  	v2 =	vld [tilespmem:$0x6510];
	_ =	sdelay $0x2  }
0x7e: {  	v49 =	vshll.u32 v3, $0x1  }
0x7f: {  	vm10 =	vlt.s32 v3, $0x7B000;
	v3 =	vadd.s32 $0xFFF0A001, v49  }
0x80: {  	v3 =	vsel vm10, v49, v3;
	vm11 =	vlt.s32 v1, v2  }
0x81: {  	v2 =	vnsel vm11, $0xFFFFFFFF, v3;
	v3 =	vld [tilespmem:s21+$0x20]  }
0x82: {  	[tilespmem:s21+$0x10] =	vst v2  }
0x83: {  	v2 =	vld [tilespmem:$0x6520];
	_ =	sdelay $0x2  }
0x84: {  	v50 =	vshll.u32 v3, $0x1  }
0x85: {  	vm12 =	vlt.s32 v3, $0x7B000;
	v3 =	vadd.s32 $0xFFF0A001, v50  }
0x86: {  	v3 =	vsel vm12, v50, v3;
	vm13 =	vlt.s32 v1, v2  }
0x87: {  	v2 =	vnsel vm13, $0xFFFFFFFF, v3;
	v3 =	vld [tilespmem:s21+$0x30]  }
0x88: {  	[tilespmem:s21+$0x20] =	vst v2  }
0x89: {  	v2 =	vld [tilespmem:$0x6530];
	_ =	sdelay $0x2  }
0x8a: {  	v51 =	vshll.u32 v3, $0x1  }
0x8b: {  	vm14 =	vlt.s32 v3, $0x7B000;
	v3 =	vadd.s32 $0xFFF0A001, v51  }
0x8c: {  	v3 =	vsel vm14, v51, v3;
	vm15 =	vlt.s32 v1, v2  }
0x8d: {  	v2 =	vnsel vm15, $0xFFFFFFFF, v3;
	v3 =	vld [tilespmem:s21+$0x40]  }
0x8e: {  	[tilespmem:s21+$0x30] =	vst v2  }
0x8f: {  	v2 =	vld [tilespmem:$0x6540];
	_ =	sdelay $0x2  }
0x90: {  	v52 =	vshll.u32 v3, $0x1  }
0x91: {  	vm4 =	vlt.s32 v3, $0x7B000;
	v3 =	vadd.s32 $0xFFF0A001, v52  }
0x92: {  	v3 =	vsel vm4, v52, v3;
	vm5 =	vlt.s32 v1, v2  }
0x93: {  	v2 =	vnsel vm5, $0xFFFFFFFF, v3;
	v3 =	vld [tilespmem:s21+$0x50]  }
0x94: {  	[tilespmem:s21+$0x40] =	vst v2  }
0x95: {  	v2 =	vld [tilespmem:$0x6550];
	_ =	sdelay $0x2  }
0x96: {  	v53 =	vshll.u32 v3, $0x1  }
0x97: {  	vm6 =	vlt.s32 v3, $0x7B000;
	v3 =	vadd.s32 $0xFFF0A001, v53  }
0x98: {  	v3 =	vsel vm6, v53, v3;
	vm7 =	vlt.s32 v1, v2  }
0x99: {  	v2 =	vnsel vm7, $0xFFFFFFFF, v3;
	v3 =	vld [tilespmem:s21+$0x60]  }
0x9a: {  	[tilespmem:s21+$0x50] =	vst v2  }
0x9b: {  	v2 =	vld [tilespmem:$0x6560];
	_ =	sdelay $0x2  }
0x9c: {  	v54 =	vshll.u32 v3, $0x1  }
0x9d: {  	vm8 =	vlt.s32 v3, $0x7B000;
	v3 =	vadd.s32 $0xFFF0A001, v54  }
0x9e: {  	v3 =	vsel vm8, v54, v3;
	vm9 =	vlt.s32 v1, v2  }
0x9f: {  	v2 =	vnsel vm9, $0xFFFFFFFF, v3;
	v3 =	vld [tilespmem:s21+$0x70]  }
0xa0: {  	[tilespmem:s21+$0x60] =	vst v2  }
0xa1: {  	v2 =	vld [tilespmem:$0x6570];
	_ =	sdelay $0x2  }
0xa2: {  	v55 =	vshll.u32 v3, $0x1  }
0xa3: {  	vm10 =	vlt.s32 v3, $0x7B000;
	v3 =	vadd.s32 $0xFFF0A001, v55  }
0xa4: {  	v3 =	vsel vm10, v55, v3;
	vm11 =	vlt.s32 v1, v2  }
0xa5: {  	v2 =	vnsel vm11, $0xFFFFFFFF, v3;
	v3 =	vld [tilespmem:s21+$0x80]  }
0xa6: {  	[tilespmem:s21+$0x70] =	vst v2  }
0xa7: {  	v2 =	vld [tilespmem:$0x6580];
	_ =	sdelay $0x2  }
0xa8: {  	v56 =	vshll.u32 v3, $0x1  }
0xa9: {  	vm12 =	vlt.s32 v3, $0x7B000;
	v3 =	vadd.s32 $0xFFF0A001, v56  }
0xaa: {  	v3 =	vsel vm12, v56, v3;
	vm13 =	vlt.s32 v1, v2  }
0xab: {  	v2 =	vnsel vm13, $0xFFFFFFFF, v3;
	v3 =	vld [tilespmem:s21+$0x90]  }
0xac: {  	[tilespmem:s21+$0x80] =	vst v2  }
0xad: {  	v2 =	vld [tilespmem:$0x6590];
	_ =	sdelay $0x2  }
0xae: {  	v57 =	vshll.u32 v3, $0x1  }
0xaf: {  	vm14 =	vlt.s32 v3, $0x7B000;
	v3 =	vadd.s32 $0xFFF0A001, v57  }
0xb0: {  	v3 =	vsel vm14, v57, v3;
	vm15 =	vlt.s32 v1, v2  }
0xb1: {  	v2 =	vnsel vm15, $0xFFFFFFFF, v3;
	v3 =	vld [tilespmem:s21+$0xA0]  }
0xb2: {  	[tilespmem:s21+$0x90] =	vst v2  }
0xb3: {  	v2 =	vld [tilespmem:$0x65A0];
	_ =	sdelay $0x2  }
0xb4: {  	v58 =	vshll.u32 v3, $0x1  }
0xb5: {  	vm4 =	vlt.s32 v3, $0x7B000;
	v3 =	vadd.s32 $0xFFF0A001, v58  }
0xb6: {  	v3 =	vsel vm4, v58, v3;
	vm5 =	vlt.s32 v1, v2  }
0xb7: {  	v2 =	vnsel vm5, $0xFFFFFFFF, v3;
	v3 =	vld [tilespmem:s21+$0xB0]  }
0xb8: {  	[tilespmem:s21+$0xA0] =	vst v2  }
0xb9: {  	v2 =	vld [tilespmem:$0x65B0];
	_ =	sdelay $0x2  }
0xba: {  	v59 =	vshll.u32 v3, $0x1  }
0xbb: {  	vm6 =	vlt.s32 v3, $0x7B000;
	v3 =	vadd.s32 $0xFFF0A001, v59  }
0xbc: {  	v3 =	vsel vm6, v59, v3;
	vm7 =	vlt.s32 v1, v2  }
0xbd: {  	v2 =	vnsel vm7, $0xFFFFFFFF, v3;
	v3 =	vld [tilespmem:s21+$0xC0]  }
0xbe: {  	[tilespmem:s21+$0xB0] =	vst v2  }
0xbf: {  	v2 =	vld [tilespmem:$0x65C0];
	_ =	sdelay $0x2  }
0xc0: {  	v60 =	vshll.u32 v3, $0x1  }
0xc1: {  	vm8 =	vlt.s32 v3, $0x7B000;
	v3 =	vadd.s32 $0xFFF0A001, v60  }
0xc2: {  	v3 =	vsel vm8, v60, v3;
	vm9 =	vlt.s32 v1, v2  }
0xc3: {  	v2 =	vnsel vm9, $0xFFFFFFFF, v3;
	v3 =	vld [tilespmem:s21+$0xD0]  }
0xc4: {  	[tilespmem:s21+$0xC0] =	vst v2  }
0xc5: {  	v2 =	vld [tilespmem:$0x65D0];
	_ =	sdelay $0x2  }
0xc6: {  	v61 =	vshll.u32 v3, $0x1  }
0xc7: {  	vm10 =	vlt.s32 v3, $0x7B000;
	v3 =	vadd.s32 $0xFFF0A001, v61  }
0xc8: {  	v3 =	vsel vm10, v61, v3;
	vm11 =	vlt.s32 v1, v2  }
0xc9: {  	v2 =	vnsel vm11, $0xFFFFFFFF, v3;
	v3 =	vld [tilespmem:s21+$0xE0]  }
0xca: {  	[tilespmem:s21+$0xD0] =	vst v2  }
0xcb: {  	v2 =	vld [tilespmem:$0x65E0];
	_ =	sdelay $0x2  }
0xcc: {  	v62 =	vshll.u32 v3, $0x1  }
0xcd: {  	vm12 =	vlt.s32 v3, $0x7B000;
	v3 =	vadd.s32 $0xFFF0A001, v62  }
0xce: {  	v3 =	vsel vm12, v62, v3;
	vm13 =	vlt.s32 v1, v2  }
0xcf: {  	v2 =	vnsel vm13, $0xFFFFFFFF, v3;
	v3 =	vld [tilespmem:s21+$0xF0]  }
0xd0: {  	[tilespmem:s21+$0xE0] =	vst v2  }
0xd1: {  	v2 =	vld [tilespmem:$0x65F0];
	_ =	sdelay $0x2  }
0xd2: {  	v63 =	vshll.u32 v3, $0x1  }
0xd3: {  	vm14 =	vlt.s32 v3, $0x7B000;
	v3 =	vadd.s32 $0xFFF0A001, v63  }
0xd4: {  	s20 =	simm.s32 $0x300;
	v3 =	vsel vm14, v63, v3;
	vm15 =	vlt.s32 v1, v2  }
0xd5: {  	s22 =	simm.s32 $0x1;
	s23 =	simm.s32 $0x2;
	v1 =	vld [tilespmem:s20+$0xFFFFFF00];
	v2 =	vnsel vm15, $0xFFFFFFFF, v3  }
.LBB2_2:
0xd6: {  	p0 =	sne.s32 s23, $0x31;
	[tilespmem:s21+$0xF0] =	vst v2;
	s21 =	smov.u32 s20  }
0xd7: {  	v2 =	vld [tilespmem:$0x6400];
	_ =	sdelay $0x2  }
0xd8: {  	v3 =	vshll.u32 v1, $0x1  }
0xd9: {  	vm0 =	vlt.s32 v1, $0x7B000;
	v1 =	vmov s22;
	s22 =	smov.u32 s23;
	v4 =	vadd.s32 $0xFFF0A001, v3  }
0xda: {  	v3 =	vsel vm0, v3, v4;
	vm0 =	vlt.s32 v1, v2  }
0xdb: {  	v2 =	vnsel vm0, $0xFFFFFFFF, v3;
	v3 =	vld [tilespmem:s20+$0xFFFFFF10]  }
0xdc: {  	[tilespmem:s20+$0xFFFFFF00] =	vst v2  }
0xdd: {  	v2 =	vld [tilespmem:$0x6410];
	_ =	sdelay $0x2  }
0xde: {  	v4 =	vshll.u32 v3, $0x1  }
0xdf: {  	vm0 =	vlt.s32 v3, $0x7B000;
	v3 =	vadd.s32 $0xFFF0A001, v4  }
0xe0: {  	v3 =	vsel vm0, v4, v3;
	vm0 =	vlt.s32 v1, v2  }
0xe1: {  	v2 =	vnsel vm0, $0xFFFFFFFF, v3;
	v3 =	vld [tilespmem:s20+$0xFFFFFF20]  }
0xe2: {  	[tilespmem:s20+$0xFFFFFF10] =	vst v2  }
0xe3: {  	v2 =	vld [tilespmem:$0x6420];
	_ =	sdelay $0x2  }
0xe4: {  	v4 =	vshll.u32 v3, $0x1  }
0xe5: {  	vm0 =	vlt.s32 v3, $0x7B000;
	v3 =	vadd.s32 $0xFFF0A001, v4  }
0xe6: {  	v3 =	vsel vm0, v4, v3;
	vm0 =	vlt.s32 v1, v2  }
0xe7: {  	v2 =	vnsel vm0, $0xFFFFFFFF, v3;
	v3 =	vld [tilespmem:s20+$0xFFFFFF30]  }
0xe8: {  	[tilespmem:s20+$0xFFFFFF20] =	vst v2  }
0xe9: {  	v2 =	vld [tilespmem:$0x6430];
	_ =	sdelay $0x2  }
0xea: {  	v4 =	vshll.u32 v3, $0x1  }
0xeb: {  	vm0 =	vlt.s32 v3, $0x7B000;
	v3 =	vadd.s32 $0xFFF0A001, v4  }
0xec: {  	v3 =	vsel vm0, v4, v3;
	vm0 =	vlt.s32 v1, v2  }
0xed: {  	v2 =	vnsel vm0, $0xFFFFFFFF, v3;
	v3 =	vld [tilespmem:s20+$0xFFFFFF40]  }
0xee: {  	[tilespmem:s20+$0xFFFFFF30] =	vst v2  }
0xef: {  	v2 =	vld [tilespmem:$0x6440];
	_ =	sdelay $0x2  }
0xf0: {  	v4 =	vshll.u32 v3, $0x1  }
0xf1: {  	vm0 =	vlt.s32 v3, $0x7B000;
	v3 =	vadd.s32 $0xFFF0A001, v4  }
0xf2: {  	v3 =	vsel vm0, v4, v3;
	vm0 =	vlt.s32 v1, v2  }
0xf3: {  	v2 =	vnsel vm0, $0xFFFFFFFF, v3;
	v3 =	vld [tilespmem:s20+$0xFFFFFF50]  }
0xf4: {  	[tilespmem:s20+$0xFFFFFF40] =	vst v2  }
0xf5: {  	v2 =	vld [tilespmem:$0x6450];
	_ =	sdelay $0x2  }
0xf6: {  	v4 =	vshll.u32 v3, $0x1  }
0xf7: {  	vm0 =	vlt.s32 v3, $0x7B000;
	v3 =	vadd.s32 $0xFFF0A001, v4  }
0xf8: {  	v3 =	vsel vm0, v4, v3;
	vm0 =	vlt.s32 v1, v2  }
0xf9: {  	v2 =	vnsel vm0, $0xFFFFFFFF, v3;
	v3 =	vld [tilespmem:s20+$0xFFFFFF60]  }
0xfa: {  	[tilespmem:s20+$0xFFFFFF50] =	vst v2  }
0xfb: {  	v2 =	vld [tilespmem:$0x6460];
	_ =	sdelay $0x2  }
0xfc: {  	v4 =	vshll.u32 v3, $0x1  }
0xfd: {  	vm0 =	vlt.s32 v3, $0x7B000;
	v3 =	vadd.s32 $0xFFF0A001, v4  }
0xfe: {  	v3 =	vsel vm0, v4, v3;
	vm0 =	vlt.s32 v1, v2  }
0xff: {  	v2 =	vnsel vm0, $0xFFFFFFFF, v3;
	v3 =	vld [tilespmem:s20+$0xFFFFFF70]  }
0x100: {  	[tilespmem:s20+$0xFFFFFF60] =	vst v2  }
0x101: {  	v2 =	vld [tilespmem:$0x6470];
	_ =	sdelay $0x2  }
0x102: {  	v4 =	vshll.u32 v3, $0x1  }
0x103: {  	vm0 =	vlt.s32 v3, $0x7B000;
	v3 =	vadd.s32 $0xFFF0A001, v4  }
0x104: {  	v3 =	vsel vm0, v4, v3;
	vm0 =	vlt.s32 v1, v2  }
0x105: {  	v2 =	vnsel vm0, $0xFFFFFFFF, v3;
	v3 =	vld [tilespmem:s20+$0xFFFFFF80]  }
0x106: {  	[tilespmem:s20+$0xFFFFFF70] =	vst v2  }
0x107: {  	v2 =	vld [tilespmem:$0x6480];
	_ =	sdelay $0x2  }
0x108: {  	v4 =	vshll.u32 v3, $0x1  }
0x109: {  	vm0 =	vlt.s32 v3, $0x7B000;
	v3 =	vadd.s32 $0xFFF0A001, v4  }
0x10a: {  	v3 =	vsel vm0, v4, v3;
	vm0 =	vlt.s32 v1, v2  }
0x10b: {  	v2 =	vnsel vm0, $0xFFFFFFFF, v3;
	v3 =	vld [tilespmem:s20+$0xFFFFFF90]  }
0x10c: {  	[tilespmem:s20+$0xFFFFFF80] =	vst v2  }
0x10d: {  	v2 =	vld [tilespmem:$0x6490];
	_ =	sdelay $0x2  }
0x10e: {  	v4 =	vshll.u32 v3, $0x1  }
0x10f: {  	vm0 =	vlt.s32 v3, $0x7B000;
	v3 =	vadd.s32 $0xFFF0A001, v4  }
0x110: {  	v3 =	vsel vm0, v4, v3;
	vm0 =	vlt.s32 v1, v2  }
0x111: {  	v2 =	vnsel vm0, $0xFFFFFFFF, v3;
	v3 =	vld [tilespmem:s20+$0xFFFFFFA0]  }
0x112: {  	[tilespmem:s20+$0xFFFFFF90] =	vst v2  }
0x113: {  	v2 =	vld [tilespmem:$0x64A0];
	_ =	sdelay $0x2  }
0x114: {  	v4 =	vshll.u32 v3, $0x1  }
0x115: {  	vm0 =	vlt.s32 v3, $0x7B000;
	v3 =	vadd.s32 $0xFFF0A001, v4  }
0x116: {  	v3 =	vsel vm0, v4, v3;
	vm0 =	vlt.s32 v1, v2  }
0x117: {  	v2 =	vnsel vm0, $0xFFFFFFFF, v3;
	v3 =	vld [tilespmem:s20+$0xFFFFFFB0]  }
0x118: {  	[tilespmem:s20+$0xFFFFFFA0] =	vst v2  }
0x119: {  	v2 =	vld [tilespmem:$0x64B0];
	_ =	sdelay $0x2  }
0x11a: {  	v4 =	vshll.u32 v3, $0x1  }
0x11b: {  	vm0 =	vlt.s32 v3, $0x7B000;
	v3 =	vadd.s32 $0xFFF0A001, v4  }
0x11c: {  	v3 =	vsel vm0, v4, v3;
	vm0 =	vlt.s32 v1, v2  }
0x11d: {  	v2 =	vnsel vm0, $0xFFFFFFFF, v3;
	v3 =	vld [tilespmem:s20+$0xFFFFFFC0]  }
0x11e: {  	[tilespmem:s20+$0xFFFFFFB0] =	vst v2  }
0x11f: {  	v2 =	vld [tilespmem:$0x64C0];
	_ =	sdelay $0x2  }
0x120: {  	v4 =	vshll.u32 v3, $0x1  }
0x121: {  	vm0 =	vlt.s32 v3, $0x7B000;
	v3 =	vadd.s32 $0xFFF0A001, v4  }
0x122: {  	v3 =	vsel vm0, v4, v3;
	vm0 =	vlt.s32 v1, v2  }
0x123: {  	v2 =	vnsel vm0, $0xFFFFFFFF, v3;
	v3 =	vld [tilespmem:s20+$0xFFFFFFD0]  }
0x124: {  	[tilespmem:s20+$0xFFFFFFC0] =	vst v2  }
0x125: {  	v2 =	vld [tilespmem:$0x64D0];
	_ =	sdelay $0x2  }
0x126: {  	v4 =	vshll.u32 v3, $0x1  }
0x127: {  	vm0 =	vlt.s32 v3, $0x7B000;
	v3 =	vadd.s32 $0xFFF0A001, v4  }
0x128: {  	v3 =	vsel vm0, v4, v3;
	vm0 =	vlt.s32 v1, v2  }
0x129: {  	v2 =	vnsel vm0, $0xFFFFFFFF, v3;
	v3 =	vld [tilespmem:s20+$0xFFFFFFE0]  }
0x12a: {  	[tilespmem:s20+$0xFFFFFFD0] =	vst v2  }
0x12b: {  	v2 =	vld [tilespmem:$0x64E0];
	_ =	sdelay $0x2  }
0x12c: {  	v4 =	vshll.u32 v3, $0x1  }
0x12d: {  	vm0 =	vlt.s32 v3, $0x7B000;
	v3 =	vadd.s32 $0xFFF0A001, v4  }
0x12e: {  	v3 =	vsel vm0, v4, v3;
	vm0 =	vlt.s32 v1, v2  }
0x12f: {  	v2 =	vnsel vm0, $0xFFFFFFFF, v3;
	v3 =	vld [tilespmem:s20+$0xFFFFFFF0]  }
0x130: {  	[tilespmem:s20+$0xFFFFFFE0] =	vst v2  }
0x131: {  	v2 =	vld [tilespmem:$0x64F0];
	_ =	sdelay $0x2  }
0x132: {  	v4 =	vshll.u32 v3, $0x1  }
0x133: {  	vm0 =	vlt.s32 v3, $0x7B000;
	v3 =	vadd.s32 $0xFFF0A001, v4  }
0x134: {  	v3 =	vsel vm0, v4, v3;
	vm0 =	vlt.s32 v1, v2  }
0x135: {  	v2 =	vnsel vm0, $0xFFFFFFFF, v3;
	v3 =	vld [tilespmem:s20+$0x0]  }
0x136: {  	[tilespmem:s20+$0xFFFFFFF0] =	vst v2  }
0x137: {  	v2 =	vld [tilespmem:$0x6500];
	_ =	sdelay $0x2  }
0x138: {  	v4 =	vshll.u32 v3, $0x1  }
0x139: {  	vm0 =	vlt.s32 v3, $0x7B000;
	v3 =	vadd.s32 $0xFFF0A001, v4  }
0x13a: {  	v3 =	vsel vm0, v4, v3;
	vm0 =	vlt.s32 v1, v2  }
0x13b: {  	v2 =	vnsel vm0, $0xFFFFFFFF, v3;
	v3 =	vld [tilespmem:s20+$0x10]  }
0x13c: {  	[tilespmem:s20+$0x0] =	vst v2  }
0x13d: {  	v2 =	vld [tilespmem:$0x6510];
	_ =	sdelay $0x2  }
0x13e: {  	v4 =	vshll.u32 v3, $0x1  }
0x13f: {  	vm0 =	vlt.s32 v3, $0x7B000;
	v3 =	vadd.s32 $0xFFF0A001, v4  }
0x140: {  	v3 =	vsel vm0, v4, v3;
	vm0 =	vlt.s32 v1, v2  }
0x141: {  	v2 =	vnsel vm0, $0xFFFFFFFF, v3;
	v3 =	vld [tilespmem:s20+$0x20]  }
0x142: {  	[tilespmem:s20+$0x10] =	vst v2  }
0x143: {  	v2 =	vld [tilespmem:$0x6520];
	_ =	sdelay $0x2  }
0x144: {  	v4 =	vshll.u32 v3, $0x1  }
0x145: {  	vm0 =	vlt.s32 v3, $0x7B000;
	v3 =	vadd.s32 $0xFFF0A001, v4  }
0x146: {  	v3 =	vsel vm0, v4, v3;
	vm0 =	vlt.s32 v1, v2  }
0x147: {  	v2 =	vnsel vm0, $0xFFFFFFFF, v3;
	v3 =	vld [tilespmem:s20+$0x30]  }
0x148: {  	[tilespmem:s20+$0x20] =	vst v2  }
0x149: {  	v2 =	vld [tilespmem:$0x6530];
	_ =	sdelay $0x2  }
0x14a: {  	v4 =	vshll.u32 v3, $0x1  }
0x14b: {  	vm0 =	vlt.s32 v3, $0x7B000;
	v3 =	vadd.s32 $0xFFF0A001, v4  }
0x14c: {  	v3 =	vsel vm0, v4, v3;
	vm0 =	vlt.s32 v1, v2  }
0x14d: {  	v2 =	vnsel vm0, $0xFFFFFFFF, v3;
	v3 =	vld [tilespmem:s20+$0x40]  }
0x14e: {  	[tilespmem:s20+$0x30] =	vst v2  }
0x14f: {  	v2 =	vld [tilespmem:$0x6540];
	_ =	sdelay $0x2  }
0x150: {  	v4 =	vshll.u32 v3, $0x1  }
0x151: {  	vm0 =	vlt.s32 v3, $0x7B000;
	v3 =	vadd.s32 $0xFFF0A001, v4  }
0x152: {  	v3 =	vsel vm0, v4, v3;
	vm0 =	vlt.s32 v1, v2  }
0x153: {  	v2 =	vnsel vm0, $0xFFFFFFFF, v3;
	v3 =	vld [tilespmem:s20+$0x50]  }
0x154: {  	[tilespmem:s20+$0x40] =	vst v2  }
0x155: {  	v2 =	vld [tilespmem:$0x6550];
	_ =	sdelay $0x2  }
0x156: {  	v4 =	vshll.u32 v3, $0x1  }
0x157: {  	vm0 =	vlt.s32 v3, $0x7B000;
	v3 =	vadd.s32 $0xFFF0A001, v4  }
0x158: {  	v3 =	vsel vm0, v4, v3;
	vm0 =	vlt.s32 v1, v2  }
0x159: {  	v2 =	vnsel vm0, $0xFFFFFFFF, v3;
	v3 =	vld [tilespmem:s20+$0x60]  }
0x15a: {  	[tilespmem:s20+$0x50] =	vst v2  }
0x15b: {  	v2 =	vld [tilespmem:$0x6560];
	_ =	sdelay $0x2  }
0x15c: {  	v4 =	vshll.u32 v3, $0x1  }
0x15d: {  	vm0 =	vlt.s32 v3, $0x7B000;
	v3 =	vadd.s32 $0xFFF0A001, v4  }
0x15e: {  	v3 =	vsel vm0, v4, v3;
	vm0 =	vlt.s32 v1, v2  }
0x15f: {  	v2 =	vnsel vm0, $0xFFFFFFFF, v3;
	v3 =	vld [tilespmem:s20+$0x70]  }
0x160: {  	[tilespmem:s20+$0x60] =	vst v2  }
0x161: {  	v2 =	vld [tilespmem:$0x6570];
	_ =	sdelay $0x2  }
0x162: {  	v4 =	vshll.u32 v3, $0x1  }
0x163: {  	vm0 =	vlt.s32 v3, $0x7B000;
	v3 =	vadd.s32 $0xFFF0A001, v4  }
0x164: {  	v3 =	vsel vm0, v4, v3;
	vm0 =	vlt.s32 v1, v2  }
0x165: {  	v2 =	vnsel vm0, $0xFFFFFFFF, v3;
	v3 =	vld [tilespmem:s20+$0x80]  }
0x166: {  	[tilespmem:s20+$0x70] =	vst v2  }
0x167: {  	v2 =	vld [tilespmem:$0x6580];
	_ =	sdelay $0x2  }
0x168: {  	v4 =	vshll.u32 v3, $0x1  }
0x169: {  	vm0 =	vlt.s32 v3, $0x7B000;
	v3 =	vadd.s32 $0xFFF0A001, v4  }
0x16a: {  	v3 =	vsel vm0, v4, v3;
	vm0 =	vlt.s32 v1, v2  }
0x16b: {  	v2 =	vnsel vm0, $0xFFFFFFFF, v3;
	v3 =	vld [tilespmem:s20+$0x90]  }
0x16c: {  	[tilespmem:s20+$0x80] =	vst v2  }
0x16d: {  	v2 =	vld [tilespmem:$0x6590];
	_ =	sdelay $0x2  }
0x16e: {  	v4 =	vshll.u32 v3, $0x1  }
0x16f: {  	vm0 =	vlt.s32 v3, $0x7B000;
	v3 =	vadd.s32 $0xFFF0A001, v4  }
0x170: {  	v3 =	vsel vm0, v4, v3;
	vm0 =	vlt.s32 v1, v2  }
0x171: {  	v2 =	vnsel vm0, $0xFFFFFFFF, v3;
	v3 =	vld [tilespmem:s20+$0xA0]  }
0x172: {  	[tilespmem:s20+$0x90] =	vst v2  }
0x173: {  	v2 =	vld [tilespmem:$0x65A0];
	_ =	sdelay $0x2  }
0x174: {  	v4 =	vshll.u32 v3, $0x1  }
0x175: {  	vm0 =	vlt.s32 v3, $0x7B000;
	v3 =	vadd.s32 $0xFFF0A001, v4  }
0x176: {  	v3 =	vsel vm0, v4, v3;
	vm0 =	vlt.s32 v1, v2  }
0x177: {  	v2 =	vnsel vm0, $0xFFFFFFFF, v3;
	v3 =	vld [tilespmem:s20+$0xB0]  }
0x178: {  	[tilespmem:s20+$0xA0] =	vst v2  }
0x179: {  	v2 =	vld [tilespmem:$0x65B0];
	_ =	sdelay $0x2  }
0x17a: {  	v4 =	vshll.u32 v3, $0x1  }
0x17b: {  	vm0 =	vlt.s32 v3, $0x7B000;
	v3 =	vadd.s32 $0xFFF0A001, v4  }
0x17c: {  	v3 =	vsel vm0, v4, v3;
	vm0 =	vlt.s32 v1, v2  }
0x17d: {  	v2 =	vnsel vm0, $0xFFFFFFFF, v3;
	v3 =	vld [tilespmem:s20+$0xC0]  }
0x17e: {  	[tilespmem:s20+$0xB0] =	vst v2  }
0x17f: {  	v2 =	vld [tilespmem:$0x65C0];
	_ =	sdelay $0x2  }
0x180: {  	v4 =	vshll.u32 v3, $0x1  }
0x181: {  	vm0 =	vlt.s32 v3, $0x7B000;
	v3 =	vadd.s32 $0xFFF0A001, v4  }
0x182: {  	v3 =	vsel vm0, v4, v3;
	vm0 =	vlt.s32 v1, v2  }
0x183: {  	v2 =	vnsel vm0, $0xFFFFFFFF, v3;
	v3 =	vld [tilespmem:s20+$0xD0]  }
0x184: {  	[tilespmem:s20+$0xC0] =	vst v2  }
0x185: {  	v2 =	vld [tilespmem:$0x65D0];
	_ =	sdelay $0x2  }
0x186: {  	v4 =	vshll.u32 v3, $0x1  }
0x187: {  	vm0 =	vlt.s32 v3, $0x7B000;
	v3 =	vadd.s32 $0xFFF0A001, v4  }
0x188: {  	v3 =	vsel vm0, v4, v3;
	vm0 =	vlt.s32 v1, v2  }
0x189: {  	v2 =	vnsel vm0, $0xFFFFFFFF, v3;
	v3 =	vld [tilespmem:s20+$0xE0]  }
0x18a: {  	[tilespmem:s20+$0xD0] =	vst v2  }
0x18b: {  	v2 =	vld [tilespmem:$0x65E0];
	_ =	sdelay $0x2  }
0x18c: {  	v4 =	vshll.u32 v3, $0x1  }
0x18d: {  	vm0 =	vlt.s32 v3, $0x7B000;
	v3 =	vadd.s32 $0xFFF0A001, v4  }
0x18e: {  	v3 =	vsel vm0, v4, v3;
	vm0 =	vlt.s32 v1, v2  }
0x18f: {  	v2 =	vnsel vm0, $0xFFFFFFFF, v3;
	v3 =	vld [tilespmem:s20+$0xF0]  }
0x190: {  	[tilespmem:s20+$0xE0] =	vst v2  }
0x191: {  	v2 =	vld [tilespmem:$0x65F0];
	_ =	sdelay $0x1  }
.Ltmp0:
0x192: {  	(pc) =	sbr.rel @p0 .LBB2_2-.Ltmp0, $4  }
0x193: {  	v4 =	vshll.u32 v3, $0x1  }
0x194: {  	vm0 =	vlt.s32 v3, $0x7B000;
	v3 =	vadd.s32 $0xFFF0A001, v4  }
0x195: {  	s20 =	sadd.s32 $0x200, s20;
	v3 =	vsel vm0, v4, v3;
	vm0 =	vlt.s32 v1, v2  }
0x196: {  	s23 =	sadd.s32 $0x1, s23;
	v1 =	vld [tilespmem:s20+$0xFFFFFF00];
	v2 =	vnsel vm0, $0xFFFFFFFF, v3  }
0x197: {  	[tilespmem:s21+$0xF0] =	vst v2  }
0x198: {  	v2 =	vld [tilespmem:$0x6400];
	_ =	sdelay $0x2  }
0x199: {  	v3 =	vshll.u32 v1, $0x1  }
0x19a: {  	vm0 =	vlt.s32 v1, $0x7B000;
	v1 =	vmov s22;
	v4 =	vadd.s32 $0xFFF0A001, v3  }
0x19b: {  	v3 =	vsel vm0, v3, v4;
	vm13 =	vlt.s32 v1, v2  }
0x19c: {  	v2 =	vnsel vm13, $0xFFFFFFFF, v3;
	v3 =	vld [tilespmem:s20+$0xFFFFFF10]  }
0x19d: {  	[tilespmem:s20+$0xFFFFFF00] =	vst v2  }
0x19e: {  	v2 =	vld [tilespmem:$0x6410];
	_ =	sdelay $0x2  }
0x19f: {  	v33 =	vshll.u32 v3, $0x1  }
0x1a0: {  	vm14 =	vlt.s32 v3, $0x7B000;
	v3 =	vadd.s32 $0xFFF0A001, v33  }
0x1a1: {  	v3 =	vsel vm14, v33, v3;
	vm15 =	vlt.s32 v1, v2  }
0x1a2: {  	v2 =	vnsel vm15, $0xFFFFFFFF, v3;
	v3 =	vld [tilespmem:s20+$0xFFFFFF20]  }
0x1a3: {  	[tilespmem:s20+$0xFFFFFF10] =	vst v2  }
0x1a4: {  	v2 =	vld [tilespmem:$0x6420];
	_ =	sdelay $0x2  }
0x1a5: {  	v34 =	vshll.u32 v3, $0x1  }
0x1a6: {  	vm4 =	vlt.s32 v3, $0x7B000;
	v3 =	vadd.s32 $0xFFF0A001, v34  }
0x1a7: {  	v3 =	vsel vm4, v34, v3;
	vm5 =	vlt.s32 v1, v2  }
0x1a8: {  	v2 =	vnsel vm5, $0xFFFFFFFF, v3;
	v3 =	vld [tilespmem:s20+$0xFFFFFF30]  }
0x1a9: {  	[tilespmem:s20+$0xFFFFFF20] =	vst v2  }
0x1aa: {  	v2 =	vld [tilespmem:$0x6430];
	_ =	sdelay $0x2  }
0x1ab: {  	v35 =	vshll.u32 v3, $0x1  }
0x1ac: {  	vm6 =	vlt.s32 v3, $0x7B000;
	v3 =	vadd.s32 $0xFFF0A001, v35  }
0x1ad: {  	v3 =	vsel vm6, v35, v3;
	vm7 =	vlt.s32 v1, v2  }
0x1ae: {  	v2 =	vnsel vm7, $0xFFFFFFFF, v3;
	v3 =	vld [tilespmem:s20+$0xFFFFFF40]  }
0x1af: {  	[tilespmem:s20+$0xFFFFFF30] =	vst v2  }
0x1b0: {  	v2 =	vld [tilespmem:$0x6440];
	_ =	sdelay $0x2  }
0x1b1: {  	v36 =	vshll.u32 v3, $0x1  }
0x1b2: {  	vm8 =	vlt.s32 v3, $0x7B000;
	v3 =	vadd.s32 $0xFFF0A001, v36  }
0x1b3: {  	v3 =	vsel vm8, v36, v3;
	vm9 =	vlt.s32 v1, v2  }
0x1b4: {  	v2 =	vnsel vm9, $0xFFFFFFFF, v3;
	v3 =	vld [tilespmem:s20+$0xFFFFFF50]  }
0x1b5: {  	[tilespmem:s20+$0xFFFFFF40] =	vst v2  }
0x1b6: {  	v2 =	vld [tilespmem:$0x6450];
	_ =	sdelay $0x2  }
0x1b7: {  	v37 =	vshll.u32 v3, $0x1  }
0x1b8: {  	vm10 =	vlt.s32 v3, $0x7B000;
	v3 =	vadd.s32 $0xFFF0A001, v37  }
0x1b9: {  	v3 =	vsel vm10, v37, v3;
	vm11 =	vlt.s32 v1, v2  }
0x1ba: {  	v2 =	vnsel vm11, $0xFFFFFFFF, v3;
	v3 =	vld [tilespmem:s20+$0xFFFFFF60]  }
0x1bb: {  	[tilespmem:s20+$0xFFFFFF50] =	vst v2  }
0x1bc: {  	v2 =	vld [tilespmem:$0x6460];
	_ =	sdelay $0x2  }
0x1bd: {  	v38 =	vshll.u32 v3, $0x1  }
0x1be: {  	vm12 =	vlt.s32 v3, $0x7B000;
	v3 =	vadd.s32 $0xFFF0A001, v38  }
0x1bf: {  	v3 =	vsel vm12, v38, v3;
	vm13 =	vlt.s32 v1, v2  }
0x1c0: {  	v2 =	vnsel vm13, $0xFFFFFFFF, v3;
	v3 =	vld [tilespmem:s20+$0xFFFFFF70]  }
0x1c1: {  	[tilespmem:s20+$0xFFFFFF60] =	vst v2  }
0x1c2: {  	v2 =	vld [tilespmem:$0x6470];
	_ =	sdelay $0x2  }
0x1c3: {  	v39 =	vshll.u32 v3, $0x1  }
0x1c4: {  	vm14 =	vlt.s32 v3, $0x7B000;
	v3 =	vadd.s32 $0xFFF0A001, v39  }
0x1c5: {  	v3 =	vsel vm14, v39, v3;
	vm15 =	vlt.s32 v1, v2  }
0x1c6: {  	v2 =	vnsel vm15, $0xFFFFFFFF, v3;
	v3 =	vld [tilespmem:s20+$0xFFFFFF80]  }
0x1c7: {  	[tilespmem:s20+$0xFFFFFF70] =	vst v2  }
0x1c8: {  	v2 =	vld [tilespmem:$0x6480];
	_ =	sdelay $0x2  }
0x1c9: {  	v40 =	vshll.u32 v3, $0x1  }
0x1ca: {  	vm4 =	vlt.s32 v3, $0x7B000;
	v3 =	vadd.s32 $0xFFF0A001, v40  }
0x1cb: {  	v3 =	vsel vm4, v40, v3;
	vm5 =	vlt.s32 v1, v2  }
0x1cc: {  	v2 =	vnsel vm5, $0xFFFFFFFF, v3;
	v3 =	vld [tilespmem:s20+$0xFFFFFF90]  }
0x1cd: {  	[tilespmem:s20+$0xFFFFFF80] =	vst v2  }
0x1ce: {  	v2 =	vld [tilespmem:$0x6490];
	_ =	sdelay $0x2  }
0x1cf: {  	v41 =	vshll.u32 v3, $0x1  }
0x1d0: {  	vm6 =	vlt.s32 v3, $0x7B000;
	v3 =	vadd.s32 $0xFFF0A001, v41  }
0x1d1: {  	v3 =	vsel vm6, v41, v3;
	vm7 =	vlt.s32 v1, v2  }
0x1d2: {  	v2 =	vnsel vm7, $0xFFFFFFFF, v3;
	v3 =	vld [tilespmem:s20+$0xFFFFFFA0]  }
0x1d3: {  	[tilespmem:s20+$0xFFFFFF90] =	vst v2  }
0x1d4: {  	v2 =	vld [tilespmem:$0x64A0];
	_ =	sdelay $0x2  }
0x1d5: {  	v42 =	vshll.u32 v3, $0x1  }
0x1d6: {  	vm8 =	vlt.s32 v3, $0x7B000;
	v3 =	vadd.s32 $0xFFF0A001, v42  }
0x1d7: {  	v3 =	vsel vm8, v42, v3;
	vm9 =	vlt.s32 v1, v2  }
0x1d8: {  	v2 =	vnsel vm9, $0xFFFFFFFF, v3;
	v3 =	vld [tilespmem:s20+$0xFFFFFFB0]  }
0x1d9: {  	[tilespmem:s20+$0xFFFFFFA0] =	vst v2  }
0x1da: {  	v2 =	vld [tilespmem:$0x64B0];
	_ =	sdelay $0x2  }
0x1db: {  	v43 =	vshll.u32 v3, $0x1  }
0x1dc: {  	vm10 =	vlt.s32 v3, $0x7B000;
	v3 =	vadd.s32 $0xFFF0A001, v43  }
0x1dd: {  	v3 =	vsel vm10, v43, v3;
	vm11 =	vlt.s32 v1, v2  }
0x1de: {  	v2 =	vnsel vm11, $0xFFFFFFFF, v3;
	v3 =	vld [tilespmem:s20+$0xFFFFFFC0]  }
0x1df: {  	[tilespmem:s20+$0xFFFFFFB0] =	vst v2  }
0x1e0: {  	v2 =	vld [tilespmem:$0x64C0];
	_ =	sdelay $0x2  }
0x1e1: {  	v44 =	vshll.u32 v3, $0x1  }
0x1e2: {  	vm12 =	vlt.s32 v3, $0x7B000;
	v3 =	vadd.s32 $0xFFF0A001, v44  }
0x1e3: {  	v3 =	vsel vm12, v44, v3;
	vm13 =	vlt.s32 v1, v2  }
0x1e4: {  	v2 =	vnsel vm13, $0xFFFFFFFF, v3;
	v3 =	vld [tilespmem:s20+$0xFFFFFFD0]  }
0x1e5: {  	[tilespmem:s20+$0xFFFFFFC0] =	vst v2  }
0x1e6: {  	v2 =	vld [tilespmem:$0x64D0];
	_ =	sdelay $0x2  }
0x1e7: {  	v45 =	vshll.u32 v3, $0x1  }
0x1e8: {  	vm14 =	vlt.s32 v3, $0x7B000;
	v3 =	vadd.s32 $0xFFF0A001, v45  }
0x1e9: {  	v3 =	vsel vm14, v45, v3;
	vm15 =	vlt.s32 v1, v2  }
0x1ea: {  	v2 =	vnsel vm15, $0xFFFFFFFF, v3;
	v3 =	vld [tilespmem:s20+$0xFFFFFFE0]  }
0x1eb: {  	[tilespmem:s20+$0xFFFFFFD0] =	vst v2  }
0x1ec: {  	v2 =	vld [tilespmem:$0x64E0];
	_ =	sdelay $0x2  }
0x1ed: {  	v46 =	vshll.u32 v3, $0x1  }
0x1ee: {  	vm4 =	vlt.s32 v3, $0x7B000;
	v3 =	vadd.s32 $0xFFF0A001, v46  }
0x1ef: {  	v3 =	vsel vm4, v46, v3;
	vm5 =	vlt.s32 v1, v2  }
0x1f0: {  	v2 =	vnsel vm5, $0xFFFFFFFF, v3;
	v3 =	vld [tilespmem:s20+$0xFFFFFFF0]  }
0x1f1: {  	[tilespmem:s20+$0xFFFFFFE0] =	vst v2  }
0x1f2: {  	v2 =	vld [tilespmem:$0x64F0];
	_ =	sdelay $0x2  }
0x1f3: {  	v47 =	vshll.u32 v3, $0x1  }
0x1f4: {  	vm6 =	vlt.s32 v3, $0x7B000;
	v3 =	vadd.s32 $0xFFF0A001, v47  }
0x1f5: {  	v3 =	vsel vm6, v47, v3;
	vm7 =	vlt.s32 v1, v2  }
0x1f6: {  	v2 =	vnsel vm7, $0xFFFFFFFF, v3;
	v3 =	vld [tilespmem:s20+$0x0]  }
0x1f7: {  	[tilespmem:s20+$0xFFFFFFF0] =	vst v2  }
0x1f8: {  	v2 =	vld [tilespmem:$0x6500];
	_ =	sdelay $0x2  }
0x1f9: {  	v48 =	vshll.u32 v3, $0x1  }
0x1fa: {  	vm8 =	vlt.s32 v3, $0x7B000;
	v3 =	vadd.s32 $0xFFF0A001, v48  }
0x1fb: {  	v3 =	vsel vm8, v48, v3;
	vm9 =	vlt.s32 v1, v2  }
0x1fc: {  	v2 =	vnsel vm9, $0xFFFFFFFF, v3;
	v3 =	vld [tilespmem:s20+$0x10]  }
0x1fd: {  	[tilespmem:s20+$0x0] =	vst v2  }
0x1fe: {  	v2 =	vld [tilespmem:$0x6510];
	_ =	sdelay $0x2  }
0x1ff: {  	v49 =	vshll.u32 v3, $0x1  }
0x200: {  	vm10 =	vlt.s32 v3, $0x7B000;
	v3 =	vadd.s32 $0xFFF0A001, v49  }
0x201: {  	v3 =	vsel vm10, v49, v3;
	vm11 =	vlt.s32 v1, v2  }
0x202: {  	v2 =	vnsel vm11, $0xFFFFFFFF, v3;
	v3 =	vld [tilespmem:s20+$0x20]  }
0x203: {  	[tilespmem:s20+$0x10] =	vst v2  }
0x204: {  	v2 =	vld [tilespmem:$0x6520];
	_ =	sdelay $0x2  }
0x205: {  	v50 =	vshll.u32 v3, $0x1  }
0x206: {  	vm12 =	vlt.s32 v3, $0x7B000;
	v3 =	vadd.s32 $0xFFF0A001, v50  }
0x207: {  	v3 =	vsel vm12, v50, v3;
	vm13 =	vlt.s32 v1, v2  }
0x208: {  	v2 =	vnsel vm13, $0xFFFFFFFF, v3;
	v3 =	vld [tilespmem:s20+$0x30]  }
0x209: {  	[tilespmem:s20+$0x20] =	vst v2  }
0x20a: {  	v2 =	vld [tilespmem:$0x6530];
	_ =	sdelay $0x2  }
0x20b: {  	v51 =	vshll.u32 v3, $0x1  }
0x20c: {  	vm14 =	vlt.s32 v3, $0x7B000;
	v3 =	vadd.s32 $0xFFF0A001, v51  }
0x20d: {  	v3 =	vsel vm14, v51, v3;
	vm15 =	vlt.s32 v1, v2  }
0x20e: {  	v2 =	vnsel vm15, $0xFFFFFFFF, v3;
	v3 =	vld [tilespmem:s20+$0x40]  }
0x20f: {  	[tilespmem:s20+$0x30] =	vst v2  }
0x210: {  	v2 =	vld [tilespmem:$0x6540];
	_ =	sdelay $0x2  }
0x211: {  	v52 =	vshll.u32 v3, $0x1  }
0x212: {  	vm4 =	vlt.s32 v3, $0x7B000;
	v3 =	vadd.s32 $0xFFF0A001, v52  }
0x213: {  	v3 =	vsel vm4, v52, v3;
	vm5 =	vlt.s32 v1, v2  }
0x214: {  	v2 =	vnsel vm5, $0xFFFFFFFF, v3;
	v3 =	vld [tilespmem:s20+$0x50]  }
0x215: {  	[tilespmem:s20+$0x40] =	vst v2  }
0x216: {  	v2 =	vld [tilespmem:$0x6550];
	_ =	sdelay $0x2  }
0x217: {  	v53 =	vshll.u32 v3, $0x1  }
0x218: {  	vm6 =	vlt.s32 v3, $0x7B000;
	v3 =	vadd.s32 $0xFFF0A001, v53  }
0x219: {  	v3 =	vsel vm6, v53, v3;
	vm7 =	vlt.s32 v1, v2  }
0x21a: {  	v2 =	vnsel vm7, $0xFFFFFFFF, v3;
	v3 =	vld [tilespmem:s20+$0x60]  }
0x21b: {  	[tilespmem:s20+$0x50] =	vst v2  }
0x21c: {  	v2 =	vld [tilespmem:$0x6560];
	_ =	sdelay $0x2  }
0x21d: {  	v54 =	vshll.u32 v3, $0x1  }
0x21e: {  	vm8 =	vlt.s32 v3, $0x7B000;
	v3 =	vadd.s32 $0xFFF0A001, v54  }
0x21f: {  	v3 =	vsel vm8, v54, v3;
	vm9 =	vlt.s32 v1, v2  }
0x220: {  	v2 =	vnsel vm9, $0xFFFFFFFF, v3;
	v3 =	vld [tilespmem:s20+$0x70]  }
0x221: {  	[tilespmem:s20+$0x60] =	vst v2  }
0x222: {  	v2 =	vld [tilespmem:$0x6570];
	_ =	sdelay $0x2  }
0x223: {  	v55 =	vshll.u32 v3, $0x1  }
0x224: {  	vm10 =	vlt.s32 v3, $0x7B000;
	v3 =	vadd.s32 $0xFFF0A001, v55  }
0x225: {  	v3 =	vsel vm10, v55, v3;
	vm11 =	vlt.s32 v1, v2  }
0x226: {  	v2 =	vnsel vm11, $0xFFFFFFFF, v3;
	v3 =	vld [tilespmem:s20+$0x80]  }
0x227: {  	[tilespmem:s20+$0x70] =	vst v2  }
0x228: {  	v2 =	vld [tilespmem:$0x6580];
	_ =	sdelay $0x2  }
0x229: {  	v56 =	vshll.u32 v3, $0x1  }
0x22a: {  	vm12 =	vlt.s32 v3, $0x7B000;
	v3 =	vadd.s32 $0xFFF0A001, v56  }
0x22b: {  	v3 =	vsel vm12, v56, v3;
	vm13 =	vlt.s32 v1, v2  }
0x22c: {  	v2 =	vnsel vm13, $0xFFFFFFFF, v3;
	v3 =	vld [tilespmem:s20+$0x90]  }
0x22d: {  	[tilespmem:s20+$0x80] =	vst v2  }
0x22e: {  	v2 =	vld [tilespmem:$0x6590];
	_ =	sdelay $0x2  }
0x22f: {  	v57 =	vshll.u32 v3, $0x1  }
0x230: {  	vm14 =	vlt.s32 v3, $0x7B000;
	v3 =	vadd.s32 $0xFFF0A001, v57  }
0x231: {  	v3 =	vsel vm14, v57, v3;
	vm15 =	vlt.s32 v1, v2  }
0x232: {  	v2 =	vnsel vm15, $0xFFFFFFFF, v3;
	v3 =	vld [tilespmem:s20+$0xA0]  }
0x233: {  	[tilespmem:s20+$0x90] =	vst v2  }
0x234: {  	v2 =	vld [tilespmem:$0x65A0];
	_ =	sdelay $0x2  }
0x235: {  	v58 =	vshll.u32 v3, $0x1  }
0x236: {  	vm4 =	vlt.s32 v3, $0x7B000;
	v3 =	vadd.s32 $0xFFF0A001, v58  }
0x237: {  	v3 =	vsel vm4, v58, v3;
	vm5 =	vlt.s32 v1, v2  }
0x238: {  	v2 =	vnsel vm5, $0xFFFFFFFF, v3;
	v3 =	vld [tilespmem:s20+$0xB0]  }
0x239: {  	[tilespmem:s20+$0xA0] =	vst v2  }
0x23a: {  	v2 =	vld [tilespmem:$0x65B0];
	_ =	sdelay $0x2  }
0x23b: {  	v59 =	vshll.u32 v3, $0x1  }
0x23c: {  	vm6 =	vlt.s32 v3, $0x7B000;
	v3 =	vadd.s32 $0xFFF0A001, v59  }
0x23d: {  	v3 =	vsel vm6, v59, v3;
	vm7 =	vlt.s32 v1, v2  }
0x23e: {  	v2 =	vnsel vm7, $0xFFFFFFFF, v3;
	v3 =	vld [tilespmem:s20+$0xC0]  }
0x23f: {  	[tilespmem:s20+$0xB0] =	vst v2  }
0x240: {  	v2 =	vld [tilespmem:$0x65C0];
	_ =	sdelay $0x2  }
0x241: {  	v60 =	vshll.u32 v3, $0x1  }
0x242: {  	vm8 =	vlt.s32 v3, $0x7B000;
	v3 =	vadd.s32 $0xFFF0A001, v60  }
0x243: {  	v3 =	vsel vm8, v60, v3;
	vm9 =	vlt.s32 v1, v2  }
0x244: {  	v2 =	vnsel vm9, $0xFFFFFFFF, v3;
	v3 =	vld [tilespmem:s20+$0xD0]  }
0x245: {  	[tilespmem:s20+$0xC0] =	vst v2  }
0x246: {  	v2 =	vld [tilespmem:$0x65D0];
	_ =	sdelay $0x2  }
0x247: {  	v61 =	vshll.u32 v3, $0x1  }
0x248: {  	vm10 =	vlt.s32 v3, $0x7B000;
	v3 =	vadd.s32 $0xFFF0A001, v61  }
0x249: {  	v3 =	vsel vm10, v61, v3;
	vm11 =	vlt.s32 v1, v2  }
0x24a: {  	v2 =	vnsel vm11, $0xFFFFFFFF, v3;
	v3 =	vld [tilespmem:s20+$0xE0]  }
0x24b: {  	[tilespmem:s20+$0xD0] =	vst v2  }
0x24c: {  	v2 =	vld [tilespmem:$0x65E0];
	_ =	sdelay $0x2  }
0x24d: {  	v62 =	vshll.u32 v3, $0x1  }
0x24e: {  	vm12 =	vlt.s32 v3, $0x7B000;
	v3 =	vadd.s32 $0xFFF0A001, v62  }
0x24f: {  	v3 =	vsel vm12, v62, v3;
	vm13 =	vlt.s32 v1, v2  }
0x250: {  	v2 =	vnsel vm13, $0xFFFFFFFF, v3;
	v3 =	vld [tilespmem:s20+$0xF0]  }
0x251: {  	[tilespmem:s20+$0xE0] =	vst v2  }
0x252: {  	v2 =	vld [tilespmem:$0x65F0];
	_ =	sdelay $0x2  }
0x253: {  	v63 =	vshll.u32 v3, $0x1  }
0x254: {  	vm14 =	vlt.s32 v3, $0x7B000;
	v3 =	vadd.s32 $0xFFF0A001, v63  }
0x255: {  	v3 =	vsel vm14, v63, v3;
	vm15 =	vlt.s32 v1, v2  }
0x256: {  	v1 =	vnsel vm15, $0xFFFFFFFF, v3  }
0x257: {  	s21 =	simm.s32 $0x100;
	[tilespmem:s20+$0xF0] =	vst v1;
	s20 =	simm.s32 $0x0  }
.LBB2_4:
0x258: {  	p0 =	sne.s32 s21, $0x1FF00;
	[tilespmem:s20+$0xE630] =	vst v0;
	s22 =	smov.u32 s21;
	s21 =	sadd.s32 $0x100, s21  }
.Ltmp1:
0x259: {  	[tilespmem:s20+$0xE620] =	vst v0;
	(pc) =	sbr.rel @p0 .LBB2_4-.Ltmp1, $3  }
0x25a: {  	[tilespmem:s20+$0xE600] =	vst v0  }
0x25b: {  	[tilespmem:s20+$0xE610] =	vst v0;
	_ =	sdelay $0x1  }
0x25c: {  	s20 =	sshra.s32 s22, $0x2  }
0x25d: {  	[tilespmem:s20+$0xE630] =	vst v0  }
0x25e: {  	[tilespmem:s20+$0xE620] =	vst v0  }
0x25f: {  	[tilespmem:s20+$0xE600] =	vst v0  }
0x260: {  	[tilespmem:s20+$0xE610] =	vst v0  }
0x261: {  	[tilespmem:s15], [sflag:$0x1] =	stream.indirect.gather [hbm4b:s3+s11], $0x40, s2, s11, $0xb8;
	[tilespmem:$0x16600] =	vst v63  }
0x262: {  	(ifvalue) =	ssetifvalue $0xFFFFFFFF  }
0x263: {  	[tilespmem:s16], [sflag:$0x2] =	stream.indirect.gather.add.f32 [hbm:s3], $0x40, s11, s11, $0x40b8;
	[tilespmem:$0x16600] =	vst v63  }
0x264: {  	_ =	swait.ge [sflag:s17], $0x8000  }
0x265: {  	[sflag:s17] =	ssyncset.done $0x0  }
0x266: {  	s31 =	simm.s32 $0x400;
	[sflag:s17] =	ssyncadd.s32 $0xFFFF8000;
	(ifvalue) =	ssetifvalue $0xFFFFFFFF  }
0x267: {  	[tilespmem:s15], [sflag:$0x1] =	stream.indirect.gather.add.f32 [hbm:s3], $0x40, s31, s11, $0x40b8;
	[tilespmem:$0x16600] =	vst v63  }
0x268: {  	_ =	swait.ge [sflag:s18], $0x8000  }
0x269: {  	s20 =	simm.s32 $0xFFFE9000;
	[sflag:s18] =	ssyncset.done $0x0  }
0x26a: {  	s21 =	simm.s32 $0x600;
	[sflag:s18] =	ssyncadd.s32 $0xFFFF8000;
	(ifvalue) =	ssetifvalue $0xFFFFFFFF  }
.LBB2_6:
0x26b: {  	[tilespmem:s16], [sflag:$0x2] =	stream.indirect.gather.add.f32 [hbm:s3], $0x40, s21, s11, $0x40b8;
	[tilespmem:$0x16600] =	vst v63  }
0x26c: {  	p0 =	sne.s32 s20, $0xFFFFF000;
	s21 =	smov.u32 s20;
	s20 =	sadd.s32 $0x1000, s20  }
0x26d: {  	_ =	swait.ge [sflag:s17], $0x8000  }
0x26e: {  	[sflag:s17] =	ssyncset.done $0x0  }
0x26f: {  	s21 =	sshra.s32 s21, $0x2;
	[sflag:s17] =	ssyncadd.s32 $0xFFFF8000  }
0x270: {  	s22 =	sadd.s32 $0x6400, s21;
	(ifvalue) =	ssetifvalue $0xFFFFFFFF  }
0x271: {  	[tilespmem:s15], [sflag:$0x1] =	stream.indirect.gather.add.f32 [hbm:s3], $0x40, s22, s11, $0x40b8;
	[tilespmem:$0x16600] =	vst v63  }
.Ltmp2:
0x272: {  	_ = 	snop;
	(pc) =	sbr.rel @p0 .LBB2_6-.Ltmp2, $4  }
0x273: {  	_ =	swait.ge [sflag:s18], $0x8000  }
0x274: {  	[sflag:s18] =	ssyncset.done $0x0  }
0x275: {  	[sflag:s18] =	ssyncadd.s32 $0xFFFF8000  }
0x276: {  	s21 =	sadd.s32 $0x6600, s21;
	(ifvalue) =	ssetifvalue $0xFFFFFFFF  }
0x277: {  	[tilespmem:s16], [sflag:$0x2] =	stream.indirect.gather.add.f32 [hbm:s3], $0x40, s21, s11, $0x40b8;
	[tilespmem:$0x16600] =	vst v63  }
0x278: {  	_ =	swait.ge [sflag:s17], $0x8000  }
0x279: {  	[sflag:s17] =	ssyncset.done $0x0  }
0x27a: {  	[sflag:s17] =	ssyncadd.s32 $0xFFFF8000  }
0x27b: {  	_ =	swait.ge [sflag:s18], $0x8000  }
0x27c: {  	[sflag:s18] =	ssyncset.done $0x0  }
0x27d: {  	s20 =	simm.s32 $0x0;
	[sflag:s18] =	ssyncadd.s32 $0xFFFF8000  }
0x27e: {  	v6 =	vld [tilespmem:s20+$0xE600]  }
0x27f: {  	v7 =	vld [tilespmem:s20+$0xE610]  }
0x280: {  	v2 =	vld [tilespmem:s20+$0xE620]  }
0x281: {  	v1 =	vld [tilespmem:s20+$0xE630]  }
0x282: {  	v3 =	vld [tilespmem:s20+$0x6600]  }
0x283: {  	v5 =	vld [tilespmem:s20+$0x6610]  }
0x284: {  	s21 =	simm.s32 $0x100;
	v4 =	vld [tilespmem:s20+$0x6620]  }
.LBB2_8:
0x285: {  	s22 =	sshra.s32 s21, $0x2;
	p0 =	sne.s32 s21, $0x1FF00;
	v8 =	vld [tilespmem:s20+$0x6630];
	v9 =	vmov v2  }
0x286: {  	v10 =	vld [tilespmem:s22+$0xE600];
	v11 =	vmov v1  }
0x287: {  	v12 =	vld [tilespmem:s22+$0xE610];
	v3 =	vadd.f32 v6, v3  }
.Ltmp3:
0x288: {  	v2 =	vld [tilespmem:s22+$0xE620];
	v5 =	vadd.f32 v7, v5;
	(pc) =	sbr.rel @p0 .LBB2_8-.Ltmp3, $4  }
0x289: {  	v1 =	vld [tilespmem:s22+$0xE630];
	[tilespmem:s20+$0x6600] =	vst v3;
	v4 =	vadd.f32 v9, v4  }
0x28a: {  	v3 =	vld [tilespmem:s22+$0x6600];
	[tilespmem:s20+$0x6610] =	vst v5;
	v8 =	vadd.f32 v11, v8  }
0x28b: {  	v5 =	vld [tilespmem:s22+$0x6610];
	[tilespmem:s20+$0x6620] =	vst v4;
	v6 =	vmov v10  }
0x28c: {  	s21 =	sadd.s32 $0x100, s21;
	v4 =	vld [tilespmem:s22+$0x6620];
	[tilespmem:s20+$0x6630] =	vst v8;
	v7 =	vmov v12;
	s20 =	smov.u32 s22  }
0x28d: {  	v8 =	vld [tilespmem:s20+$0x6630];
	_ =	sdelay $0x1  }
0x28e: {  	v3 =	vadd.f32 v6, v3  }
0x28f: {  	v5 =	vadd.f32 v7, v5  }
0x290: {  	[tilespmem:s20+$0x6600] =	vst v3;
	v2 =	vadd.f32 v2, v4  }
0x291: {  	[tilespmem:s20+$0x6610] =	vst v5;
	v1 =	vadd.f32 v1, v8  }
0x292: {  	[tilespmem:s20+$0x6620] =	vst v2  }
0x293: {  	s31 =	simm.s32 $0x0;
	[tilespmem:s20+$0x6630] =	vst v1  }
0x294: {  	[hbm4b:s6+s31] =	stream.linear.scatter [tilespmem:s15], [sflag:$0x3], $0x8000, $0x38;
	[tilespmem:$0x16600] =	vst v63  }
0x295: {  	_ =	swait.ge [sflag:s13], $0x8000  }
0x296: {  	[sflag:s13] =	ssyncset.done $0x0  }
0x297: {  	[sflag:s13] =	ssyncadd.s32 $0xFFFF8000  }
0x298: {  	[tilespmem:s31], [sflag:$0x3] =	stream.strided.gather [hbm4b:s7+s11], $0x6400, s12, s11, $0x38;
	[tilespmem:$0x16600] =	vst v63  }
0x299: {  	_ =	swait.ge [sflag:s13], $0x6400  }
0x29a: {  	[sflag:s13] =	ssyncset.done $0x0  }
0x29b: {  	[sflag:s13] =	ssyncadd.s32 $0xFFFF9C00  }
0x29c: {  	[tilespmem:s14], [sflag:$0x3] =	stream.linear.gather [hbm4b:s8+s31], $0x200, $0x38;
	[tilespmem:$0x16600] =	vst v63  }
0x29d: {  	_ =	swait.ge [sflag:s13], $0x200  }
0x29e: {  	[sflag:s13] =	ssyncset.done $0x0  }
0x29f: {  	s21 =	simm.s32 $0x100;
	[sflag:s13] =	ssyncadd.s32 $0xFFFFFE00  }
0x2a0: {  	v1 =	vld [tilespmem:s21+$0xFFFFFF00];
	_ =	sdelay $0x1  }
0x2a1: {  	v2 =	vld [tilespmem:$0x6400];
	_ =	sdelay $0x2  }
0x2a2: {  	v3 =	vshll.u32 v1, $0x1  }
0x2a3: {  	vm0 =	vlt.s32 v1, $0x7B000;
	v1 =	vmov s31;
	v32 =	vadd.s32 $0xFFF0A001, v3  }
0x2a4: {  	vm13 =	vlt.s32 v1, v2;
	v3 =	vsel vm0, v3, v32  }
0x2a5: {  	v2 =	vnsel vm13, $0xFFFFFFFF, v3;
	v3 =	vld [tilespmem:s21+$0xFFFFFF10]  }
0x2a6: {  	[tilespmem:s21+$0xFFFFFF00] =	vst v2  }
0x2a7: {  	v2 =	vld [tilespmem:$0x6410];
	_ =	sdelay $0x2  }
0x2a8: {  	v33 =	vshll.u32 v3, $0x1  }
0x2a9: {  	vm14 =	vlt.s32 v3, $0x7B000;
	v3 =	vadd.s32 $0xFFF0A001, v33  }
0x2aa: {  	v3 =	vsel vm14, v33, v3;
	vm15 =	vlt.s32 v1, v2  }
0x2ab: {  	v2 =	vnsel vm15, $0xFFFFFFFF, v3;
	v3 =	vld [tilespmem:s21+$0xFFFFFF20]  }
0x2ac: {  	[tilespmem:s21+$0xFFFFFF10] =	vst v2  }
0x2ad: {  	v2 =	vld [tilespmem:$0x6420];
	_ =	sdelay $0x2  }
0x2ae: {  	v34 =	vshll.u32 v3, $0x1  }
0x2af: {  	vm4 =	vlt.s32 v3, $0x7B000;
	v3 =	vadd.s32 $0xFFF0A001, v34  }
0x2b0: {  	v3 =	vsel vm4, v34, v3;
	vm5 =	vlt.s32 v1, v2  }
0x2b1: {  	v2 =	vnsel vm5, $0xFFFFFFFF, v3;
	v3 =	vld [tilespmem:s21+$0xFFFFFF30]  }
0x2b2: {  	[tilespmem:s21+$0xFFFFFF20] =	vst v2  }
0x2b3: {  	v2 =	vld [tilespmem:$0x6430];
	_ =	sdelay $0x2  }
0x2b4: {  	v35 =	vshll.u32 v3, $0x1  }
0x2b5: {  	vm6 =	vlt.s32 v3, $0x7B000;
	v3 =	vadd.s32 $0xFFF0A001, v35  }
0x2b6: {  	v3 =	vsel vm6, v35, v3;
	vm7 =	vlt.s32 v1, v2  }
0x2b7: {  	v2 =	vnsel vm7, $0xFFFFFFFF, v3;
	v3 =	vld [tilespmem:s21+$0xFFFFFF40]  }
0x2b8: {  	[tilespmem:s21+$0xFFFFFF30] =	vst v2  }
0x2b9: {  	v2 =	vld [tilespmem:$0x6440];
	_ =	sdelay $0x2  }
0x2ba: {  	v36 =	vshll.u32 v3, $0x1  }
0x2bb: {  	vm8 =	vlt.s32 v3, $0x7B000;
	v3 =	vadd.s32 $0xFFF0A001, v36  }
0x2bc: {  	v3 =	vsel vm8, v36, v3;
	vm9 =	vlt.s32 v1, v2  }
0x2bd: {  	v2 =	vnsel vm9, $0xFFFFFFFF, v3;
	v3 =	vld [tilespmem:s21+$0xFFFFFF50]  }
0x2be: {  	[tilespmem:s21+$0xFFFFFF40] =	vst v2  }
0x2bf: {  	v2 =	vld [tilespmem:$0x6450];
	_ =	sdelay $0x2  }
0x2c0: {  	v37 =	vshll.u32 v3, $0x1  }
0x2c1: {  	vm10 =	vlt.s32 v3, $0x7B000;
	v3 =	vadd.s32 $0xFFF0A001, v37  }
0x2c2: {  	v3 =	vsel vm10, v37, v3;
	vm11 =	vlt.s32 v1, v2  }
0x2c3: {  	v2 =	vnsel vm11, $0xFFFFFFFF, v3;
	v3 =	vld [tilespmem:s21+$0xFFFFFF60]  }
0x2c4: {  	[tilespmem:s21+$0xFFFFFF50] =	vst v2  }
0x2c5: {  	v2 =	vld [tilespmem:$0x6460];
	_ =	sdelay $0x2  }
0x2c6: {  	v38 =	vshll.u32 v3, $0x1  }
0x2c7: {  	vm12 =	vlt.s32 v3, $0x7B000;
	v3 =	vadd.s32 $0xFFF0A001, v38  }
0x2c8: {  	v3 =	vsel vm12, v38, v3;
	vm13 =	vlt.s32 v1, v2  }
0x2c9: {  	v2 =	vnsel vm13, $0xFFFFFFFF, v3;
	v3 =	vld [tilespmem:s21+$0xFFFFFF70]  }
0x2ca: {  	[tilespmem:s21+$0xFFFFFF60] =	vst v2  }
0x2cb: {  	v2 =	vld [tilespmem:$0x6470];
	_ =	sdelay $0x2  }
0x2cc: {  	v39 =	vshll.u32 v3, $0x1  }
0x2cd: {  	vm14 =	vlt.s32 v3, $0x7B000;
	v3 =	vadd.s32 $0xFFF0A001, v39  }
0x2ce: {  	v3 =	vsel vm14, v39, v3;
	vm15 =	vlt.s32 v1, v2  }
0x2cf: {  	v2 =	vnsel vm15, $0xFFFFFFFF, v3;
	v3 =	vld [tilespmem:s21+$0xFFFFFF80]  }
0x2d0: {  	[tilespmem:s21+$0xFFFFFF70] =	vst v2  }
0x2d1: {  	v2 =	vld [tilespmem:$0x6480];
	_ =	sdelay $0x2  }
0x2d2: {  	v40 =	vshll.u32 v3, $0x1  }
0x2d3: {  	vm4 =	vlt.s32 v3, $0x7B000;
	v3 =	vadd.s32 $0xFFF0A001, v40  }
0x2d4: {  	v3 =	vsel vm4, v40, v3;
	vm5 =	vlt.s32 v1, v2  }
0x2d5: {  	v2 =	vnsel vm5, $0xFFFFFFFF, v3;
	v3 =	vld [tilespmem:s21+$0xFFFFFF90]  }
0x2d6: {  	[tilespmem:s21+$0xFFFFFF80] =	vst v2  }
0x2d7: {  	v2 =	vld [tilespmem:$0x6490];
	_ =	sdelay $0x2  }
0x2d8: {  	v41 =	vshll.u32 v3, $0x1  }
0x2d9: {  	vm6 =	vlt.s32 v3, $0x7B000;
	v3 =	vadd.s32 $0xFFF0A001, v41  }
0x2da: {  	v3 =	vsel vm6, v41, v3;
	vm7 =	vlt.s32 v1, v2  }
0x2db: {  	v2 =	vnsel vm7, $0xFFFFFFFF, v3;
	v3 =	vld [tilespmem:s21+$0xFFFFFFA0]  }
0x2dc: {  	[tilespmem:s21+$0xFFFFFF90] =	vst v2  }
0x2dd: {  	v2 =	vld [tilespmem:$0x64A0];
	_ =	sdelay $0x2  }
0x2de: {  	v42 =	vshll.u32 v3, $0x1  }
0x2df: {  	vm8 =	vlt.s32 v3, $0x7B000;
	v3 =	vadd.s32 $0xFFF0A001, v42  }
0x2e0: {  	v3 =	vsel vm8, v42, v3;
	vm9 =	vlt.s32 v1, v2  }
0x2e1: {  	v2 =	vnsel vm9, $0xFFFFFFFF, v3;
	v3 =	vld [tilespmem:s21+$0xFFFFFFB0]  }
0x2e2: {  	[tilespmem:s21+$0xFFFFFFA0] =	vst v2  }
0x2e3: {  	v2 =	vld [tilespmem:$0x64B0];
	_ =	sdelay $0x2  }
0x2e4: {  	v43 =	vshll.u32 v3, $0x1  }
0x2e5: {  	vm10 =	vlt.s32 v3, $0x7B000;
	v3 =	vadd.s32 $0xFFF0A001, v43  }
0x2e6: {  	v3 =	vsel vm10, v43, v3;
	vm11 =	vlt.s32 v1, v2  }
0x2e7: {  	v2 =	vnsel vm11, $0xFFFFFFFF, v3;
	v3 =	vld [tilespmem:s21+$0xFFFFFFC0]  }
0x2e8: {  	[tilespmem:s21+$0xFFFFFFB0] =	vst v2  }
0x2e9: {  	v2 =	vld [tilespmem:$0x64C0];
	_ =	sdelay $0x2  }
0x2ea: {  	v44 =	vshll.u32 v3, $0x1  }
0x2eb: {  	vm12 =	vlt.s32 v3, $0x7B000;
	v3 =	vadd.s32 $0xFFF0A001, v44  }
0x2ec: {  	v3 =	vsel vm12, v44, v3;
	vm13 =	vlt.s32 v1, v2  }
0x2ed: {  	v2 =	vnsel vm13, $0xFFFFFFFF, v3;
	v3 =	vld [tilespmem:s21+$0xFFFFFFD0]  }
0x2ee: {  	[tilespmem:s21+$0xFFFFFFC0] =	vst v2  }
0x2ef: {  	v2 =	vld [tilespmem:$0x64D0];
	_ =	sdelay $0x2  }
0x2f0: {  	v45 =	vshll.u32 v3, $0x1  }
0x2f1: {  	vm14 =	vlt.s32 v3, $0x7B000;
	v3 =	vadd.s32 $0xFFF0A001, v45  }
0x2f2: {  	v3 =	vsel vm14, v45, v3;
	vm15 =	vlt.s32 v1, v2  }
0x2f3: {  	v2 =	vnsel vm15, $0xFFFFFFFF, v3;
	v3 =	vld [tilespmem:s21+$0xFFFFFFE0]  }
0x2f4: {  	[tilespmem:s21+$0xFFFFFFD0] =	vst v2  }
0x2f5: {  	v2 =	vld [tilespmem:$0x64E0];
	_ =	sdelay $0x2  }
0x2f6: {  	v46 =	vshll.u32 v3, $0x1  }
0x2f7: {  	vm4 =	vlt.s32 v3, $0x7B000;
	v3 =	vadd.s32 $0xFFF0A001, v46  }
0x2f8: {  	v3 =	vsel vm4, v46, v3;
	vm5 =	vlt.s32 v1, v2  }
0x2f9: {  	v2 =	vnsel vm5, $0xFFFFFFFF, v3;
	v3 =	vld [tilespmem:s21+$0xFFFFFFF0]  }
0x2fa: {  	[tilespmem:s21+$0xFFFFFFE0] =	vst v2  }
0x2fb: {  	v2 =	vld [tilespmem:$0x64F0];
	_ =	sdelay $0x2  }
0x2fc: {  	v47 =	vshll.u32 v3, $0x1  }
0x2fd: {  	vm6 =	vlt.s32 v3, $0x7B000;
	v3 =	vadd.s32 $0xFFF0A001, v47  }
0x2fe: {  	v3 =	vsel vm6, v47, v3;
	vm7 =	vlt.s32 v1, v2  }
0x2ff: {  	v2 =	vnsel vm7, $0xFFFFFFFF, v3;
	v3 =	vld [tilespmem:s21+$0x0]  }
0x300: {  	[tilespmem:s21+$0xFFFFFFF0] =	vst v2  }
0x301: {  	v2 =	vld [tilespmem:$0x6500];
	_ =	sdelay $0x2  }
0x302: {  	v48 =	vshll.u32 v3, $0x1  }
0x303: {  	vm8 =	vlt.s32 v3, $0x7B000;
	v3 =	vadd.s32 $0xFFF0A001, v48  }
0x304: {  	v3 =	vsel vm8, v48, v3;
	vm9 =	vlt.s32 v1, v2  }
0x305: {  	v2 =	vnsel vm9, $0xFFFFFFFF, v3;
	v3 =	vld [tilespmem:s21+$0x10]  }
0x306: {  	[tilespmem:s21+$0x0] =	vst v2  }
0x307: {  	v2 =	vld [tilespmem:$0x6510];
	_ =	sdelay $0x2  }
0x308: {  	v49 =	vshll.u32 v3, $0x1  }
0x309: {  	vm10 =	vlt.s32 v3, $0x7B000;
	v3 =	vadd.s32 $0xFFF0A001, v49  }
0x30a: {  	v3 =	vsel vm10, v49, v3;
	vm11 =	vlt.s32 v1, v2  }
0x30b: {  	v2 =	vnsel vm11, $0xFFFFFFFF, v3;
	v3 =	vld [tilespmem:s21+$0x20]  }
0x30c: {  	[tilespmem:s21+$0x10] =	vst v2  }
0x30d: {  	v2 =	vld [tilespmem:$0x6520];
	_ =	sdelay $0x2  }
0x30e: {  	v50 =	vshll.u32 v3, $0x1  }
0x30f: {  	vm12 =	vlt.s32 v3, $0x7B000;
	v3 =	vadd.s32 $0xFFF0A001, v50  }
0x310: {  	v3 =	vsel vm12, v50, v3;
	vm13 =	vlt.s32 v1, v2  }
0x311: {  	v2 =	vnsel vm13, $0xFFFFFFFF, v3;
	v3 =	vld [tilespmem:s21+$0x30]  }
0x312: {  	[tilespmem:s21+$0x20] =	vst v2  }
0x313: {  	v2 =	vld [tilespmem:$0x6530];
	_ =	sdelay $0x2  }
0x314: {  	v51 =	vshll.u32 v3, $0x1  }
0x315: {  	vm14 =	vlt.s32 v3, $0x7B000;
	v3 =	vadd.s32 $0xFFF0A001, v51  }
0x316: {  	v3 =	vsel vm14, v51, v3;
	vm15 =	vlt.s32 v1, v2  }
0x317: {  	v2 =	vnsel vm15, $0xFFFFFFFF, v3;
	v3 =	vld [tilespmem:s21+$0x40]  }
0x318: {  	[tilespmem:s21+$0x30] =	vst v2  }
0x319: {  	v2 =	vld [tilespmem:$0x6540];
	_ =	sdelay $0x2  }
0x31a: {  	v52 =	vshll.u32 v3, $0x1  }
0x31b: {  	vm4 =	vlt.s32 v3, $0x7B000;
	v3 =	vadd.s32 $0xFFF0A001, v52  }
0x31c: {  	v3 =	vsel vm4, v52, v3;
	vm5 =	vlt.s32 v1, v2  }
0x31d: {  	v2 =	vnsel vm5, $0xFFFFFFFF, v3;
	v3 =	vld [tilespmem:s21+$0x50]  }
0x31e: {  	[tilespmem:s21+$0x40] =	vst v2  }
0x31f: {  	v2 =	vld [tilespmem:$0x6550];
	_ =	sdelay $0x2  }
0x320: {  	v53 =	vshll.u32 v3, $0x1  }
0x321: {  	vm6 =	vlt.s32 v3, $0x7B000;
	v3 =	vadd.s32 $0xFFF0A001, v53  }
0x322: {  	v3 =	vsel vm6, v53, v3;
	vm7 =	vlt.s32 v1, v2  }
0x323: {  	v2 =	vnsel vm7, $0xFFFFFFFF, v3;
	v3 =	vld [tilespmem:s21+$0x60]  }
0x324: {  	[tilespmem:s21+$0x50] =	vst v2  }
0x325: {  	v2 =	vld [tilespmem:$0x6560];
	_ =	sdelay $0x2  }
0x326: {  	v54 =	vshll.u32 v3, $0x1  }
0x327: {  	vm8 =	vlt.s32 v3, $0x7B000;
	v3 =	vadd.s32 $0xFFF0A001, v54  }
0x328: {  	v3 =	vsel vm8, v54, v3;
	vm9 =	vlt.s32 v1, v2  }
0x329: {  	v2 =	vnsel vm9, $0xFFFFFFFF, v3;
	v3 =	vld [tilespmem:s21+$0x70]  }
0x32a: {  	[tilespmem:s21+$0x60] =	vst v2  }
0x32b: {  	v2 =	vld [tilespmem:$0x6570];
	_ =	sdelay $0x2  }
0x32c: {  	v55 =	vshll.u32 v3, $0x1  }
0x32d: {  	vm10 =	vlt.s32 v3, $0x7B000;
	v3 =	vadd.s32 $0xFFF0A001, v55  }
0x32e: {  	v3 =	vsel vm10, v55, v3;
	vm11 =	vlt.s32 v1, v2  }
0x32f: {  	v2 =	vnsel vm11, $0xFFFFFFFF, v3;
	v3 =	vld [tilespmem:s21+$0x80]  }
0x330: {  	[tilespmem:s21+$0x70] =	vst v2  }
0x331: {  	v2 =	vld [tilespmem:$0x6580];
	_ =	sdelay $0x2  }
0x332: {  	v56 =	vshll.u32 v3, $0x1  }
0x333: {  	vm12 =	vlt.s32 v3, $0x7B000;
	v3 =	vadd.s32 $0xFFF0A001, v56  }
0x334: {  	v3 =	vsel vm12, v56, v3;
	vm13 =	vlt.s32 v1, v2  }
0x335: {  	v2 =	vnsel vm13, $0xFFFFFFFF, v3;
	v3 =	vld [tilespmem:s21+$0x90]  }
0x336: {  	[tilespmem:s21+$0x80] =	vst v2  }
0x337: {  	v2 =	vld [tilespmem:$0x6590];
	_ =	sdelay $0x2  }
0x338: {  	v57 =	vshll.u32 v3, $0x1  }
0x339: {  	vm14 =	vlt.s32 v3, $0x7B000;
	v3 =	vadd.s32 $0xFFF0A001, v57  }
0x33a: {  	v3 =	vsel vm14, v57, v3;
	vm15 =	vlt.s32 v1, v2  }
0x33b: {  	v2 =	vnsel vm15, $0xFFFFFFFF, v3;
	v3 =	vld [tilespmem:s21+$0xA0]  }
0x33c: {  	[tilespmem:s21+$0x90] =	vst v2  }
0x33d: {  	v2 =	vld [tilespmem:$0x65A0];
	_ =	sdelay $0x2  }
0x33e: {  	v58 =	vshll.u32 v3, $0x1  }
0x33f: {  	vm4 =	vlt.s32 v3, $0x7B000;
	v3 =	vadd.s32 $0xFFF0A001, v58  }
0x340: {  	v3 =	vsel vm4, v58, v3;
	vm5 =	vlt.s32 v1, v2  }
0x341: {  	v2 =	vnsel vm5, $0xFFFFFFFF, v3;
	v3 =	vld [tilespmem:s21+$0xB0]  }
0x342: {  	[tilespmem:s21+$0xA0] =	vst v2  }
0x343: {  	v2 =	vld [tilespmem:$0x65B0];
	_ =	sdelay $0x2  }
0x344: {  	v59 =	vshll.u32 v3, $0x1  }
0x345: {  	vm6 =	vlt.s32 v3, $0x7B000;
	v3 =	vadd.s32 $0xFFF0A001, v59  }
0x346: {  	v3 =	vsel vm6, v59, v3;
	vm7 =	vlt.s32 v1, v2  }
0x347: {  	v2 =	vnsel vm7, $0xFFFFFFFF, v3;
	v3 =	vld [tilespmem:s21+$0xC0]  }
0x348: {  	[tilespmem:s21+$0xB0] =	vst v2  }
0x349: {  	v2 =	vld [tilespmem:$0x65C0];
	_ =	sdelay $0x2  }
0x34a: {  	v60 =	vshll.u32 v3, $0x1  }
0x34b: {  	vm8 =	vlt.s32 v3, $0x7B000;
	v3 =	vadd.s32 $0xFFF0A001, v60  }
0x34c: {  	v3 =	vsel vm8, v60, v3;
	vm9 =	vlt.s32 v1, v2  }
0x34d: {  	v2 =	vnsel vm9, $0xFFFFFFFF, v3;
	v3 =	vld [tilespmem:s21+$0xD0]  }
0x34e: {  	[tilespmem:s21+$0xC0] =	vst v2  }
0x34f: {  	v2 =	vld [tilespmem:$0x65D0];
	_ =	sdelay $0x2  }
0x350: {  	v61 =	vshll.u32 v3, $0x1  }
0x351: {  	vm10 =	vlt.s32 v3, $0x7B000;
	v3 =	vadd.s32 $0xFFF0A001, v61  }
0x352: {  	v3 =	vsel vm10, v61, v3;
	vm11 =	vlt.s32 v1, v2  }
0x353: {  	v2 =	vnsel vm11, $0xFFFFFFFF, v3;
	v3 =	vld [tilespmem:s21+$0xE0]  }
0x354: {  	[tilespmem:s21+$0xD0] =	vst v2  }
0x355: {  	v2 =	vld [tilespmem:$0x65E0];
	_ =	sdelay $0x2  }
0x356: {  	v62 =	vshll.u32 v3, $0x1  }
0x357: {  	vm12 =	vlt.s32 v3, $0x7B000;
	v3 =	vadd.s32 $0xFFF0A001, v62  }
0x358: {  	v3 =	vsel vm12, v62, v3;
	vm13 =	vlt.s32 v1, v2  }
0x359: {  	v2 =	vnsel vm13, $0xFFFFFFFF, v3;
	v3 =	vld [tilespmem:s21+$0xF0]  }
0x35a: {  	[tilespmem:s21+$0xE0] =	vst v2  }
0x35b: {  	v2 =	vld [tilespmem:$0x65F0];
	_ =	sdelay $0x2  }
0x35c: {  	v63 =	vshll.u32 v3, $0x1  }
0x35d: {  	vm14 =	vlt.s32 v3, $0x7B000;
	v3 =	vadd.s32 $0xFFF0A001, v63  }
0x35e: {  	s20 =	simm.s32 $0x300;
	v3 =	vsel vm14, v63, v3;
	vm15 =	vlt.s32 v1, v2  }
0x35f: {  	s22 =	simm.s32 $0x1;
	s23 =	simm.s32 $0x2;
	v1 =	vld [tilespmem:s20+$0xFFFFFF00];
	v2 =	vnsel vm15, $0xFFFFFFFF, v3  }
.LBB2_10:
0x360: {  	p0 =	sne.s32 s23, $0x31;
	[tilespmem:s21+$0xF0] =	vst v2;
	s21 =	smov.u32 s20  }
0x361: {  	v2 =	vld [tilespmem:$0x6400];
	_ =	sdelay $0x2  }
0x362: {  	v3 =	vshll.u32 v1, $0x1  }
0x363: {  	vm0 =	vlt.s32 v1, $0x7B000;
	v1 =	vmov s22;
	s22 =	smov.u32 s23;
	v4 =	vadd.s32 $0xFFF0A001, v3  }
0x364: {  	v3 =	vsel vm0, v3, v4;
	vm0 =	vlt.s32 v1, v2  }
0x365: {  	v2 =	vnsel vm0, $0xFFFFFFFF, v3;
	v3 =	vld [tilespmem:s20+$0xFFFFFF10]  }
0x366: {  	[tilespmem:s20+$0xFFFFFF00] =	vst v2  }
0x367: {  	v2 =	vld [tilespmem:$0x6410];
	_ =	sdelay $0x2  }
0x368: {  	v4 =	vshll.u32 v3, $0x1  }
0x369: {  	vm0 =	vlt.s32 v3, $0x7B000;
	v3 =	vadd.s32 $0xFFF0A001, v4  }
0x36a: {  	v3 =	vsel vm0, v4, v3;
	vm0 =	vlt.s32 v1, v2  }
0x36b: {  	v2 =	vnsel vm0, $0xFFFFFFFF, v3;
	v3 =	vld [tilespmem:s20+$0xFFFFFF20]  }
0x36c: {  	[tilespmem:s20+$0xFFFFFF10] =	vst v2  }
0x36d: {  	v2 =	vld [tilespmem:$0x6420];
	_ =	sdelay $0x2  }
0x36e: {  	v4 =	vshll.u32 v3, $0x1  }
0x36f: {  	vm0 =	vlt.s32 v3, $0x7B000;
	v3 =	vadd.s32 $0xFFF0A001, v4  }
0x370: {  	v3 =	vsel vm0, v4, v3;
	vm0 =	vlt.s32 v1, v2  }
0x371: {  	v2 =	vnsel vm0, $0xFFFFFFFF, v3;
	v3 =	vld [tilespmem:s20+$0xFFFFFF30]  }
0x372: {  	[tilespmem:s20+$0xFFFFFF20] =	vst v2  }
0x373: {  	v2 =	vld [tilespmem:$0x6430];
	_ =	sdelay $0x2  }
0x374: {  	v4 =	vshll.u32 v3, $0x1  }
0x375: {  	vm0 =	vlt.s32 v3, $0x7B000;
	v3 =	vadd.s32 $0xFFF0A001, v4  }
0x376: {  	v3 =	vsel vm0, v4, v3;
	vm0 =	vlt.s32 v1, v2  }
0x377: {  	v2 =	vnsel vm0, $0xFFFFFFFF, v3;
	v3 =	vld [tilespmem:s20+$0xFFFFFF40]  }
0x378: {  	[tilespmem:s20+$0xFFFFFF30] =	vst v2  }
0x379: {  	v2 =	vld [tilespmem:$0x6440];
	_ =	sdelay $0x2  }
0x37a: {  	v4 =	vshll.u32 v3, $0x1  }
0x37b: {  	vm0 =	vlt.s32 v3, $0x7B000;
	v3 =	vadd.s32 $0xFFF0A001, v4  }
0x37c: {  	v3 =	vsel vm0, v4, v3;
	vm0 =	vlt.s32 v1, v2  }
0x37d: {  	v2 =	vnsel vm0, $0xFFFFFFFF, v3;
	v3 =	vld [tilespmem:s20+$0xFFFFFF50]  }
0x37e: {  	[tilespmem:s20+$0xFFFFFF40] =	vst v2  }
0x37f: {  	v2 =	vld [tilespmem:$0x6450];
	_ =	sdelay $0x2  }
0x380: {  	v4 =	vshll.u32 v3, $0x1  }
0x381: {  	vm0 =	vlt.s32 v3, $0x7B000;
	v3 =	vadd.s32 $0xFFF0A001, v4  }
0x382: {  	v3 =	vsel vm0, v4, v3;
	vm0 =	vlt.s32 v1, v2  }
0x383: {  	v2 =	vnsel vm0, $0xFFFFFFFF, v3;
	v3 =	vld [tilespmem:s20+$0xFFFFFF60]  }
0x384: {  	[tilespmem:s20+$0xFFFFFF50] =	vst v2  }
0x385: {  	v2 =	vld [tilespmem:$0x6460];
	_ =	sdelay $0x2  }
0x386: {  	v4 =	vshll.u32 v3, $0x1  }
0x387: {  	vm0 =	vlt.s32 v3, $0x7B000;
	v3 =	vadd.s32 $0xFFF0A001, v4  }
0x388: {  	v3 =	vsel vm0, v4, v3;
	vm0 =	vlt.s32 v1, v2  }
0x389: {  	v2 =	vnsel vm0, $0xFFFFFFFF, v3;
	v3 =	vld [tilespmem:s20+$0xFFFFFF70]  }
0x38a: {  	[tilespmem:s20+$0xFFFFFF60] =	vst v2  }
0x38b: {  	v2 =	vld [tilespmem:$0x6470];
	_ =	sdelay $0x2  }
0x38c: {  	v4 =	vshll.u32 v3, $0x1  }
0x38d: {  	vm0 =	vlt.s32 v3, $0x7B000;
	v3 =	vadd.s32 $0xFFF0A001, v4  }
0x38e: {  	v3 =	vsel vm0, v4, v3;
	vm0 =	vlt.s32 v1, v2  }
0x38f: {  	v2 =	vnsel vm0, $0xFFFFFFFF, v3;
	v3 =	vld [tilespmem:s20+$0xFFFFFF80]  }
0x390: {  	[tilespmem:s20+$0xFFFFFF70] =	vst v2  }
0x391: {  	v2 =	vld [tilespmem:$0x6480];
	_ =	sdelay $0x2  }
0x392: {  	v4 =	vshll.u32 v3, $0x1  }
0x393: {  	vm0 =	vlt.s32 v3, $0x7B000;
	v3 =	vadd.s32 $0xFFF0A001, v4  }
0x394: {  	v3 =	vsel vm0, v4, v3;
	vm0 =	vlt.s32 v1, v2  }
0x395: {  	v2 =	vnsel vm0, $0xFFFFFFFF, v3;
	v3 =	vld [tilespmem:s20+$0xFFFFFF90]  }
0x396: {  	[tilespmem:s20+$0xFFFFFF80] =	vst v2  }
0x397: {  	v2 =	vld [tilespmem:$0x6490];
	_ =	sdelay $0x2  }
0x398: {  	v4 =	vshll.u32 v3, $0x1  }
0x399: {  	vm0 =	vlt.s32 v3, $0x7B000;
	v3 =	vadd.s32 $0xFFF0A001, v4  }
0x39a: {  	v3 =	vsel vm0, v4, v3;
	vm0 =	vlt.s32 v1, v2  }
0x39b: {  	v2 =	vnsel vm0, $0xFFFFFFFF, v3;
	v3 =	vld [tilespmem:s20+$0xFFFFFFA0]  }
0x39c: {  	[tilespmem:s20+$0xFFFFFF90] =	vst v2  }
0x39d: {  	v2 =	vld [tilespmem:$0x64A0];
	_ =	sdelay $0x2  }
0x39e: {  	v4 =	vshll.u32 v3, $0x1  }
0x39f: {  	vm0 =	vlt.s32 v3, $0x7B000;
	v3 =	vadd.s32 $0xFFF0A001, v4  }
0x3a0: {  	v3 =	vsel vm0, v4, v3;
	vm0 =	vlt.s32 v1, v2  }
0x3a1: {  	v2 =	vnsel vm0, $0xFFFFFFFF, v3;
	v3 =	vld [tilespmem:s20+$0xFFFFFFB0]  }
0x3a2: {  	[tilespmem:s20+$0xFFFFFFA0] =	vst v2  }
0x3a3: {  	v2 =	vld [tilespmem:$0x64B0];
	_ =	sdelay $0x2  }
0x3a4: {  	v4 =	vshll.u32 v3, $0x1  }
0x3a5: {  	vm0 =	vlt.s32 v3, $0x7B000;
	v3 =	vadd.s32 $0xFFF0A001, v4  }
0x3a6: {  	v3 =	vsel vm0, v4, v3;
	vm0 =	vlt.s32 v1, v2  }
0x3a7: {  	v2 =	vnsel vm0, $0xFFFFFFFF, v3;
	v3 =	vld [tilespmem:s20+$0xFFFFFFC0]  }
0x3a8: {  	[tilespmem:s20+$0xFFFFFFB0] =	vst v2  }
0x3a9: {  	v2 =	vld [tilespmem:$0x64C0];
	_ =	sdelay $0x2  }
0x3aa: {  	v4 =	vshll.u32 v3, $0x1  }
0x3ab: {  	vm0 =	vlt.s32 v3, $0x7B000;
	v3 =	vadd.s32 $0xFFF0A001, v4  }
0x3ac: {  	v3 =	vsel vm0, v4, v3;
	vm0 =	vlt.s32 v1, v2  }
0x3ad: {  	v2 =	vnsel vm0, $0xFFFFFFFF, v3;
	v3 =	vld [tilespmem:s20+$0xFFFFFFD0]  }
0x3ae: {  	[tilespmem:s20+$0xFFFFFFC0] =	vst v2  }
0x3af: {  	v2 =	vld [tilespmem:$0x64D0];
	_ =	sdelay $0x2  }
0x3b0: {  	v4 =	vshll.u32 v3, $0x1  }
0x3b1: {  	vm0 =	vlt.s32 v3, $0x7B000;
	v3 =	vadd.s32 $0xFFF0A001, v4  }
0x3b2: {  	v3 =	vsel vm0, v4, v3;
	vm0 =	vlt.s32 v1, v2  }
0x3b3: {  	v2 =	vnsel vm0, $0xFFFFFFFF, v3;
	v3 =	vld [tilespmem:s20+$0xFFFFFFE0]  }
0x3b4: {  	[tilespmem:s20+$0xFFFFFFD0] =	vst v2  }
0x3b5: {  	v2 =	vld [tilespmem:$0x64E0];
	_ =	sdelay $0x2  }
0x3b6: {  	v4 =	vshll.u32 v3, $0x1  }
0x3b7: {  	vm0 =	vlt.s32 v3, $0x7B000;
	v3 =	vadd.s32 $0xFFF0A001, v4  }
0x3b8: {  	v3 =	vsel vm0, v4, v3;
	vm0 =	vlt.s32 v1, v2  }
0x3b9: {  	v2 =	vnsel vm0, $0xFFFFFFFF, v3;
	v3 =	vld [tilespmem:s20+$0xFFFFFFF0]  }
0x3ba: {  	[tilespmem:s20+$0xFFFFFFE0] =	vst v2  }
0x3bb: {  	v2 =	vld [tilespmem:$0x64F0];
	_ =	sdelay $0x2  }
0x3bc: {  	v4 =	vshll.u32 v3, $0x1  }
0x3bd: {  	vm0 =	vlt.s32 v3, $0x7B000;
	v3 =	vadd.s32 $0xFFF0A001, v4  }
0x3be: {  	v3 =	vsel vm0, v4, v3;
	vm0 =	vlt.s32 v1, v2  }
0x3bf: {  	v2 =	vnsel vm0, $0xFFFFFFFF, v3;
	v3 =	vld [tilespmem:s20+$0x0]  }
0x3c0: {  	[tilespmem:s20+$0xFFFFFFF0] =	vst v2  }
0x3c1: {  	v2 =	vld [tilespmem:$0x6500];
	_ =	sdelay $0x2  }
0x3c2: {  	v4 =	vshll.u32 v3, $0x1  }
0x3c3: {  	vm0 =	vlt.s32 v3, $0x7B000;
	v3 =	vadd.s32 $0xFFF0A001, v4  }
0x3c4: {  	v3 =	vsel vm0, v4, v3;
	vm0 =	vlt.s32 v1, v2  }
0x3c5: {  	v2 =	vnsel vm0, $0xFFFFFFFF, v3;
	v3 =	vld [tilespmem:s20+$0x10]  }
0x3c6: {  	[tilespmem:s20+$0x0] =	vst v2  }
0x3c7: {  	v2 =	vld [tilespmem:$0x6510];
	_ =	sdelay $0x2  }
0x3c8: {  	v4 =	vshll.u32 v3, $0x1  }
0x3c9: {  	vm0 =	vlt.s32 v3, $0x7B000;
	v3 =	vadd.s32 $0xFFF0A001, v4  }
0x3ca: {  	v3 =	vsel vm0, v4, v3;
	vm0 =	vlt.s32 v1, v2  }
0x3cb: {  	v2 =	vnsel vm0, $0xFFFFFFFF, v3;
	v3 =	vld [tilespmem:s20+$0x20]  }
0x3cc: {  	[tilespmem:s20+$0x10] =	vst v2  }
0x3cd: {  	v2 =	vld [tilespmem:$0x6520];
	_ =	sdelay $0x2  }
0x3ce: {  	v4 =	vshll.u32 v3, $0x1  }
0x3cf: {  	vm0 =	vlt.s32 v3, $0x7B000;
	v3 =	vadd.s32 $0xFFF0A001, v4  }
0x3d0: {  	v3 =	vsel vm0, v4, v3;
	vm0 =	vlt.s32 v1, v2  }
0x3d1: {  	v2 =	vnsel vm0, $0xFFFFFFFF, v3;
	v3 =	vld [tilespmem:s20+$0x30]  }
0x3d2: {  	[tilespmem:s20+$0x20] =	vst v2  }
0x3d3: {  	v2 =	vld [tilespmem:$0x6530];
	_ =	sdelay $0x2  }
0x3d4: {  	v4 =	vshll.u32 v3, $0x1  }
0x3d5: {  	vm0 =	vlt.s32 v3, $0x7B000;
	v3 =	vadd.s32 $0xFFF0A001, v4  }
0x3d6: {  	v3 =	vsel vm0, v4, v3;
	vm0 =	vlt.s32 v1, v2  }
0x3d7: {  	v2 =	vnsel vm0, $0xFFFFFFFF, v3;
	v3 =	vld [tilespmem:s20+$0x40]  }
0x3d8: {  	[tilespmem:s20+$0x30] =	vst v2  }
0x3d9: {  	v2 =	vld [tilespmem:$0x6540];
	_ =	sdelay $0x2  }
0x3da: {  	v4 =	vshll.u32 v3, $0x1  }
0x3db: {  	vm0 =	vlt.s32 v3, $0x7B000;
	v3 =	vadd.s32 $0xFFF0A001, v4  }
0x3dc: {  	v3 =	vsel vm0, v4, v3;
	vm0 =	vlt.s32 v1, v2  }
0x3dd: {  	v2 =	vnsel vm0, $0xFFFFFFFF, v3;
	v3 =	vld [tilespmem:s20+$0x50]  }
0x3de: {  	[tilespmem:s20+$0x40] =	vst v2  }
0x3df: {  	v2 =	vld [tilespmem:$0x6550];
	_ =	sdelay $0x2  }
0x3e0: {  	v4 =	vshll.u32 v3, $0x1  }
0x3e1: {  	vm0 =	vlt.s32 v3, $0x7B000;
	v3 =	vadd.s32 $0xFFF0A001, v4  }
0x3e2: {  	v3 =	vsel vm0, v4, v3;
	vm0 =	vlt.s32 v1, v2  }
0x3e3: {  	v2 =	vnsel vm0, $0xFFFFFFFF, v3;
	v3 =	vld [tilespmem:s20+$0x60]  }
0x3e4: {  	[tilespmem:s20+$0x50] =	vst v2  }
0x3e5: {  	v2 =	vld [tilespmem:$0x6560];
	_ =	sdelay $0x2  }
0x3e6: {  	v4 =	vshll.u32 v3, $0x1  }
0x3e7: {  	vm0 =	vlt.s32 v3, $0x7B000;
	v3 =	vadd.s32 $0xFFF0A001, v4  }
0x3e8: {  	v3 =	vsel vm0, v4, v3;
	vm0 =	vlt.s32 v1, v2  }
0x3e9: {  	v2 =	vnsel vm0, $0xFFFFFFFF, v3;
	v3 =	vld [tilespmem:s20+$0x70]  }
0x3ea: {  	[tilespmem:s20+$0x60] =	vst v2  }
0x3eb: {  	v2 =	vld [tilespmem:$0x6570];
	_ =	sdelay $0x2  }
0x3ec: {  	v4 =	vshll.u32 v3, $0x1  }
0x3ed: {  	vm0 =	vlt.s32 v3, $0x7B000;
	v3 =	vadd.s32 $0xFFF0A001, v4  }
0x3ee: {  	v3 =	vsel vm0, v4, v3;
	vm0 =	vlt.s32 v1, v2  }
0x3ef: {  	v2 =	vnsel vm0, $0xFFFFFFFF, v3;
	v3 =	vld [tilespmem:s20+$0x80]  }
0x3f0: {  	[tilespmem:s20+$0x70] =	vst v2  }
0x3f1: {  	v2 =	vld [tilespmem:$0x6580];
	_ =	sdelay $0x2  }
0x3f2: {  	v4 =	vshll.u32 v3, $0x1  }
0x3f3: {  	vm0 =	vlt.s32 v3, $0x7B000;
	v3 =	vadd.s32 $0xFFF0A001, v4  }
0x3f4: {  	v3 =	vsel vm0, v4, v3;
	vm0 =	vlt.s32 v1, v2  }
0x3f5: {  	v2 =	vnsel vm0, $0xFFFFFFFF, v3;
	v3 =	vld [tilespmem:s20+$0x90]  }
0x3f6: {  	[tilespmem:s20+$0x80] =	vst v2  }
0x3f7: {  	v2 =	vld [tilespmem:$0x6590];
	_ =	sdelay $0x2  }
0x3f8: {  	v4 =	vshll.u32 v3, $0x1  }
0x3f9: {  	vm0 =	vlt.s32 v3, $0x7B000;
	v3 =	vadd.s32 $0xFFF0A001, v4  }
0x3fa: {  	v3 =	vsel vm0, v4, v3;
	vm0 =	vlt.s32 v1, v2  }
0x3fb: {  	v2 =	vnsel vm0, $0xFFFFFFFF, v3;
	v3 =	vld [tilespmem:s20+$0xA0]  }
0x3fc: {  	[tilespmem:s20+$0x90] =	vst v2  }
0x3fd: {  	v2 =	vld [tilespmem:$0x65A0];
	_ =	sdelay $0x2  }
0x3fe: {  	v4 =	vshll.u32 v3, $0x1  }
0x3ff: {  	vm0 =	vlt.s32 v3, $0x7B000;
	v3 =	vadd.s32 $0xFFF0A001, v4  }
0x400: {  	v3 =	vsel vm0, v4, v3;
	vm0 =	vlt.s32 v1, v2  }
0x401: {  	v2 =	vnsel vm0, $0xFFFFFFFF, v3;
	v3 =	vld [tilespmem:s20+$0xB0]  }
0x402: {  	[tilespmem:s20+$0xA0] =	vst v2  }
0x403: {  	v2 =	vld [tilespmem:$0x65B0];
	_ =	sdelay $0x2  }
0x404: {  	v4 =	vshll.u32 v3, $0x1  }
0x405: {  	vm0 =	vlt.s32 v3, $0x7B000;
	v3 =	vadd.s32 $0xFFF0A001, v4  }
0x406: {  	v3 =	vsel vm0, v4, v3;
	vm0 =	vlt.s32 v1, v2  }
0x407: {  	v2 =	vnsel vm0, $0xFFFFFFFF, v3;
	v3 =	vld [tilespmem:s20+$0xC0]  }
0x408: {  	[tilespmem:s20+$0xB0] =	vst v2  }
0x409: {  	v2 =	vld [tilespmem:$0x65C0];
	_ =	sdelay $0x2  }
0x40a: {  	v4 =	vshll.u32 v3, $0x1  }
0x40b: {  	vm0 =	vlt.s32 v3, $0x7B000;
	v3 =	vadd.s32 $0xFFF0A001, v4  }
0x40c: {  	v3 =	vsel vm0, v4, v3;
	vm0 =	vlt.s32 v1, v2  }
0x40d: {  	v2 =	vnsel vm0, $0xFFFFFFFF, v3;
	v3 =	vld [tilespmem:s20+$0xD0]  }
0x40e: {  	[tilespmem:s20+$0xC0] =	vst v2  }
0x40f: {  	v2 =	vld [tilespmem:$0x65D0];
	_ =	sdelay $0x2  }
0x410: {  	v4 =	vshll.u32 v3, $0x1  }
0x411: {  	vm0 =	vlt.s32 v3, $0x7B000;
	v3 =	vadd.s32 $0xFFF0A001, v4  }
0x412: {  	v3 =	vsel vm0, v4, v3;
	vm0 =	vlt.s32 v1, v2  }
0x413: {  	v2 =	vnsel vm0, $0xFFFFFFFF, v3;
	v3 =	vld [tilespmem:s20+$0xE0]  }
0x414: {  	[tilespmem:s20+$0xD0] =	vst v2  }
0x415: {  	v2 =	vld [tilespmem:$0x65E0];
	_ =	sdelay $0x2  }
0x416: {  	v4 =	vshll.u32 v3, $0x1  }
0x417: {  	vm0 =	vlt.s32 v3, $0x7B000;
	v3 =	vadd.s32 $0xFFF0A001, v4  }
0x418: {  	v3 =	vsel vm0, v4, v3;
	vm0 =	vlt.s32 v1, v2  }
0x419: {  	v2 =	vnsel vm0, $0xFFFFFFFF, v3;
	v3 =	vld [tilespmem:s20+$0xF0]  }
0x41a: {  	[tilespmem:s20+$0xE0] =	vst v2  }
0x41b: {  	v2 =	vld [tilespmem:$0x65F0];
	_ =	sdelay $0x1  }
.Ltmp4:
0x41c: {  	(pc) =	sbr.rel @p0 .LBB2_10-.Ltmp4, $4  }
0x41d: {  	v4 =	vshll.u32 v3, $0x1  }
0x41e: {  	vm0 =	vlt.s32 v3, $0x7B000;
	v3 =	vadd.s32 $0xFFF0A001, v4  }
0x41f: {  	s20 =	sadd.s32 $0x200, s20;
	v3 =	vsel vm0, v4, v3;
	vm0 =	vlt.s32 v1, v2  }
0x420: {  	s23 =	sadd.s32 $0x1, s23;
	v1 =	vld [tilespmem:s20+$0xFFFFFF00];
	v2 =	vnsel vm0, $0xFFFFFFFF, v3  }
0x421: {  	[tilespmem:s21+$0xF0] =	vst v2  }
0x422: {  	v2 =	vld [tilespmem:$0x6400];
	_ =	sdelay $0x2  }
0x423: {  	v3 =	vshll.u32 v1, $0x1  }
0x424: {  	vm0 =	vlt.s32 v1, $0x7B000;
	v1 =	vmov s22;
	v4 =	vadd.s32 $0xFFF0A001, v3  }
0x425: {  	v3 =	vsel vm0, v3, v4;
	vm13 =	vlt.s32 v1, v2  }
0x426: {  	v2 =	vnsel vm13, $0xFFFFFFFF, v3;
	v3 =	vld [tilespmem:s20+$0xFFFFFF10]  }
0x427: {  	[tilespmem:s20+$0xFFFFFF00] =	vst v2  }
0x428: {  	v2 =	vld [tilespmem:$0x6410];
	_ =	sdelay $0x2  }
0x429: {  	v33 =	vshll.u32 v3, $0x1  }
0x42a: {  	vm14 =	vlt.s32 v3, $0x7B000;
	v3 =	vadd.s32 $0xFFF0A001, v33  }
0x42b: {  	v3 =	vsel vm14, v33, v3;
	vm15 =	vlt.s32 v1, v2  }
0x42c: {  	v2 =	vnsel vm15, $0xFFFFFFFF, v3;
	v3 =	vld [tilespmem:s20+$0xFFFFFF20]  }
0x42d: {  	[tilespmem:s20+$0xFFFFFF10] =	vst v2  }
0x42e: {  	v2 =	vld [tilespmem:$0x6420];
	_ =	sdelay $0x2  }
0x42f: {  	v34 =	vshll.u32 v3, $0x1  }
0x430: {  	vm4 =	vlt.s32 v3, $0x7B000;
	v3 =	vadd.s32 $0xFFF0A001, v34  }
0x431: {  	v3 =	vsel vm4, v34, v3;
	vm5 =	vlt.s32 v1, v2  }
0x432: {  	v2 =	vnsel vm5, $0xFFFFFFFF, v3;
	v3 =	vld [tilespmem:s20+$0xFFFFFF30]  }
0x433: {  	[tilespmem:s20+$0xFFFFFF20] =	vst v2  }
0x434: {  	v2 =	vld [tilespmem:$0x6430];
	_ =	sdelay $0x2  }
0x435: {  	v35 =	vshll.u32 v3, $0x1  }
0x436: {  	vm6 =	vlt.s32 v3, $0x7B000;
	v3 =	vadd.s32 $0xFFF0A001, v35  }
0x437: {  	v3 =	vsel vm6, v35, v3;
	vm7 =	vlt.s32 v1, v2  }
0x438: {  	v2 =	vnsel vm7, $0xFFFFFFFF, v3;
	v3 =	vld [tilespmem:s20+$0xFFFFFF40]  }
0x439: {  	[tilespmem:s20+$0xFFFFFF30] =	vst v2  }
0x43a: {  	v2 =	vld [tilespmem:$0x6440];
	_ =	sdelay $0x2  }
0x43b: {  	v36 =	vshll.u32 v3, $0x1  }
0x43c: {  	vm8 =	vlt.s32 v3, $0x7B000;
	v3 =	vadd.s32 $0xFFF0A001, v36  }
0x43d: {  	v3 =	vsel vm8, v36, v3;
	vm9 =	vlt.s32 v1, v2  }
0x43e: {  	v2 =	vnsel vm9, $0xFFFFFFFF, v3;
	v3 =	vld [tilespmem:s20+$0xFFFFFF50]  }
0x43f: {  	[tilespmem:s20+$0xFFFFFF40] =	vst v2  }
0x440: {  	v2 =	vld [tilespmem:$0x6450];
	_ =	sdelay $0x2  }
0x441: {  	v37 =	vshll.u32 v3, $0x1  }
0x442: {  	vm10 =	vlt.s32 v3, $0x7B000;
	v3 =	vadd.s32 $0xFFF0A001, v37  }
0x443: {  	v3 =	vsel vm10, v37, v3;
	vm11 =	vlt.s32 v1, v2  }
0x444: {  	v2 =	vnsel vm11, $0xFFFFFFFF, v3;
	v3 =	vld [tilespmem:s20+$0xFFFFFF60]  }
0x445: {  	[tilespmem:s20+$0xFFFFFF50] =	vst v2  }
0x446: {  	v2 =	vld [tilespmem:$0x6460];
	_ =	sdelay $0x2  }
0x447: {  	v38 =	vshll.u32 v3, $0x1  }
0x448: {  	vm12 =	vlt.s32 v3, $0x7B000;
	v3 =	vadd.s32 $0xFFF0A001, v38  }
0x449: {  	v3 =	vsel vm12, v38, v3;
	vm13 =	vlt.s32 v1, v2  }
0x44a: {  	v2 =	vnsel vm13, $0xFFFFFFFF, v3;
	v3 =	vld [tilespmem:s20+$0xFFFFFF70]  }
0x44b: {  	[tilespmem:s20+$0xFFFFFF60] =	vst v2  }
0x44c: {  	v2 =	vld [tilespmem:$0x6470];
	_ =	sdelay $0x2  }
0x44d: {  	v39 =	vshll.u32 v3, $0x1  }
0x44e: {  	vm14 =	vlt.s32 v3, $0x7B000;
	v3 =	vadd.s32 $0xFFF0A001, v39  }
0x44f: {  	v3 =	vsel vm14, v39, v3;
	vm15 =	vlt.s32 v1, v2  }
0x450: {  	v2 =	vnsel vm15, $0xFFFFFFFF, v3;
	v3 =	vld [tilespmem:s20+$0xFFFFFF80]  }
0x451: {  	[tilespmem:s20+$0xFFFFFF70] =	vst v2  }
0x452: {  	v2 =	vld [tilespmem:$0x6480];
	_ =	sdelay $0x2  }
0x453: {  	v40 =	vshll.u32 v3, $0x1  }
0x454: {  	vm4 =	vlt.s32 v3, $0x7B000;
	v3 =	vadd.s32 $0xFFF0A001, v40  }
0x455: {  	v3 =	vsel vm4, v40, v3;
	vm5 =	vlt.s32 v1, v2  }
0x456: {  	v2 =	vnsel vm5, $0xFFFFFFFF, v3;
	v3 =	vld [tilespmem:s20+$0xFFFFFF90]  }
0x457: {  	[tilespmem:s20+$0xFFFFFF80] =	vst v2  }
0x458: {  	v2 =	vld [tilespmem:$0x6490];
	_ =	sdelay $0x2  }
0x459: {  	v41 =	vshll.u32 v3, $0x1  }
0x45a: {  	vm6 =	vlt.s32 v3, $0x7B000;
	v3 =	vadd.s32 $0xFFF0A001, v41  }
0x45b: {  	v3 =	vsel vm6, v41, v3;
	vm7 =	vlt.s32 v1, v2  }
0x45c: {  	v2 =	vnsel vm7, $0xFFFFFFFF, v3;
	v3 =	vld [tilespmem:s20+$0xFFFFFFA0]  }
0x45d: {  	[tilespmem:s20+$0xFFFFFF90] =	vst v2  }
0x45e: {  	v2 =	vld [tilespmem:$0x64A0];
	_ =	sdelay $0x2  }
0x45f: {  	v42 =	vshll.u32 v3, $0x1  }
0x460: {  	vm8 =	vlt.s32 v3, $0x7B000;
	v3 =	vadd.s32 $0xFFF0A001, v42  }
0x461: {  	v3 =	vsel vm8, v42, v3;
	vm9 =	vlt.s32 v1, v2  }
0x462: {  	v2 =	vnsel vm9, $0xFFFFFFFF, v3;
	v3 =	vld [tilespmem:s20+$0xFFFFFFB0]  }
0x463: {  	[tilespmem:s20+$0xFFFFFFA0] =	vst v2  }
0x464: {  	v2 =	vld [tilespmem:$0x64B0];
	_ =	sdelay $0x2  }
0x465: {  	v43 =	vshll.u32 v3, $0x1  }
0x466: {  	vm10 =	vlt.s32 v3, $0x7B000;
	v3 =	vadd.s32 $0xFFF0A001, v43  }
0x467: {  	v3 =	vsel vm10, v43, v3;
	vm11 =	vlt.s32 v1, v2  }
0x468: {  	v2 =	vnsel vm11, $0xFFFFFFFF, v3;
	v3 =	vld [tilespmem:s20+$0xFFFFFFC0]  }
0x469: {  	[tilespmem:s20+$0xFFFFFFB0] =	vst v2  }
0x46a: {  	v2 =	vld [tilespmem:$0x64C0];
	_ =	sdelay $0x2  }
0x46b: {  	v44 =	vshll.u32 v3, $0x1  }
0x46c: {  	vm12 =	vlt.s32 v3, $0x7B000;
	v3 =	vadd.s32 $0xFFF0A001, v44  }
0x46d: {  	v3 =	vsel vm12, v44, v3;
	vm13 =	vlt.s32 v1, v2  }
0x46e: {  	v2 =	vnsel vm13, $0xFFFFFFFF, v3;
	v3 =	vld [tilespmem:s20+$0xFFFFFFD0]  }
0x46f: {  	[tilespmem:s20+$0xFFFFFFC0] =	vst v2  }
0x470: {  	v2 =	vld [tilespmem:$0x64D0];
	_ =	sdelay $0x2  }
0x471: {  	v45 =	vshll.u32 v3, $0x1  }
0x472: {  	vm14 =	vlt.s32 v3, $0x7B000;
	v3 =	vadd.s32 $0xFFF0A001, v45  }
0x473: {  	v3 =	vsel vm14, v45, v3;
	vm15 =	vlt.s32 v1, v2  }
0x474: {  	v2 =	vnsel vm15, $0xFFFFFFFF, v3;
	v3 =	vld [tilespmem:s20+$0xFFFFFFE0]  }
0x475: {  	[tilespmem:s20+$0xFFFFFFD0] =	vst v2  }
0x476: {  	v2 =	vld [tilespmem:$0x64E0];
	_ =	sdelay $0x2  }
0x477: {  	v46 =	vshll.u32 v3, $0x1  }
0x478: {  	vm4 =	vlt.s32 v3, $0x7B000;
	v3 =	vadd.s32 $0xFFF0A001, v46  }
0x479: {  	v3 =	vsel vm4, v46, v3;
	vm5 =	vlt.s32 v1, v2  }
0x47a: {  	v2 =	vnsel vm5, $0xFFFFFFFF, v3;
	v3 =	vld [tilespmem:s20+$0xFFFFFFF0]  }
0x47b: {  	[tilespmem:s20+$0xFFFFFFE0] =	vst v2  }
0x47c: {  	v2 =	vld [tilespmem:$0x64F0];
	_ =	sdelay $0x2  }
0x47d: {  	v47 =	vshll.u32 v3, $0x1  }
0x47e: {  	vm6 =	vlt.s32 v3, $0x7B000;
	v3 =	vadd.s32 $0xFFF0A001, v47  }
0x47f: {  	v3 =	vsel vm6, v47, v3;
	vm7 =	vlt.s32 v1, v2  }
0x480: {  	v2 =	vnsel vm7, $0xFFFFFFFF, v3;
	v3 =	vld [tilespmem:s20+$0x0]  }
0x481: {  	[tilespmem:s20+$0xFFFFFFF0] =	vst v2  }
0x482: {  	v2 =	vld [tilespmem:$0x6500];
	_ =	sdelay $0x2  }
0x483: {  	v48 =	vshll.u32 v3, $0x1  }
0x484: {  	vm8 =	vlt.s32 v3, $0x7B000;
	v3 =	vadd.s32 $0xFFF0A001, v48  }
0x485: {  	v3 =	vsel vm8, v48, v3;
	vm9 =	vlt.s32 v1, v2  }
0x486: {  	v2 =	vnsel vm9, $0xFFFFFFFF, v3;
	v3 =	vld [tilespmem:s20+$0x10]  }
0x487: {  	[tilespmem:s20+$0x0] =	vst v2  }
0x488: {  	v2 =	vld [tilespmem:$0x6510];
	_ =	sdelay $0x2  }
0x489: {  	v49 =	vshll.u32 v3, $0x1  }
0x48a: {  	vm10 =	vlt.s32 v3, $0x7B000;
	v3 =	vadd.s32 $0xFFF0A001, v49  }
0x48b: {  	v3 =	vsel vm10, v49, v3;
	vm11 =	vlt.s32 v1, v2  }
0x48c: {  	v2 =	vnsel vm11, $0xFFFFFFFF, v3;
	v3 =	vld [tilespmem:s20+$0x20]  }
0x48d: {  	[tilespmem:s20+$0x10] =	vst v2  }
0x48e: {  	v2 =	vld [tilespmem:$0x6520];
	_ =	sdelay $0x2  }
0x48f: {  	v50 =	vshll.u32 v3, $0x1  }
0x490: {  	vm12 =	vlt.s32 v3, $0x7B000;
	v3 =	vadd.s32 $0xFFF0A001, v50  }
0x491: {  	v3 =	vsel vm12, v50, v3;
	vm13 =	vlt.s32 v1, v2  }
0x492: {  	v2 =	vnsel vm13, $0xFFFFFFFF, v3;
	v3 =	vld [tilespmem:s20+$0x30]  }
0x493: {  	[tilespmem:s20+$0x20] =	vst v2  }
0x494: {  	v2 =	vld [tilespmem:$0x6530];
	_ =	sdelay $0x2  }
0x495: {  	v51 =	vshll.u32 v3, $0x1  }
0x496: {  	vm14 =	vlt.s32 v3, $0x7B000;
	v3 =	vadd.s32 $0xFFF0A001, v51  }
0x497: {  	v3 =	vsel vm14, v51, v3;
	vm15 =	vlt.s32 v1, v2  }
0x498: {  	v2 =	vnsel vm15, $0xFFFFFFFF, v3;
	v3 =	vld [tilespmem:s20+$0x40]  }
0x499: {  	[tilespmem:s20+$0x30] =	vst v2  }
0x49a: {  	v2 =	vld [tilespmem:$0x6540];
	_ =	sdelay $0x2  }
0x49b: {  	v52 =	vshll.u32 v3, $0x1  }
0x49c: {  	vm4 =	vlt.s32 v3, $0x7B000;
	v3 =	vadd.s32 $0xFFF0A001, v52  }
0x49d: {  	v3 =	vsel vm4, v52, v3;
	vm5 =	vlt.s32 v1, v2  }
0x49e: {  	v2 =	vnsel vm5, $0xFFFFFFFF, v3;
	v3 =	vld [tilespmem:s20+$0x50]  }
0x49f: {  	[tilespmem:s20+$0x40] =	vst v2  }
0x4a0: {  	v2 =	vld [tilespmem:$0x6550];
	_ =	sdelay $0x2  }
0x4a1: {  	v53 =	vshll.u32 v3, $0x1  }
0x4a2: {  	vm6 =	vlt.s32 v3, $0x7B000;
	v3 =	vadd.s32 $0xFFF0A001, v53  }
0x4a3: {  	v3 =	vsel vm6, v53, v3;
	vm7 =	vlt.s32 v1, v2  }
0x4a4: {  	v2 =	vnsel vm7, $0xFFFFFFFF, v3;
	v3 =	vld [tilespmem:s20+$0x60]  }
0x4a5: {  	[tilespmem:s20+$0x50] =	vst v2  }
0x4a6: {  	v2 =	vld [tilespmem:$0x6560];
	_ =	sdelay $0x2  }
0x4a7: {  	v54 =	vshll.u32 v3, $0x1  }
0x4a8: {  	vm8 =	vlt.s32 v3, $0x7B000;
	v3 =	vadd.s32 $0xFFF0A001, v54  }
0x4a9: {  	v3 =	vsel vm8, v54, v3;
	vm9 =	vlt.s32 v1, v2  }
0x4aa: {  	v2 =	vnsel vm9, $0xFFFFFFFF, v3;
	v3 =	vld [tilespmem:s20+$0x70]  }
0x4ab: {  	[tilespmem:s20+$0x60] =	vst v2  }
0x4ac: {  	v2 =	vld [tilespmem:$0x6570];
	_ =	sdelay $0x2  }
0x4ad: {  	v55 =	vshll.u32 v3, $0x1  }
0x4ae: {  	vm10 =	vlt.s32 v3, $0x7B000;
	v3 =	vadd.s32 $0xFFF0A001, v55  }
0x4af: {  	v3 =	vsel vm10, v55, v3;
	vm11 =	vlt.s32 v1, v2  }
0x4b0: {  	v2 =	vnsel vm11, $0xFFFFFFFF, v3;
	v3 =	vld [tilespmem:s20+$0x80]  }
0x4b1: {  	[tilespmem:s20+$0x70] =	vst v2  }
0x4b2: {  	v2 =	vld [tilespmem:$0x6580];
	_ =	sdelay $0x2  }
0x4b3: {  	v56 =	vshll.u32 v3, $0x1  }
0x4b4: {  	vm12 =	vlt.s32 v3, $0x7B000;
	v3 =	vadd.s32 $0xFFF0A001, v56  }
0x4b5: {  	v3 =	vsel vm12, v56, v3;
	vm13 =	vlt.s32 v1, v2  }
0x4b6: {  	v2 =	vnsel vm13, $0xFFFFFFFF, v3;
	v3 =	vld [tilespmem:s20+$0x90]  }
0x4b7: {  	[tilespmem:s20+$0x80] =	vst v2  }
0x4b8: {  	v2 =	vld [tilespmem:$0x6590];
	_ =	sdelay $0x2  }
0x4b9: {  	v57 =	vshll.u32 v3, $0x1  }
0x4ba: {  	vm14 =	vlt.s32 v3, $0x7B000;
	v3 =	vadd.s32 $0xFFF0A001, v57  }
0x4bb: {  	v3 =	vsel vm14, v57, v3;
	vm15 =	vlt.s32 v1, v2  }
0x4bc: {  	v2 =	vnsel vm15, $0xFFFFFFFF, v3;
	v3 =	vld [tilespmem:s20+$0xA0]  }
0x4bd: {  	[tilespmem:s20+$0x90] =	vst v2  }
0x4be: {  	v2 =	vld [tilespmem:$0x65A0];
	_ =	sdelay $0x2  }
0x4bf: {  	v58 =	vshll.u32 v3, $0x1  }
0x4c0: {  	vm4 =	vlt.s32 v3, $0x7B000;
	v3 =	vadd.s32 $0xFFF0A001, v58  }
0x4c1: {  	v3 =	vsel vm4, v58, v3;
	vm5 =	vlt.s32 v1, v2  }
0x4c2: {  	v2 =	vnsel vm5, $0xFFFFFFFF, v3;
	v3 =	vld [tilespmem:s20+$0xB0]  }
0x4c3: {  	[tilespmem:s20+$0xA0] =	vst v2  }
0x4c4: {  	v2 =	vld [tilespmem:$0x65B0];
	_ =	sdelay $0x2  }
0x4c5: {  	v59 =	vshll.u32 v3, $0x1  }
0x4c6: {  	vm6 =	vlt.s32 v3, $0x7B000;
	v3 =	vadd.s32 $0xFFF0A001, v59  }
0x4c7: {  	v3 =	vsel vm6, v59, v3;
	vm7 =	vlt.s32 v1, v2  }
0x4c8: {  	v2 =	vnsel vm7, $0xFFFFFFFF, v3;
	v3 =	vld [tilespmem:s20+$0xC0]  }
0x4c9: {  	[tilespmem:s20+$0xB0] =	vst v2  }
0x4ca: {  	v2 =	vld [tilespmem:$0x65C0];
	_ =	sdelay $0x2  }
0x4cb: {  	v60 =	vshll.u32 v3, $0x1  }
0x4cc: {  	vm8 =	vlt.s32 v3, $0x7B000;
	v3 =	vadd.s32 $0xFFF0A001, v60  }
0x4cd: {  	v3 =	vsel vm8, v60, v3;
	vm9 =	vlt.s32 v1, v2  }
0x4ce: {  	v2 =	vnsel vm9, $0xFFFFFFFF, v3;
	v3 =	vld [tilespmem:s20+$0xD0]  }
0x4cf: {  	[tilespmem:s20+$0xC0] =	vst v2  }
0x4d0: {  	v2 =	vld [tilespmem:$0x65D0];
	_ =	sdelay $0x2  }
0x4d1: {  	v61 =	vshll.u32 v3, $0x1  }
0x4d2: {  	vm10 =	vlt.s32 v3, $0x7B000;
	v3 =	vadd.s32 $0xFFF0A001, v61  }
0x4d3: {  	v3 =	vsel vm10, v61, v3;
	vm11 =	vlt.s32 v1, v2  }
0x4d4: {  	v2 =	vnsel vm11, $0xFFFFFFFF, v3;
	v3 =	vld [tilespmem:s20+$0xE0]  }
0x4d5: {  	[tilespmem:s20+$0xD0] =	vst v2  }
0x4d6: {  	v2 =	vld [tilespmem:$0x65E0];
	_ =	sdelay $0x2  }
0x4d7: {  	v62 =	vshll.u32 v3, $0x1  }
0x4d8: {  	vm12 =	vlt.s32 v3, $0x7B000;
	v3 =	vadd.s32 $0xFFF0A001, v62  }
0x4d9: {  	v3 =	vsel vm12, v62, v3;
	vm13 =	vlt.s32 v1, v2  }
0x4da: {  	v2 =	vnsel vm13, $0xFFFFFFFF, v3;
	v3 =	vld [tilespmem:s20+$0xF0]  }
0x4db: {  	[tilespmem:s20+$0xE0] =	vst v2  }
0x4dc: {  	v2 =	vld [tilespmem:$0x65F0];
	_ =	sdelay $0x2  }
0x4dd: {  	v63 =	vshll.u32 v3, $0x1  }
0x4de: {  	vm14 =	vlt.s32 v3, $0x7B000;
	v3 =	vadd.s32 $0xFFF0A001, v63  }
0x4df: {  	v3 =	vsel vm14, v63, v3;
	vm15 =	vlt.s32 v1, v2  }
0x4e0: {  	v1 =	vnsel vm15, $0xFFFFFFFF, v3  }
0x4e1: {  	s21 =	simm.s32 $0x100;
	[tilespmem:s20+$0xF0] =	vst v1;
	s20 =	simm.s32 $0x0  }
.LBB2_12:
0x4e2: {  	p0 =	sne.s32 s21, $0x1FF00;
	[tilespmem:s20+$0xE630] =	vst v0;
	s22 =	smov.u32 s21;
	s21 =	sadd.s32 $0x100, s21  }
.Ltmp5:
0x4e3: {  	[tilespmem:s20+$0xE620] =	vst v0;
	(pc) =	sbr.rel @p0 .LBB2_12-.Ltmp5, $3  }
0x4e4: {  	[tilespmem:s20+$0xE600] =	vst v0  }
0x4e5: {  	[tilespmem:s20+$0xE610] =	vst v0;
	_ =	sdelay $0x1  }
0x4e6: {  	s20 =	sshra.s32 s22, $0x2  }
0x4e7: {  	[tilespmem:s20+$0xE630] =	vst v0  }
0x4e8: {  	[tilespmem:s20+$0xE620] =	vst v0  }
0x4e9: {  	[tilespmem:s20+$0xE600] =	vst v0  }
0x4ea: {  	[tilespmem:s20+$0xE610] =	vst v0  }
0x4eb: {  	[tilespmem:s15], [sflag:$0x1] =	stream.indirect.gather [hbm4b:s3+s11], $0x40, s2, s11, $0xb8;
	[tilespmem:$0x16600] =	vst v63  }
0x4ec: {  	(ifvalue) =	ssetifvalue $0xFFFFFFFF  }
0x4ed: {  	[tilespmem:s16], [sflag:$0x2] =	stream.indirect.gather.add.f32 [hbm:s3], $0x40, s11, s11, $0x40b8;
	[tilespmem:$0x16600] =	vst v63  }
0x4ee: {  	_ =	swait.ge [sflag:s17], $0x8000  }
0x4ef: {  	[sflag:s17] =	ssyncset.done $0x0  }
0x4f0: {  	s31 =	simm.s32 $0x400;
	[sflag:s17] =	ssyncadd.s32 $0xFFFF8000;
	(ifvalue) =	ssetifvalue $0xFFFFFFFF  }
0x4f1: {  	[tilespmem:s15], [sflag:$0x1] =	stream.indirect.gather.add.f32 [hbm:s3], $0x40, s31, s11, $0x40b8;
	[tilespmem:$0x16600] =	vst v63  }
0x4f2: {  	_ =	swait.ge [sflag:s18], $0x8000  }
0x4f3: {  	s20 =	simm.s32 $0xFFFE9000;
	[sflag:s18] =	ssyncset.done $0x0  }
0x4f4: {  	s21 =	simm.s32 $0x600;
	[sflag:s18] =	ssyncadd.s32 $0xFFFF8000;
	(ifvalue) =	ssetifvalue $0xFFFFFFFF  }
.LBB2_14:
0x4f5: {  	[tilespmem:s16], [sflag:$0x2] =	stream.indirect.gather.add.f32 [hbm:s3], $0x40, s21, s11, $0x40b8;
	[tilespmem:$0x16600] =	vst v63  }
0x4f6: {  	p0 =	sne.s32 s20, $0xFFFFF000;
	s21 =	smov.u32 s20;
	s20 =	sadd.s32 $0x1000, s20  }
0x4f7: {  	_ =	swait.ge [sflag:s17], $0x8000  }
0x4f8: {  	[sflag:s17] =	ssyncset.done $0x0  }
0x4f9: {  	s21 =	sshra.s32 s21, $0x2;
	[sflag:s17] =	ssyncadd.s32 $0xFFFF8000  }
0x4fa: {  	s22 =	sadd.s32 $0x6400, s21;
	(ifvalue) =	ssetifvalue $0xFFFFFFFF  }
0x4fb: {  	[tilespmem:s15], [sflag:$0x1] =	stream.indirect.gather.add.f32 [hbm:s3], $0x40, s22, s11, $0x40b8;
	[tilespmem:$0x16600] =	vst v63  }
.Ltmp6:
0x4fc: {  	_ = 	snop;
	(pc) =	sbr.rel @p0 .LBB2_14-.Ltmp6, $4  }
0x4fd: {  	_ =	swait.ge [sflag:s18], $0x8000  }
0x4fe: {  	[sflag:s18] =	ssyncset.done $0x0  }
0x4ff: {  	[sflag:s18] =	ssyncadd.s32 $0xFFFF8000  }
0x500: {  	s21 =	sadd.s32 $0x6600, s21;
	(ifvalue) =	ssetifvalue $0xFFFFFFFF  }
0x501: {  	[tilespmem:s16], [sflag:$0x2] =	stream.indirect.gather.add.f32 [hbm:s3], $0x40, s21, s11, $0x40b8;
	[tilespmem:$0x16600] =	vst v63  }
0x502: {  	_ =	swait.ge [sflag:s17], $0x8000  }
0x503: {  	[sflag:s17] =	ssyncset.done $0x0  }
0x504: {  	[sflag:s17] =	ssyncadd.s32 $0xFFFF8000  }
0x505: {  	_ =	swait.ge [sflag:s18], $0x8000  }
0x506: {  	[sflag:s18] =	ssyncset.done $0x0  }
0x507: {  	s20 =	simm.s32 $0x0;
	[sflag:s18] =	ssyncadd.s32 $0xFFFF8000  }
0x508: {  	v6 =	vld [tilespmem:s20+$0xE600]  }
0x509: {  	v7 =	vld [tilespmem:s20+$0xE610]  }
0x50a: {  	v2 =	vld [tilespmem:s20+$0xE620]  }
0x50b: {  	v1 =	vld [tilespmem:s20+$0xE630]  }
0x50c: {  	v3 =	vld [tilespmem:s20+$0x6600]  }
0x50d: {  	v5 =	vld [tilespmem:s20+$0x6610]  }
0x50e: {  	s21 =	simm.s32 $0x100;
	v4 =	vld [tilespmem:s20+$0x6620]  }
.LBB2_16:
0x50f: {  	s22 =	sshra.s32 s21, $0x2;
	p0 =	sne.s32 s21, $0x1FF00;
	v8 =	vld [tilespmem:s20+$0x6630];
	v9 =	vmov v2  }
0x510: {  	v10 =	vld [tilespmem:s22+$0xE600];
	v11 =	vmov v1  }
0x511: {  	v12 =	vld [tilespmem:s22+$0xE610];
	v3 =	vadd.f32 v6, v3  }
.Ltmp7:
0x512: {  	v2 =	vld [tilespmem:s22+$0xE620];
	v5 =	vadd.f32 v7, v5;
	(pc) =	sbr.rel @p0 .LBB2_16-.Ltmp7, $4  }
0x513: {  	v1 =	vld [tilespmem:s22+$0xE630];
	[tilespmem:s20+$0x6600] =	vst v3;
	v4 =	vadd.f32 v9, v4  }
0x514: {  	v3 =	vld [tilespmem:s22+$0x6600];
	[tilespmem:s20+$0x6610] =	vst v5;
	v8 =	vadd.f32 v11, v8  }
0x515: {  	v5 =	vld [tilespmem:s22+$0x6610];
	[tilespmem:s20+$0x6620] =	vst v4;
	v6 =	vmov v10  }
0x516: {  	s21 =	sadd.s32 $0x100, s21;
	v4 =	vld [tilespmem:s22+$0x6620];
	[tilespmem:s20+$0x6630] =	vst v8;
	v7 =	vmov v12;
	s20 =	smov.u32 s22  }
0x517: {  	v8 =	vld [tilespmem:s20+$0x6630];
	_ =	sdelay $0x1  }
0x518: {  	v3 =	vadd.f32 v6, v3  }
0x519: {  	v5 =	vadd.f32 v7, v5  }
0x51a: {  	[tilespmem:s20+$0x6600] =	vst v3;
	v2 =	vadd.f32 v2, v4  }
0x51b: {  	s19 =	sadd.s32 $0x1, s19;
	[tilespmem:s20+$0x6610] =	vst v5;
	v1 =	vadd.f32 v1, v8  }
0x51c: {  	p0 =	sne.s32 s19, s10;
	[tilespmem:s20+$0x6620] =	vst v2  }
.Ltmp8:
0x51d: {  	[tilespmem:s20+$0x6630] =	vst v1;
	(pc) =	sbr.rel @p0 .LBB2_1-.Ltmp8, $4  }
0x51e: {  	[hbm4b:s9+s2] =	stream.linear.scatter [tilespmem:s15], [sflag:$0x3], $0x8000, $0x38;
	[tilespmem:$0x16600] =	vst v63  }
0x51f: {  	_ =	swait.ge [sflag:s13], $0x8000  }
0x520: {  	[sflag:s13] =	ssyncset.done $0x0  }
0x521: {  	[sflag:s13] =	ssyncadd.s32 $0xFFFF8000  }
0x522: {  	_ =	sfence.sel $0x180000  }
0x523: {  	[bflag:$0x0] =	sbarrier.arrive $0xFFFF  }
0x524: {  	p0 =	sne.s32 s0, $0x0;
	_ =	strace $0x90000047  }
0x525: {  	s0 =	sadd.s32 @!p0 $0x100000, s1;
	[bflag:$0x2] =	sbarrier.arrive $0xFFFF  }
0x526: {  	[sflag:s0] =	ssyncadd.tile.s32 @!p0 $0x1;
	_ =	shalt  }
.Lfunc_end2:
_tile_overlayer_lowered:
.L_overlay_start_2:
0x527: {  	(tag) =	ssettag $0x2  }
0x528: {  	s0 =	rddreg [dreg:$0x0];
	s2 =	stileid.u32  }
0x529: {  	s1 =	rddreg [dreg:$0x1];
	p0 =	sne.s32 s2, $0x0  }
0x52a: {  	s3 =	rddreg [dreg:$0x2];
	[bflag:$0x3] =	sbarrier.arrive $0xFFFF;
	s2 =	simm.s32 @!p0 $0x1C03  }
0x52b: {  	[timem:s3], [sflag:s2] =	dma.local @!p0 [hbm:s0], s1  }
0x52c: {  	s0 =	simm.s32 @!p0 $0x3  }
0x52d: {  	_ =	swait.ge @!p0 [sflag:s0], s1  }
0x52e: {  	s1 =	ssub.s32 @!p0 $0x0, s1;
	[sflag:s0] =	ssyncset.done @!p0 $0x0  }
0x52f: {  	[sflag:s0] =	ssyncadd.s32 @!p0 s1  }
0x530: {  	[bflag:$0x3] =	sbarrier.arrive $0xFFFF  }
0x531: {  	_ =	shalt  }

</sc_bundles>
